<compile_context>
chip_gen: v7x
topology: tpu7x:2x2x1
jax: 0.10.2.dev20260603
libtpu: 0.0.44.dev20260713+nightly
codegen_flags: <defaults>
</compile_context>

<pallas_src>
import jax
import jax.numpy as jnp
from jax import lax
from jax.experimental import pallas as pl
from jax.experimental.pallas import tpu as pltpu
from jax.experimental.pallas import tpu_sc as plsc

N = 10000
E = 320000
D = 128

NC = 2
NS = 16
NW = NC * NS

EPW = E // NW
C = 40
NCHUNK = EPW // C
LAST = NCHUNK - 1

N_PAD = 10240
ROWS_PER_TILE = N_PAD // NS


def _sc_edge_body(nfeat_hbm, src_hbm, dst_hbm, efeat_hbm, parts_hbm,
                  agg_sh, sidx, didx, gath, ef, msg,
                  sisem, disem, gsem, esem, ssem):
    cid = lax.axis_index("c")
    sid = lax.axis_index("s")
    wid = sid * NC + cid
    ebase = wid * EPW

    def zero_row(r, _):
        for j in range(D // 16):
            msg[0][r, pl.ds(j * 16, 16)] = jnp.zeros((16,), jnp.float32)
        return 0
    lax.fori_loop(0, C, zero_row, 0)
    for t in range(ROWS_PER_TILE // C):
        pltpu.sync_copy(msg[0], agg_sh.at[pl.ds(sid * ROWS_PER_TILE + t * C, C)])
    plsc.subcore_barrier()

    def sidx_cp(c, q):
        return pltpu.make_async_copy(src_hbm.at[pl.ds(ebase + c * C, C)],
                                     sidx[q], sisem[q])

    def didx_cp(c, q):
        return pltpu.make_async_copy(dst_hbm.at[pl.ds(ebase + c * C, C)],
                                     didx[q], disem[q])

    def gath_cp(q, s):
        return pltpu.make_async_copy(nfeat_hbm.at[sidx[q]], gath[s], gsem[s])

    def ef_cp(c, s):
        return pltpu.make_async_copy(efeat_hbm.at[pl.ds(ebase + c * C, C)],
                                     ef[s], esem[s])

    def scat_cp(q, m):
        return pltpu.make_async_copy(msg[m], agg_sh.at[didx[q]], ssem[m])

    def compute(s, m):
        def row_body(r, _):
            for j in range(D // 16):
                sl = pl.ds(j * 16, 16)
                msg[m][r, sl] = jnp.maximum(ef[s][r, sl] + gath[s][r, sl], 0.0)
            return 0
        lax.fori_loop(0, C, row_body, 0)

    def step(c, k, static):
        s, m, q = k % 3, k % 2, k
        s2, q2 = (k + 2) % 3, (k + 2) % 6
        q3 = (k + 3) % 6
        gath_cp(q, s).wait()
        ef_cp(c, s).wait()
        if not (static and c < 2):
            scat_cp((k - 2) % 6, m).wait()
        if not (static and c + 3 > LAST):
            sidx_cp(c + 3, q3).start()
            didx_cp(c + 3, q3).start()
        if not (static and c + 2 > LAST):
            sidx_cp(c + 2, q2).wait()
            didx_cp(c + 2, q2).wait()
            gath_cp(q2, s2).start()
            ef_cp(c + 2, s2).start()
        compute(s, m)
        pltpu.async_copy(msg[m], agg_sh.at[didx[q]], ssem[m], add=True)

    for c in range(3):
        sidx_cp(c, c).start()
        didx_cp(c, c).start()
    for c in range(2):
        sidx_cp(c, c).wait()
        didx_cp(c, c).wait()
        gath_cp(c, c % 3).start()
        ef_cp(c, c % 3).start()

    for c in range(6):
        step(c, c, True)

    def outer(j, _):
        for k in range(6):
            step(j * 6 + k, k, False)
        return 0
    lax.fori_loop(1, (NCHUNK - 4) // 6, outer, 0)

    for c in range(NCHUNK - 4, NCHUNK - 1):
        step(c, c % 6, True)

    gath_cp(3, 0).wait()
    ef_cp(LAST, 0).wait()
    scat_cp(1, 1).wait()
    scat_cp(2, 0).wait()
    compute(0, 1)
    pltpu.async_copy(msg[1], agg_sh.at[didx[3]], ssem[1], add=True)
    scat_cp(3, 1).wait()
    plsc.subcore_barrier()

    pltpu.sync_copy(agg_sh.at[pl.ds(sid * ROWS_PER_TILE, ROWS_PER_TILE)],
                    parts_hbm.at[cid, pl.ds(sid * ROWS_PER_TILE, ROWS_PER_TILE)])


def _sc_aggregate(nfeat, src, dst, efeat):
    mesh = plsc.VectorSubcoreMesh(core_axis_name="c", subcore_axis_name="s",
                                  num_cores=NC, num_subcores=NS)
    return pl.kernel(
        _sc_edge_body,
        out_type=jax.ShapeDtypeStruct((NC, N_PAD, D), jnp.float32),
        mesh=mesh,
        scratch_types=[
            pltpu.VMEM_SHARED((N_PAD, D), jnp.float32),
            [pltpu.VMEM((C,), jnp.int32) for _ in range(6)],
            [pltpu.VMEM((C,), jnp.int32) for _ in range(6)],
            [pltpu.VMEM((C, D), jnp.float32) for _ in range(3)],
            [pltpu.VMEM((C, D), jnp.float32) for _ in range(3)],
            [pltpu.VMEM((C, D), jnp.float32) for _ in range(2)],
            [pltpu.SemaphoreType.DMA for _ in range(6)],
            [pltpu.SemaphoreType.DMA for _ in range(6)],
            [pltpu.SemaphoreType.DMA for _ in range(3)],
            [pltpu.SemaphoreType.DMA for _ in range(3)],
            [pltpu.SemaphoreType.DMA for _ in range(2)],
        ],
    )(nfeat, src, dst, efeat)


def _tc_mlp_body(parts_ref, nfeat_ref, WinT_ref, bin_ref, gamma_ref,
                 beta_ref, WoutT_ref, bout_ref, out_ref):
    h = parts_ref[0, :N] + parts_ref[1, :N] + nfeat_ref[...]
    z = jnp.dot(h, WinT_ref[...], preferred_element_type=jnp.float32) + bin_ref[...]
    mean = jnp.mean(z, axis=0, keepdims=True)
    d = z - mean
    var = jnp.mean(d * d, axis=0, keepdims=True)
    zn = d * lax.rsqrt(var + 1e-5) * gamma_ref[...] + beta_ref[...]
    out_ref[...] = (jnp.dot(jnp.maximum(zn, 0.0), WoutT_ref[...],
                            preferred_element_type=jnp.float32) + bout_ref[...])


def _tc_mlp(parts, nfeat, W_in, b_in, gamma, beta, W_out, b_out):
    return pl.pallas_call(
        _tc_mlp_body,
        out_shape=jax.ShapeDtypeStruct((N, D), jnp.float32),
    )(parts, nfeat, W_in.T, b_in.reshape(1, -1), gamma.reshape(1, -1),
      beta.reshape(1, -1), W_out.T, b_out.reshape(1, -1))


@jax.jit
def kernel(nfeat, edge_index, efeat, W_in, b_in, gamma, beta, W_out, b_out):
    src = edge_index[0]
    dst = edge_index[1]
    parts = _sc_aggregate(nfeat, src, dst, efeat)
    return _tc_mlp(parts, nfeat, W_in, b_in, gamma, beta, W_out, b_out)

# --- scband reference (transcript-rebuilt; emitter-appended) ---
"""Pipeline reference for scband-gin-16346645529220 (READ-ONLY COPY).

The authoritative reference and input builder live on the scoring server;
editing this copy changes nothing except your own understanding.
"""

import jax, jax.numpy as jnp
import numpy as np

N = 10000
E = 320000
D = 128

def setup_inputs(seed: int = 0) -> dict:
    key = jax.random.key(seed)
    ks = jax.random.split(key, 6)
    nfeat = jax.random.normal(ks[0], (N, D), dtype=jnp.float32)
    edge_index = jax.random.randint(ks[1], (2, E), 0, N, dtype=jnp.int32)
    efeat = jax.random.normal(ks[2], (E, D), dtype=jnp.float32)
    # mlp_project_in: Linear(D, 2D)
    W_in = jax.random.normal(ks[3], (2 * D, D), dtype=jnp.float32) * 0.05
    b_in = jnp.zeros((2 * D,), dtype=jnp.float32)
    # GNN_Norm (batch norm over 2D channels)
    gamma = jnp.ones((2 * D,), dtype=jnp.float32)
    beta = jnp.zeros((2 * D,), dtype=jnp.float32)
    # mlp_project_out: Linear(2D, D)
    W_out = jax.random.normal(ks[4], (D, 2 * D), dtype=jnp.float32) * 0.05
    b_out = jnp.zeros((D,), dtype=jnp.float32)
    return {
        "nfeat": nfeat,
        "edge_index": edge_index,
        "efeat": efeat,
        "W_in": W_in,
        "b_in": b_in,
        "gamma": gamma,
        "beta": beta,
        "W_out": W_out,
        "b_out": b_out,
    }

def reference(nfeat, edge_index, efeat, W_in, b_in, gamma, beta, W_out, b_out):
    # GINConvLayer forward (aggregator='sum', norm='bn', learn_eps=False, init_eps=0)
    src = edge_index[0]
    dst = edge_index[1]
    # apply_edges: e = copy_u(feat) ; e = relu(efeat + e)
    m = jax.nn.relu(efeat + jnp.take(nfeat, src, axis=0))
    # update_all: sum reduce messages to dst nodes
    agg = jax.ops.segment_sum(m, dst, num_segments=nfeat.shape[0])
    eps = jnp.float32(0.0)  # buffer, learn_eps=False
    h = agg + (1.0 + eps) * nfeat
    # mlp_project_in
    z = h @ W_in.T + b_in
    # batch norm (training-mode batch statistics over node dim)
    mean = jnp.mean(z, axis=0)
    var = jnp.var(z, axis=0)
    z = (z - mean) / jnp.sqrt(var + 1e-5) * gamma + beta
    # relu + mlp_project_out
    out = jax.nn.relu(z) @ W_out.T + b_out
    return out

if __name__ == "__main__":
    import jax
    _d = setup_inputs()
    print(jax.jit(kernel)(*tuple(_d.values())))

</pallas_src>

<mosaic_0001>
#map = affine_map<(d0, d1) -> (0, 0)>
#map1 = affine_map<(d0, d1) -> (0)>
#map2 = affine_map<(d0, d1) -> (0, 0, 0)>
module attributes {stable_mosaic.version = 14 : i64} {
  func.func @_sc_edge_body(%arg0: i32, %arg1: i32, %arg2: memref<10000x128xf32, #tpu.memory_space<hbm>>, %arg3: memref<320000xi32, #tpu.memory_space<hbm>>, %arg4: memref<320000xi32, #tpu.memory_space<hbm>>, %arg5: memref<320000x128xf32, #tpu.memory_space<hbm>>, %arg6: memref<2x10240x128xf32, #tpu.memory_space<hbm>>, %arg7: memref<10240x128xf32, #tpu.memory_space<vmem_shared>>, %arg8: memref<40xi32, #tpu.memory_space<vmem>>, %arg9: memref<40xi32, #tpu.memory_space<vmem>>, %arg10: memref<40xi32, #tpu.memory_space<vmem>>, %arg11: memref<40xi32, #tpu.memory_space<vmem>>, %arg12: memref<40xi32, #tpu.memory_space<vmem>>, %arg13: memref<40xi32, #tpu.memory_space<vmem>>, %arg14: memref<40xi32, #tpu.memory_space<vmem>>, %arg15: memref<40xi32, #tpu.memory_space<vmem>>, %arg16: memref<40xi32, #tpu.memory_space<vmem>>, %arg17: memref<40xi32, #tpu.memory_space<vmem>>, %arg18: memref<40xi32, #tpu.memory_space<vmem>>, %arg19: memref<40xi32, #tpu.memory_space<vmem>>, %arg20: memref<40x128xf32, #tpu.memory_space<vmem>>, %arg21: memref<40x128xf32, #tpu.memory_space<vmem>>, %arg22: memref<40x128xf32, #tpu.memory_space<vmem>>, %arg23: memref<40x128xf32, #tpu.memory_space<vmem>>, %arg24: memref<40x128xf32, #tpu.memory_space<vmem>>, %arg25: memref<40x128xf32, #tpu.memory_space<vmem>>, %arg26: memref<40x128xf32, #tpu.memory_space<vmem>>, %arg27: memref<40x128xf32, #tpu.memory_space<vmem>>, %arg28: memref<!tpu.dma_semaphore, #tpu.memory_space<semaphore_mem>>, %arg29: memref<!tpu.dma_semaphore, #tpu.memory_space<semaphore_mem>>, %arg30: memref<!tpu.dma_semaphore, #tpu.memory_space<semaphore_mem>>, %arg31: memref<!tpu.dma_semaphore, #tpu.memory_space<semaphore_mem>>, %arg32: memref<!tpu.dma_semaphore, #tpu.memory_space<semaphore_mem>>, %arg33: memref<!tpu.dma_semaphore, #tpu.memory_space<semaphore_mem>>, %arg34: memref<!tpu.dma_semaphore, #tpu.memory_space<semaphore_mem>>, %arg35: memref<!tpu.dma_semaphore, #tpu.memory_space<semaphore_mem>>, %arg36: memref<!tpu.dma_semaphore, #tpu.memory_space<semaphore_mem>>, %arg37: memref<!tpu.dma_semaphore, #tpu.memory_space<semaphore_mem>>, %arg38: memref<!tpu.dma_semaphore, #tpu.memory_space<semaphore_mem>>, %arg39: memref<!tpu.dma_semaphore, #tpu.memory_space<semaphore_mem>>, %arg40: memref<!tpu.dma_semaphore, #tpu.memory_space<semaphore_mem>>, %arg41: memref<!tpu.dma_semaphore, #tpu.memory_space<semaphore_mem>>, %arg42: memref<!tpu.dma_semaphore, #tpu.memory_space<semaphore_mem>>, %arg43: memref<!tpu.dma_semaphore, #tpu.memory_space<semaphore_mem>>, %arg44: memref<!tpu.dma_semaphore, #tpu.memory_space<semaphore_mem>>, %arg45: memref<!tpu.dma_semaphore, #tpu.memory_space<semaphore_mem>>, %arg46: memref<!tpu.dma_semaphore, #tpu.memory_space<semaphore_mem>>, %arg47: memref<!tpu.dma_semaphore, #tpu.memory_space<semaphore_mem>>) attributes {dimension_semantics = [#tpu.dimension_semantics<core_parallel>, #tpu.dimension_semantics<subcore_parallel>], iteration_bounds = array<i64: 2, 16>, scalar_prefetch = 0 : i64, scratch_operands = 41 : i64, tpu.core_type = #tpu.core_type<sc_vector_subcore>, window_params = [{transform_indices = #map}, {transform_indices = #map1}, {transform_indices = #map1}, {transform_indices = #map}, {transform_indices = #map2}]} {
    %mul3A = arith.constant 2 : i32
    %mul3A_0 = arith.muli %arg1, %mul3A : i32
    %add3A = arith.addi %mul3A_0, %arg0 : i32
    %mul3A_1 = arith.constant 10000 : i32
    %mul3A_2 = arith.muli %add3A, %mul3A_1 : i32
    %scan3A = arith.constant 0 : i32
    %scan3A_3 = arith.constant 0 : i32
    %scan3A_4 = arith.constant 40 : i32
    %scan3A_5 = arith.addi %scan3A_3, %scan3A_4 : i32
    %scan3A_6 = arith.constant 1 : i32
    %scan3A_7 = scf.for %scan3A_553 = %scan3A_3 to %scan3A_5 step %scan3A_6 iter_args(%scan3A_554 = %scan3A) -> (i32)  : i32 {
      %broadcast_in_dim3A = arith.constant 0.000000e+00 : f32
      %broadcast_in_dim3A_555 = vector.broadcast %broadcast_in_dim3A : f32 to vector<16xf32>
      %swap3A = arith.index_cast %scan3A_553 : i32 to index
      %swap3A_556 = arith.constant 0 : index
      %swap3A_557 = tpu.vector_load %arg26[%swap3A, %swap3A_556] {strides = array<i32>} : memref<40x128xf32, #tpu.memory_space<vmem>>, vector<1x16xf32>,
      %swap3A_558 = vector.shape_cast %swap3A_557 : vector<1x16xf32> to vector<16xf32>
      %swap3A_559 = vector.shape_cast %broadcast_in_dim3A_555 : vector<16xf32> to vector<1x16xf32>
      tpu.vector_store %arg26[%swap3A, %swap3A_556], %swap3A_559 {strides = array<i32>} : memref<40x128xf32, #tpu.memory_space<vmem>>, vector<1x16xf32>,
      %broadcast_in_dim3A_560 = arith.constant 0.000000e+00 : f32
      %broadcast_in_dim3A_561 = vector.broadcast %broadcast_in_dim3A_560 : f32 to vector<16xf32>
      %swap3A_562 = arith.index_cast %scan3A_553 : i32 to index
      %swap3A_563 = arith.constant 16 : index
      %swap3A_564 = tpu.vector_load %arg26[%swap3A_562, %swap3A_563] {strides = array<i32>} : memref<40x128xf32, #tpu.memory_space<vmem>>, vector<1x16xf32>,
      %swap3A_565 = vector.shape_cast %swap3A_564 : vector<1x16xf32> to vector<16xf32>
      %swap3A_566 = vector.shape_cast %broadcast_in_dim3A_561 : vector<16xf32> to vector<1x16xf32>
      tpu.vector_store %arg26[%swap3A_562, %swap3A_563], %swap3A_566 {strides = array<i32>} : memref<40x128xf32, #tpu.memory_space<vmem>>, vector<1x16xf32>,
      %broadcast_in_dim3A_567 = arith.constant 0.000000e+00 : f32
      %broadcast_in_dim3A_568 = vector.broadcast %broadcast_in_dim3A_567 : f32 to vector<16xf32>
      %swap3A_569 = arith.index_cast %scan3A_553 : i32 to index
      %swap3A_570 = arith.constant 32 : index
      %swap3A_571 = tpu.vector_load %arg26[%swap3A_569, %swap3A_570] {strides = array<i32>} : memref<40x128xf32, #tpu.memory_space<vmem>>, vector<1x16xf32>,
      %swap3A_572 = vector.shape_cast %swap3A_571 : vector<1x16xf32> to vector<16xf32>
      %swap3A_573 = vector.shape_cast %broadcast_in_dim3A_568 : vector<16xf32> to vector<1x16xf32>
      tpu.vector_store %arg26[%swap3A_569, %swap3A_570], %swap3A_573 {strides = array<i32>} : memref<40x128xf32, #tpu.memory_space<vmem>>, vector<1x16xf32>,
      %broadcast_in_dim3A_574 = arith.constant 0.000000e+00 : f32
      %broadcast_in_dim3A_575 = vector.broadcast %broadcast_in_dim3A_574 : f32 to vector<16xf32>
      %swap3A_576 = arith.index_cast %scan3A_553 : i32 to index
      %swap3A_577 = arith.constant 48 : index
      %swap3A_578 = tpu.vector_load %arg26[%swap3A_576, %swap3A_577] {strides = array<i32>} : memref<40x128xf32, #tpu.memory_space<vmem>>, vector<1x16xf32>,
      %swap3A_579 = vector.shape_cast %swap3A_578 : vector<1x16xf32> to vector<16xf32>
      %swap3A_580 = vector.shape_cast %broadcast_in_dim3A_575 : vector<16xf32> to vector<1x16xf32>
      tpu.vector_store %arg26[%swap3A_576, %swap3A_577], %swap3A_580 {strides = array<i32>} : memref<40x128xf32, #tpu.memory_space<vmem>>, vector<1x16xf32>,
      %broadcast_in_dim3A_581 = arith.constant 0.000000e+00 : f32
      %broadcast_in_dim3A_582 = vector.broadcast %broadcast_in_dim3A_581 : f32 to vector<16xf32>
      %swap3A_583 = arith.index_cast %scan3A_553 : i32 to index
      %swap3A_584 = arith.constant 64 : index
      %swap3A_585 = tpu.vector_load %arg26[%swap3A_583, %swap3A_584] {strides = array<i32>} : memref<40x128xf32, #tpu.memory_space<vmem>>, vector<1x16xf32>,
      %swap3A_586 = vector.shape_cast %swap3A_585 : vector<1x16xf32> to vector<16xf32>
      %swap3A_587 = vector.shape_cast %broadcast_in_dim3A_582 : vector<16xf32> to vector<1x16xf32>
      tpu.vector_store %arg26[%swap3A_583, %swap3A_584], %swap3A_587 {strides = array<i32>} : memref<40x128xf32, #tpu.memory_space<vmem>>, vector<1x16xf32>,
      %broadcast_in_dim3A_588 = arith.constant 0.000000e+00 : f32
      %broadcast_in_dim3A_589 = vector.broadcast %broadcast_in_dim3A_588 : f32 to vector<16xf32>
      %swap3A_590 = arith.index_cast %scan3A_553 : i32 to index
      %swap3A_591 = arith.constant 80 : index
      %swap3A_592 = tpu.vector_load %arg26[%swap3A_590, %swap3A_591] {strides = array<i32>} : memref<40x128xf32, #tpu.memory_space<vmem>>, vector<1x16xf32>,
      %swap3A_593 = vector.shape_cast %swap3A_592 : vector<1x16xf32> to vector<16xf32>
      %swap3A_594 = vector.shape_cast %broadcast_in_dim3A_589 : vector<16xf32> to vector<1x16xf32>
      tpu.vector_store %arg26[%swap3A_590, %swap3A_591], %swap3A_594 {strides = array<i32>} : memref<40x128xf32, #tpu.memory_space<vmem>>, vector<1x16xf32>,
      %broadcast_in_dim3A_595 = arith.constant 0.000000e+00 : f32
      %broadcast_in_dim3A_596 = vector.broadcast %broadcast_in_dim3A_595 : f32 to vector<16xf32>
      %swap3A_597 = arith.index_cast %scan3A_553 : i32 to index
      %swap3A_598 = arith.constant 96 : index
      %swap3A_599 = tpu.vector_load %arg26[%swap3A_597, %swap3A_598] {strides = array<i32>} : memref<40x128xf32, #tpu.memory_space<vmem>>, vector<1x16xf32>,
      %swap3A_600 = vector.shape_cast %swap3A_599 : vector<1x16xf32> to vector<16xf32>
      %swap3A_601 = vector.shape_cast %broadcast_in_dim3A_596 : vector<16xf32> to vector<1x16xf32>
      tpu.vector_store %arg26[%swap3A_597, %swap3A_598], %swap3A_601 {strides = array<i32>} : memref<40x128xf32, #tpu.memory_space<vmem>>, vector<1x16xf32>,
      %broadcast_in_dim3A_602 = arith.constant 0.000000e+00 : f32
      %broadcast_in_dim3A_603 = vector.broadcast %broadcast_in_dim3A_602 : f32 to vector<16xf32>
      %swap3A_604 = arith.index_cast %scan3A_553 : i32 to index
      %swap3A_605 = arith.constant 112 : index
      %swap3A_606 = tpu.vector_load %arg26[%swap3A_604, %swap3A_605] {strides = array<i32>} : memref<40x128xf32, #tpu.memory_space<vmem>>, vector<1x16xf32>,
      %swap3A_607 = vector.shape_cast %swap3A_606 : vector<1x16xf32> to vector<16xf32>
      %swap3A_608 = vector.shape_cast %broadcast_in_dim3A_603 : vector<16xf32> to vector<1x16xf32>
      tpu.vector_store %arg26[%swap3A_604, %swap3A_605], %swap3A_608 {strides = array<i32>} : memref<40x128xf32, #tpu.memory_space<vmem>>, vector<1x16xf32>,
      %scan3A_609 = arith.constant 0 : i32
      scf.yield %scan3A_609 : i32
    }
    %scan3A_8 = arith.constant 40 : i32
    %mul3A_9 = arith.constant 640 : i32
    %mul3A_10 = arith.muli %arg1, %mul3A_9 : i32
    %add3A_11 = arith.constant 0 : i32
    %add3A_12 = arith.addi %mul3A_10, %add3A_11 : i32
    "tpu.region"() ({
      %run_scoped3A = tpu.sem_alloc : memref<!tpu.dma_semaphore, #tpu.memory_space<semaphore_mem>>
      %dma_start3A_553 = arith.constant 0 : i32
      %dma_start3A_554 = tpu.memref_slice %arg7[%add3A_12, %dma_start3A_553] : memref<10240x128xf32, #tpu.memory_space<vmem_shared>> -> memref<40x128xf32, #tpu.memory_space<vmem_shared>>
      %dma_start3A_555 = arith.constant 0 : i32
      %dma_start3A_556 = tpu.memref_slice %arg7[%add3A_12, %dma_start3A_555] : memref<10240x128xf32, #tpu.memory_space<vmem_shared>> -> memref<40x128xf32, #tpu.memory_space<vmem_shared>>
      tpu.enqueue_dma source(%arg26 : memref<40x128xf32, #tpu.memory_space<vmem>>) target(%dma_start3A_556 : memref<40x128xf32, #tpu.memory_space<vmem_shared>>) target_semaphore(%run_scoped3A : memref<!tpu.dma_semaphore, #tpu.memory_space<semaphore_mem>>)
      %dma_wait3A_557 = arith.constant 0 : i32
      %dma_wait3A_558 = tpu.memref_slice %arg7[%add3A_12, %dma_wait3A_557] : memref<10240x128xf32, #tpu.memory_space<vmem_shared>> -> memref<40x128xf32, #tpu.memory_space<vmem_shared>>
      %dma_wait3A_559 = arith.constant 0 : i32
      %dma_wait3A_560 = tpu.memref_slice %arg7[%add3A_12, %dma_wait3A_559] : memref<10240x128xf32, #tpu.memory_space<vmem_shared>> -> memref<40x128xf32, #tpu.memory_space<vmem_shared>>
      tpu.wait_dma2 semaphore(%run_scoped3A : memref<!tpu.dma_semaphore, #tpu.memory_space<semaphore_mem>>) src(%arg26 : memref<40x128xf32, #tpu.memory_space<vmem>>) dst(%dma_wait3A_560 : memref<40x128xf32, #tpu.memory_space<vmem_shared>>)
      tpu.yield
    }) : () -> ()
    %mul3A_13 = arith.constant 640 : i32
    %mul3A_14 = arith.muli %arg1, %mul3A_13 : i32
    %add3A_15 = arith.constant 40 : i32
    %add3A_16 = arith.addi %mul3A_14, %add3A_15 : i32
    "tpu.region"() ({
      %run_scoped3A = tpu.sem_alloc : memref<!tpu.dma_semaphore, #tpu.memory_space<semaphore_mem>>
      %dma_start3A_553 = arith.constant 0 : i32
      %dma_start3A_554 = tpu.memref_slice %arg7[%add3A_16, %dma_start3A_553] : memref<10240x128xf32, #tpu.memory_space<vmem_shared>> -> memref<40x128xf32, #tpu.memory_space<vmem_shared>>
      %dma_start3A_555 = arith.constant 0 : i32
      %dma_start3A_556 = tpu.memref_slice %arg7[%add3A_16, %dma_start3A_555] : memref<10240x128xf32, #tpu.memory_space<vmem_shared>> -> memref<40x128xf32, #tpu.memory_space<vmem_shared>>
      tpu.enqueue_dma source(%arg26 : memref<40x128xf32, #tpu.memory_space<vmem>>) target(%dma_start3A_556 : memref<40x128xf32, #tpu.memory_space<vmem_shared>>) target_semaphore(%run_scoped3A : memref<!tpu.dma_semaphore, #tpu.memory_space<semaphore_mem>>)
      %dma_wait3A_557 = arith.constant 0 : i32
      %dma_wait3A_558 = tpu.memref_slice %arg7[%add3A_16, %dma_wait3A_557] : memref<10240x128xf32, #tpu.memory_space<vmem_shared>> -> memref<40x128xf32, #tpu.memory_space<vmem_shared>>
      %dma_wait3A_559 = arith.constant 0 : i32
      %dma_wait3A_560 = tpu.memref_slice %arg7[%add3A_16, %dma_wait3A_559] : memref<10240x128xf32, #tpu.memory_space<vmem_shared>> -> memref<40x128xf32, #tpu.memory_space<vmem_shared>>
      tpu.wait_dma2 semaphore(%run_scoped3A : memref<!tpu.dma_semaphore, #tpu.memory_space<semaphore_mem>>) src(%arg26 : memref<40x128xf32, #tpu.memory_space<vmem>>) dst(%dma_wait3A_560 : memref<40x128xf32, #tpu.memory_space<vmem_shared>>)
      tpu.yield
    }) : () -> ()
    %mul3A_17 = arith.constant 640 : i32
    %mul3A_18 = arith.muli %arg1, %mul3A_17 : i32
    %add3A_19 = arith.constant 80 : i32
    %add3A_20 = arith.addi %mul3A_18, %add3A_19 : i32
    "tpu.region"() ({
      %run_scoped3A = tpu.sem_alloc : memref<!tpu.dma_semaphore, #tpu.memory_space<semaphore_mem>>
      %dma_start3A_553 = arith.constant 0 : i32
      %dma_start3A_554 = tpu.memref_slice %arg7[%add3A_20, %dma_start3A_553] : memref<10240x128xf32, #tpu.memory_space<vmem_shared>> -> memref<40x128xf32, #tpu.memory_space<vmem_shared>>
      %dma_start3A_555 = arith.constant 0 : i32
      %dma_start3A_556 = tpu.memref_slice %arg7[%add3A_20, %dma_start3A_555] : memref<10240x128xf32, #tpu.memory_space<vmem_shared>> -> memref<40x128xf32, #tpu.memory_space<vmem_shared>>
      tpu.enqueue_dma source(%arg26 : memref<40x128xf32, #tpu.memory_space<vmem>>) target(%dma_start3A_556 : memref<40x128xf32, #tpu.memory_space<vmem_shared>>) target_semaphore(%run_scoped3A : memref<!tpu.dma_semaphore, #tpu.memory_space<semaphore_mem>>)
      %dma_wait3A_557 = arith.constant 0 : i32
      %dma_wait3A_558 = tpu.memref_slice %arg7[%add3A_20, %dma_wait3A_557] : memref<10240x128xf32, #tpu.memory_space<vmem_shared>> -> memref<40x128xf32, #tpu.memory_space<vmem_shared>>
      %dma_wait3A_559 = arith.constant 0 : i32
      %dma_wait3A_560 = tpu.memref_slice %arg7[%add3A_20, %dma_wait3A_559] : memref<10240x128xf32, #tpu.memory_space<vmem_shared>> -> memref<40x128xf32, #tpu.memory_space<vmem_shared>>
      tpu.wait_dma2 semaphore(%run_scoped3A : memref<!tpu.dma_semaphore, #tpu.memory_space<semaphore_mem>>) src(%arg26 : memref<40x128xf32, #tpu.memory_space<vmem>>) dst(%dma_wait3A_560 : memref<40x128xf32, #tpu.memory_space<vmem_shared>>)
      tpu.yield
    }) : () -> ()
    %mul3A_21 = arith.constant 640 : i32
    %mul3A_22 = arith.muli %arg1, %mul3A_21 : i32
    %add3A_23 = arith.constant 120 : i32
    %add3A_24 = arith.addi %mul3A_22, %add3A_23 : i32
    "tpu.region"() ({
      %run_scoped3A = tpu.sem_alloc : memref<!tpu.dma_semaphore, #tpu.memory_space<semaphore_mem>>
      %dma_start3A_553 = arith.constant 0 : i32
      %dma_start3A_554 = tpu.memref_slice %arg7[%add3A_24, %dma_start3A_553] : memref<10240x128xf32, #tpu.memory_space<vmem_shared>> -> memref<40x128xf32, #tpu.memory_space<vmem_shared>>
      %dma_start3A_555 = arith.constant 0 : i32
      %dma_start3A_556 = tpu.memref_slice %arg7[%add3A_24, %dma_start3A_555] : memref<10240x128xf32, #tpu.memory_space<vmem_shared>> -> memref<40x128xf32, #tpu.memory_space<vmem_shared>>
      tpu.enqueue_dma source(%arg26 : memref<40x128xf32, #tpu.memory_space<vmem>>) target(%dma_start3A_556 : memref<40x128xf32, #tpu.memory_space<vmem_shared>>) target_semaphore(%run_scoped3A : memref<!tpu.dma_semaphore, #tpu.memory_space<semaphore_mem>>)
      %dma_wait3A_557 = arith.constant 0 : i32
      %dma_wait3A_558 = tpu.memref_slice %arg7[%add3A_24, %dma_wait3A_557] : memref<10240x128xf32, #tpu.memory_space<vmem_shared>> -> memref<40x128xf32, #tpu.memory_space<vmem_shared>>
      %dma_wait3A_559 = arith.constant 0 : i32
      %dma_wait3A_560 = tpu.memref_slice %arg7[%add3A_24, %dma_wait3A_559] : memref<10240x128xf32, #tpu.memory_space<vmem_shared>> -> memref<40x128xf32, #tpu.memory_space<vmem_shared>>
      tpu.wait_dma2 semaphore(%run_scoped3A : memref<!tpu.dma_semaphore, #tpu.memory_space<semaphore_mem>>) src(%arg26 : memref<40x128xf32, #tpu.memory_space<vmem>>) dst(%dma_wait3A_560 : memref<40x128xf32, #tpu.memory_space<vmem_shared>>)
      tpu.yield
    }) : () -> ()
    %mul3A_25 = arith.constant 640 : i32
    %mul3A_26 = arith.muli %arg1, %mul3A_25 : i32
    %add3A_27 = arith.constant 160 : i32
    %add3A_28 = arith.addi %mul3A_26, %add3A_27 : i32
    "tpu.region"() ({
      %run_scoped3A = tpu.sem_alloc : memref<!tpu.dma_semaphore, #tpu.memory_space<semaphore_mem>>
      %dma_start3A_553 = arith.constant 0 : i32
      %dma_start3A_554 = tpu.memref_slice %arg7[%add3A_28, %dma_start3A_553] : memref<10240x128xf32, #tpu.memory_space<vmem_shared>> -> memref<40x128xf32, #tpu.memory_space<vmem_shared>>
      %dma_start3A_555 = arith.constant 0 : i32
      %dma_start3A_556 = tpu.memref_slice %arg7[%add3A_28, %dma_start3A_555] : memref<10240x128xf32, #tpu.memory_space<vmem_shared>> -> memref<40x128xf32, #tpu.memory_space<vmem_shared>>
      tpu.enqueue_dma source(%arg26 : memref<40x128xf32, #tpu.memory_space<vmem>>) target(%dma_start3A_556 : memref<40x128xf32, #tpu.memory_space<vmem_shared>>) target_semaphore(%run_scoped3A : memref<!tpu.dma_semaphore, #tpu.memory_space<semaphore_mem>>)
      %dma_wait3A_557 = arith.constant 0 : i32
      %dma_wait3A_558 = tpu.memref_slice %arg7[%add3A_28, %dma_wait3A_557] : memref<10240x128xf32, #tpu.memory_space<vmem_shared>> -> memref<40x128xf32, #tpu.memory_space<vmem_shared>>
      %dma_wait3A_559 = arith.constant 0 : i32
      %dma_wait3A_560 = tpu.memref_slice %arg7[%add3A_28, %dma_wait3A_559] : memref<10240x128xf32, #tpu.memory_space<vmem_shared>> -> memref<40x128xf32, #tpu.memory_space<vmem_shared>>
      tpu.wait_dma2 semaphore(%run_scoped3A : memref<!tpu.dma_semaphore, #tpu.memory_space<semaphore_mem>>) src(%arg26 : memref<40x128xf32, #tpu.memory_space<vmem>>) dst(%dma_wait3A_560 : memref<40x128xf32, #tpu.memory_space<vmem_shared>>)
      tpu.yield
    }) : () -> ()
    %mul3A_29 = arith.constant 640 : i32
    %mul3A_30 = arith.muli %arg1, %mul3A_29 : i32
    %add3A_31 = arith.constant 200 : i32
    %add3A_32 = arith.addi %mul3A_30, %add3A_31 : i32
    "tpu.region"() ({
      %run_scoped3A = tpu.sem_alloc : memref<!tpu.dma_semaphore, #tpu.memory_space<semaphore_mem>>
      %dma_start3A_553 = arith.constant 0 : i32
      %dma_start3A_554 = tpu.memref_slice %arg7[%add3A_32, %dma_start3A_553] : memref<10240x128xf32, #tpu.memory_space<vmem_shared>> -> memref<40x128xf32, #tpu.memory_space<vmem_shared>>
      %dma_start3A_555 = arith.constant 0 : i32
      %dma_start3A_556 = tpu.memref_slice %arg7[%add3A_32, %dma_start3A_555] : memref<10240x128xf32, #tpu.memory_space<vmem_shared>> -> memref<40x128xf32, #tpu.memory_space<vmem_shared>>
      tpu.enqueue_dma source(%arg26 : memref<40x128xf32, #tpu.memory_space<vmem>>) target(%dma_start3A_556 : memref<40x128xf32, #tpu.memory_space<vmem_shared>>) target_semaphore(%run_scoped3A : memref<!tpu.dma_semaphore, #tpu.memory_space<semaphore_mem>>)
      %dma_wait3A_557 = arith.constant 0 : i32
      %dma_wait3A_558 = tpu.memref_slice %arg7[%add3A_32, %dma_wait3A_557] : memref<10240x128xf32, #tpu.memory_space<vmem_shared>> -> memref<40x128xf32, #tpu.memory_space<vmem_shared>>
      %dma_wait3A_559 = arith.constant 0 : i32
      %dma_wait3A_560 = tpu.memref_slice %arg7[%add3A_32, %dma_wait3A_559] : memref<10240x128xf32, #tpu.memory_space<vmem_shared>> -> memref<40x128xf32, #tpu.memory_space<vmem_shared>>
      tpu.wait_dma2 semaphore(%run_scoped3A : memref<!tpu.dma_semaphore, #tpu.memory_space<semaphore_mem>>) src(%arg26 : memref<40x128xf32, #tpu.memory_space<vmem>>) dst(%dma_wait3A_560 : memref<40x128xf32, #tpu.memory_space<vmem_shared>>)
      tpu.yield
    }) : () -> ()
    %mul3A_33 = arith.constant 640 : i32
    %mul3A_34 = arith.muli %arg1, %mul3A_33 : i32
    %add3A_35 = arith.constant 240 : i32
    %add3A_36 = arith.addi %mul3A_34, %add3A_35 : i32
    "tpu.region"() ({
      %run_scoped3A = tpu.sem_alloc : memref<!tpu.dma_semaphore, #tpu.memory_space<semaphore_mem>>
      %dma_start3A_553 = arith.constant 0 : i32
      %dma_start3A_554 = tpu.memref_slice %arg7[%add3A_36, %dma_start3A_553] : memref<10240x128xf32, #tpu.memory_space<vmem_shared>> -> memref<40x128xf32, #tpu.memory_space<vmem_shared>>
      %dma_start3A_555 = arith.constant 0 : i32
      %dma_start3A_556 = tpu.memref_slice %arg7[%add3A_36, %dma_start3A_555] : memref<10240x128xf32, #tpu.memory_space<vmem_shared>> -> memref<40x128xf32, #tpu.memory_space<vmem_shared>>
      tpu.enqueue_dma source(%arg26 : memref<40x128xf32, #tpu.memory_space<vmem>>) target(%dma_start3A_556 : memref<40x128xf32, #tpu.memory_space<vmem_shared>>) target_semaphore(%run_scoped3A : memref<!tpu.dma_semaphore, #tpu.memory_space<semaphore_mem>>)
      %dma_wait3A_557 = arith.constant 0 : i32
      %dma_wait3A_558 = tpu.memref_slice %arg7[%add3A_36, %dma_wait3A_557] : memref<10240x128xf32, #tpu.memory_space<vmem_shared>> -> memref<40x128xf32, #tpu.memory_space<vmem_shared>>
      %dma_wait3A_559 = arith.constant 0 : i32
      %dma_wait3A_560 = tpu.memref_slice %arg7[%add3A_36, %dma_wait3A_559] : memref<10240x128xf32, #tpu.memory_space<vmem_shared>> -> memref<40x128xf32, #tpu.memory_space<vmem_shared>>
      tpu.wait_dma2 semaphore(%run_scoped3A : memref<!tpu.dma_semaphore, #tpu.memory_space<semaphore_mem>>) src(%arg26 : memref<40x128xf32, #tpu.memory_space<vmem>>) dst(%dma_wait3A_560 : memref<40x128xf32, #tpu.memory_space<vmem_shared>>)
      tpu.yield
    }) : () -> ()
    %mul3A_37 = arith.constant 640 : i32
    %mul3A_38 = arith.muli %arg1, %mul3A_37 : i32
    %add3A_39 = arith.constant 280 : i32
    %add3A_40 = arith.addi %mul3A_38, %add3A_39 : i32
    "tpu.region"() ({
      %run_scoped3A = tpu.sem_alloc : memref<!tpu.dma_semaphore, #tpu.memory_space<semaphore_mem>>
      %dma_start3A_553 = arith.constant 0 : i32
      %dma_start3A_554 = tpu.memref_slice %arg7[%add3A_40, %dma_start3A_553] : memref<10240x128xf32, #tpu.memory_space<vmem_shared>> -> memref<40x128xf32, #tpu.memory_space<vmem_shared>>
      %dma_start3A_555 = arith.constant 0 : i32
      %dma_start3A_556 = tpu.memref_slice %arg7[%add3A_40, %dma_start3A_555] : memref<10240x128xf32, #tpu.memory_space<vmem_shared>> -> memref<40x128xf32, #tpu.memory_space<vmem_shared>>
      tpu.enqueue_dma source(%arg26 : memref<40x128xf32, #tpu.memory_space<vmem>>) target(%dma_start3A_556 : memref<40x128xf32, #tpu.memory_space<vmem_shared>>) target_semaphore(%run_scoped3A : memref<!tpu.dma_semaphore, #tpu.memory_space<semaphore_mem>>)
      %dma_wait3A_557 = arith.constant 0 : i32
      %dma_wait3A_558 = tpu.memref_slice %arg7[%add3A_40, %dma_wait3A_557] : memref<10240x128xf32, #tpu.memory_space<vmem_shared>> -> memref<40x128xf32, #tpu.memory_space<vmem_shared>>
      %dma_wait3A_559 = arith.constant 0 : i32
      %dma_wait3A_560 = tpu.memref_slice %arg7[%add3A_40, %dma_wait3A_559] : memref<10240x128xf32, #tpu.memory_space<vmem_shared>> -> memref<40x128xf32, #tpu.memory_space<vmem_shared>>
      tpu.wait_dma2 semaphore(%run_scoped3A : memref<!tpu.dma_semaphore, #tpu.memory_space<semaphore_mem>>) src(%arg26 : memref<40x128xf32, #tpu.memory_space<vmem>>) dst(%dma_wait3A_560 : memref<40x128xf32, #tpu.memory_space<vmem_shared>>)
      tpu.yield
    }) : () -> ()
    %mul3A_41 = arith.constant 640 : i32
    %mul3A_42 = arith.muli %arg1, %mul3A_41 : i32
    %add3A_43 = arith.constant 320 : i32
    %add3A_44 = arith.addi %mul3A_42, %add3A_43 : i32
    "tpu.region"() ({
      %run_scoped3A = tpu.sem_alloc : memref<!tpu.dma_semaphore, #tpu.memory_space<semaphore_mem>>
      %dma_start3A_553 = arith.constant 0 : i32
      %dma_start3A_554 = tpu.memref_slice %arg7[%add3A_44, %dma_start3A_553] : memref<10240x128xf32, #tpu.memory_space<vmem_shared>> -> memref<40x128xf32, #tpu.memory_space<vmem_shared>>
      %dma_start3A_555 = arith.constant 0 : i32
      %dma_start3A_556 = tpu.memref_slice %arg7[%add3A_44, %dma_start3A_555] : memref<10240x128xf32, #tpu.memory_space<vmem_shared>> -> memref<40x128xf32, #tpu.memory_space<vmem_shared>>
      tpu.enqueue_dma source(%arg26 : memref<40x128xf32, #tpu.memory_space<vmem>>) target(%dma_start3A_556 : memref<40x128xf32, #tpu.memory_space<vmem_shared>>) target_semaphore(%run_scoped3A : memref<!tpu.dma_semaphore, #tpu.memory_space<semaphore_mem>>)
      %dma_wait3A_557 = arith.constant 0 : i32
      %dma_wait3A_558 = tpu.memref_slice %arg7[%add3A_44, %dma_wait3A_557] : memref<10240x128xf32, #tpu.memory_space<vmem_shared>> -> memref<40x128xf32, #tpu.memory_space<vmem_shared>>
      %dma_wait3A_559 = arith.constant 0 : i32
      %dma_wait3A_560 = tpu.memref_slice %arg7[%add3A_44, %dma_wait3A_559] : memref<10240x128xf32, #tpu.memory_space<vmem_shared>> -> memref<40x128xf32, #tpu.memory_space<vmem_shared>>
      tpu.wait_dma2 semaphore(%run_scoped3A : memref<!tpu.dma_semaphore, #tpu.memory_space<semaphore_mem>>) src(%arg26 : memref<40x128xf32, #tpu.memory_space<vmem>>) dst(%dma_wait3A_560 : memref<40x128xf32, #tpu.memory_space<vmem_shared>>)
      tpu.yield
    }) : () -> ()
    %mul3A_45 = arith.constant 640 : i32
    %mul3A_46 = arith.muli %arg1, %mul3A_45 : i32
    %add3A_47 = arith.constant 360 : i32
    %add3A_48 = arith.addi %mul3A_46, %add3A_47 : i32
    "tpu.region"() ({
      %run_scoped3A = tpu.sem_alloc : memref<!tpu.dma_semaphore, #tpu.memory_space<semaphore_mem>>
      %dma_start3A_553 = arith.constant 0 : i32
      %dma_start3A_554 = tpu.memref_slice %arg7[%add3A_48, %dma_start3A_553] : memref<10240x128xf32, #tpu.memory_space<vmem_shared>> -> memref<40x128xf32, #tpu.memory_space<vmem_shared>>
      %dma_start3A_555 = arith.constant 0 : i32
      %dma_start3A_556 = tpu.memref_slice %arg7[%add3A_48, %dma_start3A_555] : memref<10240x128xf32, #tpu.memory_space<vmem_shared>> -> memref<40x128xf32, #tpu.memory_space<vmem_shared>>
      tpu.enqueue_dma source(%arg26 : memref<40x128xf32, #tpu.memory_space<vmem>>) target(%dma_start3A_556 : memref<40x128xf32, #tpu.memory_space<vmem_shared>>) target_semaphore(%run_scoped3A : memref<!tpu.dma_semaphore, #tpu.memory_space<semaphore_mem>>)
      %dma_wait3A_557 = arith.constant 0 : i32
      %dma_wait3A_558 = tpu.memref_slice %arg7[%add3A_48, %dma_wait3A_557] : memref<10240x128xf32, #tpu.memory_space<vmem_shared>> -> memref<40x128xf32, #tpu.memory_space<vmem_shared>>
      %dma_wait3A_559 = arith.constant 0 : i32
      %dma_wait3A_560 = tpu.memref_slice %arg7[%add3A_48, %dma_wait3A_559] : memref<10240x128xf32, #tpu.memory_space<vmem_shared>> -> memref<40x128xf32, #tpu.memory_space<vmem_shared>>
      tpu.wait_dma2 semaphore(%run_scoped3A : memref<!tpu.dma_semaphore, #tpu.memory_space<semaphore_mem>>) src(%arg26 : memref<40x128xf32, #tpu.memory_space<vmem>>) dst(%dma_wait3A_560 : memref<40x128xf32, #tpu.memory_space<vmem_shared>>)
      tpu.yield
    }) : () -> ()
    %mul3A_49 = arith.constant 640 : i32
    %mul3A_50 = arith.muli %arg1, %mul3A_49 : i32
    %add3A_51 = arith.constant 400 : i32
    %add3A_52 = arith.addi %mul3A_50, %add3A_51 : i32
    "tpu.region"() ({
      %run_scoped3A = tpu.sem_alloc : memref<!tpu.dma_semaphore, #tpu.memory_space<semaphore_mem>>
      %dma_start3A_553 = arith.constant 0 : i32
      %dma_start3A_554 = tpu.memref_slice %arg7[%add3A_52, %dma_start3A_553] : memref<10240x128xf32, #tpu.memory_space<vmem_shared>> -> memref<40x128xf32, #tpu.memory_space<vmem_shared>>
      %dma_start3A_555 = arith.constant 0 : i32
      %dma_start3A_556 = tpu.memref_slice %arg7[%add3A_52, %dma_start3A_555] : memref<10240x128xf32, #tpu.memory_space<vmem_shared>> -> memref<40x128xf32, #tpu.memory_space<vmem_shared>>
      tpu.enqueue_dma source(%arg26 : memref<40x128xf32, #tpu.memory_space<vmem>>) target(%dma_start3A_556 : memref<40x128xf32, #tpu.memory_space<vmem_shared>>) target_semaphore(%run_scoped3A : memref<!tpu.dma_semaphore, #tpu.memory_space<semaphore_mem>>)
      %dma_wait3A_557 = arith.constant 0 : i32
      %dma_wait3A_558 = tpu.memref_slice %arg7[%add3A_52, %dma_wait3A_557] : memref<10240x128xf32, #tpu.memory_space<vmem_shared>> -> memref<40x128xf32, #tpu.memory_space<vmem_shared>>
      %dma_wait3A_559 = arith.constant 0 : i32
      %dma_wait3A_560 = tpu.memref_slice %arg7[%add3A_52, %dma_wait3A_559] : memref<10240x128xf32, #tpu.memory_space<vmem_shared>> -> memref<40x128xf32, #tpu.memory_space<vmem_shared>>
      tpu.wait_dma2 semaphore(%run_scoped3A : memref<!tpu.dma_semaphore, #tpu.memory_space<semaphore_mem>>) src(%arg26 : memref<40x128xf32, #tpu.memory_space<vmem>>) dst(%dma_wait3A_560 : memref<40x128xf32, #tpu.memory_space<vmem_shared>>)
      tpu.yield
    }) : () -> ()
    %mul3A_53 = arith.constant 640 : i32
    %mul3A_54 = arith.muli %arg1, %mul3A_53 : i32
    %add3A_55 = arith.constant 440 : i32
    %add3A_56 = arith.addi %mul3A_54, %add3A_55 : i32
    "tpu.region"() ({
      %run_scoped3A = tpu.sem_alloc : memref<!tpu.dma_semaphore, #tpu.memory_space<semaphore_mem>>
      %dma_start3A_553 = arith.constant 0 : i32
      %dma_start3A_554 = tpu.memref_slice %arg7[%add3A_56, %dma_start3A_553] : memref<10240x128xf32, #tpu.memory_space<vmem_shared>> -> memref<40x128xf32, #tpu.memory_space<vmem_shared>>
      %dma_start3A_555 = arith.constant 0 : i32
      %dma_start3A_556 = tpu.memref_slice %arg7[%add3A_56, %dma_start3A_555] : memref<10240x128xf32, #tpu.memory_space<vmem_shared>> -> memref<40x128xf32, #tpu.memory_space<vmem_shared>>
      tpu.enqueue_dma source(%arg26 : memref<40x128xf32, #tpu.memory_space<vmem>>) target(%dma_start3A_556 : memref<40x128xf32, #tpu.memory_space<vmem_shared>>) target_semaphore(%run_scoped3A : memref<!tpu.dma_semaphore, #tpu.memory_space<semaphore_mem>>)
      %dma_wait3A_557 = arith.constant 0 : i32
      %dma_wait3A_558 = tpu.memref_slice %arg7[%add3A_56, %dma_wait3A_557] : memref<10240x128xf32, #tpu.memory_space<vmem_shared>> -> memref<40x128xf32, #tpu.memory_space<vmem_shared>>
      %dma_wait3A_559 = arith.constant 0 : i32
      %dma_wait3A_560 = tpu.memref_slice %arg7[%add3A_56, %dma_wait3A_559] : memref<10240x128xf32, #tpu.memory_space<vmem_shared>> -> memref<40x128xf32, #tpu.memory_space<vmem_shared>>
      tpu.wait_dma2 semaphore(%run_scoped3A : memref<!tpu.dma_semaphore, #tpu.memory_space<semaphore_mem>>) src(%arg26 : memref<40x128xf32, #tpu.memory_space<vmem>>) dst(%dma_wait3A_560 : memref<40x128xf32, #tpu.memory_space<vmem_shared>>)
      tpu.yield
    }) : () -> ()
    %mul3A_57 = arith.constant 640 : i32
    %mul3A_58 = arith.muli %arg1, %mul3A_57 : i32
    %add3A_59 = arith.constant 480 : i32
    %add3A_60 = arith.addi %mul3A_58, %add3A_59 : i32
    "tpu.region"() ({
      %run_scoped3A = tpu.sem_alloc : memref<!tpu.dma_semaphore, #tpu.memory_space<semaphore_mem>>
      %dma_start3A_553 = arith.constant 0 : i32
      %dma_start3A_554 = tpu.memref_slice %arg7[%add3A_60, %dma_start3A_553] : memref<10240x128xf32, #tpu.memory_space<vmem_shared>> -> memref<40x128xf32, #tpu.memory_space<vmem_shared>>
      %dma_start3A_555 = arith.constant 0 : i32
      %dma_start3A_556 = tpu.memref_slice %arg7[%add3A_60, %dma_start3A_555] : memref<10240x128xf32, #tpu.memory_space<vmem_shared>> -> memref<40x128xf32, #tpu.memory_space<vmem_shared>>
      tpu.enqueue_dma source(%arg26 : memref<40x128xf32, #tpu.memory_space<vmem>>) target(%dma_start3A_556 : memref<40x128xf32, #tpu.memory_space<vmem_shared>>) target_semaphore(%run_scoped3A : memref<!tpu.dma_semaphore, #tpu.memory_space<semaphore_mem>>)
      %dma_wait3A_557 = arith.constant 0 : i32
      %dma_wait3A_558 = tpu.memref_slice %arg7[%add3A_60, %dma_wait3A_557] : memref<10240x128xf32, #tpu.memory_space<vmem_shared>> -> memref<40x128xf32, #tpu.memory_space<vmem_shared>>
      %dma_wait3A_559 = arith.constant 0 : i32
      %dma_wait3A_560 = tpu.memref_slice %arg7[%add3A_60, %dma_wait3A_559] : memref<10240x128xf32, #tpu.memory_space<vmem_shared>> -> memref<40x128xf32, #tpu.memory_space<vmem_shared>>
      tpu.wait_dma2 semaphore(%run_scoped3A : memref<!tpu.dma_semaphore, #tpu.memory_space<semaphore_mem>>) src(%arg26 : memref<40x128xf32, #tpu.memory_space<vmem>>) dst(%dma_wait3A_560 : memref<40x128xf32, #tpu.memory_space<vmem_shared>>)
      tpu.yield
    }) : () -> ()
    %mul3A_61 = arith.constant 640 : i32
    %mul3A_62 = arith.muli %arg1, %mul3A_61 : i32
    %add3A_63 = arith.constant 520 : i32
    %add3A_64 = arith.addi %mul3A_62, %add3A_63 : i32
    "tpu.region"() ({
      %run_scoped3A = tpu.sem_alloc : memref<!tpu.dma_semaphore, #tpu.memory_space<semaphore_mem>>
      %dma_start3A_553 = arith.constant 0 : i32
      %dma_start3A_554 = tpu.memref_slice %arg7[%add3A_64, %dma_start3A_553] : memref<10240x128xf32, #tpu.memory_space<vmem_shared>> -> memref<40x128xf32, #tpu.memory_space<vmem_shared>>
      %dma_start3A_555 = arith.constant 0 : i32
      %dma_start3A_556 = tpu.memref_slice %arg7[%add3A_64, %dma_start3A_555] : memref<10240x128xf32, #tpu.memory_space<vmem_shared>> -> memref<40x128xf32, #tpu.memory_space<vmem_shared>>
      tpu.enqueue_dma source(%arg26 : memref<40x128xf32, #tpu.memory_space<vmem>>) target(%dma_start3A_556 : memref<40x128xf32, #tpu.memory_space<vmem_shared>>) target_semaphore(%run_scoped3A : memref<!tpu.dma_semaphore, #tpu.memory_space<semaphore_mem>>)
      %dma_wait3A_557 = arith.constant 0 : i32
      %dma_wait3A_558 = tpu.memref_slice %arg7[%add3A_64, %dma_wait3A_557] : memref<10240x128xf32, #tpu.memory_space<vmem_shared>> -> memref<40x128xf32, #tpu.memory_space<vmem_shared>>
      %dma_wait3A_559 = arith.constant 0 : i32
      %dma_wait3A_560 = tpu.memref_slice %arg7[%add3A_64, %dma_wait3A_559] : memref<10240x128xf32, #tpu.memory_space<vmem_shared>> -> memref<40x128xf32, #tpu.memory_space<vmem_shared>>
      tpu.wait_dma2 semaphore(%run_scoped3A : memref<!tpu.dma_semaphore, #tpu.memory_space<semaphore_mem>>) src(%arg26 : memref<40x128xf32, #tpu.memory_space<vmem>>) dst(%dma_wait3A_560 : memref<40x128xf32, #tpu.memory_space<vmem_shared>>)
      tpu.yield
    }) : () -> ()
    %mul3A_65 = arith.constant 640 : i32
    %mul3A_66 = arith.muli %arg1, %mul3A_65 : i32
    %add3A_67 = arith.constant 560 : i32
    %add3A_68 = arith.addi %mul3A_66, %add3A_67 : i32
    "tpu.region"() ({
      %run_scoped3A = tpu.sem_alloc : memref<!tpu.dma_semaphore, #tpu.memory_space<semaphore_mem>>
      %dma_start3A_553 = arith.constant 0 : i32
      %dma_start3A_554 = tpu.memref_slice %arg7[%add3A_68, %dma_start3A_553] : memref<10240x128xf32, #tpu.memory_space<vmem_shared>> -> memref<40x128xf32, #tpu.memory_space<vmem_shared>>
      %dma_start3A_555 = arith.constant 0 : i32
      %dma_start3A_556 = tpu.memref_slice %arg7[%add3A_68, %dma_start3A_555] : memref<10240x128xf32, #tpu.memory_space<vmem_shared>> -> memref<40x128xf32, #tpu.memory_space<vmem_shared>>
      tpu.enqueue_dma source(%arg26 : memref<40x128xf32, #tpu.memory_space<vmem>>) target(%dma_start3A_556 : memref<40x128xf32, #tpu.memory_space<vmem_shared>>) target_semaphore(%run_scoped3A : memref<!tpu.dma_semaphore, #tpu.memory_space<semaphore_mem>>)
      %dma_wait3A_557 = arith.constant 0 : i32
      %dma_wait3A_558 = tpu.memref_slice %arg7[%add3A_68, %dma_wait3A_557] : memref<10240x128xf32, #tpu.memory_space<vmem_shared>> -> memref<40x128xf32, #tpu.memory_space<vmem_shared>>
      %dma_wait3A_559 = arith.constant 0 : i32
      %dma_wait3A_560 = tpu.memref_slice %arg7[%add3A_68, %dma_wait3A_559] : memref<10240x128xf32, #tpu.memory_space<vmem_shared>> -> memref<40x128xf32, #tpu.memory_space<vmem_shared>>
      tpu.wait_dma2 semaphore(%run_scoped3A : memref<!tpu.dma_semaphore, #tpu.memory_space<semaphore_mem>>) src(%arg26 : memref<40x128xf32, #tpu.memory_space<vmem>>) dst(%dma_wait3A_560 : memref<40x128xf32, #tpu.memory_space<vmem_shared>>)
      tpu.yield
    }) : () -> ()
    %mul3A_69 = arith.constant 640 : i32
    %mul3A_70 = arith.muli %arg1, %mul3A_69 : i32
    %add3A_71 = arith.constant 600 : i32
    %add3A_72 = arith.addi %mul3A_70, %add3A_71 : i32
    "tpu.region"() ({
      %run_scoped3A = tpu.sem_alloc : memref<!tpu.dma_semaphore, #tpu.memory_space<semaphore_mem>>
      %dma_start3A_553 = arith.constant 0 : i32
      %dma_start3A_554 = tpu.memref_slice %arg7[%add3A_72, %dma_start3A_553] : memref<10240x128xf32, #tpu.memory_space<vmem_shared>> -> memref<40x128xf32, #tpu.memory_space<vmem_shared>>
      %dma_start3A_555 = arith.constant 0 : i32
      %dma_start3A_556 = tpu.memref_slice %arg7[%add3A_72, %dma_start3A_555] : memref<10240x128xf32, #tpu.memory_space<vmem_shared>> -> memref<40x128xf32, #tpu.memory_space<vmem_shared>>
      tpu.enqueue_dma source(%arg26 : memref<40x128xf32, #tpu.memory_space<vmem>>) target(%dma_start3A_556 : memref<40x128xf32, #tpu.memory_space<vmem_shared>>) target_semaphore(%run_scoped3A : memref<!tpu.dma_semaphore, #tpu.memory_space<semaphore_mem>>)
      %dma_wait3A_557 = arith.constant 0 : i32
      %dma_wait3A_558 = tpu.memref_slice %arg7[%add3A_72, %dma_wait3A_557] : memref<10240x128xf32, #tpu.memory_space<vmem_shared>> -> memref<40x128xf32, #tpu.memory_space<vmem_shared>>
      %dma_wait3A_559 = arith.constant 0 : i32
      %dma_wait3A_560 = tpu.memref_slice %arg7[%add3A_72, %dma_wait3A_559] : memref<10240x128xf32, #tpu.memory_space<vmem_shared>> -> memref<40x128xf32, #tpu.memory_space<vmem_shared>>
      tpu.wait_dma2 semaphore(%run_scoped3A : memref<!tpu.dma_semaphore, #tpu.memory_space<semaphore_mem>>) src(%arg26 : memref<40x128xf32, #tpu.memory_space<vmem>>) dst(%dma_wait3A_560 : memref<40x128xf32, #tpu.memory_space<vmem_shared>>)
      tpu.yield
    }) : () -> ()
    %barrier3A = arith.constant 0 : index
    tpu.barrier barrier_id(%barrier3A)
    %add3A_73 = arith.constant 0 : i32
    %add3A_74 = arith.addi %mul3A_2, %add3A_73 : i32
    %dma_start3A = tpu.memref_slice %arg3[%add3A_74] : memref<320000xi32, #tpu.memory_space<hbm>> -> memref<40xi32, #tpu.memory_space<hbm>>
    %dma_start3A_75 = tpu.memref_slice %arg3[%add3A_74] : memref<320000xi32, #tpu.memory_space<hbm>> -> memref<40xi32, #tpu.memory_space<hbm>>
    tpu.enqueue_dma source(%dma_start3A_75 : memref<40xi32, #tpu.memory_space<hbm>>) target(%arg8 : memref<40xi32, #tpu.memory_space<vmem>>) target_semaphore(%arg28 : memref<!tpu.dma_semaphore, #tpu.memory_space<semaphore_mem>>)
    %add3A_76 = arith.constant 0 : i32
    %add3A_77 = arith.addi %mul3A_2, %add3A_76 : i32
    %dma_start3A_78 = tpu.memref_slice %arg4[%add3A_77] : memref<320000xi32, #tpu.memory_space<hbm>> -> memref<40xi32, #tpu.memory_space<hbm>>
    %dma_start3A_79 = tpu.memref_slice %arg4[%add3A_77] : memref<320000xi32, #tpu.memory_space<hbm>> -> memref<40xi32, #tpu.memory_space<hbm>>
    tpu.enqueue_dma source(%dma_start3A_79 : memref<40xi32, #tpu.memory_space<hbm>>) target(%arg14 : memref<40xi32, #tpu.memory_space<vmem>>) target_semaphore(%arg34 : memref<!tpu.dma_semaphore, #tpu.memory_space<semaphore_mem>>)
    %add3A_80 = arith.constant 40 : i32
    %add3A_81 = arith.addi %mul3A_2, %add3A_80 : i32
    %dma_start3A_82 = tpu.memref_slice %arg3[%add3A_81] : memref<320000xi32, #tpu.memory_space<hbm>> -> memref<40xi32, #tpu.memory_space<hbm>>
    %dma_start3A_83 = tpu.memref_slice %arg3[%add3A_81] : memref<320000xi32, #tpu.memory_space<hbm>> -> memref<40xi32, #tpu.memory_space<hbm>>
    tpu.enqueue_dma source(%dma_start3A_83 : memref<40xi32, #tpu.memory_space<hbm>>) target(%arg9 : memref<40xi32, #tpu.memory_space<vmem>>) target_semaphore(%arg29 : memref<!tpu.dma_semaphore, #tpu.memory_space<semaphore_mem>>)
    %add3A_84 = arith.constant 40 : i32
    %add3A_85 = arith.addi %mul3A_2, %add3A_84 : i32
    %dma_start3A_86 = tpu.memref_slice %arg4[%add3A_85] : memref<320000xi32, #tpu.memory_space<hbm>> -> memref<40xi32, #tpu.memory_space<hbm>>
    %dma_start3A_87 = tpu.memref_slice %arg4[%add3A_85] : memref<320000xi32, #tpu.memory_space<hbm>> -> memref<40xi32, #tpu.memory_space<hbm>>
    tpu.enqueue_dma source(%dma_start3A_87 : memref<40xi32, #tpu.memory_space<hbm>>) target(%arg15 : memref<40xi32, #tpu.memory_space<vmem>>) target_semaphore(%arg35 : memref<!tpu.dma_semaphore, #tpu.memory_space<semaphore_mem>>)
    %add3A_88 = arith.constant 80 : i32
    %add3A_89 = arith.addi %mul3A_2, %add3A_88 : i32
    %dma_start3A_90 = tpu.memref_slice %arg3[%add3A_89] : memref<320000xi32, #tpu.memory_space<hbm>> -> memref<40xi32, #tpu.memory_space<hbm>>
    %dma_start3A_91 = tpu.memref_slice %arg3[%add3A_89] : memref<320000xi32, #tpu.memory_space<hbm>> -> memref<40xi32, #tpu.memory_space<hbm>>
    tpu.enqueue_dma source(%dma_start3A_91 : memref<40xi32, #tpu.memory_space<hbm>>) target(%arg10 : memref<40xi32, #tpu.memory_space<vmem>>) target_semaphore(%arg30 : memref<!tpu.dma_semaphore, #tpu.memory_space<semaphore_mem>>)
    %add3A_92 = arith.constant 80 : i32
    %add3A_93 = arith.addi %mul3A_2, %add3A_92 : i32
    %dma_start3A_94 = tpu.memref_slice %arg4[%add3A_93] : memref<320000xi32, #tpu.memory_space<hbm>> -> memref<40xi32, #tpu.memory_space<hbm>>
    %dma_start3A_95 = tpu.memref_slice %arg4[%add3A_93] : memref<320000xi32, #tpu.memory_space<hbm>> -> memref<40xi32, #tpu.memory_space<hbm>>
    tpu.enqueue_dma source(%dma_start3A_95 : memref<40xi32, #tpu.memory_space<hbm>>) target(%arg16 : memref<40xi32, #tpu.memory_space<vmem>>) target_semaphore(%arg36 : memref<!tpu.dma_semaphore, #tpu.memory_space<semaphore_mem>>)
    %add3A_96 = arith.constant 0 : i32
    %add3A_97 = arith.addi %mul3A_2, %add3A_96 : i32
    %dma_wait3A = tpu.memref_slice %arg3[%add3A_97] : memref<320000xi32, #tpu.memory_space<hbm>> -> memref<40xi32, #tpu.memory_space<hbm>>
    %dma_wait3A_98 = tpu.memref_slice %arg3[%add3A_97] : memref<320000xi32, #tpu.memory_space<hbm>> -> memref<40xi32, #tpu.memory_space<hbm>>
    tpu.wait_dma2 semaphore(%arg28 : memref<!tpu.dma_semaphore, #tpu.memory_space<semaphore_mem>>) src(%dma_wait3A_98 : memref<40xi32, #tpu.memory_space<hbm>>) dst(%arg8 : memref<40xi32, #tpu.memory_space<vmem>>)
    %add3A_99 = arith.constant 0 : i32
    %add3A_100 = arith.addi %mul3A_2, %add3A_99 : i32
    %dma_wait3A_101 = tpu.memref_slice %arg4[%add3A_100] : memref<320000xi32, #tpu.memory_space<hbm>> -> memref<40xi32, #tpu.memory_space<hbm>>
    %dma_wait3A_102 = tpu.memref_slice %arg4[%add3A_100] : memref<320000xi32, #tpu.memory_space<hbm>> -> memref<40xi32, #tpu.memory_space<hbm>>
    tpu.wait_dma2 semaphore(%arg34 : memref<!tpu.dma_semaphore, #tpu.memory_space<semaphore_mem>>) src(%dma_wait3A_102 : memref<40xi32, #tpu.memory_space<hbm>>) dst(%arg14 : memref<40xi32, #tpu.memory_space<vmem>>)
    %dma_start3A_103 = arith.constant 0 : i32
    %dma_start3A_104 = arith.constant 0 : i32
    %dma_start3A_105 = tpu.memref_slice %arg2[%dma_start3A_103, %dma_start3A_104] : memref<10000x128xf32, #tpu.memory_space<hbm>> -> memref<10000x128xf32, #tpu.memory_space<hbm>>
    tpu.enqueue_indirect_dma source(%dma_start3A_105 : memref<10000x128xf32, #tpu.memory_space<hbm>>) target(%arg20 : memref<40x128xf32, #tpu.memory_space<vmem>>) offsets(%arg8 : memref<40xi32, #tpu.memory_space<vmem>>) semaphore(%arg40 : memref<!tpu.dma_semaphore, #tpu.memory_space<semaphore_mem>>)
    %add3A_106 = arith.constant 0 : i32
    %add3A_107 = arith.addi %mul3A_2, %add3A_106 : i32
    %dma_start3A_108 = arith.constant 0 : i32
    %dma_start3A_109 = tpu.memref_slice %arg5[%add3A_107, %dma_start3A_108] : memref<320000x128xf32, #tpu.memory_space<hbm>> -> memref<40x128xf32, #tpu.memory_space<hbm>>
    %dma_start3A_110 = arith.constant 0 : i32
    %dma_start3A_111 = tpu.memref_slice %arg5[%add3A_107, %dma_start3A_110] : memref<320000x128xf32, #tpu.memory_space<hbm>> -> memref<40x128xf32, #tpu.memory_space<hbm>>
    tpu.enqueue_dma source(%dma_start3A_111 : memref<40x128xf32, #tpu.memory_space<hbm>>) target(%arg23 : memref<40x128xf32, #tpu.memory_space<vmem>>) target_semaphore(%arg43 : memref<!tpu.dma_semaphore, #tpu.memory_space<semaphore_mem>>)
    %add3A_112 = arith.constant 40 : i32
    %add3A_113 = arith.addi %mul3A_2, %add3A_112 : i32
    %dma_wait3A_114 = tpu.memref_slice %arg3[%add3A_113] : memref<320000xi32, #tpu.memory_space<hbm>> -> memref<40xi32, #tpu.memory_space<hbm>>
    %dma_wait3A_115 = tpu.memref_slice %arg3[%add3A_113] : memref<320000xi32, #tpu.memory_space<hbm>> -> memref<40xi32, #tpu.memory_space<hbm>>
    tpu.wait_dma2 semaphore(%arg29 : memref<!tpu.dma_semaphore, #tpu.memory_space<semaphore_mem>>) src(%dma_wait3A_115 : memref<40xi32, #tpu.memory_space<hbm>>) dst(%arg9 : memref<40xi32, #tpu.memory_space<vmem>>)
    %add3A_116 = arith.constant 40 : i32
    %add3A_117 = arith.addi %mul3A_2, %add3A_116 : i32
    %dma_wait3A_118 = tpu.memref_slice %arg4[%add3A_117] : memref<320000xi32, #tpu.memory_space<hbm>> -> memref<40xi32, #tpu.memory_space<hbm>>
    %dma_wait3A_119 = tpu.memref_slice %arg4[%add3A_117] : memref<320000xi32, #tpu.memory_space<hbm>> -> memref<40xi32, #tpu.memory_space<hbm>>
    tpu.wait_dma2 semaphore(%arg35 : memref<!tpu.dma_semaphore, #tpu.memory_space<semaphore_mem>>) src(%dma_wait3A_119 : memref<40xi32, #tpu.memory_space<hbm>>) dst(%arg15 : memref<40xi32, #tpu.memory_space<vmem>>)
    %dma_start3A_120 = arith.constant 0 : i32
    %dma_start3A_121 = arith.constant 0 : i32
    %dma_start3A_122 = tpu.memref_slice %arg2[%dma_start3A_120, %dma_start3A_121] : memref<10000x128xf32, #tpu.memory_space<hbm>> -> memref<10000x128xf32, #tpu.memory_space<hbm>>
    tpu.enqueue_indirect_dma source(%dma_start3A_122 : memref<10000x128xf32, #tpu.memory_space<hbm>>) target(%arg21 : memref<40x128xf32, #tpu.memory_space<vmem>>) offsets(%arg9 : memref<40xi32, #tpu.memory_space<vmem>>) semaphore(%arg41 : memref<!tpu.dma_semaphore, #tpu.memory_space<semaphore_mem>>)
    %add3A_123 = arith.constant 40 : i32
    %add3A_124 = arith.addi %mul3A_2, %add3A_123 : i32
    %dma_start3A_125 = arith.constant 0 : i32
    %dma_start3A_126 = tpu.memref_slice %arg5[%add3A_124, %dma_start3A_125] : memref<320000x128xf32, #tpu.memory_space<hbm>> -> memref<40x128xf32, #tpu.memory_space<hbm>>
    %dma_start3A_127 = arith.constant 0 : i32
    %dma_start3A_128 = tpu.memref_slice %arg5[%add3A_124, %dma_start3A_127] : memref<320000x128xf32, #tpu.memory_space<hbm>> -> memref<40x128xf32, #tpu.memory_space<hbm>>
    tpu.enqueue_dma source(%dma_start3A_128 : memref<40x128xf32, #tpu.memory_space<hbm>>) target(%arg24 : memref<40x128xf32, #tpu.memory_space<vmem>>) target_semaphore(%arg44 : memref<!tpu.dma_semaphore, #tpu.memory_space<semaphore_mem>>)
    %dma_wait3A_129 = arith.constant 0 : i32
    %dma_wait3A_130 = arith.constant 0 : i32
    %dma_wait3A_131 = tpu.memref_slice %arg2[%dma_wait3A_129, %dma_wait3A_130] : memref<10000x128xf32, #tpu.memory_space<hbm>> -> memref<10000x128xf32, #tpu.memory_space<hbm>>
    tpu.wait_indirect_dma semaphore(%arg40 : memref<!tpu.dma_semaphore, #tpu.memory_space<semaphore_mem>>) src(%dma_wait3A_131 : memref<10000x128xf32, #tpu.memory_space<hbm>>) dst(%arg20 : memref<40x128xf32, #tpu.memory_space<vmem>>)
    %add3A_132 = arith.constant 0 : i32
    %add3A_133 = arith.addi %mul3A_2, %add3A_132 : i32
    %dma_wait3A_134 = arith.constant 0 : i32
    %dma_wait3A_135 = tpu.memref_slice %arg5[%add3A_133, %dma_wait3A_134] : memref<320000x128xf32, #tpu.memory_space<hbm>> -> memref<40x128xf32, #tpu.memory_space<hbm>>
    %dma_wait3A_136 = arith.constant 0 : i32
    %dma_wait3A_137 = tpu.memref_slice %arg5[%add3A_133, %dma_wait3A_136] : memref<320000x128xf32, #tpu.memory_space<hbm>> -> memref<40x128xf32, #tpu.memory_space<hbm>>
    tpu.wait_dma2 semaphore(%arg43 : memref<!tpu.dma_semaphore, #tpu.memory_space<semaphore_mem>>) src(%dma_wait3A_137 : memref<40x128xf32, #tpu.memory_space<hbm>>) dst(%arg23 : memref<40x128xf32, #tpu.memory_space<vmem>>)
    %add3A_138 = arith.constant 120 : i32
    %add3A_139 = arith.addi %mul3A_2, %add3A_138 : i32
    %dma_start3A_140 = tpu.memref_slice %arg3[%add3A_139] : memref<320000xi32, #tpu.memory_space<hbm>> -> memref<40xi32, #tpu.memory_space<hbm>>
    %dma_start3A_141 = tpu.memref_slice %arg3[%add3A_139] : memref<320000xi32, #tpu.memory_space<hbm>> -> memref<40xi32, #tpu.memory_space<hbm>>
    tpu.enqueue_dma source(%dma_start3A_141 : memref<40xi32, #tpu.memory_space<hbm>>) target(%arg11 : memref<40xi32, #tpu.memory_space<vmem>>) target_semaphore(%arg31 : memref<!tpu.dma_semaphore, #tpu.memory_space<semaphore_mem>>)
    %add3A_142 = arith.constant 120 : i32
    %add3A_143 = arith.addi %mul3A_2, %add3A_142 : i32
    %dma_start3A_144 = tpu.memref_slice %arg4[%add3A_143] : memref<320000xi32, #tpu.memory_space<hbm>> -> memref<40xi32, #tpu.memory_space<hbm>>
    %dma_start3A_145 = tpu.memref_slice %arg4[%add3A_143] : memref<320000xi32, #tpu.memory_space<hbm>> -> memref<40xi32, #tpu.memory_space<hbm>>
    tpu.enqueue_dma source(%dma_start3A_145 : memref<40xi32, #tpu.memory_space<hbm>>) target(%arg17 : memref<40xi32, #tpu.memory_space<vmem>>) target_semaphore(%arg37 : memref<!tpu.dma_semaphore, #tpu.memory_space<semaphore_mem>>)
    %add3A_146 = arith.constant 80 : i32
    %add3A_147 = arith.addi %mul3A_2, %add3A_146 : i32
    %dma_wait3A_148 = tpu.memref_slice %arg3[%add3A_147] : memref<320000xi32, #tpu.memory_space<hbm>> -> memref<40xi32, #tpu.memory_space<hbm>>
    %dma_wait3A_149 = tpu.memref_slice %arg3[%add3A_147] : memref<320000xi32, #tpu.memory_space<hbm>> -> memref<40xi32, #tpu.memory_space<hbm>>
    tpu.wait_dma2 semaphore(%arg30 : memref<!tpu.dma_semaphore, #tpu.memory_space<semaphore_mem>>) src(%dma_wait3A_149 : memref<40xi32, #tpu.memory_space<hbm>>) dst(%arg10 : memref<40xi32, #tpu.memory_space<vmem>>)
    %add3A_150 = arith.constant 80 : i32
    %add3A_151 = arith.addi %mul3A_2, %add3A_150 : i32
    %dma_wait3A_152 = tpu.memref_slice %arg4[%add3A_151] : memref<320000xi32, #tpu.memory_space<hbm>> -> memref<40xi32, #tpu.memory_space<hbm>>
    %dma_wait3A_153 = tpu.memref_slice %arg4[%add3A_151] : memref<320000xi32, #tpu.memory_space<hbm>> -> memref<40xi32, #tpu.memory_space<hbm>>
    tpu.wait_dma2 semaphore(%arg36 : memref<!tpu.dma_semaphore, #tpu.memory_space<semaphore_mem>>) src(%dma_wait3A_153 : memref<40xi32, #tpu.memory_space<hbm>>) dst(%arg16 : memref<40xi32, #tpu.memory_space<vmem>>)
    %dma_start3A_154 = arith.constant 0 : i32
    %dma_start3A_155 = arith.constant 0 : i32
    %dma_start3A_156 = tpu.memref_slice %arg2[%dma_start3A_154, %dma_start3A_155] : memref<10000x128xf32, #tpu.memory_space<hbm>> -> memref<10000x128xf32, #tpu.memory_space<hbm>>
    tpu.enqueue_indirect_dma source(%dma_start3A_156 : memref<10000x128xf32, #tpu.memory_space<hbm>>) target(%arg22 : memref<40x128xf32, #tpu.memory_space<vmem>>) offsets(%arg10 : memref<40xi32, #tpu.memory_space<vmem>>) semaphore(%arg42 : memref<!tpu.dma_semaphore, #tpu.memory_space<semaphore_mem>>)
    %add3A_157 = arith.constant 80 : i32
    %add3A_158 = arith.addi %mul3A_2, %add3A_157 : i32
    %dma_start3A_159 = arith.constant 0 : i32
    %dma_start3A_160 = tpu.memref_slice %arg5[%add3A_158, %dma_start3A_159] : memref<320000x128xf32, #tpu.memory_space<hbm>> -> memref<40x128xf32, #tpu.memory_space<hbm>>
    %dma_start3A_161 = arith.constant 0 : i32
    %dma_start3A_162 = tpu.memref_slice %arg5[%add3A_158, %dma_start3A_161] : memref<320000x128xf32, #tpu.memory_space<hbm>> -> memref<40x128xf32, #tpu.memory_space<hbm>>
    tpu.enqueue_dma source(%dma_start3A_162 : memref<40x128xf32, #tpu.memory_space<hbm>>) target(%arg25 : memref<40x128xf32, #tpu.memory_space<vmem>>) target_semaphore(%arg45 : memref<!tpu.dma_semaphore, #tpu.memory_space<semaphore_mem>>)
    %scan3A_163 = arith.constant 0 : i32
    %scan3A_164 = arith.constant 0 : i32
    %scan3A_165 = arith.constant 40 : i32
    %scan3A_166 = arith.addi %scan3A_164, %scan3A_165 : i32
    %scan3A_167 = arith.constant 1 : i32
    %scan3A_168 = scf.for %scan3A_553 = %scan3A_164 to %scan3A_166 step %scan3A_167 iter_args(%scan3A_554 = %scan3A_163) -> (i32)  : i32 {
      %get3A = arith.index_cast %scan3A_553 : i32 to index
      %get3A_555 = arith.constant 0 : index
      %get3A_556 = tpu.vector_load %arg23[%get3A, %get3A_555] {strides = array<i32>} : memref<40x128xf32, #tpu.memory_space<vmem>>, vector<1x16xf32>,
      %get3A_557 = vector.shape_cast %get3A_556 : vector<1x16xf32> to vector<16xf32>
      %get3A_558 = arith.index_cast %scan3A_553 : i32 to index
      %get3A_559 = arith.constant 0 : index
      %get3A_560 = tpu.vector_load %arg20[%get3A_558, %get3A_559] {strides = array<i32>} : memref<40x128xf32, #tpu.memory_space<vmem>>, vector<1x16xf32>,
      %get3A_561 = vector.shape_cast %get3A_560 : vector<1x16xf32> to vector<16xf32>
      %add3A_562 = arith.addf %get3A_557, %get3A_561 : vector<16xf32>
      %max3A = arith.constant 0.000000e+00 : f32
      %max3A_563 = vector.broadcast %max3A : f32 to vector<16xf32>
      %max3A_564 = arith.maximumf %add3A_562, %max3A_563 : vector<16xf32>
      %swap3A = arith.index_cast %scan3A_553 : i32 to index
      %swap3A_565 = arith.constant 0 : index
      %swap3A_566 = tpu.vector_load %arg26[%swap3A, %swap3A_565] {strides = array<i32>} : memref<40x128xf32, #tpu.memory_space<vmem>>, vector<1x16xf32>,
      %swap3A_567 = vector.shape_cast %swap3A_566 : vector<1x16xf32> to vector<16xf32>
      %swap3A_568 = vector.shape_cast %max3A_564 : vector<16xf32> to vector<1x16xf32>
      tpu.vector_store %arg26[%swap3A, %swap3A_565], %swap3A_568 {strides = array<i32>} : memref<40x128xf32, #tpu.memory_space<vmem>>, vector<1x16xf32>,
      %get3A_569 = arith.index_cast %scan3A_553 : i32 to index
      %get3A_570 = arith.constant 16 : index
      %get3A_571 = tpu.vector_load %arg23[%get3A_569, %get3A_570] {strides = array<i32>} : memref<40x128xf32, #tpu.memory_space<vmem>>, vector<1x16xf32>,
      %get3A_572 = vector.shape_cast %get3A_571 : vector<1x16xf32> to vector<16xf32>
      %get3A_573 = arith.index_cast %scan3A_553 : i32 to index
      %get3A_574 = arith.constant 16 : index
      %get3A_575 = tpu.vector_load %arg20[%get3A_573, %get3A_574] {strides = array<i32>} : memref<40x128xf32, #tpu.memory_space<vmem>>, vector<1x16xf32>,
      %get3A_576 = vector.shape_cast %get3A_575 : vector<1x16xf32> to vector<16xf32>
      %add3A_577 = arith.addf %get3A_572, %get3A_576 : vector<16xf32>
      %max3A_578 = arith.constant 0.000000e+00 : f32
      %max3A_579 = vector.broadcast %max3A_578 : f32 to vector<16xf32>
      %max3A_580 = arith.maximumf %add3A_577, %max3A_579 : vector<16xf32>
      %swap3A_581 = arith.index_cast %scan3A_553 : i32 to index
      %swap3A_582 = arith.constant 16 : index
      %swap3A_583 = tpu.vector_load %arg26[%swap3A_581, %swap3A_582] {strides = array<i32>} : memref<40x128xf32, #tpu.memory_space<vmem>>, vector<1x16xf32>,
      %swap3A_584 = vector.shape_cast %swap3A_583 : vector<1x16xf32> to vector<16xf32>
      %swap3A_585 = vector.shape_cast %max3A_580 : vector<16xf32> to vector<1x16xf32>
      tpu.vector_store %arg26[%swap3A_581, %swap3A_582], %swap3A_585 {strides = array<i32>} : memref<40x128xf32, #tpu.memory_space<vmem>>, vector<1x16xf32>,
      %get3A_586 = arith.index_cast %scan3A_553 : i32 to index
      %get3A_587 = arith.constant 32 : index
      %get3A_588 = tpu.vector_load %arg23[%get3A_586, %get3A_587] {strides = array<i32>} : memref<40x128xf32, #tpu.memory_space<vmem>>, vector<1x16xf32>,
      %get3A_589 = vector.shape_cast %get3A_588 : vector<1x16xf32> to vector<16xf32>
      %get3A_590 = arith.index_cast %scan3A_553 : i32 to index
      %get3A_591 = arith.constant 32 : index
      %get3A_592 = tpu.vector_load %arg20[%get3A_590, %get3A_591] {strides = array<i32>} : memref<40x128xf32, #tpu.memory_space<vmem>>, vector<1x16xf32>,
      %get3A_593 = vector.shape_cast %get3A_592 : vector<1x16xf32> to vector<16xf32>
      %add3A_594 = arith.addf %get3A_589, %get3A_593 : vector<16xf32>
      %max3A_595 = arith.constant 0.000000e+00 : f32
      %max3A_596 = vector.broadcast %max3A_595 : f32 to vector<16xf32>
      %max3A_597 = arith.maximumf %add3A_594, %max3A_596 : vector<16xf32>
      %swap3A_598 = arith.index_cast %scan3A_553 : i32 to index
      %swap3A_599 = arith.constant 32 : index
      %swap3A_600 = tpu.vector_load %arg26[%swap3A_598, %swap3A_599] {strides = array<i32>} : memref<40x128xf32, #tpu.memory_space<vmem>>, vector<1x16xf32>,
      %swap3A_601 = vector.shape_cast %swap3A_600 : vector<1x16xf32> to vector<16xf32>
      %swap3A_602 = vector.shape_cast %max3A_597 : vector<16xf32> to vector<1x16xf32>
      tpu.vector_store %arg26[%swap3A_598, %swap3A_599], %swap3A_602 {strides = array<i32>} : memref<40x128xf32, #tpu.memory_space<vmem>>, vector<1x16xf32>,
      %get3A_603 = arith.index_cast %scan3A_553 : i32 to index
      %get3A_604 = arith.constant 48 : index
      %get3A_605 = tpu.vector_load %arg23[%get3A_603, %get3A_604] {strides = array<i32>} : memref<40x128xf32, #tpu.memory_space<vmem>>, vector<1x16xf32>,
      %get3A_606 = vector.shape_cast %get3A_605 : vector<1x16xf32> to vector<16xf32>
      %get3A_607 = arith.index_cast %scan3A_553 : i32 to index
      %get3A_608 = arith.constant 48 : index
      %get3A_609 = tpu.vector_load %arg20[%get3A_607, %get3A_608] {strides = array<i32>} : memref<40x128xf32, #tpu.memory_space<vmem>>, vector<1x16xf32>,
      %get3A_610 = vector.shape_cast %get3A_609 : vector<1x16xf32> to vector<16xf32>
      %add3A_611 = arith.addf %get3A_606, %get3A_610 : vector<16xf32>
      %max3A_612 = arith.constant 0.000000e+00 : f32
      %max3A_613 = vector.broadcast %max3A_612 : f32 to vector<16xf32>
      %max3A_614 = arith.maximumf %add3A_611, %max3A_613 : vector<16xf32>
      %swap3A_615 = arith.index_cast %scan3A_553 : i32 to index
      %swap3A_616 = arith.constant 48 : index
      %swap3A_617 = tpu.vector_load %arg26[%swap3A_615, %swap3A_616] {strides = array<i32>} : memref<40x128xf32, #tpu.memory_space<vmem>>, vector<1x16xf32>,
      %swap3A_618 = vector.shape_cast %swap3A_617 : vector<1x16xf32> to vector<16xf32>
      %swap3A_619 = vector.shape_cast %max3A_614 : vector<16xf32> to vector<1x16xf32>
      tpu.vector_store %arg26[%swap3A_615, %swap3A_616], %swap3A_619 {strides = array<i32>} : memref<40x128xf32, #tpu.memory_space<vmem>>, vector<1x16xf32>,
      %get3A_620 = arith.index_cast %scan3A_553 : i32 to index
      %get3A_621 = arith.constant 64 : index
      %get3A_622 = tpu.vector_load %arg23[%get3A_620, %get3A_621] {strides = array<i32>} : memref<40x128xf32, #tpu.memory_space<vmem>>, vector<1x16xf32>,
      %get3A_623 = vector.shape_cast %get3A_622 : vector<1x16xf32> to vector<16xf32>
      %get3A_624 = arith.index_cast %scan3A_553 : i32 to index
      %get3A_625 = arith.constant 64 : index
      %get3A_626 = tpu.vector_load %arg20[%get3A_624, %get3A_625] {strides = array<i32>} : memref<40x128xf32, #tpu.memory_space<vmem>>, vector<1x16xf32>,
      %get3A_627 = vector.shape_cast %get3A_626 : vector<1x16xf32> to vector<16xf32>
      %add3A_628 = arith.addf %get3A_623, %get3A_627 : vector<16xf32>
      %max3A_629 = arith.constant 0.000000e+00 : f32
      %max3A_630 = vector.broadcast %max3A_629 : f32 to vector<16xf32>
      %max3A_631 = arith.maximumf %add3A_628, %max3A_630 : vector<16xf32>
      %swap3A_632 = arith.index_cast %scan3A_553 : i32 to index
      %swap3A_633 = arith.constant 64 : index
      %swap3A_634 = tpu.vector_load %arg26[%swap3A_632, %swap3A_633] {strides = array<i32>} : memref<40x128xf32, #tpu.memory_space<vmem>>, vector<1x16xf32>,
      %swap3A_635 = vector.shape_cast %swap3A_634 : vector<1x16xf32> to vector<16xf32>
      %swap3A_636 = vector.shape_cast %max3A_631 : vector<16xf32> to vector<1x16xf32>
      tpu.vector_store %arg26[%swap3A_632, %swap3A_633], %swap3A_636 {strides = array<i32>} : memref<40x128xf32, #tpu.memory_space<vmem>>, vector<1x16xf32>,
      %get3A_637 = arith.index_cast %scan3A_553 : i32 to index
      %get3A_638 = arith.constant 80 : index
      %get3A_639 = tpu.vector_load %arg23[%get3A_637, %get3A_638] {strides = array<i32>} : memref<40x128xf32, #tpu.memory_space<vmem>>, vector<1x16xf32>,
      %get3A_640 = vector.shape_cast %get3A_639 : vector<1x16xf32> to vector<16xf32>
      %get3A_641 = arith.index_cast %scan3A_553 : i32 to index
      %get3A_642 = arith.constant 80 : index
      %get3A_643 = tpu.vector_load %arg20[%get3A_641, %get3A_642] {strides = array<i32>} : memref<40x128xf32, #tpu.memory_space<vmem>>, vector<1x16xf32>,
      %get3A_644 = vector.shape_cast %get3A_643 : vector<1x16xf32> to vector<16xf32>
      %add3A_645 = arith.addf %get3A_640, %get3A_644 : vector<16xf32>
      %max3A_646 = arith.constant 0.000000e+00 : f32
      %max3A_647 = vector.broadcast %max3A_646 : f32 to vector<16xf32>
      %max3A_648 = arith.maximumf %add3A_645, %max3A_647 : vector<16xf32>
      %swap3A_649 = arith.index_cast %scan3A_553 : i32 to index
      %swap3A_650 = arith.constant 80 : index
      %swap3A_651 = tpu.vector_load %arg26[%swap3A_649, %swap3A_650] {strides = array<i32>} : memref<40x128xf32, #tpu.memory_space<vmem>>, vector<1x16xf32>,
      %swap3A_652 = vector.shape_cast %swap3A_651 : vector<1x16xf32> to vector<16xf32>
      %swap3A_653 = vector.shape_cast %max3A_648 : vector<16xf32> to vector<1x16xf32>
      tpu.vector_store %arg26[%swap3A_649, %swap3A_650], %swap3A_653 {strides = array<i32>} : memref<40x128xf32, #tpu.memory_space<vmem>>, vector<1x16xf32>,
      %get3A_654 = arith.index_cast %scan3A_553 : i32 to index
      %get3A_655 = arith.constant 96 : index
      %get3A_656 = tpu.vector_load %arg23[%get3A_654, %get3A_655] {strides = array<i32>} : memref<40x128xf32, #tpu.memory_space<vmem>>, vector<1x16xf32>,
      %get3A_657 = vector.shape_cast %get3A_656 : vector<1x16xf32> to vector<16xf32>
      %get3A_658 = arith.index_cast %scan3A_553 : i32 to index
      %get3A_659 = arith.constant 96 : index
      %get3A_660 = tpu.vector_load %arg20[%get3A_658, %get3A_659] {strides = array<i32>} : memref<40x128xf32, #tpu.memory_space<vmem>>, vector<1x16xf32>,
      %get3A_661 = vector.shape_cast %get3A_660 : vector<1x16xf32> to vector<16xf32>
      %add3A_662 = arith.addf %get3A_657, %get3A_661 : vector<16xf32>
      %max3A_663 = arith.constant 0.000000e+00 : f32
      %max3A_664 = vector.broadcast %max3A_663 : f32 to vector<16xf32>
      %max3A_665 = arith.maximumf %add3A_662, %max3A_664 : vector<16xf32>
      %swap3A_666 = arith.index_cast %scan3A_553 : i32 to index
      %swap3A_667 = arith.constant 96 : index
      %swap3A_668 = tpu.vector_load %arg26[%swap3A_666, %swap3A_667] {strides = array<i32>} : memref<40x128xf32, #tpu.memory_space<vmem>>, vector<1x16xf32>,
      %swap3A_669 = vector.shape_cast %swap3A_668 : vector<1x16xf32> to vector<16xf32>
      %swap3A_670 = vector.shape_cast %max3A_665 : vector<16xf32> to vector<1x16xf32>
      tpu.vector_store %arg26[%swap3A_666, %swap3A_667], %swap3A_670 {strides = array<i32>} : memref<40x128xf32, #tpu.memory_space<vmem>>, vector<1x16xf32>,
      %get3A_671 = arith.index_cast %scan3A_553 : i32 to index
      %get3A_672 = arith.constant 112 : index
      %get3A_673 = tpu.vector_load %arg23[%get3A_671, %get3A_672] {strides = array<i32>} : memref<40x128xf32, #tpu.memory_space<vmem>>, vector<1x16xf32>,
      %get3A_674 = vector.shape_cast %get3A_673 : vector<1x16xf32> to vector<16xf32>
      %get3A_675 = arith.index_cast %scan3A_553 : i32 to index
      %get3A_676 = arith.constant 112 : index
      %get3A_677 = tpu.vector_load %arg20[%get3A_675, %get3A_676] {strides = array<i32>} : memref<40x128xf32, #tpu.memory_space<vmem>>, vector<1x16xf32>,
      %get3A_678 = vector.shape_cast %get3A_677 : vector<1x16xf32> to vector<16xf32>
      %add3A_679 = arith.addf %get3A_674, %get3A_678 : vector<16xf32>
      %max3A_680 = arith.constant 0.000000e+00 : f32
      %max3A_681 = vector.broadcast %max3A_680 : f32 to vector<16xf32>
      %max3A_682 = arith.maximumf %add3A_679, %max3A_681 : vector<16xf32>
      %swap3A_683 = arith.index_cast %scan3A_553 : i32 to index
      %swap3A_684 = arith.constant 112 : index
      %swap3A_685 = tpu.vector_load %arg26[%swap3A_683, %swap3A_684] {strides = array<i32>} : memref<40x128xf32, #tpu.memory_space<vmem>>, vector<1x16xf32>,
      %swap3A_686 = vector.shape_cast %swap3A_685 : vector<1x16xf32> to vector<16xf32>
      %swap3A_687 = vector.shape_cast %max3A_682 : vector<16xf32> to vector<1x16xf32>
      tpu.vector_store %arg26[%swap3A_683, %swap3A_684], %swap3A_687 {strides = array<i32>} : memref<40x128xf32, #tpu.memory_space<vmem>>, vector<1x16xf32>,
      %scan3A_688 = arith.constant 0 : i32
      scf.yield %scan3A_688 : i32
    }
    %scan3A_169 = arith.constant 40 : i32
    %dma_start3A_170 = arith.constant 0 : i32
    %dma_start3A_171 = arith.constant 0 : i32
    %dma_start3A_172 = tpu.memref_slice %arg7[%dma_start3A_170, %dma_start3A_171] : memref<10240x128xf32, #tpu.memory_space<vmem_shared>> -> memref<10240x128xf32, #tpu.memory_space<vmem_shared>>
    tpu.enqueue_indirect_dma source(%arg26 : memref<40x128xf32, #tpu.memory_space<vmem>>) target(%dma_start3A_172 : memref<10240x128xf32, #tpu.memory_space<vmem_shared>>) offsets(%arg14 : memref<40xi32, #tpu.memory_space<vmem>>) semaphore(%arg46 : memref<!tpu.dma_semaphore, #tpu.memory_space<semaphore_mem>>) {add = true}
    %dma_wait3A_173 = arith.constant 0 : i32
    %dma_wait3A_174 = arith.constant 0 : i32
    %dma_wait3A_175 = tpu.memref_slice %arg2[%dma_wait3A_173, %dma_wait3A_174] : memref<10000x128xf32, #tpu.memory_space<hbm>> -> memref<10000x128xf32, #tpu.memory_space<hbm>>
    tpu.wait_indirect_dma semaphore(%arg41 : memref<!tpu.dma_semaphore, #tpu.memory_space<semaphore_mem>>) src(%dma_wait3A_175 : memref<10000x128xf32, #tpu.memory_space<hbm>>) dst(%arg21 : memref<40x128xf32, #tpu.memory_space<vmem>>)
    %add3A_176 = arith.constant 40 : i32
    %add3A_177 = arith.addi %mul3A_2, %add3A_176 : i32
    %dma_wait3A_178 = arith.constant 0 : i32
    %dma_wait3A_179 = tpu.memref_slice %arg5[%add3A_177, %dma_wait3A_178] : memref<320000x128xf32, #tpu.memory_space<hbm>> -> memref<40x128xf32, #tpu.memory_space<hbm>>
    %dma_wait3A_180 = arith.constant 0 : i32
    %dma_wait3A_181 = tpu.memref_slice %arg5[%add3A_177, %dma_wait3A_180] : memref<320000x128xf32, #tpu.memory_space<hbm>> -> memref<40x128xf32, #tpu.memory_space<hbm>>
    tpu.wait_dma2 semaphore(%arg44 : memref<!tpu.dma_semaphore, #tpu.memory_space<semaphore_mem>>) src(%dma_wait3A_181 : memref<40x128xf32, #tpu.memory_space<hbm>>) dst(%arg24 : memref<40x128xf32, #tpu.memory_space<vmem>>)
    %add3A_182 = arith.constant 160 : i32
    %add3A_183 = arith.addi %mul3A_2, %add3A_182 : i32
    %dma_start3A_184 = tpu.memref_slice %arg3[%add3A_183] : memref<320000xi32, #tpu.memory_space<hbm>> -> memref<40xi32, #tpu.memory_space<hbm>>
    %dma_start3A_185 = tpu.memref_slice %arg3[%add3A_183] : memref<320000xi32, #tpu.memory_space<hbm>> -> memref<40xi32, #tpu.memory_space<hbm>>
    tpu.enqueue_dma source(%dma_start3A_185 : memref<40xi32, #tpu.memory_space<hbm>>) target(%arg12 : memref<40xi32, #tpu.memory_space<vmem>>) target_semaphore(%arg32 : memref<!tpu.dma_semaphore, #tpu.memory_space<semaphore_mem>>)
    %add3A_186 = arith.constant 160 : i32
    %add3A_187 = arith.addi %mul3A_2, %add3A_186 : i32
    %dma_start3A_188 = tpu.memref_slice %arg4[%add3A_187] : memref<320000xi32, #tpu.memory_space<hbm>> -> memref<40xi32, #tpu.memory_space<hbm>>
    %dma_start3A_189 = tpu.memref_slice %arg4[%add3A_187] : memref<320000xi32, #tpu.memory_space<hbm>> -> memref<40xi32, #tpu.memory_space<hbm>>
    tpu.enqueue_dma source(%dma_start3A_189 : memref<40xi32, #tpu.memory_space<hbm>>) target(%arg18 : memref<40xi32, #tpu.memory_space<vmem>>) target_semaphore(%arg38 : memref<!tpu.dma_semaphore, #tpu.memory_space<semaphore_mem>>)
    %add3A_190 = arith.constant 120 : i32
    %add3A_191 = arith.addi %mul3A_2, %add3A_190 : i32
    %dma_wait3A_192 = tpu.memref_slice %arg3[%add3A_191] : memref<320000xi32, #tpu.memory_space<hbm>> -> memref<40xi32, #tpu.memory_space<hbm>>
    %dma_wait3A_193 = tpu.memref_slice %arg3[%add3A_191] : memref<320000xi32, #tpu.memory_space<hbm>> -> memref<40xi32, #tpu.memory_space<hbm>>
    tpu.wait_dma2 semaphore(%arg31 : memref<!tpu.dma_semaphore, #tpu.memory_space<semaphore_mem>>) src(%dma_wait3A_193 : memref<40xi32, #tpu.memory_space<hbm>>) dst(%arg11 : memref<40xi32, #tpu.memory_space<vmem>>)
    %add3A_194 = arith.constant 120 : i32
    %add3A_195 = arith.addi %mul3A_2, %add3A_194 : i32
    %dma_wait3A_196 = tpu.memref_slice %arg4[%add3A_195] : memref<320000xi32, #tpu.memory_space<hbm>> -> memref<40xi32, #tpu.memory_space<hbm>>
    %dma_wait3A_197 = tpu.memref_slice %arg4[%add3A_195] : memref<320000xi32, #tpu.memory_space<hbm>> -> memref<40xi32, #tpu.memory_space<hbm>>
    tpu.wait_dma2 semaphore(%arg37 : memref<!tpu.dma_semaphore, #tpu.memory_space<semaphore_mem>>) src(%dma_wait3A_197 : memref<40xi32, #tpu.memory_space<hbm>>) dst(%arg17 : memref<40xi32, #tpu.memory_space<vmem>>)
    %dma_start3A_198 = arith.constant 0 : i32
    %dma_start3A_199 = arith.constant 0 : i32
    %dma_start3A_200 = tpu.memref_slice %arg2[%dma_start3A_198, %dma_start3A_199] : memref<10000x128xf32, #tpu.memory_space<hbm>> -> memref<10000x128xf32, #tpu.memory_space<hbm>>
    tpu.enqueue_indirect_dma source(%dma_start3A_200 : memref<10000x128xf32, #tpu.memory_space<hbm>>) target(%arg20 : memref<40x128xf32, #tpu.memory_space<vmem>>) offsets(%arg11 : memref<40xi32, #tpu.memory_space<vmem>>) semaphore(%arg40 : memref<!tpu.dma_semaphore, #tpu.memory_space<semaphore_mem>>)
    %add3A_201 = arith.constant 120 : i32
    %add3A_202 = arith.addi %mul3A_2, %add3A_201 : i32
    %dma_start3A_203 = arith.constant 0 : i32
    %dma_start3A_204 = tpu.memref_slice %arg5[%add3A_202, %dma_start3A_203] : memref<320000x128xf32, #tpu.memory_space<hbm>> -> memref<40x128xf32, #tpu.memory_space<hbm>>
    %dma_start3A_205 = arith.constant 0 : i32
    %dma_start3A_206 = tpu.memref_slice %arg5[%add3A_202, %dma_start3A_205] : memref<320000x128xf32, #tpu.memory_space<hbm>> -> memref<40x128xf32, #tpu.memory_space<hbm>>
    tpu.enqueue_dma source(%dma_start3A_206 : memref<40x128xf32, #tpu.memory_space<hbm>>) target(%arg23 : memref<40x128xf32, #tpu.memory_space<vmem>>) target_semaphore(%arg43 : memref<!tpu.dma_semaphore, #tpu.memory_space<semaphore_mem>>)
    %scan3A_207 = arith.constant 0 : i32
    %scan3A_208 = arith.constant 0 : i32
    %scan3A_209 = arith.constant 40 : i32
    %scan3A_210 = arith.addi %scan3A_208, %scan3A_209 : i32
    %scan3A_211 = arith.constant 1 : i32
    %scan3A_212 = scf.for %scan3A_553 = %scan3A_208 to %scan3A_210 step %scan3A_211 iter_args(%scan3A_554 = %scan3A_207) -> (i32)  : i32 {
      %get3A = arith.index_cast %scan3A_553 : i32 to index
      %get3A_555 = arith.constant 0 : index
      %get3A_556 = tpu.vector_load %arg24[%get3A, %get3A_555] {strides = array<i32>} : memref<40x128xf32, #tpu.memory_space<vmem>>, vector<1x16xf32>,
      %get3A_557 = vector.shape_cast %get3A_556 : vector<1x16xf32> to vector<16xf32>
      %get3A_558 = arith.index_cast %scan3A_553 : i32 to index
      %get3A_559 = arith.constant 0 : index
      %get3A_560 = tpu.vector_load %arg21[%get3A_558, %get3A_559] {strides = array<i32>} : memref<40x128xf32, #tpu.memory_space<vmem>>, vector<1x16xf32>,
      %get3A_561 = vector.shape_cast %get3A_560 : vector<1x16xf32> to vector<16xf32>
      %add3A_562 = arith.addf %get3A_557, %get3A_561 : vector<16xf32>
      %max3A = arith.constant 0.000000e+00 : f32
      %max3A_563 = vector.broadcast %max3A : f32 to vector<16xf32>
      %max3A_564 = arith.maximumf %add3A_562, %max3A_563 : vector<16xf32>
      %swap3A = arith.index_cast %scan3A_553 : i32 to index
      %swap3A_565 = arith.constant 0 : index
      %swap3A_566 = tpu.vector_load %arg27[%swap3A, %swap3A_565] {strides = array<i32>} : memref<40x128xf32, #tpu.memory_space<vmem>>, vector<1x16xf32>,
      %swap3A_567 = vector.shape_cast %swap3A_566 : vector<1x16xf32> to vector<16xf32>
      %swap3A_568 = vector.shape_cast %max3A_564 : vector<16xf32> to vector<1x16xf32>
      tpu.vector_store %arg27[%swap3A, %swap3A_565], %swap3A_568 {strides = array<i32>} : memref<40x128xf32, #tpu.memory_space<vmem>>, vector<1x16xf32>,
      %get3A_569 = arith.index_cast %scan3A_553 : i32 to index
      %get3A_570 = arith.constant 16 : index
      %get3A_571 = tpu.vector_load %arg24[%get3A_569, %get3A_570] {strides = array<i32>} : memref<40x128xf32, #tpu.memory_space<vmem>>, vector<1x16xf32>,
      %get3A_572 = vector.shape_cast %get3A_571 : vector<1x16xf32> to vector<16xf32>
      %get3A_573 = arith.index_cast %scan3A_553 : i32 to index
      %get3A_574 = arith.constant 16 : index
      %get3A_575 = tpu.vector_load %arg21[%get3A_573, %get3A_574] {strides = array<i32>} : memref<40x128xf32, #tpu.memory_space<vmem>>, vector<1x16xf32>,
      %get3A_576 = vector.shape_cast %get3A_575 : vector<1x16xf32> to vector<16xf32>
      %add3A_577 = arith.addf %get3A_572, %get3A_576 : vector<16xf32>
      %max3A_578 = arith.constant 0.000000e+00 : f32
      %max3A_579 = vector.broadcast %max3A_578 : f32 to vector<16xf32>
      %max3A_580 = arith.maximumf %add3A_577, %max3A_579 : vector<16xf32>
      %swap3A_581 = arith.index_cast %scan3A_553 : i32 to index
      %swap3A_582 = arith.constant 16 : index
      %swap3A_583 = tpu.vector_load %arg27[%swap3A_581, %swap3A_582] {strides = array<i32>} : memref<40x128xf32, #tpu.memory_space<vmem>>, vector<1x16xf32>,
      %swap3A_584 = vector.shape_cast %swap3A_583 : vector<1x16xf32> to vector<16xf32>
      %swap3A_585 = vector.shape_cast %max3A_580 : vector<16xf32> to vector<1x16xf32>
      tpu.vector_store %arg27[%swap3A_581, %swap3A_582], %swap3A_585 {strides = array<i32>} : memref<40x128xf32, #tpu.memory_space<vmem>>, vector<1x16xf32>,
      %get3A_586 = arith.index_cast %scan3A_553 : i32 to index
      %get3A_587 = arith.constant 32 : index
      %get3A_588 = tpu.vector_load %arg24[%get3A_586, %get3A_587] {strides = array<i32>} : memref<40x128xf32, #tpu.memory_space<vmem>>, vector<1x16xf32>,
      %get3A_589 = vector.shape_cast %get3A_588 : vector<1x16xf32> to vector<16xf32>
      %get3A_590 = arith.index_cast %scan3A_553 : i32 to index
      %get3A_591 = arith.constant 32 : index
      %get3A_592 = tpu.vector_load %arg21[%get3A_590, %get3A_591] {strides = array<i32>} : memref<40x128xf32, #tpu.memory_space<vmem>>, vector<1x16xf32>,
      %get3A_593 = vector.shape_cast %get3A_592 : vector<1x16xf32> to vector<16xf32>
      %add3A_594 = arith.addf %get3A_589, %get3A_593 : vector<16xf32>
      %max3A_595 = arith.constant 0.000000e+00 : f32
      %max3A_596 = vector.broadcast %max3A_595 : f32 to vector<16xf32>
      %max3A_597 = arith.maximumf %add3A_594, %max3A_596 : vector<16xf32>
      %swap3A_598 = arith.index_cast %scan3A_553 : i32 to index
      %swap3A_599 = arith.constant 32 : index
      %swap3A_600 = tpu.vector_load %arg27[%swap3A_598, %swap3A_599] {strides = array<i32>} : memref<40x128xf32, #tpu.memory_space<vmem>>, vector<1x16xf32>,
      %swap3A_601 = vector.shape_cast %swap3A_600 : vector<1x16xf32> to vector<16xf32>
      %swap3A_602 = vector.shape_cast %max3A_597 : vector<16xf32> to vector<1x16xf32>
      tpu.vector_store %arg27[%swap3A_598, %swap3A_599], %swap3A_602 {strides = array<i32>} : memref<40x128xf32, #tpu.memory_space<vmem>>, vector<1x16xf32>,
      %get3A_603 = arith.index_cast %scan3A_553 : i32 to index
      %get3A_604 = arith.constant 48 : index
      %get3A_605 = tpu.vector_load %arg24[%get3A_603, %get3A_604] {strides = array<i32>} : memref<40x128xf32, #tpu.memory_space<vmem>>, vector<1x16xf32>,
      %get3A_606 = vector.shape_cast %get3A_605 : vector<1x16xf32> to vector<16xf32>
      %get3A_607 = arith.index_cast %scan3A_553 : i32 to index
      %get3A_608 = arith.constant 48 : index
      %get3A_609 = tpu.vector_load %arg21[%get3A_607, %get3A_608] {strides = array<i32>} : memref<40x128xf32, #tpu.memory_space<vmem>>, vector<1x16xf32>,
      %get3A_610 = vector.shape_cast %get3A_609 : vector<1x16xf32> to vector<16xf32>
      %add3A_611 = arith.addf %get3A_606, %get3A_610 : vector<16xf32>
      %max3A_612 = arith.constant 0.000000e+00 : f32
      %max3A_613 = vector.broadcast %max3A_612 : f32 to vector<16xf32>
      %max3A_614 = arith.maximumf %add3A_611, %max3A_613 : vector<16xf32>
      %swap3A_615 = arith.index_cast %scan3A_553 : i32 to index
      %swap3A_616 = arith.constant 48 : index
      %swap3A_617 = tpu.vector_load %arg27[%swap3A_615, %swap3A_616] {strides = array<i32>} : memref<40x128xf32, #tpu.memory_space<vmem>>, vector<1x16xf32>,
      %swap3A_618 = vector.shape_cast %swap3A_617 : vector<1x16xf32> to vector<16xf32>
      %swap3A_619 = vector.shape_cast %max3A_614 : vector<16xf32> to vector<1x16xf32>
      tpu.vector_store %arg27[%swap3A_615, %swap3A_616], %swap3A_619 {strides = array<i32>} : memref<40x128xf32, #tpu.memory_space<vmem>>, vector<1x16xf32>,
      %get3A_620 = arith.index_cast %scan3A_553 : i32 to index
      %get3A_621 = arith.constant 64 : index
      %get3A_622 = tpu.vector_load %arg24[%get3A_620, %get3A_621] {strides = array<i32>} : memref<40x128xf32, #tpu.memory_space<vmem>>, vector<1x16xf32>,
      %get3A_623 = vector.shape_cast %get3A_622 : vector<1x16xf32> to vector<16xf32>
      %get3A_624 = arith.index_cast %scan3A_553 : i32 to index
      %get3A_625 = arith.constant 64 : index
      %get3A_626 = tpu.vector_load %arg21[%get3A_624, %get3A_625] {strides = array<i32>} : memref<40x128xf32, #tpu.memory_space<vmem>>, vector<1x16xf32>,
      %get3A_627 = vector.shape_cast %get3A_626 : vector<1x16xf32> to vector<16xf32>
      %add3A_628 = arith.addf %get3A_623, %get3A_627 : vector<16xf32>
      %max3A_629 = arith.constant 0.000000e+00 : f32
      %max3A_630 = vector.broadcast %max3A_629 : f32 to vector<16xf32>
      %max3A_631 = arith.maximumf %add3A_628, %max3A_630 : vector<16xf32>
      %swap3A_632 = arith.index_cast %scan3A_553 : i32 to index
      %swap3A_633 = arith.constant 64 : index
      %swap3A_634 = tpu.vector_load %arg27[%swap3A_632, %swap3A_633] {strides = array<i32>} : memref<40x128xf32, #tpu.memory_space<vmem>>, vector<1x16xf32>,
      %swap3A_635 = vector.shape_cast %swap3A_634 : vector<1x16xf32> to vector<16xf32>
      %swap3A_636 = vector.shape_cast %max3A_631 : vector<16xf32> to vector<1x16xf32>
      tpu.vector_store %arg27[%swap3A_632, %swap3A_633], %swap3A_636 {strides = array<i32>} : memref<40x128xf32, #tpu.memory_space<vmem>>, vector<1x16xf32>,
      %get3A_637 = arith.index_cast %scan3A_553 : i32 to index
      %get3A_638 = arith.constant 80 : index
      %get3A_639 = tpu.vector_load %arg24[%get3A_637, %get3A_638] {strides = array<i32>} : memref<40x128xf32, #tpu.memory_space<vmem>>, vector<1x16xf32>,
      %get3A_640 = vector.shape_cast %get3A_639 : vector<1x16xf32> to vector<16xf32>
      %get3A_641 = arith.index_cast %scan3A_553 : i32 to index
      %get3A_642 = arith.constant 80 : index
      %get3A_643 = tpu.vector_load %arg21[%get3A_641, %get3A_642] {strides = array<i32>} : memref<40x128xf32, #tpu.memory_space<vmem>>, vector<1x16xf32>,
      %get3A_644 = vector.shape_cast %get3A_643 : vector<1x16xf32> to vector<16xf32>
      %add3A_645 = arith.addf %get3A_640, %get3A_644 : vector<16xf32>
      %max3A_646 = arith.constant 0.000000e+00 : f32
      %max3A_647 = vector.broadcast %max3A_646 : f32 to vector<16xf32>
      %max3A_648 = arith.maximumf %add3A_645, %max3A_647 : vector<16xf32>
      %swap3A_649 = arith.index_cast %scan3A_553 : i32 to index
      %swap3A_650 = arith.constant 80 : index
      %swap3A_651 = tpu.vector_load %arg27[%swap3A_649, %swap3A_650] {strides = array<i32>} : memref<40x128xf32, #tpu.memory_space<vmem>>, vector<1x16xf32>,
      %swap3A_652 = vector.shape_cast %swap3A_651 : vector<1x16xf32> to vector<16xf32>
      %swap3A_653 = vector.shape_cast %max3A_648 : vector<16xf32> to vector<1x16xf32>
      tpu.vector_store %arg27[%swap3A_649, %swap3A_650], %swap3A_653 {strides = array<i32>} : memref<40x128xf32, #tpu.memory_space<vmem>>, vector<1x16xf32>,
      %get3A_654 = arith.index_cast %scan3A_553 : i32 to index
      %get3A_655 = arith.constant 96 : index
      %get3A_656 = tpu.vector_load %arg24[%get3A_654, %get3A_655] {strides = array<i32>} : memref<40x128xf32, #tpu.memory_space<vmem>>, vector<1x16xf32>,
      %get3A_657 = vector.shape_cast %get3A_656 : vector<1x16xf32> to vector<16xf32>
      %get3A_658 = arith.index_cast %scan3A_553 : i32 to index
      %get3A_659 = arith.constant 96 : index
      %get3A_660 = tpu.vector_load %arg21[%get3A_658, %get3A_659] {strides = array<i32>} : memref<40x128xf32, #tpu.memory_space<vmem>>, vector<1x16xf32>,
      %get3A_661 = vector.shape_cast %get3A_660 : vector<1x16xf32> to vector<16xf32>
      %add3A_662 = arith.addf %get3A_657, %get3A_661 : vector<16xf32>
      %max3A_663 = arith.constant 0.000000e+00 : f32
      %max3A_664 = vector.broadcast %max3A_663 : f32 to vector<16xf32>
      %max3A_665 = arith.maximumf %add3A_662, %max3A_664 : vector<16xf32>
      %swap3A_666 = arith.index_cast %scan3A_553 : i32 to index
      %swap3A_667 = arith.constant 96 : index
      %swap3A_668 = tpu.vector_load %arg27[%swap3A_666, %swap3A_667] {strides = array<i32>} : memref<40x128xf32, #tpu.memory_space<vmem>>, vector<1x16xf32>,
      %swap3A_669 = vector.shape_cast %swap3A_668 : vector<1x16xf32> to vector<16xf32>
      %swap3A_670 = vector.shape_cast %max3A_665 : vector<16xf32> to vector<1x16xf32>
      tpu.vector_store %arg27[%swap3A_666, %swap3A_667], %swap3A_670 {strides = array<i32>} : memref<40x128xf32, #tpu.memory_space<vmem>>, vector<1x16xf32>,
      %get3A_671 = arith.index_cast %scan3A_553 : i32 to index
      %get3A_672 = arith.constant 112 : index
      %get3A_673 = tpu.vector_load %arg24[%get3A_671, %get3A_672] {strides = array<i32>} : memref<40x128xf32, #tpu.memory_space<vmem>>, vector<1x16xf32>,
      %get3A_674 = vector.shape_cast %get3A_673 : vector<1x16xf32> to vector<16xf32>
      %get3A_675 = arith.index_cast %scan3A_553 : i32 to index
      %get3A_676 = arith.constant 112 : index
      %get3A_677 = tpu.vector_load %arg21[%get3A_675, %get3A_676] {strides = array<i32>} : memref<40x128xf32, #tpu.memory_space<vmem>>, vector<1x16xf32>,
      %get3A_678 = vector.shape_cast %get3A_677 : vector<1x16xf32> to vector<16xf32>
      %add3A_679 = arith.addf %get3A_674, %get3A_678 : vector<16xf32>
      %max3A_680 = arith.constant 0.000000e+00 : f32
      %max3A_681 = vector.broadcast %max3A_680 : f32 to vector<16xf32>
      %max3A_682 = arith.maximumf %add3A_679, %max3A_681 : vector<16xf32>
      %swap3A_683 = arith.index_cast %scan3A_553 : i32 to index
      %swap3A_684 = arith.constant 112 : index
      %swap3A_685 = tpu.vector_load %arg27[%swap3A_683, %swap3A_684] {strides = array<i32>} : memref<40x128xf32, #tpu.memory_space<vmem>>, vector<1x16xf32>,
      %swap3A_686 = vector.shape_cast %swap3A_685 : vector<1x16xf32> to vector<16xf32>
      %swap3A_687 = vector.shape_cast %max3A_682 : vector<16xf32> to vector<1x16xf32>
      tpu.vector_store %arg27[%swap3A_683, %swap3A_684], %swap3A_687 {strides = array<i32>} : memref<40x128xf32, #tpu.memory_space<vmem>>, vector<1x16xf32>,
      %scan3A_688 = arith.constant 0 : i32
      scf.yield %scan3A_688 : i32
    }
    %scan3A_213 = arith.constant 40 : i32
    %dma_start3A_214 = arith.constant 0 : i32
    %dma_start3A_215 = arith.constant 0 : i32
    %dma_start3A_216 = tpu.memref_slice %arg7[%dma_start3A_214, %dma_start3A_215] : memref<10240x128xf32, #tpu.memory_space<vmem_shared>> -> memref<10240x128xf32, #tpu.memory_space<vmem_shared>>
    tpu.enqueue_indirect_dma source(%arg27 : memref<40x128xf32, #tpu.memory_space<vmem>>) target(%dma_start3A_216 : memref<10240x128xf32, #tpu.memory_space<vmem_shared>>) offsets(%arg15 : memref<40xi32, #tpu.memory_space<vmem>>) semaphore(%arg47 : memref<!tpu.dma_semaphore, #tpu.memory_space<semaphore_mem>>) {add = true}
    %dma_wait3A_217 = arith.constant 0 : i32
    %dma_wait3A_218 = arith.constant 0 : i32
    %dma_wait3A_219 = tpu.memref_slice %arg2[%dma_wait3A_217, %dma_wait3A_218] : memref<10000x128xf32, #tpu.memory_space<hbm>> -> memref<10000x128xf32, #tpu.memory_space<hbm>>
    tpu.wait_indirect_dma semaphore(%arg42 : memref<!tpu.dma_semaphore, #tpu.memory_space<semaphore_mem>>) src(%dma_wait3A_219 : memref<10000x128xf32, #tpu.memory_space<hbm>>) dst(%arg22 : memref<40x128xf32, #tpu.memory_space<vmem>>)
    %add3A_220 = arith.constant 80 : i32
    %add3A_221 = arith.addi %mul3A_2, %add3A_220 : i32
    %dma_wait3A_222 = arith.constant 0 : i32
    %dma_wait3A_223 = tpu.memref_slice %arg5[%add3A_221, %dma_wait3A_222] : memref<320000x128xf32, #tpu.memory_space<hbm>> -> memref<40x128xf32, #tpu.memory_space<hbm>>
    %dma_wait3A_224 = arith.constant 0 : i32
    %dma_wait3A_225 = tpu.memref_slice %arg5[%add3A_221, %dma_wait3A_224] : memref<320000x128xf32, #tpu.memory_space<hbm>> -> memref<40x128xf32, #tpu.memory_space<hbm>>
    tpu.wait_dma2 semaphore(%arg45 : memref<!tpu.dma_semaphore, #tpu.memory_space<semaphore_mem>>) src(%dma_wait3A_225 : memref<40x128xf32, #tpu.memory_space<hbm>>) dst(%arg25 : memref<40x128xf32, #tpu.memory_space<vmem>>)
    %dma_wait3A_226 = arith.constant 0 : i32
    %dma_wait3A_227 = arith.constant 0 : i32
    %dma_wait3A_228 = tpu.memref_slice %arg7[%dma_wait3A_226, %dma_wait3A_227] : memref<10240x128xf32, #tpu.memory_space<vmem_shared>> -> memref<10240x128xf32, #tpu.memory_space<vmem_shared>>
    tpu.wait_indirect_dma semaphore(%arg46 : memref<!tpu.dma_semaphore, #tpu.memory_space<semaphore_mem>>) src(%arg26 : memref<40x128xf32, #tpu.memory_space<vmem>>) dst(%dma_wait3A_228 : memref<10240x128xf32, #tpu.memory_space<vmem_shared>>)
    %add3A_229 = arith.constant 200 : i32
    %add3A_230 = arith.addi %mul3A_2, %add3A_229 : i32
    %dma_start3A_231 = tpu.memref_slice %arg3[%add3A_230] : memref<320000xi32, #tpu.memory_space<hbm>> -> memref<40xi32, #tpu.memory_space<hbm>>
    %dma_start3A_232 = tpu.memref_slice %arg3[%add3A_230] : memref<320000xi32, #tpu.memory_space<hbm>> -> memref<40xi32, #tpu.memory_space<hbm>>
    tpu.enqueue_dma source(%dma_start3A_232 : memref<40xi32, #tpu.memory_space<hbm>>) target(%arg13 : memref<40xi32, #tpu.memory_space<vmem>>) target_semaphore(%arg33 : memref<!tpu.dma_semaphore, #tpu.memory_space<semaphore_mem>>)
    %add3A_233 = arith.constant 200 : i32
    %add3A_234 = arith.addi %mul3A_2, %add3A_233 : i32
    %dma_start3A_235 = tpu.memref_slice %arg4[%add3A_234] : memref<320000xi32, #tpu.memory_space<hbm>> -> memref<40xi32, #tpu.memory_space<hbm>>
    %dma_start3A_236 = tpu.memref_slice %arg4[%add3A_234] : memref<320000xi32, #tpu.memory_space<hbm>> -> memref<40xi32, #tpu.memory_space<hbm>>
    tpu.enqueue_dma source(%dma_start3A_236 : memref<40xi32, #tpu.memory_space<hbm>>) target(%arg19 : memref<40xi32, #tpu.memory_space<vmem>>) target_semaphore(%arg39 : memref<!tpu.dma_semaphore, #tpu.memory_space<semaphore_mem>>)
    %add3A_237 = arith.constant 160 : i32
    %add3A_238 = arith.addi %mul3A_2, %add3A_237 : i32
    %dma_wait3A_239 = tpu.memref_slice %arg3[%add3A_238] : memref<320000xi32, #tpu.memory_space<hbm>> -> memref<40xi32, #tpu.memory_space<hbm>>
    %dma_wait3A_240 = tpu.memref_slice %arg3[%add3A_238] : memref<320000xi32, #tpu.memory_space<hbm>> -> memref<40xi32, #tpu.memory_space<hbm>>
    tpu.wait_dma2 semaphore(%arg32 : memref<!tpu.dma_semaphore, #tpu.memory_space<semaphore_mem>>) src(%dma_wait3A_240 : memref<40xi32, #tpu.memory_space<hbm>>) dst(%arg12 : memref<40xi32, #tpu.memory_space<vmem>>)
    %add3A_241 = arith.constant 160 : i32
    %add3A_242 = arith.addi %mul3A_2, %add3A_241 : i32
    %dma_wait3A_243 = tpu.memref_slice %arg4[%add3A_242] : memref<320000xi32, #tpu.memory_space<hbm>> -> memref<40xi32, #tpu.memory_space<hbm>>
    %dma_wait3A_244 = tpu.memref_slice %arg4[%add3A_242] : memref<320000xi32, #tpu.memory_space<hbm>> -> memref<40xi32, #tpu.memory_space<hbm>>
    tpu.wait_dma2 semaphore(%arg38 : memref<!tpu.dma_semaphore, #tpu.memory_space<semaphore_mem>>) src(%dma_wait3A_244 : memref<40xi32, #tpu.memory_space<hbm>>) dst(%arg18 : memref<40xi32, #tpu.memory_space<vmem>>)
    %dma_start3A_245 = arith.constant 0 : i32
    %dma_start3A_246 = arith.constant 0 : i32
    %dma_start3A_247 = tpu.memref_slice %arg2[%dma_start3A_245, %dma_start3A_246] : memref<10000x128xf32, #tpu.memory_space<hbm>> -> memref<10000x128xf32, #tpu.memory_space<hbm>>
    tpu.enqueue_indirect_dma source(%dma_start3A_247 : memref<10000x128xf32, #tpu.memory_space<hbm>>) target(%arg21 : memref<40x128xf32, #tpu.memory_space<vmem>>) offsets(%arg12 : memref<40xi32, #tpu.memory_space<vmem>>) semaphore(%arg41 : memref<!tpu.dma_semaphore, #tpu.memory_space<semaphore_mem>>)
    %add3A_248 = arith.constant 160 : i32
    %add3A_249 = arith.addi %mul3A_2, %add3A_248 : i32
    %dma_start3A_250 = arith.constant 0 : i32
    %dma_start3A_251 = tpu.memref_slice %arg5[%add3A_249, %dma_start3A_250] : memref<320000x128xf32, #tpu.memory_space<hbm>> -> memref<40x128xf32, #tpu.memory_space<hbm>>
    %dma_start3A_252 = arith.constant 0 : i32
    %dma_start3A_253 = tpu.memref_slice %arg5[%add3A_249, %dma_start3A_252] : memref<320000x128xf32, #tpu.memory_space<hbm>> -> memref<40x128xf32, #tpu.memory_space<hbm>>
    tpu.enqueue_dma source(%dma_start3A_253 : memref<40x128xf32, #tpu.memory_space<hbm>>) target(%arg24 : memref<40x128xf32, #tpu.memory_space<vmem>>) target_semaphore(%arg44 : memref<!tpu.dma_semaphore, #tpu.memory_space<semaphore_mem>>)
    %scan3A_254 = arith.constant 0 : i32
    %scan3A_255 = arith.constant 0 : i32
    %scan3A_256 = arith.constant 40 : i32
    %scan3A_257 = arith.addi %scan3A_255, %scan3A_256 : i32
    %scan3A_258 = arith.constant 1 : i32
    %scan3A_259 = scf.for %scan3A_553 = %scan3A_255 to %scan3A_257 step %scan3A_258 iter_args(%scan3A_554 = %scan3A_254) -> (i32)  : i32 {
      %get3A = arith.index_cast %scan3A_553 : i32 to index
      %get3A_555 = arith.constant 0 : index
      %get3A_556 = tpu.vector_load %arg25[%get3A, %get3A_555] {strides = array<i32>} : memref<40x128xf32, #tpu.memory_space<vmem>>, vector<1x16xf32>,
      %get3A_557 = vector.shape_cast %get3A_556 : vector<1x16xf32> to vector<16xf32>
      %get3A_558 = arith.index_cast %scan3A_553 : i32 to index
      %get3A_559 = arith.constant 0 : index
      %get3A_560 = tpu.vector_load %arg22[%get3A_558, %get3A_559] {strides = array<i32>} : memref<40x128xf32, #tpu.memory_space<vmem>>, vector<1x16xf32>,
      %get3A_561 = vector.shape_cast %get3A_560 : vector<1x16xf32> to vector<16xf32>
      %add3A_562 = arith.addf %get3A_557, %get3A_561 : vector<16xf32>
      %max3A = arith.constant 0.000000e+00 : f32
      %max3A_563 = vector.broadcast %max3A : f32 to vector<16xf32>
      %max3A_564 = arith.maximumf %add3A_562, %max3A_563 : vector<16xf32>
      %swap3A = arith.index_cast %scan3A_553 : i32 to index
      %swap3A_565 = arith.constant 0 : index
      %swap3A_566 = tpu.vector_load %arg26[%swap3A, %swap3A_565] {strides = array<i32>} : memref<40x128xf32, #tpu.memory_space<vmem>>, vector<1x16xf32>,
      %swap3A_567 = vector.shape_cast %swap3A_566 : vector<1x16xf32> to vector<16xf32>
      %swap3A_568 = vector.shape_cast %max3A_564 : vector<16xf32> to vector<1x16xf32>
      tpu.vector_store %arg26[%swap3A, %swap3A_565], %swap3A_568 {strides = array<i32>} : memref<40x128xf32, #tpu.memory_space<vmem>>, vector<1x16xf32>,
      %get3A_569 = arith.index_cast %scan3A_553 : i32 to index
      %get3A_570 = arith.constant 16 : index
      %get3A_571 = tpu.vector_load %arg25[%get3A_569, %get3A_570] {strides = array<i32>} : memref<40x128xf32, #tpu.memory_space<vmem>>, vector<1x16xf32>,
      %get3A_572 = vector.shape_cast %get3A_571 : vector<1x16xf32> to vector<16xf32>
      %get3A_573 = arith.index_cast %scan3A_553 : i32 to index
      %get3A_574 = arith.constant 16 : index
      %get3A_575 = tpu.vector_load %arg22[%get3A_573, %get3A_574] {strides = array<i32>} : memref<40x128xf32, #tpu.memory_space<vmem>>, vector<1x16xf32>,
      %get3A_576 = vector.shape_cast %get3A_575 : vector<1x16xf32> to vector<16xf32>
      %add3A_577 = arith.addf %get3A_572, %get3A_576 : vector<16xf32>
      %max3A_578 = arith.constant 0.000000e+00 : f32
      %max3A_579 = vector.broadcast %max3A_578 : f32 to vector<16xf32>
      %max3A_580 = arith.maximumf %add3A_577, %max3A_579 : vector<16xf32>
      %swap3A_581 = arith.index_cast %scan3A_553 : i32 to index
      %swap3A_582 = arith.constant 16 : index
      %swap3A_583 = tpu.vector_load %arg26[%swap3A_581, %swap3A_582] {strides = array<i32>} : memref<40x128xf32, #tpu.memory_space<vmem>>, vector<1x16xf32>,
      %swap3A_584 = vector.shape_cast %swap3A_583 : vector<1x16xf32> to vector<16xf32>
      %swap3A_585 = vector.shape_cast %max3A_580 : vector<16xf32> to vector<1x16xf32>
      tpu.vector_store %arg26[%swap3A_581, %swap3A_582], %swap3A_585 {strides = array<i32>} : memref<40x128xf32, #tpu.memory_space<vmem>>, vector<1x16xf32>,
      %get3A_586 = arith.index_cast %scan3A_553 : i32 to index
      %get3A_587 = arith.constant 32 : index
      %get3A_588 = tpu.vector_load %arg25[%get3A_586, %get3A_587] {strides = array<i32>} : memref<40x128xf32, #tpu.memory_space<vmem>>, vector<1x16xf32>,
      %get3A_589 = vector.shape_cast %get3A_588 : vector<1x16xf32> to vector<16xf32>
      %get3A_590 = arith.index_cast %scan3A_553 : i32 to index
      %get3A_591 = arith.constant 32 : index
      %get3A_592 = tpu.vector_load %arg22[%get3A_590, %get3A_591] {strides = array<i32>} : memref<40x128xf32, #tpu.memory_space<vmem>>, vector<1x16xf32>,
      %get3A_593 = vector.shape_cast %get3A_592 : vector<1x16xf32> to vector<16xf32>
      %add3A_594 = arith.addf %get3A_589, %get3A_593 : vector<16xf32>
      %max3A_595 = arith.constant 0.000000e+00 : f32
      %max3A_596 = vector.broadcast %max3A_595 : f32 to vector<16xf32>
      %max3A_597 = arith.maximumf %add3A_594, %max3A_596 : vector<16xf32>
      %swap3A_598 = arith.index_cast %scan3A_553 : i32 to index
      %swap3A_599 = arith.constant 32 : index
      %swap3A_600 = tpu.vector_load %arg26[%swap3A_598, %swap3A_599] {strides = array<i32>} : memref<40x128xf32, #tpu.memory_space<vmem>>, vector<1x16xf32>,
      %swap3A_601 = vector.shape_cast %swap3A_600 : vector<1x16xf32> to vector<16xf32>
      %swap3A_602 = vector.shape_cast %max3A_597 : vector<16xf32> to vector<1x16xf32>
      tpu.vector_store %arg26[%swap3A_598, %swap3A_599], %swap3A_602 {strides = array<i32>} : memref<40x128xf32, #tpu.memory_space<vmem>>, vector<1x16xf32>,
      %get3A_603 = arith.index_cast %scan3A_553 : i32 to index
      %get3A_604 = arith.constant 48 : index
      %get3A_605 = tpu.vector_load %arg25[%get3A_603, %get3A_604] {strides = array<i32>} : memref<40x128xf32, #tpu.memory_space<vmem>>, vector<1x16xf32>,
      %get3A_606 = vector.shape_cast %get3A_605 : vector<1x16xf32> to vector<16xf32>
      %get3A_607 = arith.index_cast %scan3A_553 : i32 to index
      %get3A_608 = arith.constant 48 : index
      %get3A_609 = tpu.vector_load %arg22[%get3A_607, %get3A_608] {strides = array<i32>} : memref<40x128xf32, #tpu.memory_space<vmem>>, vector<1x16xf32>,
      %get3A_610 = vector.shape_cast %get3A_609 : vector<1x16xf32> to vector<16xf32>
      %add3A_611 = arith.addf %get3A_606, %get3A_610 : vector<16xf32>
      %max3A_612 = arith.constant 0.000000e+00 : f32
      %max3A_613 = vector.broadcast %max3A_612 : f32 to vector<16xf32>
      %max3A_614 = arith.maximumf %add3A_611, %max3A_613 : vector<16xf32>
      %swap3A_615 = arith.index_cast %scan3A_553 : i32 to index
      %swap3A_616 = arith.constant 48 : index
      %swap3A_617 = tpu.vector_load %arg26[%swap3A_615, %swap3A_616] {strides = array<i32>} : memref<40x128xf32, #tpu.memory_space<vmem>>, vector<1x16xf32>,
      %swap3A_618 = vector.shape_cast %swap3A_617 : vector<1x16xf32> to vector<16xf32>
      %swap3A_619 = vector.shape_cast %max3A_614 : vector<16xf32> to vector<1x16xf32>
      tpu.vector_store %arg26[%swap3A_615, %swap3A_616], %swap3A_619 {strides = array<i32>} : memref<40x128xf32, #tpu.memory_space<vmem>>, vector<1x16xf32>,
      %get3A_620 = arith.index_cast %scan3A_553 : i32 to index
      %get3A_621 = arith.constant 64 : index
      %get3A_622 = tpu.vector_load %arg25[%get3A_620, %get3A_621] {strides = array<i32>} : memref<40x128xf32, #tpu.memory_space<vmem>>, vector<1x16xf32>,
      %get3A_623 = vector.shape_cast %get3A_622 : vector<1x16xf32> to vector<16xf32>
      %get3A_624 = arith.index_cast %scan3A_553 : i32 to index
      %get3A_625 = arith.constant 64 : index
      %get3A_626 = tpu.vector_load %arg22[%get3A_624, %get3A_625] {strides = array<i32>} : memref<40x128xf32, #tpu.memory_space<vmem>>, vector<1x16xf32>,
      %get3A_627 = vector.shape_cast %get3A_626 : vector<1x16xf32> to vector<16xf32>
      %add3A_628 = arith.addf %get3A_623, %get3A_627 : vector<16xf32>
      %max3A_629 = arith.constant 0.000000e+00 : f32
      %max3A_630 = vector.broadcast %max3A_629 : f32 to vector<16xf32>
      %max3A_631 = arith.maximumf %add3A_628, %max3A_630 : vector<16xf32>
      %swap3A_632 = arith.index_cast %scan3A_553 : i32 to index
      %swap3A_633 = arith.constant 64 : index
      %swap3A_634 = tpu.vector_load %arg26[%swap3A_632, %swap3A_633] {strides = array<i32>} : memref<40x128xf32, #tpu.memory_space<vmem>>, vector<1x16xf32>,
      %swap3A_635 = vector.shape_cast %swap3A_634 : vector<1x16xf32> to vector<16xf32>
      %swap3A_636 = vector.shape_cast %max3A_631 : vector<16xf32> to vector<1x16xf32>
      tpu.vector_store %arg26[%swap3A_632, %swap3A_633], %swap3A_636 {strides = array<i32>} : memref<40x128xf32, #tpu.memory_space<vmem>>, vector<1x16xf32>,
      %get3A_637 = arith.index_cast %scan3A_553 : i32 to index
      %get3A_638 = arith.constant 80 : index
      %get3A_639 = tpu.vector_load %arg25[%get3A_637, %get3A_638] {strides = array<i32>} : memref<40x128xf32, #tpu.memory_space<vmem>>, vector<1x16xf32>,
      %get3A_640 = vector.shape_cast %get3A_639 : vector<1x16xf32> to vector<16xf32>
      %get3A_641 = arith.index_cast %scan3A_553 : i32 to index
      %get3A_642 = arith.constant 80 : index
      %get3A_643 = tpu.vector_load %arg22[%get3A_641, %get3A_642] {strides = array<i32>} : memref<40x128xf32, #tpu.memory_space<vmem>>, vector<1x16xf32>,
      %get3A_644 = vector.shape_cast %get3A_643 : vector<1x16xf32> to vector<16xf32>
      %add3A_645 = arith.addf %get3A_640, %get3A_644 : vector<16xf32>
      %max3A_646 = arith.constant 0.000000e+00 : f32
      %max3A_647 = vector.broadcast %max3A_646 : f32 to vector<16xf32>
      %max3A_648 = arith.maximumf %add3A_645, %max3A_647 : vector<16xf32>
      %swap3A_649 = arith.index_cast %scan3A_553 : i32 to index
      %swap3A_650 = arith.constant 80 : index
      %swap3A_651 = tpu.vector_load %arg26[%swap3A_649, %swap3A_650] {strides = array<i32>} : memref<40x128xf32, #tpu.memory_space<vmem>>, vector<1x16xf32>,
      %swap3A_652 = vector.shape_cast %swap3A_651 : vector<1x16xf32> to vector<16xf32>
      %swap3A_653 = vector.shape_cast %max3A_648 : vector<16xf32> to vector<1x16xf32>
      tpu.vector_store %arg26[%swap3A_649, %swap3A_650], %swap3A_653 {strides = array<i32>} : memref<40x128xf32, #tpu.memory_space<vmem>>, vector<1x16xf32>,
      %get3A_654 = arith.index_cast %scan3A_553 : i32 to index
      %get3A_655 = arith.constant 96 : index
      %get3A_656 = tpu.vector_load %arg25[%get3A_654, %get3A_655] {strides = array<i32>} : memref<40x128xf32, #tpu.memory_space<vmem>>, vector<1x16xf32>,
      %get3A_657 = vector.shape_cast %get3A_656 : vector<1x16xf32> to vector<16xf32>
      %get3A_658 = arith.index_cast %scan3A_553 : i32 to index
      %get3A_659 = arith.constant 96 : index
      %get3A_660 = tpu.vector_load %arg22[%get3A_658, %get3A_659] {strides = array<i32>} : memref<40x128xf32, #tpu.memory_space<vmem>>, vector<1x16xf32>,
      %get3A_661 = vector.shape_cast %get3A_660 : vector<1x16xf32> to vector<16xf32>
      %add3A_662 = arith.addf %get3A_657, %get3A_661 : vector<16xf32>
      %max3A_663 = arith.constant 0.000000e+00 : f32
      %max3A_664 = vector.broadcast %max3A_663 : f32 to vector<16xf32>
      %max3A_665 = arith.maximumf %add3A_662, %max3A_664 : vector<16xf32>
      %swap3A_666 = arith.index_cast %scan3A_553 : i32 to index
      %swap3A_667 = arith.constant 96 : index
      %swap3A_668 = tpu.vector_load %arg26[%swap3A_666, %swap3A_667] {strides = array<i32>} : memref<40x128xf32, #tpu.memory_space<vmem>>, vector<1x16xf32>,
      %swap3A_669 = vector.shape_cast %swap3A_668 : vector<1x16xf32> to vector<16xf32>
      %swap3A_670 = vector.shape_cast %max3A_665 : vector<16xf32> to vector<1x16xf32>
      tpu.vector_store %arg26[%swap3A_666, %swap3A_667], %swap3A_670 {strides = array<i32>} : memref<40x128xf32, #tpu.memory_space<vmem>>, vector<1x16xf32>,
      %get3A_671 = arith.index_cast %scan3A_553 : i32 to index
      %get3A_672 = arith.constant 112 : index
      %get3A_673 = tpu.vector_load %arg25[%get3A_671, %get3A_672] {strides = array<i32>} : memref<40x128xf32, #tpu.memory_space<vmem>>, vector<1x16xf32>,
      %get3A_674 = vector.shape_cast %get3A_673 : vector<1x16xf32> to vector<16xf32>
      %get3A_675 = arith.index_cast %scan3A_553 : i32 to index
      %get3A_676 = arith.constant 112 : index
      %get3A_677 = tpu.vector_load %arg22[%get3A_675, %get3A_676] {strides = array<i32>} : memref<40x128xf32, #tpu.memory_space<vmem>>, vector<1x16xf32>,
      %get3A_678 = vector.shape_cast %get3A_677 : vector<1x16xf32> to vector<16xf32>
      %add3A_679 = arith.addf %get3A_674, %get3A_678 : vector<16xf32>
      %max3A_680 = arith.constant 0.000000e+00 : f32
      %max3A_681 = vector.broadcast %max3A_680 : f32 to vector<16xf32>
      %max3A_682 = arith.maximumf %add3A_679, %max3A_681 : vector<16xf32>
      %swap3A_683 = arith.index_cast %scan3A_553 : i32 to index
      %swap3A_684 = arith.constant 112 : index
      %swap3A_685 = tpu.vector_load %arg26[%swap3A_683, %swap3A_684] {strides = array<i32>} : memref<40x128xf32, #tpu.memory_space<vmem>>, vector<1x16xf32>,
      %swap3A_686 = vector.shape_cast %swap3A_685 : vector<1x16xf32> to vector<16xf32>
      %swap3A_687 = vector.shape_cast %max3A_682 : vector<16xf32> to vector<1x16xf32>
      tpu.vector_store %arg26[%swap3A_683, %swap3A_684], %swap3A_687 {strides = array<i32>} : memref<40x128xf32, #tpu.memory_space<vmem>>, vector<1x16xf32>,
      %scan3A_688 = arith.constant 0 : i32
      scf.yield %scan3A_688 : i32
    }
    %scan3A_260 = arith.constant 40 : i32
    %dma_start3A_261 = arith.constant 0 : i32
    %dma_start3A_262 = arith.constant 0 : i32
    %dma_start3A_263 = tpu.memref_slice %arg7[%dma_start3A_261, %dma_start3A_262] : memref<10240x128xf32, #tpu.memory_space<vmem_shared>> -> memref<10240x128xf32, #tpu.memory_space<vmem_shared>>
    tpu.enqueue_indirect_dma source(%arg26 : memref<40x128xf32, #tpu.memory_space<vmem>>) target(%dma_start3A_263 : memref<10240x128xf32, #tpu.memory_space<vmem_shared>>) offsets(%arg16 : memref<40xi32, #tpu.memory_space<vmem>>) semaphore(%arg46 : memref<!tpu.dma_semaphore, #tpu.memory_space<semaphore_mem>>) {add = true}
    %dma_wait3A_264 = arith.constant 0 : i32
    %dma_wait3A_265 = arith.constant 0 : i32
    %dma_wait3A_266 = tpu.memref_slice %arg2[%dma_wait3A_264, %dma_wait3A_265] : memref<10000x128xf32, #tpu.memory_space<hbm>> -> memref<10000x128xf32, #tpu.memory_space<hbm>>
    tpu.wait_indirect_dma semaphore(%arg40 : memref<!tpu.dma_semaphore, #tpu.memory_space<semaphore_mem>>) src(%dma_wait3A_266 : memref<10000x128xf32, #tpu.memory_space<hbm>>) dst(%arg20 : memref<40x128xf32, #tpu.memory_space<vmem>>)
    %add3A_267 = arith.constant 120 : i32
    %add3A_268 = arith.addi %mul3A_2, %add3A_267 : i32
    %dma_wait3A_269 = arith.constant 0 : i32
    %dma_wait3A_270 = tpu.memref_slice %arg5[%add3A_268, %dma_wait3A_269] : memref<320000x128xf32, #tpu.memory_space<hbm>> -> memref<40x128xf32, #tpu.memory_space<hbm>>
    %dma_wait3A_271 = arith.constant 0 : i32
    %dma_wait3A_272 = tpu.memref_slice %arg5[%add3A_268, %dma_wait3A_271] : memref<320000x128xf32, #tpu.memory_space<hbm>> -> memref<40x128xf32, #tpu.memory_space<hbm>>
    tpu.wait_dma2 semaphore(%arg43 : memref<!tpu.dma_semaphore, #tpu.memory_space<semaphore_mem>>) src(%dma_wait3A_272 : memref<40x128xf32, #tpu.memory_space<hbm>>) dst(%arg23 : memref<40x128xf32, #tpu.memory_space<vmem>>)
    %dma_wait3A_273 = arith.constant 0 : i32
    %dma_wait3A_274 = arith.constant 0 : i32
    %dma_wait3A_275 = tpu.memref_slice %arg7[%dma_wait3A_273, %dma_wait3A_274] : memref<10240x128xf32, #tpu.memory_space<vmem_shared>> -> memref<10240x128xf32, #tpu.memory_space<vmem_shared>>
    tpu.wait_indirect_dma semaphore(%arg47 : memref<!tpu.dma_semaphore, #tpu.memory_space<semaphore_mem>>) src(%arg27 : memref<40x128xf32, #tpu.memory_space<vmem>>) dst(%dma_wait3A_275 : memref<10240x128xf32, #tpu.memory_space<vmem_shared>>)
    %add3A_276 = arith.constant 240 : i32
    %add3A_277 = arith.addi %mul3A_2, %add3A_276 : i32
    %dma_start3A_278 = tpu.memref_slice %arg3[%add3A_277] : memref<320000xi32, #tpu.memory_space<hbm>> -> memref<40xi32, #tpu.memory_space<hbm>>
    %dma_start3A_279 = tpu.memref_slice %arg3[%add3A_277] : memref<320000xi32, #tpu.memory_space<hbm>> -> memref<40xi32, #tpu.memory_space<hbm>>
    tpu.enqueue_dma source(%dma_start3A_279 : memref<40xi32, #tpu.memory_space<hbm>>) target(%arg8 : memref<40xi32, #tpu.memory_space<vmem>>) target_semaphore(%arg28 : memref<!tpu.dma_semaphore, #tpu.memory_space<semaphore_mem>>)
    %add3A_280 = arith.constant 240 : i32
    %add3A_281 = arith.addi %mul3A_2, %add3A_280 : i32
    %dma_start3A_282 = tpu.memref_slice %arg4[%add3A_281] : memref<320000xi32, #tpu.memory_space<hbm>> -> memref<40xi32, #tpu.memory_space<hbm>>
    %dma_start3A_283 = tpu.memref_slice %arg4[%add3A_281] : memref<320000xi32, #tpu.memory_space<hbm>> -> memref<40xi32, #tpu.memory_space<hbm>>
    tpu.enqueue_dma source(%dma_start3A_283 : memref<40xi32, #tpu.memory_space<hbm>>) target(%arg14 : memref<40xi32, #tpu.memory_space<vmem>>) target_semaphore(%arg34 : memref<!tpu.dma_semaphore, #tpu.memory_space<semaphore_mem>>)
    %add3A_284 = arith.constant 200 : i32
    %add3A_285 = arith.addi %mul3A_2, %add3A_284 : i32
    %dma_wait3A_286 = tpu.memref_slice %arg3[%add3A_285] : memref<320000xi32, #tpu.memory_space<hbm>> -> memref<40xi32, #tpu.memory_space<hbm>>
    %dma_wait3A_287 = tpu.memref_slice %arg3[%add3A_285] : memref<320000xi32, #tpu.memory_space<hbm>> -> memref<40xi32, #tpu.memory_space<hbm>>
    tpu.wait_dma2 semaphore(%arg33 : memref<!tpu.dma_semaphore, #tpu.memory_space<semaphore_mem>>) src(%dma_wait3A_287 : memref<40xi32, #tpu.memory_space<hbm>>) dst(%arg13 : memref<40xi32, #tpu.memory_space<vmem>>)
    %add3A_288 = arith.constant 200 : i32
    %add3A_289 = arith.addi %mul3A_2, %add3A_288 : i32
    %dma_wait3A_290 = tpu.memref_slice %arg4[%add3A_289] : memref<320000xi32, #tpu.memory_space<hbm>> -> memref<40xi32, #tpu.memory_space<hbm>>
    %dma_wait3A_291 = tpu.memref_slice %arg4[%add3A_289] : memref<320000xi32, #tpu.memory_space<hbm>> -> memref<40xi32, #tpu.memory_space<hbm>>
    tpu.wait_dma2 semaphore(%arg39 : memref<!tpu.dma_semaphore, #tpu.memory_space<semaphore_mem>>) src(%dma_wait3A_291 : memref<40xi32, #tpu.memory_space<hbm>>) dst(%arg19 : memref<40xi32, #tpu.memory_space<vmem>>)
    %dma_start3A_292 = arith.constant 0 : i32
    %dma_start3A_293 = arith.constant 0 : i32
    %dma_start3A_294 = tpu.memref_slice %arg2[%dma_start3A_292, %dma_start3A_293] : memref<10000x128xf32, #tpu.memory_space<hbm>> -> memref<10000x128xf32, #tpu.memory_space<hbm>>
    tpu.enqueue_indirect_dma source(%dma_start3A_294 : memref<10000x128xf32, #tpu.memory_space<hbm>>) target(%arg22 : memref<40x128xf32, #tpu.memory_space<vmem>>) offsets(%arg13 : memref<40xi32, #tpu.memory_space<vmem>>) semaphore(%arg42 : memref<!tpu.dma_semaphore, #tpu.memory_space<semaphore_mem>>)
    %add3A_295 = arith.constant 200 : i32
    %add3A_296 = arith.addi %mul3A_2, %add3A_295 : i32
    %dma_start3A_297 = arith.constant 0 : i32
    %dma_start3A_298 = tpu.memref_slice %arg5[%add3A_296, %dma_start3A_297] : memref<320000x128xf32, #tpu.memory_space<hbm>> -> memref<40x128xf32, #tpu.memory_space<hbm>>
    %dma_start3A_299 = arith.constant 0 : i32
    %dma_start3A_300 = tpu.memref_slice %arg5[%add3A_296, %dma_start3A_299] : memref<320000x128xf32, #tpu.memory_space<hbm>> -> memref<40x128xf32, #tpu.memory_space<hbm>>
    tpu.enqueue_dma source(%dma_start3A_300 : memref<40x128xf32, #tpu.memory_space<hbm>>) target(%arg25 : memref<40x128xf32, #tpu.memory_space<vmem>>) target_semaphore(%arg45 : memref<!tpu.dma_semaphore, #tpu.memory_space<semaphore_mem>>)
    %scan3A_301 = arith.constant 0 : i32
    %scan3A_302 = arith.constant 0 : i32
    %scan3A_303 = arith.constant 40 : i32
    %scan3A_304 = arith.addi %scan3A_302, %scan3A_303 : i32
    %scan3A_305 = arith.constant 1 : i32
    %scan3A_306 = scf.for %scan3A_553 = %scan3A_302 to %scan3A_304 step %scan3A_305 iter_args(%scan3A_554 = %scan3A_301) -> (i32)  : i32 {
      %get3A = arith.index_cast %scan3A_553 : i32 to index
      %get3A_555 = arith.constant 0 : index
      %get3A_556 = tpu.vector_load %arg23[%get3A, %get3A_555] {strides = array<i32>} : memref<40x128xf32, #tpu.memory_space<vmem>>, vector<1x16xf32>,
      %get3A_557 = vector.shape_cast %get3A_556 : vector<1x16xf32> to vector<16xf32>
      %get3A_558 = arith.index_cast %scan3A_553 : i32 to index
      %get3A_559 = arith.constant 0 : index
      %get3A_560 = tpu.vector_load %arg20[%get3A_558, %get3A_559] {strides = array<i32>} : memref<40x128xf32, #tpu.memory_space<vmem>>, vector<1x16xf32>,
      %get3A_561 = vector.shape_cast %get3A_560 : vector<1x16xf32> to vector<16xf32>
      %add3A_562 = arith.addf %get3A_557, %get3A_561 : vector<16xf32>
      %max3A = arith.constant 0.000000e+00 : f32
      %max3A_563 = vector.broadcast %max3A : f32 to vector<16xf32>
      %max3A_564 = arith.maximumf %add3A_562, %max3A_563 : vector<16xf32>
      %swap3A = arith.index_cast %scan3A_553 : i32 to index
      %swap3A_565 = arith.constant 0 : index
      %swap3A_566 = tpu.vector_load %arg27[%swap3A, %swap3A_565] {strides = array<i32>} : memref<40x128xf32, #tpu.memory_space<vmem>>, vector<1x16xf32>,
      %swap3A_567 = vector.shape_cast %swap3A_566 : vector<1x16xf32> to vector<16xf32>
      %swap3A_568 = vector.shape_cast %max3A_564 : vector<16xf32> to vector<1x16xf32>
      tpu.vector_store %arg27[%swap3A, %swap3A_565], %swap3A_568 {strides = array<i32>} : memref<40x128xf32, #tpu.memory_space<vmem>>, vector<1x16xf32>,
      %get3A_569 = arith.index_cast %scan3A_553 : i32 to index
      %get3A_570 = arith.constant 16 : index
      %get3A_571 = tpu.vector_load %arg23[%get3A_569, %get3A_570] {strides = array<i32>} : memref<40x128xf32, #tpu.memory_space<vmem>>, vector<1x16xf32>,
      %get3A_572 = vector.shape_cast %get3A_571 : vector<1x16xf32> to vector<16xf32>
      %get3A_573 = arith.index_cast %scan3A_553 : i32 to index
      %get3A_574 = arith.constant 16 : index
      %get3A_575 = tpu.vector_load %arg20[%get3A_573, %get3A_574] {strides = array<i32>} : memref<40x128xf32, #tpu.memory_space<vmem>>, vector<1x16xf32>,
      %get3A_576 = vector.shape_cast %get3A_575 : vector<1x16xf32> to vector<16xf32>
      %add3A_577 = arith.addf %get3A_572, %get3A_576 : vector<16xf32>
      %max3A_578 = arith.constant 0.000000e+00 : f32
      %max3A_579 = vector.broadcast %max3A_578 : f32 to vector<16xf32>
      %max3A_580 = arith.maximumf %add3A_577, %max3A_579 : vector<16xf32>
      %swap3A_581 = arith.index_cast %scan3A_553 : i32 to index
      %swap3A_582 = arith.constant 16 : index
      %swap3A_583 = tpu.vector_load %arg27[%swap3A_581, %swap3A_582] {strides = array<i32>} : memref<40x128xf32, #tpu.memory_space<vmem>>, vector<1x16xf32>,
      %swap3A_584 = vector.shape_cast %swap3A_583 : vector<1x16xf32> to vector<16xf32>
      %swap3A_585 = vector.shape_cast %max3A_580 : vector<16xf32> to vector<1x16xf32>
      tpu.vector_store %arg27[%swap3A_581, %swap3A_582], %swap3A_585 {strides = array<i32>} : memref<40x128xf32, #tpu.memory_space<vmem>>, vector<1x16xf32>,
      %get3A_586 = arith.index_cast %scan3A_553 : i32 to index
      %get3A_587 = arith.constant 32 : index
      %get3A_588 = tpu.vector_load %arg23[%get3A_586, %get3A_587] {strides = array<i32>} : memref<40x128xf32, #tpu.memory_space<vmem>>, vector<1x16xf32>,
      %get3A_589 = vector.shape_cast %get3A_588 : vector<1x16xf32> to vector<16xf32>
      %get3A_590 = arith.index_cast %scan3A_553 : i32 to index
      %get3A_591 = arith.constant 32 : index
      %get3A_592 = tpu.vector_load %arg20[%get3A_590, %get3A_591] {strides = array<i32>} : memref<40x128xf32, #tpu.memory_space<vmem>>, vector<1x16xf32>,
      %get3A_593 = vector.shape_cast %get3A_592 : vector<1x16xf32> to vector<16xf32>
      %add3A_594 = arith.addf %get3A_589, %get3A_593 : vector<16xf32>
      %max3A_595 = arith.constant 0.000000e+00 : f32
      %max3A_596 = vector.broadcast %max3A_595 : f32 to vector<16xf32>
      %max3A_597 = arith.maximumf %add3A_594, %max3A_596 : vector<16xf32>
      %swap3A_598 = arith.index_cast %scan3A_553 : i32 to index
      %swap3A_599 = arith.constant 32 : index
      %swap3A_600 = tpu.vector_load %arg27[%swap3A_598, %swap3A_599] {strides = array<i32>} : memref<40x128xf32, #tpu.memory_space<vmem>>, vector<1x16xf32>,
      %swap3A_601 = vector.shape_cast %swap3A_600 : vector<1x16xf32> to vector<16xf32>
      %swap3A_602 = vector.shape_cast %max3A_597 : vector<16xf32> to vector<1x16xf32>
      tpu.vector_store %arg27[%swap3A_598, %swap3A_599], %swap3A_602 {strides = array<i32>} : memref<40x128xf32, #tpu.memory_space<vmem>>, vector<1x16xf32>,
      %get3A_603 = arith.index_cast %scan3A_553 : i32 to index
      %get3A_604 = arith.constant 48 : index
      %get3A_605 = tpu.vector_load %arg23[%get3A_603, %get3A_604] {strides = array<i32>} : memref<40x128xf32, #tpu.memory_space<vmem>>, vector<1x16xf32>,
      %get3A_606 = vector.shape_cast %get3A_605 : vector<1x16xf32> to vector<16xf32>
      %get3A_607 = arith.index_cast %scan3A_553 : i32 to index
      %get3A_608 = arith.constant 48 : index
      %get3A_609 = tpu.vector_load %arg20[%get3A_607, %get3A_608] {strides = array<i32>} : memref<40x128xf32, #tpu.memory_space<vmem>>, vector<1x16xf32>,
      %get3A_610 = vector.shape_cast %get3A_609 : vector<1x16xf32> to vector<16xf32>
      %add3A_611 = arith.addf %get3A_606, %get3A_610 : vector<16xf32>
      %max3A_612 = arith.constant 0.000000e+00 : f32
      %max3A_613 = vector.broadcast %max3A_612 : f32 to vector<16xf32>
      %max3A_614 = arith.maximumf %add3A_611, %max3A_613 : vector<16xf32>
      %swap3A_615 = arith.index_cast %scan3A_553 : i32 to index
      %swap3A_616 = arith.constant 48 : index
      %swap3A_617 = tpu.vector_load %arg27[%swap3A_615, %swap3A_616] {strides = array<i32>} : memref<40x128xf32, #tpu.memory_space<vmem>>, vector<1x16xf32>,
      %swap3A_618 = vector.shape_cast %swap3A_617 : vector<1x16xf32> to vector<16xf32>
      %swap3A_619 = vector.shape_cast %max3A_614 : vector<16xf32> to vector<1x16xf32>
      tpu.vector_store %arg27[%swap3A_615, %swap3A_616], %swap3A_619 {strides = array<i32>} : memref<40x128xf32, #tpu.memory_space<vmem>>, vector<1x16xf32>,
      %get3A_620 = arith.index_cast %scan3A_553 : i32 to index
      %get3A_621 = arith.constant 64 : index
      %get3A_622 = tpu.vector_load %arg23[%get3A_620, %get3A_621] {strides = array<i32>} : memref<40x128xf32, #tpu.memory_space<vmem>>, vector<1x16xf32>,
      %get3A_623 = vector.shape_cast %get3A_622 : vector<1x16xf32> to vector<16xf32>
      %get3A_624 = arith.index_cast %scan3A_553 : i32 to index
      %get3A_625 = arith.constant 64 : index
      %get3A_626 = tpu.vector_load %arg20[%get3A_624, %get3A_625] {strides = array<i32>} : memref<40x128xf32, #tpu.memory_space<vmem>>, vector<1x16xf32>,
      %get3A_627 = vector.shape_cast %get3A_626 : vector<1x16xf32> to vector<16xf32>
      %add3A_628 = arith.addf %get3A_623, %get3A_627 : vector<16xf32>
      %max3A_629 = arith.constant 0.000000e+00 : f32
      %max3A_630 = vector.broadcast %max3A_629 : f32 to vector<16xf32>
      %max3A_631 = arith.maximumf %add3A_628, %max3A_630 : vector<16xf32>
      %swap3A_632 = arith.index_cast %scan3A_553 : i32 to index
      %swap3A_633 = arith.constant 64 : index
      %swap3A_634 = tpu.vector_load %arg27[%swap3A_632, %swap3A_633] {strides = array<i32>} : memref<40x128xf32, #tpu.memory_space<vmem>>, vector<1x16xf32>,
      %swap3A_635 = vector.shape_cast %swap3A_634 : vector<1x16xf32> to vector<16xf32>
      %swap3A_636 = vector.shape_cast %max3A_631 : vector<16xf32> to vector<1x16xf32>
      tpu.vector_store %arg27[%swap3A_632, %swap3A_633], %swap3A_636 {strides = array<i32>} : memref<40x128xf32, #tpu.memory_space<vmem>>, vector<1x16xf32>,
      %get3A_637 = arith.index_cast %scan3A_553 : i32 to index
      %get3A_638 = arith.constant 80 : index
      %get3A_639 = tpu.vector_load %arg23[%get3A_637, %get3A_638] {strides = array<i32>} : memref<40x128xf32, #tpu.memory_space<vmem>>, vector<1x16xf32>,
      %get3A_640 = vector.shape_cast %get3A_639 : vector<1x16xf32> to vector<16xf32>
      %get3A_641 = arith.index_cast %scan3A_553 : i32 to index
      %get3A_642 = arith.constant 80 : index
      %get3A_643 = tpu.vector_load %arg20[%get3A_641, %get3A_642] {strides = array<i32>} : memref<40x128xf32, #tpu.memory_space<vmem>>, vector<1x16xf32>,
      %get3A_644 = vector.shape_cast %get3A_643 : vector<1x16xf32> to vector<16xf32>
      %add3A_645 = arith.addf %get3A_640, %get3A_644 : vector<16xf32>
      %max3A_646 = arith.constant 0.000000e+00 : f32
      %max3A_647 = vector.broadcast %max3A_646 : f32 to vector<16xf32>
      %max3A_648 = arith.maximumf %add3A_645, %max3A_647 : vector<16xf32>
      %swap3A_649 = arith.index_cast %scan3A_553 : i32 to index
      %swap3A_650 = arith.constant 80 : index
      %swap3A_651 = tpu.vector_load %arg27[%swap3A_649, %swap3A_650] {strides = array<i32>} : memref<40x128xf32, #tpu.memory_space<vmem>>, vector<1x16xf32>,
      %swap3A_652 = vector.shape_cast %swap3A_651 : vector<1x16xf32> to vector<16xf32>
      %swap3A_653 = vector.shape_cast %max3A_648 : vector<16xf32> to vector<1x16xf32>
      tpu.vector_store %arg27[%swap3A_649, %swap3A_650], %swap3A_653 {strides = array<i32>} : memref<40x128xf32, #tpu.memory_space<vmem>>, vector<1x16xf32>,
      %get3A_654 = arith.index_cast %scan3A_553 : i32 to index
      %get3A_655 = arith.constant 96 : index
      %get3A_656 = tpu.vector_load %arg23[%get3A_654, %get3A_655] {strides = array<i32>} : memref<40x128xf32, #tpu.memory_space<vmem>>, vector<1x16xf32>,
      %get3A_657 = vector.shape_cast %get3A_656 : vector<1x16xf32> to vector<16xf32>
      %get3A_658 = arith.index_cast %scan3A_553 : i32 to index
      %get3A_659 = arith.constant 96 : index
      %get3A_660 = tpu.vector_load %arg20[%get3A_658, %get3A_659] {strides = array<i32>} : memref<40x128xf32, #tpu.memory_space<vmem>>, vector<1x16xf32>,
      %get3A_661 = vector.shape_cast %get3A_660 : vector<1x16xf32> to vector<16xf32>
      %add3A_662 = arith.addf %get3A_657, %get3A_661 : vector<16xf32>
      %max3A_663 = arith.constant 0.000000e+00 : f32
      %max3A_664 = vector.broadcast %max3A_663 : f32 to vector<16xf32>
      %max3A_665 = arith.maximumf %add3A_662, %max3A_664 : vector<16xf32>
      %swap3A_666 = arith.index_cast %scan3A_553 : i32 to index
      %swap3A_667 = arith.constant 96 : index
      %swap3A_668 = tpu.vector_load %arg27[%swap3A_666, %swap3A_667] {strides = array<i32>} : memref<40x128xf32, #tpu.memory_space<vmem>>, vector<1x16xf32>,
      %swap3A_669 = vector.shape_cast %swap3A_668 : vector<1x16xf32> to vector<16xf32>
      %swap3A_670 = vector.shape_cast %max3A_665 : vector<16xf32> to vector<1x16xf32>
      tpu.vector_store %arg27[%swap3A_666, %swap3A_667], %swap3A_670 {strides = array<i32>} : memref<40x128xf32, #tpu.memory_space<vmem>>, vector<1x16xf32>,
      %get3A_671 = arith.index_cast %scan3A_553 : i32 to index
      %get3A_672 = arith.constant 112 : index
      %get3A_673 = tpu.vector_load %arg23[%get3A_671, %get3A_672] {strides = array<i32>} : memref<40x128xf32, #tpu.memory_space<vmem>>, vector<1x16xf32>,
      %get3A_674 = vector.shape_cast %get3A_673 : vector<1x16xf32> to vector<16xf32>
      %get3A_675 = arith.index_cast %scan3A_553 : i32 to index
      %get3A_676 = arith.constant 112 : index
      %get3A_677 = tpu.vector_load %arg20[%get3A_675, %get3A_676] {strides = array<i32>} : memref<40x128xf32, #tpu.memory_space<vmem>>, vector<1x16xf32>,
      %get3A_678 = vector.shape_cast %get3A_677 : vector<1x16xf32> to vector<16xf32>
      %add3A_679 = arith.addf %get3A_674, %get3A_678 : vector<16xf32>
      %max3A_680 = arith.constant 0.000000e+00 : f32
      %max3A_681 = vector.broadcast %max3A_680 : f32 to vector<16xf32>
      %max3A_682 = arith.maximumf %add3A_679, %max3A_681 : vector<16xf32>
      %swap3A_683 = arith.index_cast %scan3A_553 : i32 to index
      %swap3A_684 = arith.constant 112 : index
      %swap3A_685 = tpu.vector_load %arg27[%swap3A_683, %swap3A_684] {strides = array<i32>} : memref<40x128xf32, #tpu.memory_space<vmem>>, vector<1x16xf32>,
      %swap3A_686 = vector.shape_cast %swap3A_685 : vector<1x16xf32> to vector<16xf32>
      %swap3A_687 = vector.shape_cast %max3A_682 : vector<16xf32> to vector<1x16xf32>
      tpu.vector_store %arg27[%swap3A_683, %swap3A_684], %swap3A_687 {strides = array<i32>} : memref<40x128xf32, #tpu.memory_space<vmem>>, vector<1x16xf32>,
      %scan3A_688 = arith.constant 0 : i32
      scf.yield %scan3A_688 : i32
    }
    %scan3A_307 = arith.constant 40 : i32
    %dma_start3A_308 = arith.constant 0 : i32
    %dma_start3A_309 = arith.constant 0 : i32
    %dma_start3A_310 = tpu.memref_slice %arg7[%dma_start3A_308, %dma_start3A_309] : memref<10240x128xf32, #tpu.memory_space<vmem_shared>> -> memref<10240x128xf32, #tpu.memory_space<vmem_shared>>
    tpu.enqueue_indirect_dma source(%arg27 : memref<40x128xf32, #tpu.memory_space<vmem>>) target(%dma_start3A_310 : memref<10240x128xf32, #tpu.memory_space<vmem_shared>>) offsets(%arg17 : memref<40xi32, #tpu.memory_space<vmem>>) semaphore(%arg47 : memref<!tpu.dma_semaphore, #tpu.memory_space<semaphore_mem>>) {add = true}
    %dma_wait3A_311 = arith.constant 0 : i32
    %dma_wait3A_312 = arith.constant 0 : i32
    %dma_wait3A_313 = tpu.memref_slice %arg2[%dma_wait3A_311, %dma_wait3A_312] : memref<10000x128xf32, #tpu.memory_space<hbm>> -> memref<10000x128xf32, #tpu.memory_space<hbm>>
    tpu.wait_indirect_dma semaphore(%arg41 : memref<!tpu.dma_semaphore, #tpu.memory_space<semaphore_mem>>) src(%dma_wait3A_313 : memref<10000x128xf32, #tpu.memory_space<hbm>>) dst(%arg21 : memref<40x128xf32, #tpu.memory_space<vmem>>)
    %add3A_314 = arith.constant 160 : i32
    %add3A_315 = arith.addi %mul3A_2, %add3A_314 : i32
    %dma_wait3A_316 = arith.constant 0 : i32
    %dma_wait3A_317 = tpu.memref_slice %arg5[%add3A_315, %dma_wait3A_316] : memref<320000x128xf32, #tpu.memory_space<hbm>> -> memref<40x128xf32, #tpu.memory_space<hbm>>
    %dma_wait3A_318 = arith.constant 0 : i32
    %dma_wait3A_319 = tpu.memref_slice %arg5[%add3A_315, %dma_wait3A_318] : memref<320000x128xf32, #tpu.memory_space<hbm>> -> memref<40x128xf32, #tpu.memory_space<hbm>>
    tpu.wait_dma2 semaphore(%arg44 : memref<!tpu.dma_semaphore, #tpu.memory_space<semaphore_mem>>) src(%dma_wait3A_319 : memref<40x128xf32, #tpu.memory_space<hbm>>) dst(%arg24 : memref<40x128xf32, #tpu.memory_space<vmem>>)
    %dma_wait3A_320 = arith.constant 0 : i32
    %dma_wait3A_321 = arith.constant 0 : i32
    %dma_wait3A_322 = tpu.memref_slice %arg7[%dma_wait3A_320, %dma_wait3A_321] : memref<10240x128xf32, #tpu.memory_space<vmem_shared>> -> memref<10240x128xf32, #tpu.memory_space<vmem_shared>>
    tpu.wait_indirect_dma semaphore(%arg46 : memref<!tpu.dma_semaphore, #tpu.memory_space<semaphore_mem>>) src(%arg26 : memref<40x128xf32, #tpu.memory_space<vmem>>) dst(%dma_wait3A_322 : memref<10240x128xf32, #tpu.memory_space<vmem_shared>>)
    %add3A_323 = arith.constant 280 : i32
    %add3A_324 = arith.addi %mul3A_2, %add3A_323 : i32
    %dma_start3A_325 = tpu.memref_slice %arg3[%add3A_324] : memref<320000xi32, #tpu.memory_space<hbm>> -> memref<40xi32, #tpu.memory_space<hbm>>
    %dma_start3A_326 = tpu.memref_slice %arg3[%add3A_324] : memref<320000xi32, #tpu.memory_space<hbm>> -> memref<40xi32, #tpu.memory_space<hbm>>
    tpu.enqueue_dma source(%dma_start3A_326 : memref<40xi32, #tpu.memory_space<hbm>>) target(%arg9 : memref<40xi32, #tpu.memory_space<vmem>>) target_semaphore(%arg29 : memref<!tpu.dma_semaphore, #tpu.memory_space<semaphore_mem>>)
    %add3A_327 = arith.constant 280 : i32
    %add3A_328 = arith.addi %mul3A_2, %add3A_327 : i32
    %dma_start3A_329 = tpu.memref_slice %arg4[%add3A_328] : memref<320000xi32, #tpu.memory_space<hbm>> -> memref<40xi32, #tpu.memory_space<hbm>>
    %dma_start3A_330 = tpu.memref_slice %arg4[%add3A_328] : memref<320000xi32, #tpu.memory_space<hbm>> -> memref<40xi32, #tpu.memory_space<hbm>>
    tpu.enqueue_dma source(%dma_start3A_330 : memref<40xi32, #tpu.memory_space<hbm>>) target(%arg15 : memref<40xi32, #tpu.memory_space<vmem>>) target_semaphore(%arg35 : memref<!tpu.dma_semaphore, #tpu.memory_space<semaphore_mem>>)
    %add3A_331 = arith.constant 240 : i32
    %add3A_332 = arith.addi %mul3A_2, %add3A_331 : i32
    %dma_wait3A_333 = tpu.memref_slice %arg3[%add3A_332] : memref<320000xi32, #tpu.memory_space<hbm>> -> memref<40xi32, #tpu.memory_space<hbm>>
    %dma_wait3A_334 = tpu.memref_slice %arg3[%add3A_332] : memref<320000xi32, #tpu.memory_space<hbm>> -> memref<40xi32, #tpu.memory_space<hbm>>
    tpu.wait_dma2 semaphore(%arg28 : memref<!tpu.dma_semaphore, #tpu.memory_space<semaphore_mem>>) src(%dma_wait3A_334 : memref<40xi32, #tpu.memory_space<hbm>>) dst(%arg8 : memref<40xi32, #tpu.memory_space<vmem>>)
    %add3A_335 = arith.constant 240 : i32
    %add3A_336 = arith.addi %mul3A_2, %add3A_335 : i32
    %dma_wait3A_337 = tpu.memref_slice %arg4[%add3A_336] : memref<320000xi32, #tpu.memory_space<hbm>> -> memref<40xi32, #tpu.memory_space<hbm>>
    %dma_wait3A_338 = tpu.memref_slice %arg4[%add3A_336] : memref<320000xi32, #tpu.memory_space<hbm>> -> memref<40xi32, #tpu.memory_space<hbm>>
    tpu.wait_dma2 semaphore(%arg34 : memref<!tpu.dma_semaphore, #tpu.memory_space<semaphore_mem>>) src(%dma_wait3A_338 : memref<40xi32, #tpu.memory_space<hbm>>) dst(%arg14 : memref<40xi32, #tpu.memory_space<vmem>>)
    %dma_start3A_339 = arith.constant 0 : i32
    %dma_start3A_340 = arith.constant 0 : i32
    %dma_start3A_341 = tpu.memref_slice %arg2[%dma_start3A_339, %dma_start3A_340] : memref<10000x128xf32, #tpu.memory_space<hbm>> -> memref<10000x128xf32, #tpu.memory_space<hbm>>
    tpu.enqueue_indirect_dma source(%dma_start3A_341 : memref<10000x128xf32, #tpu.memory_space<hbm>>) target(%arg20 : memref<40x128xf32, #tpu.memory_space<vmem>>) offsets(%arg8 : memref<40xi32, #tpu.memory_space<vmem>>) semaphore(%arg40 : memref<!tpu.dma_semaphore, #tpu.memory_space<semaphore_mem>>)
    %add3A_342 = arith.constant 240 : i32
    %add3A_343 = arith.addi %mul3A_2, %add3A_342 : i32
    %dma_start3A_344 = arith.constant 0 : i32
    %dma_start3A_345 = tpu.memref_slice %arg5[%add3A_343, %dma_start3A_344] : memref<320000x128xf32, #tpu.memory_space<hbm>> -> memref<40x128xf32, #tpu.memory_space<hbm>>
    %dma_start3A_346 = arith.constant 0 : i32
    %dma_start3A_347 = tpu.memref_slice %arg5[%add3A_343, %dma_start3A_346] : memref<320000x128xf32, #tpu.memory_space<hbm>> -> memref<40x128xf32, #tpu.memory_space<hbm>>
    tpu.enqueue_dma source(%dma_start3A_347 : memref<40x128xf32, #tpu.memory_space<hbm>>) target(%arg23 : memref<40x128xf32, #tpu.memory_space<vmem>>) target_semaphore(%arg43 : memref<!tpu.dma_semaphore, #tpu.memory_space<semaphore_mem>>)
    %scan3A_348 = arith.constant 0 : i32
    %scan3A_349 = arith.constant 0 : i32
    %scan3A_350 = arith.constant 40 : i32
    %scan3A_351 = arith.addi %scan3A_349, %scan3A_350 : i32
    %scan3A_352 = arith.constant 1 : i32
    %scan3A_353 = scf.for %scan3A_553 = %scan3A_349 to %scan3A_351 step %scan3A_352 iter_args(%scan3A_554 = %scan3A_348) -> (i32)  : i32 {
      %get3A = arith.index_cast %scan3A_553 : i32 to index
      %get3A_555 = arith.constant 0 : index
      %get3A_556 = tpu.vector_load %arg24[%get3A, %get3A_555] {strides = array<i32>} : memref<40x128xf32, #tpu.memory_space<vmem>>, vector<1x16xf32>,
      %get3A_557 = vector.shape_cast %get3A_556 : vector<1x16xf32> to vector<16xf32>
      %get3A_558 = arith.index_cast %scan3A_553 : i32 to index
      %get3A_559 = arith.constant 0 : index
      %get3A_560 = tpu.vector_load %arg21[%get3A_558, %get3A_559] {strides = array<i32>} : memref<40x128xf32, #tpu.memory_space<vmem>>, vector<1x16xf32>,
      %get3A_561 = vector.shape_cast %get3A_560 : vector<1x16xf32> to vector<16xf32>
      %add3A_562 = arith.addf %get3A_557, %get3A_561 : vector<16xf32>
      %max3A = arith.constant 0.000000e+00 : f32
      %max3A_563 = vector.broadcast %max3A : f32 to vector<16xf32>
      %max3A_564 = arith.maximumf %add3A_562, %max3A_563 : vector<16xf32>
      %swap3A = arith.index_cast %scan3A_553 : i32 to index
      %swap3A_565 = arith.constant 0 : index
      %swap3A_566 = tpu.vector_load %arg26[%swap3A, %swap3A_565] {strides = array<i32>} : memref<40x128xf32, #tpu.memory_space<vmem>>, vector<1x16xf32>,
      %swap3A_567 = vector.shape_cast %swap3A_566 : vector<1x16xf32> to vector<16xf32>
      %swap3A_568 = vector.shape_cast %max3A_564 : vector<16xf32> to vector<1x16xf32>
      tpu.vector_store %arg26[%swap3A, %swap3A_565], %swap3A_568 {strides = array<i32>} : memref<40x128xf32, #tpu.memory_space<vmem>>, vector<1x16xf32>,
      %get3A_569 = arith.index_cast %scan3A_553 : i32 to index
      %get3A_570 = arith.constant 16 : index
      %get3A_571 = tpu.vector_load %arg24[%get3A_569, %get3A_570] {strides = array<i32>} : memref<40x128xf32, #tpu.memory_space<vmem>>, vector<1x16xf32>,
      %get3A_572 = vector.shape_cast %get3A_571 : vector<1x16xf32> to vector<16xf32>
      %get3A_573 = arith.index_cast %scan3A_553 : i32 to index
      %get3A_574 = arith.constant 16 : index
      %get3A_575 = tpu.vector_load %arg21[%get3A_573, %get3A_574] {strides = array<i32>} : memref<40x128xf32, #tpu.memory_space<vmem>>, vector<1x16xf32>,
      %get3A_576 = vector.shape_cast %get3A_575 : vector<1x16xf32> to vector<16xf32>
      %add3A_577 = arith.addf %get3A_572, %get3A_576 : vector<16xf32>
      %max3A_578 = arith.constant 0.000000e+00 : f32
      %max3A_579 = vector.broadcast %max3A_578 : f32 to vector<16xf32>
      %max3A_580 = arith.maximumf %add3A_577, %max3A_579 : vector<16xf32>
      %swap3A_581 = arith.index_cast %scan3A_553 : i32 to index
      %swap3A_582 = arith.constant 16 : index
      %swap3A_583 = tpu.vector_load %arg26[%swap3A_581, %swap3A_582] {strides = array<i32>} : memref<40x128xf32, #tpu.memory_space<vmem>>, vector<1x16xf32>,
      %swap3A_584 = vector.shape_cast %swap3A_583 : vector<1x16xf32> to vector<16xf32>
      %swap3A_585 = vector.shape_cast %max3A_580 : vector<16xf32> to vector<1x16xf32>
      tpu.vector_store %arg26[%swap3A_581, %swap3A_582], %swap3A_585 {strides = array<i32>} : memref<40x128xf32, #tpu.memory_space<vmem>>, vector<1x16xf32>,
      %get3A_586 = arith.index_cast %scan3A_553 : i32 to index
      %get3A_587 = arith.constant 32 : index
      %get3A_588 = tpu.vector_load %arg24[%get3A_586, %get3A_587] {strides = array<i32>} : memref<40x128xf32, #tpu.memory_space<vmem>>, vector<1x16xf32>,
      %get3A_589 = vector.shape_cast %get3A_588 : vector<1x16xf32> to vector<16xf32>
      %get3A_590 = arith.index_cast %scan3A_553 : i32 to index
      %get3A_591 = arith.constant 32 : index
      %get3A_592 = tpu.vector_load %arg21[%get3A_590, %get3A_591] {strides = array<i32>} : memref<40x128xf32, #tpu.memory_space<vmem>>, vector<1x16xf32>,
      %get3A_593 = vector.shape_cast %get3A_592 : vector<1x16xf32> to vector<16xf32>
      %add3A_594 = arith.addf %get3A_589, %get3A_593 : vector<16xf32>
      %max3A_595 = arith.constant 0.000000e+00 : f32
      %max3A_596 = vector.broadcast %max3A_595 : f32 to vector<16xf32>
      %max3A_597 = arith.maximumf %add3A_594, %max3A_596 : vector<16xf32>
      %swap3A_598 = arith.index_cast %scan3A_553 : i32 to index
      %swap3A_599 = arith.constant 32 : index
      %swap3A_600 = tpu.vector_load %arg26[%swap3A_598, %swap3A_599] {strides = array<i32>} : memref<40x128xf32, #tpu.memory_space<vmem>>, vector<1x16xf32>,
      %swap3A_601 = vector.shape_cast %swap3A_600 : vector<1x16xf32> to vector<16xf32>
      %swap3A_602 = vector.shape_cast %max3A_597 : vector<16xf32> to vector<1x16xf32>
      tpu.vector_store %arg26[%swap3A_598, %swap3A_599], %swap3A_602 {strides = array<i32>} : memref<40x128xf32, #tpu.memory_space<vmem>>, vector<1x16xf32>,
      %get3A_603 = arith.index_cast %scan3A_553 : i32 to index
      %get3A_604 = arith.constant 48 : index
      %get3A_605 = tpu.vector_load %arg24[%get3A_603, %get3A_604] {strides = array<i32>} : memref<40x128xf32, #tpu.memory_space<vmem>>, vector<1x16xf32>,
      %get3A_606 = vector.shape_cast %get3A_605 : vector<1x16xf32> to vector<16xf32>
      %get3A_607 = arith.index_cast %scan3A_553 : i32 to index
      %get3A_608 = arith.constant 48 : index
      %get3A_609 = tpu.vector_load %arg21[%get3A_607, %get3A_608] {strides = array<i32>} : memref<40x128xf32, #tpu.memory_space<vmem>>, vector<1x16xf32>,
      %get3A_610 = vector.shape_cast %get3A_609 : vector<1x16xf32> to vector<16xf32>
      %add3A_611 = arith.addf %get3A_606, %get3A_610 : vector<16xf32>
      %max3A_612 = arith.constant 0.000000e+00 : f32
      %max3A_613 = vector.broadcast %max3A_612 : f32 to vector<16xf32>
      %max3A_614 = arith.maximumf %add3A_611, %max3A_613 : vector<16xf32>
      %swap3A_615 = arith.index_cast %scan3A_553 : i32 to index
      %swap3A_616 = arith.constant 48 : index
      %swap3A_617 = tpu.vector_load %arg26[%swap3A_615, %swap3A_616] {strides = array<i32>} : memref<40x128xf32, #tpu.memory_space<vmem>>, vector<1x16xf32>,
      %swap3A_618 = vector.shape_cast %swap3A_617 : vector<1x16xf32> to vector<16xf32>
      %swap3A_619 = vector.shape_cast %max3A_614 : vector<16xf32> to vector<1x16xf32>
      tpu.vector_store %arg26[%swap3A_615, %swap3A_616], %swap3A_619 {strides = array<i32>} : memref<40x128xf32, #tpu.memory_space<vmem>>, vector<1x16xf32>,
      %get3A_620 = arith.index_cast %scan3A_553 : i32 to index
      %get3A_621 = arith.constant 64 : index
      %get3A_622 = tpu.vector_load %arg24[%get3A_620, %get3A_621] {strides = array<i32>} : memref<40x128xf32, #tpu.memory_space<vmem>>, vector<1x16xf32>,
      %get3A_623 = vector.shape_cast %get3A_622 : vector<1x16xf32> to vector<16xf32>
      %get3A_624 = arith.index_cast %scan3A_553 : i32 to index
      %get3A_625 = arith.constant 64 : index
      %get3A_626 = tpu.vector_load %arg21[%get3A_624, %get3A_625] {strides = array<i32>} : memref<40x128xf32, #tpu.memory_space<vmem>>, vector<1x16xf32>,
      %get3A_627 = vector.shape_cast %get3A_626 : vector<1x16xf32> to vector<16xf32>
      %add3A_628 = arith.addf %get3A_623, %get3A_627 : vector<16xf32>
      %max3A_629 = arith.constant 0.000000e+00 : f32
      %max3A_630 = vector.broadcast %max3A_629 : f32 to vector<16xf32>
      %max3A_631 = arith.maximumf %add3A_628, %max3A_630 : vector<16xf32>
      %swap3A_632 = arith.index_cast %scan3A_553 : i32 to index
      %swap3A_633 = arith.constant 64 : index
      %swap3A_634 = tpu.vector_load %arg26[%swap3A_632, %swap3A_633] {strides = array<i32>} : memref<40x128xf32, #tpu.memory_space<vmem>>, vector<1x16xf32>,
      %swap3A_635 = vector.shape_cast %swap3A_634 : vector<1x16xf32> to vector<16xf32>
      %swap3A_636 = vector.shape_cast %max3A_631 : vector<16xf32> to vector<1x16xf32>
      tpu.vector_store %arg26[%swap3A_632, %swap3A_633], %swap3A_636 {strides = array<i32>} : memref<40x128xf32, #tpu.memory_space<vmem>>, vector<1x16xf32>,
      %get3A_637 = arith.index_cast %scan3A_553 : i32 to index
      %get3A_638 = arith.constant 80 : index
      %get3A_639 = tpu.vector_load %arg24[%get3A_637, %get3A_638] {strides = array<i32>} : memref<40x128xf32, #tpu.memory_space<vmem>>, vector<1x16xf32>,
      %get3A_640 = vector.shape_cast %get3A_639 : vector<1x16xf32> to vector<16xf32>
      %get3A_641 = arith.index_cast %scan3A_553 : i32 to index
      %get3A_642 = arith.constant 80 : index
      %get3A_643 = tpu.vector_load %arg21[%get3A_641, %get3A_642] {strides = array<i32>} : memref<40x128xf32, #tpu.memory_space<vmem>>, vector<1x16xf32>,
      %get3A_644 = vector.shape_cast %get3A_643 : vector<1x16xf32> to vector<16xf32>
      %add3A_645 = arith.addf %get3A_640, %get3A_644 : vector<16xf32>
      %max3A_646 = arith.constant 0.000000e+00 : f32
      %max3A_647 = vector.broadcast %max3A_646 : f32 to vector<16xf32>
      %max3A_648 = arith.maximumf %add3A_645, %max3A_647 : vector<16xf32>
      %swap3A_649 = arith.index_cast %scan3A_553 : i32 to index
      %swap3A_650 = arith.constant 80 : index
      %swap3A_651 = tpu.vector_load %arg26[%swap3A_649, %swap3A_650] {strides = array<i32>} : memref<40x128xf32, #tpu.memory_space<vmem>>, vector<1x16xf32>,
      %swap3A_652 = vector.shape_cast %swap3A_651 : vector<1x16xf32> to vector<16xf32>
      %swap3A_653 = vector.shape_cast %max3A_648 : vector<16xf32> to vector<1x16xf32>
      tpu.vector_store %arg26[%swap3A_649, %swap3A_650], %swap3A_653 {strides = array<i32>} : memref<40x128xf32, #tpu.memory_space<vmem>>, vector<1x16xf32>,
      %get3A_654 = arith.index_cast %scan3A_553 : i32 to index
      %get3A_655 = arith.constant 96 : index
      %get3A_656 = tpu.vector_load %arg24[%get3A_654, %get3A_655] {strides = array<i32>} : memref<40x128xf32, #tpu.memory_space<vmem>>, vector<1x16xf32>,
      %get3A_657 = vector.shape_cast %get3A_656 : vector<1x16xf32> to vector<16xf32>
      %get3A_658 = arith.index_cast %scan3A_553 : i32 to index
      %get3A_659 = arith.constant 96 : index
      %get3A_660 = tpu.vector_load %arg21[%get3A_658, %get3A_659] {strides = array<i32>} : memref<40x128xf32, #tpu.memory_space<vmem>>, vector<1x16xf32>,
      %get3A_661 = vector.shape_cast %get3A_660 : vector<1x16xf32> to vector<16xf32>
      %add3A_662 = arith.addf %get3A_657, %get3A_661 : vector<16xf32>
      %max3A_663 = arith.constant 0.000000e+00 : f32
      %max3A_664 = vector.broadcast %max3A_663 : f32 to vector<16xf32>
      %max3A_665 = arith.maximumf %add3A_662, %max3A_664 : vector<16xf32>
      %swap3A_666 = arith.index_cast %scan3A_553 : i32 to index
      %swap3A_667 = arith.constant 96 : index
      %swap3A_668 = tpu.vector_load %arg26[%swap3A_666, %swap3A_667] {strides = array<i32>} : memref<40x128xf32, #tpu.memory_space<vmem>>, vector<1x16xf32>,
      %swap3A_669 = vector.shape_cast %swap3A_668 : vector<1x16xf32> to vector<16xf32>
      %swap3A_670 = vector.shape_cast %max3A_665 : vector<16xf32> to vector<1x16xf32>
      tpu.vector_store %arg26[%swap3A_666, %swap3A_667], %swap3A_670 {strides = array<i32>} : memref<40x128xf32, #tpu.memory_space<vmem>>, vector<1x16xf32>,
      %get3A_671 = arith.index_cast %scan3A_553 : i32 to index
      %get3A_672 = arith.constant 112 : index
      %get3A_673 = tpu.vector_load %arg24[%get3A_671, %get3A_672] {strides = array<i32>} : memref<40x128xf32, #tpu.memory_space<vmem>>, vector<1x16xf32>,
      %get3A_674 = vector.shape_cast %get3A_673 : vector<1x16xf32> to vector<16xf32>
      %get3A_675 = arith.index_cast %scan3A_553 : i32 to index
      %get3A_676 = arith.constant 112 : index
      %get3A_677 = tpu.vector_load %arg21[%get3A_675, %get3A_676] {strides = array<i32>} : memref<40x128xf32, #tpu.memory_space<vmem>>, vector<1x16xf32>,
      %get3A_678 = vector.shape_cast %get3A_677 : vector<1x16xf32> to vector<16xf32>
      %add3A_679 = arith.addf %get3A_674, %get3A_678 : vector<16xf32>
      %max3A_680 = arith.constant 0.000000e+00 : f32
      %max3A_681 = vector.broadcast %max3A_680 : f32 to vector<16xf32>
      %max3A_682 = arith.maximumf %add3A_679, %max3A_681 : vector<16xf32>
      %swap3A_683 = arith.index_cast %scan3A_553 : i32 to index
      %swap3A_684 = arith.constant 112 : index
      %swap3A_685 = tpu.vector_load %arg26[%swap3A_683, %swap3A_684] {strides = array<i32>} : memref<40x128xf32, #tpu.memory_space<vmem>>, vector<1x16xf32>,
      %swap3A_686 = vector.shape_cast %swap3A_685 : vector<1x16xf32> to vector<16xf32>
      %swap3A_687 = vector.shape_cast %max3A_682 : vector<16xf32> to vector<1x16xf32>
      tpu.vector_store %arg26[%swap3A_683, %swap3A_684], %swap3A_687 {strides = array<i32>} : memref<40x128xf32, #tpu.memory_space<vmem>>, vector<1x16xf32>,
      %scan3A_688 = arith.constant 0 : i32
      scf.yield %scan3A_688 : i32
    }
    %scan3A_354 = arith.constant 40 : i32
    %dma_start3A_355 = arith.constant 0 : i32
    %dma_start3A_356 = arith.constant 0 : i32
    %dma_start3A_357 = tpu.memref_slice %arg7[%dma_start3A_355, %dma_start3A_356] : memref<10240x128xf32, #tpu.memory_space<vmem_shared>> -> memref<10240x128xf32, #tpu.memory_space<vmem_shared>>
    tpu.enqueue_indirect_dma source(%arg26 : memref<40x128xf32, #tpu.memory_space<vmem>>) target(%dma_start3A_357 : memref<10240x128xf32, #tpu.memory_space<vmem_shared>>) offsets(%arg18 : memref<40xi32, #tpu.memory_space<vmem>>) semaphore(%arg46 : memref<!tpu.dma_semaphore, #tpu.memory_space<semaphore_mem>>) {add = true}
    %dma_wait3A_358 = arith.constant 0 : i32
    %dma_wait3A_359 = arith.constant 0 : i32
    %dma_wait3A_360 = tpu.memref_slice %arg2[%dma_wait3A_358, %dma_wait3A_359] : memref<10000x128xf32, #tpu.memory_space<hbm>> -> memref<10000x128xf32, #tpu.memory_space<hbm>>
    tpu.wait_indirect_dma semaphore(%arg42 : memref<!tpu.dma_semaphore, #tpu.memory_space<semaphore_mem>>) src(%dma_wait3A_360 : memref<10000x128xf32, #tpu.memory_space<hbm>>) dst(%arg22 : memref<40x128xf32, #tpu.memory_space<vmem>>)
    %add3A_361 = arith.constant 200 : i32
    %add3A_362 = arith.addi %mul3A_2, %add3A_361 : i32
    %dma_wait3A_363 = arith.constant 0 : i32
    %dma_wait3A_364 = tpu.memref_slice %arg5[%add3A_362, %dma_wait3A_363] : memref<320000x128xf32, #tpu.memory_space<hbm>> -> memref<40x128xf32, #tpu.memory_space<hbm>>
    %dma_wait3A_365 = arith.constant 0 : i32
    %dma_wait3A_366 = tpu.memref_slice %arg5[%add3A_362, %dma_wait3A_365] : memref<320000x128xf32, #tpu.memory_space<hbm>> -> memref<40x128xf32, #tpu.memory_space<hbm>>
    tpu.wait_dma2 semaphore(%arg45 : memref<!tpu.dma_semaphore, #tpu.memory_space<semaphore_mem>>) src(%dma_wait3A_366 : memref<40x128xf32, #tpu.memory_space<hbm>>) dst(%arg25 : memref<40x128xf32, #tpu.memory_space<vmem>>)
    %dma_wait3A_367 = arith.constant 0 : i32
    %dma_wait3A_368 = arith.constant 0 : i32
    %dma_wait3A_369 = tpu.memref_slice %arg7[%dma_wait3A_367, %dma_wait3A_368] : memref<10240x128xf32, #tpu.memory_space<vmem_shared>> -> memref<10240x128xf32, #tpu.memory_space<vmem_shared>>
    tpu.wait_indirect_dma semaphore(%arg47 : memref<!tpu.dma_semaphore, #tpu.memory_space<semaphore_mem>>) src(%arg27 : memref<40x128xf32, #tpu.memory_space<vmem>>) dst(%dma_wait3A_369 : memref<10240x128xf32, #tpu.memory_space<vmem_shared>>)
    %add3A_370 = arith.constant 320 : i32
    %add3A_371 = arith.addi %mul3A_2, %add3A_370 : i32
    %dma_start3A_372 = tpu.memref_slice %arg3[%add3A_371] : memref<320000xi32, #tpu.memory_space<hbm>> -> memref<40xi32, #tpu.memory_space<hbm>>
    %dma_start3A_373 = tpu.memref_slice %arg3[%add3A_371] : memref<320000xi32, #tpu.memory_space<hbm>> -> memref<40xi32, #tpu.memory_space<hbm>>
    tpu.enqueue_dma source(%dma_start3A_373 : memref<40xi32, #tpu.memory_space<hbm>>) target(%arg10 : memref<40xi32, #tpu.memory_space<vmem>>) target_semaphore(%arg30 : memref<!tpu.dma_semaphore, #tpu.memory_space<semaphore_mem>>)
    %add3A_374 = arith.constant 320 : i32
    %add3A_375 = arith.addi %mul3A_2, %add3A_374 : i32
    %dma_start3A_376 = tpu.memref_slice %arg4[%add3A_375] : memref<320000xi32, #tpu.memory_space<hbm>> -> memref<40xi32, #tpu.memory_space<hbm>>
    %dma_start3A_377 = tpu.memref_slice %arg4[%add3A_375] : memref<320000xi32, #tpu.memory_space<hbm>> -> memref<40xi32, #tpu.memory_space<hbm>>
    tpu.enqueue_dma source(%dma_start3A_377 : memref<40xi32, #tpu.memory_space<hbm>>) target(%arg16 : memref<40xi32, #tpu.memory_space<vmem>>) target_semaphore(%arg36 : memref<!tpu.dma_semaphore, #tpu.memory_space<semaphore_mem>>)
    %add3A_378 = arith.constant 280 : i32
    %add3A_379 = arith.addi %mul3A_2, %add3A_378 : i32
    %dma_wait3A_380 = tpu.memref_slice %arg3[%add3A_379] : memref<320000xi32, #tpu.memory_space<hbm>> -> memref<40xi32, #tpu.memory_space<hbm>>
    %dma_wait3A_381 = tpu.memref_slice %arg3[%add3A_379] : memref<320000xi32, #tpu.memory_space<hbm>> -> memref<40xi32, #tpu.memory_space<hbm>>
    tpu.wait_dma2 semaphore(%arg29 : memref<!tpu.dma_semaphore, #tpu.memory_space<semaphore_mem>>) src(%dma_wait3A_381 : memref<40xi32, #tpu.memory_space<hbm>>) dst(%arg9 : memref<40xi32, #tpu.memory_space<vmem>>)
    %add3A_382 = arith.constant 280 : i32
    %add3A_383 = arith.addi %mul3A_2, %add3A_382 : i32
    %dma_wait3A_384 = tpu.memref_slice %arg4[%add3A_383] : memref<320000xi32, #tpu.memory_space<hbm>> -> memref<40xi32, #tpu.memory_space<hbm>>
    %dma_wait3A_385 = tpu.memref_slice %arg4[%add3A_383] : memref<320000xi32, #tpu.memory_space<hbm>> -> memref<40xi32, #tpu.memory_space<hbm>>
    tpu.wait_dma2 semaphore(%arg35 : memref<!tpu.dma_semaphore, #tpu.memory_space<semaphore_mem>>) src(%dma_wait3A_385 : memref<40xi32, #tpu.memory_space<hbm>>) dst(%arg15 : memref<40xi32, #tpu.memory_space<vmem>>)
    %dma_start3A_386 = arith.constant 0 : i32
    %dma_start3A_387 = arith.constant 0 : i32
    %dma_start3A_388 = tpu.memref_slice %arg2[%dma_start3A_386, %dma_start3A_387] : memref<10000x128xf32, #tpu.memory_space<hbm>> -> memref<10000x128xf32, #tpu.memory_space<hbm>>
    tpu.enqueue_indirect_dma source(%dma_start3A_388 : memref<10000x128xf32, #tpu.memory_space<hbm>>) target(%arg21 : memref<40x128xf32, #tpu.memory_space<vmem>>) offsets(%arg9 : memref<40xi32, #tpu.memory_space<vmem>>) semaphore(%arg41 : memref<!tpu.dma_semaphore, #tpu.memory_space<semaphore_mem>>)
    %add3A_389 = arith.constant 280 : i32
    %add3A_390 = arith.addi %mul3A_2, %add3A_389 : i32
    %dma_start3A_391 = arith.constant 0 : i32
    %dma_start3A_392 = tpu.memref_slice %arg5[%add3A_390, %dma_start3A_391] : memref<320000x128xf32, #tpu.memory_space<hbm>> -> memref<40x128xf32, #tpu.memory_space<hbm>>
    %dma_start3A_393 = arith.constant 0 : i32
    %dma_start3A_394 = tpu.memref_slice %arg5[%add3A_390, %dma_start3A_393] : memref<320000x128xf32, #tpu.memory_space<hbm>> -> memref<40x128xf32, #tpu.memory_space<hbm>>
    tpu.enqueue_dma source(%dma_start3A_394 : memref<40x128xf32, #tpu.memory_space<hbm>>) target(%arg24 : memref<40x128xf32, #tpu.memory_space<vmem>>) target_semaphore(%arg44 : memref<!tpu.dma_semaphore, #tpu.memory_space<semaphore_mem>>)
    %scan3A_395 = arith.constant 0 : i32
    %scan3A_396 = arith.constant 0 : i32
    %scan3A_397 = arith.constant 40 : i32
    %scan3A_398 = arith.addi %scan3A_396, %scan3A_397 : i32
    %scan3A_399 = arith.constant 1 : i32
    %scan3A_400 = scf.for %scan3A_553 = %scan3A_396 to %scan3A_398 step %scan3A_399 iter_args(%scan3A_554 = %scan3A_395) -> (i32)  : i32 {
      %get3A = arith.index_cast %scan3A_553 : i32 to index
      %get3A_555 = arith.constant 0 : index
      %get3A_556 = tpu.vector_load %arg25[%get3A, %get3A_555] {strides = array<i32>} : memref<40x128xf32, #tpu.memory_space<vmem>>, vector<1x16xf32>,
      %get3A_557 = vector.shape_cast %get3A_556 : vector<1x16xf32> to vector<16xf32>
      %get3A_558 = arith.index_cast %scan3A_553 : i32 to index
      %get3A_559 = arith.constant 0 : index
      %get3A_560 = tpu.vector_load %arg22[%get3A_558, %get3A_559] {strides = array<i32>} : memref<40x128xf32, #tpu.memory_space<vmem>>, vector<1x16xf32>,
      %get3A_561 = vector.shape_cast %get3A_560 : vector<1x16xf32> to vector<16xf32>
      %add3A_562 = arith.addf %get3A_557, %get3A_561 : vector<16xf32>
      %max3A = arith.constant 0.000000e+00 : f32
      %max3A_563 = vector.broadcast %max3A : f32 to vector<16xf32>
      %max3A_564 = arith.maximumf %add3A_562, %max3A_563 : vector<16xf32>
      %swap3A = arith.index_cast %scan3A_553 : i32 to index
      %swap3A_565 = arith.constant 0 : index
      %swap3A_566 = tpu.vector_load %arg27[%swap3A, %swap3A_565] {strides = array<i32>} : memref<40x128xf32, #tpu.memory_space<vmem>>, vector<1x16xf32>,
      %swap3A_567 = vector.shape_cast %swap3A_566 : vector<1x16xf32> to vector<16xf32>
      %swap3A_568 = vector.shape_cast %max3A_564 : vector<16xf32> to vector<1x16xf32>
      tpu.vector_store %arg27[%swap3A, %swap3A_565], %swap3A_568 {strides = array<i32>} : memref<40x128xf32, #tpu.memory_space<vmem>>, vector<1x16xf32>,
      %get3A_569 = arith.index_cast %scan3A_553 : i32 to index
      %get3A_570 = arith.constant 16 : index
      %get3A_571 = tpu.vector_load %arg25[%get3A_569, %get3A_570] {strides = array<i32>} : memref<40x128xf32, #tpu.memory_space<vmem>>, vector<1x16xf32>,
      %get3A_572 = vector.shape_cast %get3A_571 : vector<1x16xf32> to vector<16xf32>
      %get3A_573 = arith.index_cast %scan3A_553 : i32 to index
      %get3A_574 = arith.constant 16 : index
      %get3A_575 = tpu.vector_load %arg22[%get3A_573, %get3A_574] {strides = array<i32>} : memref<40x128xf32, #tpu.memory_space<vmem>>, vector<1x16xf32>,
      %get3A_576 = vector.shape_cast %get3A_575 : vector<1x16xf32> to vector<16xf32>
      %add3A_577 = arith.addf %get3A_572, %get3A_576 : vector<16xf32>
      %max3A_578 = arith.constant 0.000000e+00 : f32
      %max3A_579 = vector.broadcast %max3A_578 : f32 to vector<16xf32>
      %max3A_580 = arith.maximumf %add3A_577, %max3A_579 : vector<16xf32>
      %swap3A_581 = arith.index_cast %scan3A_553 : i32 to index
      %swap3A_582 = arith.constant 16 : index
      %swap3A_583 = tpu.vector_load %arg27[%swap3A_581, %swap3A_582] {strides = array<i32>} : memref<40x128xf32, #tpu.memory_space<vmem>>, vector<1x16xf32>,
      %swap3A_584 = vector.shape_cast %swap3A_583 : vector<1x16xf32> to vector<16xf32>
      %swap3A_585 = vector.shape_cast %max3A_580 : vector<16xf32> to vector<1x16xf32>
      tpu.vector_store %arg27[%swap3A_581, %swap3A_582], %swap3A_585 {strides = array<i32>} : memref<40x128xf32, #tpu.memory_space<vmem>>, vector<1x16xf32>,
      %get3A_586 = arith.index_cast %scan3A_553 : i32 to index
      %get3A_587 = arith.constant 32 : index
      %get3A_588 = tpu.vector_load %arg25[%get3A_586, %get3A_587] {strides = array<i32>} : memref<40x128xf32, #tpu.memory_space<vmem>>, vector<1x16xf32>,
      %get3A_589 = vector.shape_cast %get3A_588 : vector<1x16xf32> to vector<16xf32>
      %get3A_590 = arith.index_cast %scan3A_553 : i32 to index
      %get3A_591 = arith.constant 32 : index
      %get3A_592 = tpu.vector_load %arg22[%get3A_590, %get3A_591] {strides = array<i32>} : memref<40x128xf32, #tpu.memory_space<vmem>>, vector<1x16xf32>,
      %get3A_593 = vector.shape_cast %get3A_592 : vector<1x16xf32> to vector<16xf32>
      %add3A_594 = arith.addf %get3A_589, %get3A_593 : vector<16xf32>
      %max3A_595 = arith.constant 0.000000e+00 : f32
      %max3A_596 = vector.broadcast %max3A_595 : f32 to vector<16xf32>
      %max3A_597 = arith.maximumf %add3A_594, %max3A_596 : vector<16xf32>
      %swap3A_598 = arith.index_cast %scan3A_553 : i32 to index
      %swap3A_599 = arith.constant 32 : index
      %swap3A_600 = tpu.vector_load %arg27[%swap3A_598, %swap3A_599] {strides = array<i32>} : memref<40x128xf32, #tpu.memory_space<vmem>>, vector<1x16xf32>,
      %swap3A_601 = vector.shape_cast %swap3A_600 : vector<1x16xf32> to vector<16xf32>
      %swap3A_602 = vector.shape_cast %max3A_597 : vector<16xf32> to vector<1x16xf32>
      tpu.vector_store %arg27[%swap3A_598, %swap3A_599], %swap3A_602 {strides = array<i32>} : memref<40x128xf32, #tpu.memory_space<vmem>>, vector<1x16xf32>,
      %get3A_603 = arith.index_cast %scan3A_553 : i32 to index
      %get3A_604 = arith.constant 48 : index
      %get3A_605 = tpu.vector_load %arg25[%get3A_603, %get3A_604] {strides = array<i32>} : memref<40x128xf32, #tpu.memory_space<vmem>>, vector<1x16xf32>,
      %get3A_606 = vector.shape_cast %get3A_605 : vector<1x16xf32> to vector<16xf32>
      %get3A_607 = arith.index_cast %scan3A_553 : i32 to index
      %get3A_608 = arith.constant 48 : index
      %get3A_609 = tpu.vector_load %arg22[%get3A_607, %get3A_608] {strides = array<i32>} : memref<40x128xf32, #tpu.memory_space<vmem>>, vector<1x16xf32>,
      %get3A_610 = vector.shape_cast %get3A_609 : vector<1x16xf32> to vector<16xf32>
      %add3A_611 = arith.addf %get3A_606, %get3A_610 : vector<16xf32>
      %max3A_612 = arith.constant 0.000000e+00 : f32
      %max3A_613 = vector.broadcast %max3A_612 : f32 to vector<16xf32>
      %max3A_614 = arith.maximumf %add3A_611, %max3A_613 : vector<16xf32>
      %swap3A_615 = arith.index_cast %scan3A_553 : i32 to index
      %swap3A_616 = arith.constant 48 : index
      %swap3A_617 = tpu.vector_load %arg27[%swap3A_615, %swap3A_616] {strides = array<i32>} : memref<40x128xf32, #tpu.memory_space<vmem>>, vector<1x16xf32>,
      %swap3A_618 = vector.shape_cast %swap3A_617 : vector<1x16xf32> to vector<16xf32>
      %swap3A_619 = vector.shape_cast %max3A_614 : vector<16xf32> to vector<1x16xf32>
      tpu.vector_store %arg27[%swap3A_615, %swap3A_616], %swap3A_619 {strides = array<i32>} : memref<40x128xf32, #tpu.memory_space<vmem>>, vector<1x16xf32>,
      %get3A_620 = arith.index_cast %scan3A_553 : i32 to index
      %get3A_621 = arith.constant 64 : index
      %get3A_622 = tpu.vector_load %arg25[%get3A_620, %get3A_621] {strides = array<i32>} : memref<40x128xf32, #tpu.memory_space<vmem>>, vector<1x16xf32>,
      %get3A_623 = vector.shape_cast %get3A_622 : vector<1x16xf32> to vector<16xf32>
      %get3A_624 = arith.index_cast %scan3A_553 : i32 to index
      %get3A_625 = arith.constant 64 : index
      %get3A_626 = tpu.vector_load %arg22[%get3A_624, %get3A_625] {strides = array<i32>} : memref<40x128xf32, #tpu.memory_space<vmem>>, vector<1x16xf32>,
      %get3A_627 = vector.shape_cast %get3A_626 : vector<1x16xf32> to vector<16xf32>
      %add3A_628 = arith.addf %get3A_623, %get3A_627 : vector<16xf32>
      %max3A_629 = arith.constant 0.000000e+00 : f32
      %max3A_630 = vector.broadcast %max3A_629 : f32 to vector<16xf32>
      %max3A_631 = arith.maximumf %add3A_628, %max3A_630 : vector<16xf32>
      %swap3A_632 = arith.index_cast %scan3A_553 : i32 to index
      %swap3A_633 = arith.constant 64 : index
      %swap3A_634 = tpu.vector_load %arg27[%swap3A_632, %swap3A_633] {strides = array<i32>} : memref<40x128xf32, #tpu.memory_space<vmem>>, vector<1x16xf32>,
      %swap3A_635 = vector.shape_cast %swap3A_634 : vector<1x16xf32> to vector<16xf32>
      %swap3A_636 = vector.shape_cast %max3A_631 : vector<16xf32> to vector<1x16xf32>
      tpu.vector_store %arg27[%swap3A_632, %swap3A_633], %swap3A_636 {strides = array<i32>} : memref<40x128xf32, #tpu.memory_space<vmem>>, vector<1x16xf32>,
      %get3A_637 = arith.index_cast %scan3A_553 : i32 to index
      %get3A_638 = arith.constant 80 : index
      %get3A_639 = tpu.vector_load %arg25[%get3A_637, %get3A_638] {strides = array<i32>} : memref<40x128xf32, #tpu.memory_space<vmem>>, vector<1x16xf32>,
      %get3A_640 = vector.shape_cast %get3A_639 : vector<1x16xf32> to vector<16xf32>
      %get3A_641 = arith.index_cast %scan3A_553 : i32 to index
      %get3A_642 = arith.constant 80 : index
      %get3A_643 = tpu.vector_load %arg22[%get3A_641, %get3A_642] {strides = array<i32>} : memref<40x128xf32, #tpu.memory_space<vmem>>, vector<1x16xf32>,
      %get3A_644 = vector.shape_cast %get3A_643 : vector<1x16xf32> to vector<16xf32>
      %add3A_645 = arith.addf %get3A_640, %get3A_644 : vector<16xf32>
      %max3A_646 = arith.constant 0.000000e+00 : f32
      %max3A_647 = vector.broadcast %max3A_646 : f32 to vector<16xf32>
      %max3A_648 = arith.maximumf %add3A_645, %max3A_647 : vector<16xf32>
      %swap3A_649 = arith.index_cast %scan3A_553 : i32 to index
      %swap3A_650 = arith.constant 80 : index
      %swap3A_651 = tpu.vector_load %arg27[%swap3A_649, %swap3A_650] {strides = array<i32>} : memref<40x128xf32, #tpu.memory_space<vmem>>, vector<1x16xf32>,
      %swap3A_652 = vector.shape_cast %swap3A_651 : vector<1x16xf32> to vector<16xf32>
      %swap3A_653 = vector.shape_cast %max3A_648 : vector<16xf32> to vector<1x16xf32>
      tpu.vector_store %arg27[%swap3A_649, %swap3A_650], %swap3A_653 {strides = array<i32>} : memref<40x128xf32, #tpu.memory_space<vmem>>, vector<1x16xf32>,
      %get3A_654 = arith.index_cast %scan3A_553 : i32 to index
      %get3A_655 = arith.constant 96 : index
      %get3A_656 = tpu.vector_load %arg25[%get3A_654, %get3A_655] {strides = array<i32>} : memref<40x128xf32, #tpu.memory_space<vmem>>, vector<1x16xf32>,
      %get3A_657 = vector.shape_cast %get3A_656 : vector<1x16xf32> to vector<16xf32>
      %get3A_658 = arith.index_cast %scan3A_553 : i32 to index
      %get3A_659 = arith.constant 96 : index
      %get3A_660 = tpu.vector_load %arg22[%get3A_658, %get3A_659] {strides = array<i32>} : memref<40x128xf32, #tpu.memory_space<vmem>>, vector<1x16xf32>,
      %get3A_661 = vector.shape_cast %get3A_660 : vector<1x16xf32> to vector<16xf32>
      %add3A_662 = arith.addf %get3A_657, %get3A_661 : vector<16xf32>
      %max3A_663 = arith.constant 0.000000e+00 : f32
      %max3A_664 = vector.broadcast %max3A_663 : f32 to vector<16xf32>
      %max3A_665 = arith.maximumf %add3A_662, %max3A_664 : vector<16xf32>
      %swap3A_666 = arith.index_cast %scan3A_553 : i32 to index
      %swap3A_667 = arith.constant 96 : index
      %swap3A_668 = tpu.vector_load %arg27[%swap3A_666, %swap3A_667] {strides = array<i32>} : memref<40x128xf32, #tpu.memory_space<vmem>>, vector<1x16xf32>,
      %swap3A_669 = vector.shape_cast %swap3A_668 : vector<1x16xf32> to vector<16xf32>
      %swap3A_670 = vector.shape_cast %max3A_665 : vector<16xf32> to vector<1x16xf32>
      tpu.vector_store %arg27[%swap3A_666, %swap3A_667], %swap3A_670 {strides = array<i32>} : memref<40x128xf32, #tpu.memory_space<vmem>>, vector<1x16xf32>,
      %get3A_671 = arith.index_cast %scan3A_553 : i32 to index
      %get3A_672 = arith.constant 112 : index
      %get3A_673 = tpu.vector_load %arg25[%get3A_671, %get3A_672] {strides = array<i32>} : memref<40x128xf32, #tpu.memory_space<vmem>>, vector<1x16xf32>,
      %get3A_674 = vector.shape_cast %get3A_673 : vector<1x16xf32> to vector<16xf32>
      %get3A_675 = arith.index_cast %scan3A_553 : i32 to index
      %get3A_676 = arith.constant 112 : index
      %get3A_677 = tpu.vector_load %arg22[%get3A_675, %get3A_676] {strides = array<i32>} : memref<40x128xf32, #tpu.memory_space<vmem>>, vector<1x16xf32>,
      %get3A_678 = vector.shape_cast %get3A_677 : vector<1x16xf32> to vector<16xf32>
      %add3A_679 = arith.addf %get3A_674, %get3A_678 : vector<16xf32>
      %max3A_680 = arith.constant 0.000000e+00 : f32
      %max3A_681 = vector.broadcast %max3A_680 : f32 to vector<16xf32>
      %max3A_682 = arith.maximumf %add3A_679, %max3A_681 : vector<16xf32>
      %swap3A_683 = arith.index_cast %scan3A_553 : i32 to index
      %swap3A_684 = arith.constant 112 : index
      %swap3A_685 = tpu.vector_load %arg27[%swap3A_683, %swap3A_684] {strides = array<i32>} : memref<40x128xf32, #tpu.memory_space<vmem>>, vector<1x16xf32>,
      %swap3A_686 = vector.shape_cast %swap3A_685 : vector<1x16xf32> to vector<16xf32>
      %swap3A_687 = vector.shape_cast %max3A_682 : vector<16xf32> to vector<1x16xf32>
      tpu.vector_store %arg27[%swap3A_683, %swap3A_684], %swap3A_687 {strides = array<i32>} : memref<40x128xf32, #tpu.memory_space<vmem>>, vector<1x16xf32>,
      %scan3A_688 = arith.constant 0 : i32
      scf.yield %scan3A_688 : i32
    }
    %scan3A_401 = arith.constant 40 : i32
    %dma_start3A_402 = arith.constant 0 : i32
    %dma_start3A_403 = arith.constant 0 : i32
    %dma_start3A_404 = tpu.memref_slice %arg7[%dma_start3A_402, %dma_start3A_403] : memref<10240x128xf32, #tpu.memory_space<vmem_shared>> -> memref<10240x128xf32, #tpu.memory_space<vmem_shared>>
    tpu.enqueue_indirect_dma source(%arg27 : memref<40x128xf32, #tpu.memory_space<vmem>>) target(%dma_start3A_404 : memref<10240x128xf32, #tpu.memory_space<vmem_shared>>) offsets(%arg19 : memref<40xi32, #tpu.memory_space<vmem>>) semaphore(%arg47 : memref<!tpu.dma_semaphore, #tpu.memory_space<semaphore_mem>>) {add = true}
    %scan3A_405 = arith.constant 0 : i32
    %scan3A_406 = arith.constant 1 : i32
    %scan3A_407 = arith.constant 40 : i32
    %scan3A_408 = arith.addi %scan3A_406, %scan3A_407 : i32
    %scan3A_409 = arith.constant 1 : i32
    %scan3A_410 = scf.for %scan3A_553 = %scan3A_406 to %scan3A_408 step %scan3A_409 iter_args(%scan3A_554 = %scan3A_405) -> (i32)  : i32 {
      %mul3A_555 = arith.constant 6 : i32
      %mul3A_556 = arith.muli %scan3A_553, %mul3A_555 : i32
      %add3A_557 = arith.constant 0 : i32
      %add3A_558 = arith.addi %mul3A_556, %add3A_557 : i32
      %dma_wait3A_559 = arith.constant 0 : i32
      %dma_wait3A_560 = arith.constant 0 : i32
      %dma_wait3A_561 = tpu.memref_slice %arg2[%dma_wait3A_559, %dma_wait3A_560] : memref<10000x128xf32, #tpu.memory_space<hbm>> -> memref<10000x128xf32, #tpu.memory_space<hbm>>
      tpu.wait_indirect_dma semaphore(%arg40 : memref<!tpu.dma_semaphore, #tpu.memory_space<semaphore_mem>>) src(%dma_wait3A_561 : memref<10000x128xf32, #tpu.memory_space<hbm>>) dst(%arg20 : memref<40x128xf32, #tpu.memory_space<vmem>>)
      %mul3A_562 = arith.constant 40 : i32
      %mul3A_563 = arith.muli %add3A_558, %mul3A_562 : i32
      %add3A_564 = arith.addi %mul3A_2, %mul3A_563 : i32
      %dma_wait3A_565 = arith.constant 0 : i32
      %dma_wait3A_566 = tpu.memref_slice %arg5[%add3A_564, %dma_wait3A_565] : memref<320000x128xf32, #tpu.memory_space<hbm>> -> memref<40x128xf32, #tpu.memory_space<hbm>>
      %dma_wait3A_567 = arith.constant 0 : i32
      %dma_wait3A_568 = tpu.memref_slice %arg5[%add3A_564, %dma_wait3A_567] : memref<320000x128xf32, #tpu.memory_space<hbm>> -> memref<40x128xf32, #tpu.memory_space<hbm>>
      tpu.wait_dma2 semaphore(%arg43 : memref<!tpu.dma_semaphore, #tpu.memory_space<semaphore_mem>>) src(%dma_wait3A_568 : memref<40x128xf32, #tpu.memory_space<hbm>>) dst(%arg23 : memref<40x128xf32, #tpu.memory_space<vmem>>)
      %dma_wait3A_569 = arith.constant 0 : i32
      %dma_wait3A_570 = arith.constant 0 : i32
      %dma_wait3A_571 = tpu.memref_slice %arg7[%dma_wait3A_569, %dma_wait3A_570] : memref<10240x128xf32, #tpu.memory_space<vmem_shared>> -> memref<10240x128xf32, #tpu.memory_space<vmem_shared>>
      tpu.wait_indirect_dma semaphore(%arg46 : memref<!tpu.dma_semaphore, #tpu.memory_space<semaphore_mem>>) src(%arg26 : memref<40x128xf32, #tpu.memory_space<vmem>>) dst(%dma_wait3A_571 : memref<10240x128xf32, #tpu.memory_space<vmem_shared>>)
      %add3A_572 = arith.constant 3 : i32
      %add3A_573 = arith.addi %add3A_558, %add3A_572 : i32
      %mul3A_574 = arith.constant 40 : i32
      %mul3A_575 = arith.muli %add3A_573, %mul3A_574 : i32
      %add3A_576 = arith.addi %mul3A_2, %mul3A_575 : i32
      %dma_start3A_577 = tpu.memref_slice %arg3[%add3A_576] : memref<320000xi32, #tpu.memory_space<hbm>> -> memref<40xi32, #tpu.memory_space<hbm>>
      %dma_start3A_578 = tpu.memref_slice %arg3[%add3A_576] : memref<320000xi32, #tpu.memory_space<hbm>> -> memref<40xi32, #tpu.memory_space<hbm>>
      tpu.enqueue_dma source(%dma_start3A_578 : memref<40xi32, #tpu.memory_space<hbm>>) target(%arg11 : memref<40xi32, #tpu.memory_space<vmem>>) target_semaphore(%arg31 : memref<!tpu.dma_semaphore, #tpu.memory_space<semaphore_mem>>)
      %add3A_579 = arith.constant 3 : i32
      %add3A_580 = arith.addi %add3A_558, %add3A_579 : i32
      %mul3A_581 = arith.constant 40 : i32
      %mul3A_582 = arith.muli %add3A_580, %mul3A_581 : i32
      %add3A_583 = arith.addi %mul3A_2, %mul3A_582 : i32
      %dma_start3A_584 = tpu.memref_slice %arg4[%add3A_583] : memref<320000xi32, #tpu.memory_space<hbm>> -> memref<40xi32, #tpu.memory_space<hbm>>
      %dma_start3A_585 = tpu.memref_slice %arg4[%add3A_583] : memref<320000xi32, #tpu.memory_space<hbm>> -> memref<40xi32, #tpu.memory_space<hbm>>
      tpu.enqueue_dma source(%dma_start3A_585 : memref<40xi32, #tpu.memory_space<hbm>>) target(%arg17 : memref<40xi32, #tpu.memory_space<vmem>>) target_semaphore(%arg37 : memref<!tpu.dma_semaphore, #tpu.memory_space<semaphore_mem>>)
      %add3A_586 = arith.constant 2 : i32
      %add3A_587 = arith.addi %add3A_558, %add3A_586 : i32
      %mul3A_588 = arith.constant 40 : i32
      %mul3A_589 = arith.muli %add3A_587, %mul3A_588 : i32
      %add3A_590 = arith.addi %mul3A_2, %mul3A_589 : i32
      %dma_wait3A_591 = tpu.memref_slice %arg3[%add3A_590] : memref<320000xi32, #tpu.memory_space<hbm>> -> memref<40xi32, #tpu.memory_space<hbm>>
      %dma_wait3A_592 = tpu.memref_slice %arg3[%add3A_590] : memref<320000xi32, #tpu.memory_space<hbm>> -> memref<40xi32, #tpu.memory_space<hbm>>
      tpu.wait_dma2 semaphore(%arg30 : memref<!tpu.dma_semaphore, #tpu.memory_space<semaphore_mem>>) src(%dma_wait3A_592 : memref<40xi32, #tpu.memory_space<hbm>>) dst(%arg10 : memref<40xi32, #tpu.memory_space<vmem>>)
      %add3A_593 = arith.constant 2 : i32
      %add3A_594 = arith.addi %add3A_558, %add3A_593 : i32
      %mul3A_595 = arith.constant 40 : i32
      %mul3A_596 = arith.muli %add3A_594, %mul3A_595 : i32
      %add3A_597 = arith.addi %mul3A_2, %mul3A_596 : i32
      %dma_wait3A_598 = tpu.memref_slice %arg4[%add3A_597] : memref<320000xi32, #tpu.memory_space<hbm>> -> memref<40xi32, #tpu.memory_space<hbm>>
      %dma_wait3A_599 = tpu.memref_slice %arg4[%add3A_597] : memref<320000xi32, #tpu.memory_space<hbm>> -> memref<40xi32, #tpu.memory_space<hbm>>
      tpu.wait_dma2 semaphore(%arg36 : memref<!tpu.dma_semaphore, #tpu.memory_space<semaphore_mem>>) src(%dma_wait3A_599 : memref<40xi32, #tpu.memory_space<hbm>>) dst(%arg16 : memref<40xi32, #tpu.memory_space<vmem>>)
      %dma_start3A_600 = arith.constant 0 : i32
      %dma_start3A_601 = arith.constant 0 : i32
      %dma_start3A_602 = tpu.memref_slice %arg2[%dma_start3A_600, %dma_start3A_601] : memref<10000x128xf32, #tpu.memory_space<hbm>> -> memref<10000x128xf32, #tpu.memory_space<hbm>>
      tpu.enqueue_indirect_dma source(%dma_start3A_602 : memref<10000x128xf32, #tpu.memory_space<hbm>>) target(%arg22 : memref<40x128xf32, #tpu.memory_space<vmem>>) offsets(%arg10 : memref<40xi32, #tpu.memory_space<vmem>>) semaphore(%arg42 : memref<!tpu.dma_semaphore, #tpu.memory_space<semaphore_mem>>)
      %add3A_603 = arith.constant 2 : i32
      %add3A_604 = arith.addi %add3A_558, %add3A_603 : i32
      %mul3A_605 = arith.constant 40 : i32
      %mul3A_606 = arith.muli %add3A_604, %mul3A_605 : i32
      %add3A_607 = arith.addi %mul3A_2, %mul3A_606 : i32
      %dma_start3A_608 = arith.constant 0 : i32
      %dma_start3A_609 = tpu.memref_slice %arg5[%add3A_607, %dma_start3A_608] : memref<320000x128xf32, #tpu.memory_space<hbm>> -> memref<40x128xf32, #tpu.memory_space<hbm>>
      %dma_start3A_610 = arith.constant 0 : i32
      %dma_start3A_611 = tpu.memref_slice %arg5[%add3A_607, %dma_start3A_610] : memref<320000x128xf32, #tpu.memory_space<hbm>> -> memref<40x128xf32, #tpu.memory_space<hbm>>
      tpu.enqueue_dma source(%dma_start3A_611 : memref<40x128xf32, #tpu.memory_space<hbm>>) target(%arg25 : memref<40x128xf32, #tpu.memory_space<vmem>>) target_semaphore(%arg45 : memref<!tpu.dma_semaphore, #tpu.memory_space<semaphore_mem>>)
      %scan3A_612 = arith.constant 0 : i32
      %scan3A_613 = arith.constant 0 : i32
      %scan3A_614 = arith.constant 40 : i32
      %scan3A_615 = arith.addi %scan3A_613, %scan3A_614 : i32
      %scan3A_616 = arith.constant 1 : i32
      %scan3A_617 = scf.for %scan3A_958 = %scan3A_613 to %scan3A_615 step %scan3A_616 iter_args(%scan3A_959 = %scan3A_612) -> (i32)  : i32 {
        %get3A = arith.index_cast %scan3A_958 : i32 to index
        %get3A_960 = arith.constant 0 : index
        %get3A_961 = tpu.vector_load %arg23[%get3A, %get3A_960] {strides = array<i32>} : memref<40x128xf32, #tpu.memory_space<vmem>>, vector<1x16xf32>,
        %get3A_962 = vector.shape_cast %get3A_961 : vector<1x16xf32> to vector<16xf32>
        %get3A_963 = arith.index_cast %scan3A_958 : i32 to index
        %get3A_964 = arith.constant 0 : index
        %get3A_965 = tpu.vector_load %arg20[%get3A_963, %get3A_964] {strides = array<i32>} : memref<40x128xf32, #tpu.memory_space<vmem>>, vector<1x16xf32>,
        %get3A_966 = vector.shape_cast %get3A_965 : vector<1x16xf32> to vector<16xf32>
        %add3A_967 = arith.addf %get3A_962, %get3A_966 : vector<16xf32>
        %max3A = arith.constant 0.000000e+00 : f32
        %max3A_968 = vector.broadcast %max3A : f32 to vector<16xf32>
        %max3A_969 = arith.maximumf %add3A_967, %max3A_968 : vector<16xf32>
        %swap3A = arith.index_cast %scan3A_958 : i32 to index
        %swap3A_970 = arith.constant 0 : index
        %swap3A_971 = tpu.vector_load %arg26[%swap3A, %swap3A_970] {strides = array<i32>} : memref<40x128xf32, #tpu.memory_space<vmem>>, vector<1x16xf32>,
        %swap3A_972 = vector.shape_cast %swap3A_971 : vector<1x16xf32> to vector<16xf32>
        %swap3A_973 = vector.shape_cast %max3A_969 : vector<16xf32> to vector<1x16xf32>
        tpu.vector_store %arg26[%swap3A, %swap3A_970], %swap3A_973 {strides = array<i32>} : memref<40x128xf32, #tpu.memory_space<vmem>>, vector<1x16xf32>,
        %get3A_974 = arith.index_cast %scan3A_958 : i32 to index
        %get3A_975 = arith.constant 16 : index
        %get3A_976 = tpu.vector_load %arg23[%get3A_974, %get3A_975] {strides = array<i32>} : memref<40x128xf32, #tpu.memory_space<vmem>>, vector<1x16xf32>,
        %get3A_977 = vector.shape_cast %get3A_976 : vector<1x16xf32> to vector<16xf32>
        %get3A_978 = arith.index_cast %scan3A_958 : i32 to index
        %get3A_979 = arith.constant 16 : index
        %get3A_980 = tpu.vector_load %arg20[%get3A_978, %get3A_979] {strides = array<i32>} : memref<40x128xf32, #tpu.memory_space<vmem>>, vector<1x16xf32>,
        %get3A_981 = vector.shape_cast %get3A_980 : vector<1x16xf32> to vector<16xf32>
        %add3A_982 = arith.addf %get3A_977, %get3A_981 : vector<16xf32>
        %max3A_983 = arith.constant 0.000000e+00 : f32
        %max3A_984 = vector.broadcast %max3A_983 : f32 to vector<16xf32>
        %max3A_985 = arith.maximumf %add3A_982, %max3A_984 : vector<16xf32>
        %swap3A_986 = arith.index_cast %scan3A_958 : i32 to index
        %swap3A_987 = arith.constant 16 : index
        %swap3A_988 = tpu.vector_load %arg26[%swap3A_986, %swap3A_987] {strides = array<i32>} : memref<40x128xf32, #tpu.memory_space<vmem>>, vector<1x16xf32>,
        %swap3A_989 = vector.shape_cast %swap3A_988 : vector<1x16xf32> to vector<16xf32>
        %swap3A_990 = vector.shape_cast %max3A_985 : vector<16xf32> to vector<1x16xf32>
        tpu.vector_store %arg26[%swap3A_986, %swap3A_987], %swap3A_990 {strides = array<i32>} : memref<40x128xf32, #tpu.memory_space<vmem>>, vector<1x16xf32>,
        %get3A_991 = arith.index_cast %scan3A_958 : i32 to index
        %get3A_992 = arith.constant 32 : index
        %get3A_993 = tpu.vector_load %arg23[%get3A_991, %get3A_992] {strides = array<i32>} : memref<40x128xf32, #tpu.memory_space<vmem>>, vector<1x16xf32>,
        %get3A_994 = vector.shape_cast %get3A_993 : vector<1x16xf32> to vector<16xf32>
        %get3A_995 = arith.index_cast %scan3A_958 : i32 to index
        %get3A_996 = arith.constant 32 : index
        %get3A_997 = tpu.vector_load %arg20[%get3A_995, %get3A_996] {strides = array<i32>} : memref<40x128xf32, #tpu.memory_space<vmem>>, vector<1x16xf32>,
        %get3A_998 = vector.shape_cast %get3A_997 : vector<1x16xf32> to vector<16xf32>
        %add3A_999 = arith.addf %get3A_994, %get3A_998 : vector<16xf32>
        %max3A_1000 = arith.constant 0.000000e+00 : f32
        %max3A_1001 = vector.broadcast %max3A_1000 : f32 to vector<16xf32>
        %max3A_1002 = arith.maximumf %add3A_999, %max3A_1001 : vector<16xf32>
        %swap3A_1003 = arith.index_cast %scan3A_958 : i32 to index
        %swap3A_1004 = arith.constant 32 : index
        %swap3A_1005 = tpu.vector_load %arg26[%swap3A_1003, %swap3A_1004] {strides = array<i32>} : memref<40x128xf32, #tpu.memory_space<vmem>>, vector<1x16xf32>,
        %swap3A_1006 = vector.shape_cast %swap3A_1005 : vector<1x16xf32> to vector<16xf32>
        %swap3A_1007 = vector.shape_cast %max3A_1002 : vector<16xf32> to vector<1x16xf32>
        tpu.vector_store %arg26[%swap3A_1003, %swap3A_1004], %swap3A_1007 {strides = array<i32>} : memref<40x128xf32, #tpu.memory_space<vmem>>, vector<1x16xf32>,
        %get3A_1008 = arith.index_cast %scan3A_958 : i32 to index
        %get3A_1009 = arith.constant 48 : index
        %get3A_1010 = tpu.vector_load %arg23[%get3A_1008, %get3A_1009] {strides = array<i32>} : memref<40x128xf32, #tpu.memory_space<vmem>>, vector<1x16xf32>,
        %get3A_1011 = vector.shape_cast %get3A_1010 : vector<1x16xf32> to vector<16xf32>
        %get3A_1012 = arith.index_cast %scan3A_958 : i32 to index
        %get3A_1013 = arith.constant 48 : index
        %get3A_1014 = tpu.vector_load %arg20[%get3A_1012, %get3A_1013] {strides = array<i32>} : memref<40x128xf32, #tpu.memory_space<vmem>>, vector<1x16xf32>,
        %get3A_1015 = vector.shape_cast %get3A_1014 : vector<1x16xf32> to vector<16xf32>
        %add3A_1016 = arith.addf %get3A_1011, %get3A_1015 : vector<16xf32>
        %max3A_1017 = arith.constant 0.000000e+00 : f32
        %max3A_1018 = vector.broadcast %max3A_1017 : f32 to vector<16xf32>
        %max3A_1019 = arith.maximumf %add3A_1016, %max3A_1018 : vector<16xf32>
        %swap3A_1020 = arith.index_cast %scan3A_958 : i32 to index
        %swap3A_1021 = arith.constant 48 : index
        %swap3A_1022 = tpu.vector_load %arg26[%swap3A_1020, %swap3A_1021] {strides = array<i32>} : memref<40x128xf32, #tpu.memory_space<vmem>>, vector<1x16xf32>,
        %swap3A_1023 = vector.shape_cast %swap3A_1022 : vector<1x16xf32> to vector<16xf32>
        %swap3A_1024 = vector.shape_cast %max3A_1019 : vector<16xf32> to vector<1x16xf32>
        tpu.vector_store %arg26[%swap3A_1020, %swap3A_1021], %swap3A_1024 {strides = array<i32>} : memref<40x128xf32, #tpu.memory_space<vmem>>, vector<1x16xf32>,
        %get3A_1025 = arith.index_cast %scan3A_958 : i32 to index
        %get3A_1026 = arith.constant 64 : index
        %get3A_1027 = tpu.vector_load %arg23[%get3A_1025, %get3A_1026] {strides = array<i32>} : memref<40x128xf32, #tpu.memory_space<vmem>>, vector<1x16xf32>,
        %get3A_1028 = vector.shape_cast %get3A_1027 : vector<1x16xf32> to vector<16xf32>
        %get3A_1029 = arith.index_cast %scan3A_958 : i32 to index
        %get3A_1030 = arith.constant 64 : index
        %get3A_1031 = tpu.vector_load %arg20[%get3A_1029, %get3A_1030] {strides = array<i32>} : memref<40x128xf32, #tpu.memory_space<vmem>>, vector<1x16xf32>,
        %get3A_1032 = vector.shape_cast %get3A_1031 : vector<1x16xf32> to vector<16xf32>
        %add3A_1033 = arith.addf %get3A_1028, %get3A_1032 : vector<16xf32>
        %max3A_1034 = arith.constant 0.000000e+00 : f32
        %max3A_1035 = vector.broadcast %max3A_1034 : f32 to vector<16xf32>
        %max3A_1036 = arith.maximumf %add3A_1033, %max3A_1035 : vector<16xf32>
        %swap3A_1037 = arith.index_cast %scan3A_958 : i32 to index
        %swap3A_1038 = arith.constant 64 : index
        %swap3A_1039 = tpu.vector_load %arg26[%swap3A_1037, %swap3A_1038] {strides = array<i32>} : memref<40x128xf32, #tpu.memory_space<vmem>>, vector<1x16xf32>,
        %swap3A_1040 = vector.shape_cast %swap3A_1039 : vector<1x16xf32> to vector<16xf32>
        %swap3A_1041 = vector.shape_cast %max3A_1036 : vector<16xf32> to vector<1x16xf32>
        tpu.vector_store %arg26[%swap3A_1037, %swap3A_1038], %swap3A_1041 {strides = array<i32>} : memref<40x128xf32, #tpu.memory_space<vmem>>, vector<1x16xf32>,
        %get3A_1042 = arith.index_cast %scan3A_958 : i32 to index
        %get3A_1043 = arith.constant 80 : index
        %get3A_1044 = tpu.vector_load %arg23[%get3A_1042, %get3A_1043] {strides = array<i32>} : memref<40x128xf32, #tpu.memory_space<vmem>>, vector<1x16xf32>,
        %get3A_1045 = vector.shape_cast %get3A_1044 : vector<1x16xf32> to vector<16xf32>
        %get3A_1046 = arith.index_cast %scan3A_958 : i32 to index
        %get3A_1047 = arith.constant 80 : index
        %get3A_1048 = tpu.vector_load %arg20[%get3A_1046, %get3A_1047] {strides = array<i32>} : memref<40x128xf32, #tpu.memory_space<vmem>>, vector<1x16xf32>,
        %get3A_1049 = vector.shape_cast %get3A_1048 : vector<1x16xf32> to vector<16xf32>
        %add3A_1050 = arith.addf %get3A_1045, %get3A_1049 : vector<16xf32>
        %max3A_1051 = arith.constant 0.000000e+00 : f32
        %max3A_1052 = vector.broadcast %max3A_1051 : f32 to vector<16xf32>
        %max3A_1053 = arith.maximumf %add3A_1050, %max3A_1052 : vector<16xf32>
        %swap3A_1054 = arith.index_cast %scan3A_958 : i32 to index
        %swap3A_1055 = arith.constant 80 : index
        %swap3A_1056 = tpu.vector_load %arg26[%swap3A_1054, %swap3A_1055] {strides = array<i32>} : memref<40x128xf32, #tpu.memory_space<vmem>>, vector<1x16xf32>,
        %swap3A_1057 = vector.shape_cast %swap3A_1056 : vector<1x16xf32> to vector<16xf32>
        %swap3A_1058 = vector.shape_cast %max3A_1053 : vector<16xf32> to vector<1x16xf32>
        tpu.vector_store %arg26[%swap3A_1054, %swap3A_1055], %swap3A_1058 {strides = array<i32>} : memref<40x128xf32, #tpu.memory_space<vmem>>, vector<1x16xf32>,
        %get3A_1059 = arith.index_cast %scan3A_958 : i32 to index
        %get3A_1060 = arith.constant 96 : index
        %get3A_1061 = tpu.vector_load %arg23[%get3A_1059, %get3A_1060] {strides = array<i32>} : memref<40x128xf32, #tpu.memory_space<vmem>>, vector<1x16xf32>,
        %get3A_1062 = vector.shape_cast %get3A_1061 : vector<1x16xf32> to vector<16xf32>
        %get3A_1063 = arith.index_cast %scan3A_958 : i32 to index
        %get3A_1064 = arith.constant 96 : index
        %get3A_1065 = tpu.vector_load %arg20[%get3A_1063, %get3A_1064] {strides = array<i32>} : memref<40x128xf32, #tpu.memory_space<vmem>>, vector<1x16xf32>,
        %get3A_1066 = vector.shape_cast %get3A_1065 : vector<1x16xf32> to vector<16xf32>
        %add3A_1067 = arith.addf %get3A_1062, %get3A_1066 : vector<16xf32>
        %max3A_1068 = arith.constant 0.000000e+00 : f32
        %max3A_1069 = vector.broadcast %max3A_1068 : f32 to vector<16xf32>
        %max3A_1070 = arith.maximumf %add3A_1067, %max3A_1069 : vector<16xf32>
        %swap3A_1071 = arith.index_cast %scan3A_958 : i32 to index
        %swap3A_1072 = arith.constant 96 : index
        %swap3A_1073 = tpu.vector_load %arg26[%swap3A_1071, %swap3A_1072] {strides = array<i32>} : memref<40x128xf32, #tpu.memory_space<vmem>>, vector<1x16xf32>,
        %swap3A_1074 = vector.shape_cast %swap3A_1073 : vector<1x16xf32> to vector<16xf32>
        %swap3A_1075 = vector.shape_cast %max3A_1070 : vector<16xf32> to vector<1x16xf32>
        tpu.vector_store %arg26[%swap3A_1071, %swap3A_1072], %swap3A_1075 {strides = array<i32>} : memref<40x128xf32, #tpu.memory_space<vmem>>, vector<1x16xf32>,
        %get3A_1076 = arith.index_cast %scan3A_958 : i32 to index
        %get3A_1077 = arith.constant 112 : index
        %get3A_1078 = tpu.vector_load %arg23[%get3A_1076, %get3A_1077] {strides = array<i32>} : memref<40x128xf32, #tpu.memory_space<vmem>>, vector<1x16xf32>,
        %get3A_1079 = vector.shape_cast %get3A_1078 : vector<1x16xf32> to vector<16xf32>
        %get3A_1080 = arith.index_cast %scan3A_958 : i32 to index
        %get3A_1081 = arith.constant 112 : index
        %get3A_1082 = tpu.vector_load %arg20[%get3A_1080, %get3A_1081] {strides = array<i32>} : memref<40x128xf32, #tpu.memory_space<vmem>>, vector<1x16xf32>,
        %get3A_1083 = vector.shape_cast %get3A_1082 : vector<1x16xf32> to vector<16xf32>
        %add3A_1084 = arith.addf %get3A_1079, %get3A_1083 : vector<16xf32>
        %max3A_1085 = arith.constant 0.000000e+00 : f32
        %max3A_1086 = vector.broadcast %max3A_1085 : f32 to vector<16xf32>
        %max3A_1087 = arith.maximumf %add3A_1084, %max3A_1086 : vector<16xf32>
        %swap3A_1088 = arith.index_cast %scan3A_958 : i32 to index
        %swap3A_1089 = arith.constant 112 : index
        %swap3A_1090 = tpu.vector_load %arg26[%swap3A_1088, %swap3A_1089] {strides = array<i32>} : memref<40x128xf32, #tpu.memory_space<vmem>>, vector<1x16xf32>,
        %swap3A_1091 = vector.shape_cast %swap3A_1090 : vector<1x16xf32> to vector<16xf32>
        %swap3A_1092 = vector.shape_cast %max3A_1087 : vector<16xf32> to vector<1x16xf32>
        tpu.vector_store %arg26[%swap3A_1088, %swap3A_1089], %swap3A_1092 {strides = array<i32>} : memref<40x128xf32, #tpu.memory_space<vmem>>, vector<1x16xf32>,
        %scan3A_1093 = arith.constant 0 : i32
        scf.yield %scan3A_1093 : i32
      }
      %scan3A_618 = arith.constant 40 : i32
      %dma_start3A_619 = arith.constant 0 : i32
      %dma_start3A_620 = arith.constant 0 : i32
      %dma_start3A_621 = tpu.memref_slice %arg7[%dma_start3A_619, %dma_start3A_620] : memref<10240x128xf32, #tpu.memory_space<vmem_shared>> -> memref<10240x128xf32, #tpu.memory_space<vmem_shared>>
      tpu.enqueue_indirect_dma source(%arg26 : memref<40x128xf32, #tpu.memory_space<vmem>>) target(%dma_start3A_621 : memref<10240x128xf32, #tpu.memory_space<vmem_shared>>) offsets(%arg14 : memref<40xi32, #tpu.memory_space<vmem>>) semaphore(%arg46 : memref<!tpu.dma_semaphore, #tpu.memory_space<semaphore_mem>>) {add = true}
      %mul3A_622 = arith.constant 6 : i32
      %mul3A_623 = arith.muli %scan3A_553, %mul3A_622 : i32
      %add3A_624 = arith.constant 1 : i32
      %add3A_625 = arith.addi %mul3A_623, %add3A_624 : i32
      %dma_wait3A_626 = arith.constant 0 : i32
      %dma_wait3A_627 = arith.constant 0 : i32
      %dma_wait3A_628 = tpu.memref_slice %arg2[%dma_wait3A_626, %dma_wait3A_627] : memref<10000x128xf32, #tpu.memory_space<hbm>> -> memref<10000x128xf32, #tpu.memory_space<hbm>>
      tpu.wait_indirect_dma semaphore(%arg41 : memref<!tpu.dma_semaphore, #tpu.memory_space<semaphore_mem>>) src(%dma_wait3A_628 : memref<10000x128xf32, #tpu.memory_space<hbm>>) dst(%arg21 : memref<40x128xf32, #tpu.memory_space<vmem>>)
      %mul3A_629 = arith.constant 40 : i32
      %mul3A_630 = arith.muli %add3A_625, %mul3A_629 : i32
      %add3A_631 = arith.addi %mul3A_2, %mul3A_630 : i32
      %dma_wait3A_632 = arith.constant 0 : i32
      %dma_wait3A_633 = tpu.memref_slice %arg5[%add3A_631, %dma_wait3A_632] : memref<320000x128xf32, #tpu.memory_space<hbm>> -> memref<40x128xf32, #tpu.memory_space<hbm>>
      %dma_wait3A_634 = arith.constant 0 : i32
      %dma_wait3A_635 = tpu.memref_slice %arg5[%add3A_631, %dma_wait3A_634] : memref<320000x128xf32, #tpu.memory_space<hbm>> -> memref<40x128xf32, #tpu.memory_space<hbm>>
      tpu.wait_dma2 semaphore(%arg44 : memref<!tpu.dma_semaphore, #tpu.memory_space<semaphore_mem>>) src(%dma_wait3A_635 : memref<40x128xf32, #tpu.memory_space<hbm>>) dst(%arg24 : memref<40x128xf32, #tpu.memory_space<vmem>>)
      %dma_wait3A_636 = arith.constant 0 : i32
      %dma_wait3A_637 = arith.constant 0 : i32
      %dma_wait3A_638 = tpu.memref_slice %arg7[%dma_wait3A_636, %dma_wait3A_637] : memref<10240x128xf32, #tpu.memory_space<vmem_shared>> -> memref<10240x128xf32, #tpu.memory_space<vmem_shared>>
      tpu.wait_indirect_dma semaphore(%arg47 : memref<!tpu.dma_semaphore, #tpu.memory_space<semaphore_mem>>) src(%arg27 : memref<40x128xf32, #tpu.memory_space<vmem>>) dst(%dma_wait3A_638 : memref<10240x128xf32, #tpu.memory_space<vmem_shared>>)
      %add3A_639 = arith.constant 3 : i32
      %add3A_640 = arith.addi %add3A_625, %add3A_639 : i32
      %mul3A_641 = arith.constant 40 : i32
      %mul3A_642 = arith.muli %add3A_640, %mul3A_641 : i32
      %add3A_643 = arith.addi %mul3A_2, %mul3A_642 : i32
      %dma_start3A_644 = tpu.memref_slice %arg3[%add3A_643] : memref<320000xi32, #tpu.memory_space<hbm>> -> memref<40xi32, #tpu.memory_space<hbm>>
      %dma_start3A_645 = tpu.memref_slice %arg3[%add3A_643] : memref<320000xi32, #tpu.memory_space<hbm>> -> memref<40xi32, #tpu.memory_space<hbm>>
      tpu.enqueue_dma source(%dma_start3A_645 : memref<40xi32, #tpu.memory_space<hbm>>) target(%arg12 : memref<40xi32, #tpu.memory_space<vmem>>) target_semaphore(%arg32 : memref<!tpu.dma_semaphore, #tpu.memory_space<semaphore_mem>>)
      %add3A_646 = arith.constant 3 : i32
      %add3A_647 = arith.addi %add3A_625, %add3A_646 : i32
      %mul3A_648 = arith.constant 40 : i32
      %mul3A_649 = arith.muli %add3A_647, %mul3A_648 : i32
      %add3A_650 = arith.addi %mul3A_2, %mul3A_649 : i32
      %dma_start3A_651 = tpu.memref_slice %arg4[%add3A_650] : memref<320000xi32, #tpu.memory_space<hbm>> -> memref<40xi32, #tpu.memory_space<hbm>>
      %dma_start3A_652 = tpu.memref_slice %arg4[%add3A_650] : memref<320000xi32, #tpu.memory_space<hbm>> -> memref<40xi32, #tpu.memory_space<hbm>>
      tpu.enqueue_dma source(%dma_start3A_652 : memref<40xi32, #tpu.memory_space<hbm>>) target(%arg18 : memref<40xi32, #tpu.memory_space<vmem>>) target_semaphore(%arg38 : memref<!tpu.dma_semaphore, #tpu.memory_space<semaphore_mem>>)
      %add3A_653 = arith.constant 2 : i32
      %add3A_654 = arith.addi %add3A_625, %add3A_653 : i32
      %mul3A_655 = arith.constant 40 : i32
      %mul3A_656 = arith.muli %add3A_654, %mul3A_655 : i32
      %add3A_657 = arith.addi %mul3A_2, %mul3A_656 : i32
      %dma_wait3A_658 = tpu.memref_slice %arg3[%add3A_657] : memref<320000xi32, #tpu.memory_space<hbm>> -> memref<40xi32, #tpu.memory_space<hbm>>
      %dma_wait3A_659 = tpu.memref_slice %arg3[%add3A_657] : memref<320000xi32, #tpu.memory_space<hbm>> -> memref<40xi32, #tpu.memory_space<hbm>>
      tpu.wait_dma2 semaphore(%arg31 : memref<!tpu.dma_semaphore, #tpu.memory_space<semaphore_mem>>) src(%dma_wait3A_659 : memref<40xi32, #tpu.memory_space<hbm>>) dst(%arg11 : memref<40xi32, #tpu.memory_space<vmem>>)
      %add3A_660 = arith.constant 2 : i32
      %add3A_661 = arith.addi %add3A_625, %add3A_660 : i32
      %mul3A_662 = arith.constant 40 : i32
      %mul3A_663 = arith.muli %add3A_661, %mul3A_662 : i32
      %add3A_664 = arith.addi %mul3A_2, %mul3A_663 : i32
      %dma_wait3A_665 = tpu.memref_slice %arg4[%add3A_664] : memref<320000xi32, #tpu.memory_space<hbm>> -> memref<40xi32, #tpu.memory_space<hbm>>
      %dma_wait3A_666 = tpu.memref_slice %arg4[%add3A_664] : memref<320000xi32, #tpu.memory_space<hbm>> -> memref<40xi32, #tpu.memory_space<hbm>>
      tpu.wait_dma2 semaphore(%arg37 : memref<!tpu.dma_semaphore, #tpu.memory_space<semaphore_mem>>) src(%dma_wait3A_666 : memref<40xi32, #tpu.memory_space<hbm>>) dst(%arg17 : memref<40xi32, #tpu.memory_space<vmem>>)
      %dma_start3A_667 = arith.constant 0 : i32
      %dma_start3A_668 = arith.constant 0 : i32
      %dma_start3A_669 = tpu.memref_slice %arg2[%dma_start3A_667, %dma_start3A_668] : memref<10000x128xf32, #tpu.memory_space<hbm>> -> memref<10000x128xf32, #tpu.memory_space<hbm>>
      tpu.enqueue_indirect_dma source(%dma_start3A_669 : memref<10000x128xf32, #tpu.memory_space<hbm>>) target(%arg20 : memref<40x128xf32, #tpu.memory_space<vmem>>) offsets(%arg11 : memref<40xi32, #tpu.memory_space<vmem>>) semaphore(%arg40 : memref<!tpu.dma_semaphore, #tpu.memory_space<semaphore_mem>>)
      %add3A_670 = arith.constant 2 : i32
      %add3A_671 = arith.addi %add3A_625, %add3A_670 : i32
      %mul3A_672 = arith.constant 40 : i32
      %mul3A_673 = arith.muli %add3A_671, %mul3A_672 : i32
      %add3A_674 = arith.addi %mul3A_2, %mul3A_673 : i32
      %dma_start3A_675 = arith.constant 0 : i32
      %dma_start3A_676 = tpu.memref_slice %arg5[%add3A_674, %dma_start3A_675] : memref<320000x128xf32, #tpu.memory_space<hbm>> -> memref<40x128xf32, #tpu.memory_space<hbm>>
      %dma_start3A_677 = arith.constant 0 : i32
      %dma_start3A_678 = tpu.memref_slice %arg5[%add3A_674, %dma_start3A_677] : memref<320000x128xf32, #tpu.memory_space<hbm>> -> memref<40x128xf32, #tpu.memory_space<hbm>>
      tpu.enqueue_dma source(%dma_start3A_678 : memref<40x128xf32, #tpu.memory_space<hbm>>) target(%arg23 : memref<40x128xf32, #tpu.memory_space<vmem>>) target_semaphore(%arg43 : memref<!tpu.dma_semaphore, #tpu.memory_space<semaphore_mem>>)
      %scan3A_679 = arith.constant 0 : i32
      %scan3A_680 = arith.constant 0 : i32
      %scan3A_681 = arith.constant 40 : i32
      %scan3A_682 = arith.addi %scan3A_680, %scan3A_681 : i32
      %scan3A_683 = arith.constant 1 : i32
      %scan3A_684 = scf.for %scan3A_958 = %scan3A_680 to %scan3A_682 step %scan3A_683 iter_args(%scan3A_959 = %scan3A_679) -> (i32)  : i32 {
        %get3A = arith.index_cast %scan3A_958 : i32 to index
        %get3A_960 = arith.constant 0 : index
        %get3A_961 = tpu.vector_load %arg24[%get3A, %get3A_960] {strides = array<i32>} : memref<40x128xf32, #tpu.memory_space<vmem>>, vector<1x16xf32>,
        %get3A_962 = vector.shape_cast %get3A_961 : vector<1x16xf32> to vector<16xf32>
        %get3A_963 = arith.index_cast %scan3A_958 : i32 to index
        %get3A_964 = arith.constant 0 : index
        %get3A_965 = tpu.vector_load %arg21[%get3A_963, %get3A_964] {strides = array<i32>} : memref<40x128xf32, #tpu.memory_space<vmem>>, vector<1x16xf32>,
        %get3A_966 = vector.shape_cast %get3A_965 : vector<1x16xf32> to vector<16xf32>
        %add3A_967 = arith.addf %get3A_962, %get3A_966 : vector<16xf32>
        %max3A = arith.constant 0.000000e+00 : f32
        %max3A_968 = vector.broadcast %max3A : f32 to vector<16xf32>
        %max3A_969 = arith.maximumf %add3A_967, %max3A_968 : vector<16xf32>
        %swap3A = arith.index_cast %scan3A_958 : i32 to index
        %swap3A_970 = arith.constant 0 : index
        %swap3A_971 = tpu.vector_load %arg27[%swap3A, %swap3A_970] {strides = array<i32>} : memref<40x128xf32, #tpu.memory_space<vmem>>, vector<1x16xf32>,
        %swap3A_972 = vector.shape_cast %swap3A_971 : vector<1x16xf32> to vector<16xf32>
        %swap3A_973 = vector.shape_cast %max3A_969 : vector<16xf32> to vector<1x16xf32>
        tpu.vector_store %arg27[%swap3A, %swap3A_970], %swap3A_973 {strides = array<i32>} : memref<40x128xf32, #tpu.memory_space<vmem>>, vector<1x16xf32>,
        %get3A_974 = arith.index_cast %scan3A_958 : i32 to index
        %get3A_975 = arith.constant 16 : index
        %get3A_976 = tpu.vector_load %arg24[%get3A_974, %get3A_975] {strides = array<i32>} : memref<40x128xf32, #tpu.memory_space<vmem>>, vector<1x16xf32>,
        %get3A_977 = vector.shape_cast %get3A_976 : vector<1x16xf32> to vector<16xf32>
        %get3A_978 = arith.index_cast %scan3A_958 : i32 to index
        %get3A_979 = arith.constant 16 : index
        %get3A_980 = tpu.vector_load %arg21[%get3A_978, %get3A_979] {strides = array<i32>} : memref<40x128xf32, #tpu.memory_space<vmem>>, vector<1x16xf32>,
        %get3A_981 = vector.shape_cast %get3A_980 : vector<1x16xf32> to vector<16xf32>
        %add3A_982 = arith.addf %get3A_977, %get3A_981 : vector<16xf32>
        %max3A_983 = arith.constant 0.000000e+00 : f32
        %max3A_984 = vector.broadcast %max3A_983 : f32 to vector<16xf32>
        %max3A_985 = arith.maximumf %add3A_982, %max3A_984 : vector<16xf32>
        %swap3A_986 = arith.index_cast %scan3A_958 : i32 to index
        %swap3A_987 = arith.constant 16 : index
        %swap3A_988 = tpu.vector_load %arg27[%swap3A_986, %swap3A_987] {strides = array<i32>} : memref<40x128xf32, #tpu.memory_space<vmem>>, vector<1x16xf32>,
        %swap3A_989 = vector.shape_cast %swap3A_988 : vector<1x16xf32> to vector<16xf32>
        %swap3A_990 = vector.shape_cast %max3A_985 : vector<16xf32> to vector<1x16xf32>
        tpu.vector_store %arg27[%swap3A_986, %swap3A_987], %swap3A_990 {strides = array<i32>} : memref<40x128xf32, #tpu.memory_space<vmem>>, vector<1x16xf32>,
        %get3A_991 = arith.index_cast %scan3A_958 : i32 to index
        %get3A_992 = arith.constant 32 : index
        %get3A_993 = tpu.vector_load %arg24[%get3A_991, %get3A_992] {strides = array<i32>} : memref<40x128xf32, #tpu.memory_space<vmem>>, vector<1x16xf32>,
        %get3A_994 = vector.shape_cast %get3A_993 : vector<1x16xf32> to vector<16xf32>
        %get3A_995 = arith.index_cast %scan3A_958 : i32 to index
        %get3A_996 = arith.constant 32 : index
        %get3A_997 = tpu.vector_load %arg21[%get3A_995, %get3A_996] {strides = array<i32>} : memref<40x128xf32, #tpu.memory_space<vmem>>, vector<1x16xf32>,
        %get3A_998 = vector.shape_cast %get3A_997 : vector<1x16xf32> to vector<16xf32>
        %add3A_999 = arith.addf %get3A_994, %get3A_998 : vector<16xf32>
        %max3A_1000 = arith.constant 0.000000e+00 : f32
        %max3A_1001 = vector.broadcast %max3A_1000 : f32 to vector<16xf32>
        %max3A_1002 = arith.maximumf %add3A_999, %max3A_1001 : vector<16xf32>
        %swap3A_1003 = arith.index_cast %scan3A_958 : i32 to index
        %swap3A_1004 = arith.constant 32 : index
        %swap3A_1005 = tpu.vector_load %arg27[%swap3A_1003, %swap3A_1004] {strides = array<i32>} : memref<40x128xf32, #tpu.memory_space<vmem>>, vector<1x16xf32>,
        %swap3A_1006 = vector.shape_cast %swap3A_1005 : vector<1x16xf32> to vector<16xf32>
        %swap3A_1007 = vector.shape_cast %max3A_1002 : vector<16xf32> to vector<1x16xf32>
        tpu.vector_store %arg27[%swap3A_1003, %swap3A_1004], %swap3A_1007 {strides = array<i32>} : memref<40x128xf32, #tpu.memory_space<vmem>>, vector<1x16xf32>,
        %get3A_1008 = arith.index_cast %scan3A_958 : i32 to index
        %get3A_1009 = arith.constant 48 : index
        %get3A_1010 = tpu.vector_load %arg24[%get3A_1008, %get3A_1009] {strides = array<i32>} : memref<40x128xf32, #tpu.memory_space<vmem>>, vector<1x16xf32>,
        %get3A_1011 = vector.shape_cast %get3A_1010 : vector<1x16xf32> to vector<16xf32>
        %get3A_1012 = arith.index_cast %scan3A_958 : i32 to index
        %get3A_1013 = arith.constant 48 : index
        %get3A_1014 = tpu.vector_load %arg21[%get3A_1012, %get3A_1013] {strides = array<i32>} : memref<40x128xf32, #tpu.memory_space<vmem>>, vector<1x16xf32>,
        %get3A_1015 = vector.shape_cast %get3A_1014 : vector<1x16xf32> to vector<16xf32>
        %add3A_1016 = arith.addf %get3A_1011, %get3A_1015 : vector<16xf32>
        %max3A_1017 = arith.constant 0.000000e+00 : f32
        %max3A_1018 = vector.broadcast %max3A_1017 : f32 to vector<16xf32>
        %max3A_1019 = arith.maximumf %add3A_1016, %max3A_1018 : vector<16xf32>
        %swap3A_1020 = arith.index_cast %scan3A_958 : i32 to index
        %swap3A_1021 = arith.constant 48 : index
        %swap3A_1022 = tpu.vector_load %arg27[%swap3A_1020, %swap3A_1021] {strides = array<i32>} : memref<40x128xf32, #tpu.memory_space<vmem>>, vector<1x16xf32>,
        %swap3A_1023 = vector.shape_cast %swap3A_1022 : vector<1x16xf32> to vector<16xf32>
        %swap3A_1024 = vector.shape_cast %max3A_1019 : vector<16xf32> to vector<1x16xf32>
        tpu.vector_store %arg27[%swap3A_1020, %swap3A_1021], %swap3A_1024 {strides = array<i32>} : memref<40x128xf32, #tpu.memory_space<vmem>>, vector<1x16xf32>,
        %get3A_1025 = arith.index_cast %scan3A_958 : i32 to index
        %get3A_1026 = arith.constant 64 : index
        %get3A_1027 = tpu.vector_load %arg24[%get3A_1025, %get3A_1026] {strides = array<i32>} : memref<40x128xf32, #tpu.memory_space<vmem>>, vector<1x16xf32>,
        %get3A_1028 = vector.shape_cast %get3A_1027 : vector<1x16xf32> to vector<16xf32>
        %get3A_1029 = arith.index_cast %scan3A_958 : i32 to index
        %get3A_1030 = arith.constant 64 : index
        %get3A_1031 = tpu.vector_load %arg21[%get3A_1029, %get3A_1030] {strides = array<i32>} : memref<40x128xf32, #tpu.memory_space<vmem>>, vector<1x16xf32>,
        %get3A_1032 = vector.shape_cast %get3A_1031 : vector<1x16xf32> to vector<16xf32>
        %add3A_1033 = arith.addf %get3A_1028, %get3A_1032 : vector<16xf32>
        %max3A_1034 = arith.constant 0.000000e+00 : f32
        %max3A_1035 = vector.broadcast %max3A_1034 : f32 to vector<16xf32>
        %max3A_1036 = arith.maximumf %add3A_1033, %max3A_1035 : vector<16xf32>
        %swap3A_1037 = arith.index_cast %scan3A_958 : i32 to index
        %swap3A_1038 = arith.constant 64 : index
        %swap3A_1039 = tpu.vector_load %arg27[%swap3A_1037, %swap3A_1038] {strides = array<i32>} : memref<40x128xf32, #tpu.memory_space<vmem>>, vector<1x16xf32>,
        %swap3A_1040 = vector.shape_cast %swap3A_1039 : vector<1x16xf32> to vector<16xf32>
        %swap3A_1041 = vector.shape_cast %max3A_1036 : vector<16xf32> to vector<1x16xf32>
        tpu.vector_store %arg27[%swap3A_1037, %swap3A_1038], %swap3A_1041 {strides = array<i32>} : memref<40x128xf32, #tpu.memory_space<vmem>>, vector<1x16xf32>,
        %get3A_1042 = arith.index_cast %scan3A_958 : i32 to index
        %get3A_1043 = arith.constant 80 : index
        %get3A_1044 = tpu.vector_load %arg24[%get3A_1042, %get3A_1043] {strides = array<i32>} : memref<40x128xf32, #tpu.memory_space<vmem>>, vector<1x16xf32>,
        %get3A_1045 = vector.shape_cast %get3A_1044 : vector<1x16xf32> to vector<16xf32>
        %get3A_1046 = arith.index_cast %scan3A_958 : i32 to index
        %get3A_1047 = arith.constant 80 : index
        %get3A_1048 = tpu.vector_load %arg21[%get3A_1046, %get3A_1047] {strides = array<i32>} : memref<40x128xf32, #tpu.memory_space<vmem>>, vector<1x16xf32>,
        %get3A_1049 = vector.shape_cast %get3A_1048 : vector<1x16xf32> to vector<16xf32>
        %add3A_1050 = arith.addf %get3A_1045, %get3A_1049 : vector<16xf32>
        %max3A_1051 = arith.constant 0.000000e+00 : f32
        %max3A_1052 = vector.broadcast %max3A_1051 : f32 to vector<16xf32>
        %max3A_1053 = arith.maximumf %add3A_1050, %max3A_1052 : vector<16xf32>
        %swap3A_1054 = arith.index_cast %scan3A_958 : i32 to index
        %swap3A_1055 = arith.constant 80 : index
        %swap3A_1056 = tpu.vector_load %arg27[%swap3A_1054, %swap3A_1055] {strides = array<i32>} : memref<40x128xf32, #tpu.memory_space<vmem>>, vector<1x16xf32>,
        %swap3A_1057 = vector.shape_cast %swap3A_1056 : vector<1x16xf32> to vector<16xf32>
        %swap3A_1058 = vector.shape_cast %max3A_1053 : vector<16xf32> to vector<1x16xf32>
        tpu.vector_store %arg27[%swap3A_1054, %swap3A_1055], %swap3A_1058 {strides = array<i32>} : memref<40x128xf32, #tpu.memory_space<vmem>>, vector<1x16xf32>,
        %get3A_1059 = arith.index_cast %scan3A_958 : i32 to index
        %get3A_1060 = arith.constant 96 : index
        %get3A_1061 = tpu.vector_load %arg24[%get3A_1059, %get3A_1060] {strides = array<i32>} : memref<40x128xf32, #tpu.memory_space<vmem>>, vector<1x16xf32>,
        %get3A_1062 = vector.shape_cast %get3A_1061 : vector<1x16xf32> to vector<16xf32>
        %get3A_1063 = arith.index_cast %scan3A_958 : i32 to index
        %get3A_1064 = arith.constant 96 : index
        %get3A_1065 = tpu.vector_load %arg21[%get3A_1063, %get3A_1064] {strides = array<i32>} : memref<40x128xf32, #tpu.memory_space<vmem>>, vector<1x16xf32>,
        %get3A_1066 = vector.shape_cast %get3A_1065 : vector<1x16xf32> to vector<16xf32>
        %add3A_1067 = arith.addf %get3A_1062, %get3A_1066 : vector<16xf32>
        %max3A_1068 = arith.constant 0.000000e+00 : f32
        %max3A_1069 = vector.broadcast %max3A_1068 : f32 to vector<16xf32>
        %max3A_1070 = arith.maximumf %add3A_1067, %max3A_1069 : vector<16xf32>
        %swap3A_1071 = arith.index_cast %scan3A_958 : i32 to index
        %swap3A_1072 = arith.constant 96 : index
        %swap3A_1073 = tpu.vector_load %arg27[%swap3A_1071, %swap3A_1072] {strides = array<i32>} : memref<40x128xf32, #tpu.memory_space<vmem>>, vector<1x16xf32>,
        %swap3A_1074 = vector.shape_cast %swap3A_1073 : vector<1x16xf32> to vector<16xf32>
        %swap3A_1075 = vector.shape_cast %max3A_1070 : vector<16xf32> to vector<1x16xf32>
        tpu.vector_store %arg27[%swap3A_1071, %swap3A_1072], %swap3A_1075 {strides = array<i32>} : memref<40x128xf32, #tpu.memory_space<vmem>>, vector<1x16xf32>,
        %get3A_1076 = arith.index_cast %scan3A_958 : i32 to index
        %get3A_1077 = arith.constant 112 : index
        %get3A_1078 = tpu.vector_load %arg24[%get3A_1076, %get3A_1077] {strides = array<i32>} : memref<40x128xf32, #tpu.memory_space<vmem>>, vector<1x16xf32>,
        %get3A_1079 = vector.shape_cast %get3A_1078 : vector<1x16xf32> to vector<16xf32>
        %get3A_1080 = arith.index_cast %scan3A_958 : i32 to index
        %get3A_1081 = arith.constant 112 : index
        %get3A_1082 = tpu.vector_load %arg21[%get3A_1080, %get3A_1081] {strides = array<i32>} : memref<40x128xf32, #tpu.memory_space<vmem>>, vector<1x16xf32>,
        %get3A_1083 = vector.shape_cast %get3A_1082 : vector<1x16xf32> to vector<16xf32>
        %add3A_1084 = arith.addf %get3A_1079, %get3A_1083 : vector<16xf32>
        %max3A_1085 = arith.constant 0.000000e+00 : f32
        %max3A_1086 = vector.broadcast %max3A_1085 : f32 to vector<16xf32>
        %max3A_1087 = arith.maximumf %add3A_1084, %max3A_1086 : vector<16xf32>
        %swap3A_1088 = arith.index_cast %scan3A_958 : i32 to index
        %swap3A_1089 = arith.constant 112 : index
        %swap3A_1090 = tpu.vector_load %arg27[%swap3A_1088, %swap3A_1089] {strides = array<i32>} : memref<40x128xf32, #tpu.memory_space<vmem>>, vector<1x16xf32>,
        %swap3A_1091 = vector.shape_cast %swap3A_1090 : vector<1x16xf32> to vector<16xf32>
        %swap3A_1092 = vector.shape_cast %max3A_1087 : vector<16xf32> to vector<1x16xf32>
        tpu.vector_store %arg27[%swap3A_1088, %swap3A_1089], %swap3A_1092 {strides = array<i32>} : memref<40x128xf32, #tpu.memory_space<vmem>>, vector<1x16xf32>,
        %scan3A_1093 = arith.constant 0 : i32
        scf.yield %scan3A_1093 : i32
      }
      %scan3A_685 = arith.constant 40 : i32
      %dma_start3A_686 = arith.constant 0 : i32
      %dma_start3A_687 = arith.constant 0 : i32
      %dma_start3A_688 = tpu.memref_slice %arg7[%dma_start3A_686, %dma_start3A_687] : memref<10240x128xf32, #tpu.memory_space<vmem_shared>> -> memref<10240x128xf32, #tpu.memory_space<vmem_shared>>
      tpu.enqueue_indirect_dma source(%arg27 : memref<40x128xf32, #tpu.memory_space<vmem>>) target(%dma_start3A_688 : memref<10240x128xf32, #tpu.memory_space<vmem_shared>>) offsets(%arg15 : memref<40xi32, #tpu.memory_space<vmem>>) semaphore(%arg47 : memref<!tpu.dma_semaphore, #tpu.memory_space<semaphore_mem>>) {add = true}
      %mul3A_689 = arith.constant 6 : i32
      %mul3A_690 = arith.muli %scan3A_553, %mul3A_689 : i32
      %add3A_691 = arith.constant 2 : i32
      %add3A_692 = arith.addi %mul3A_690, %add3A_691 : i32
      %dma_wait3A_693 = arith.constant 0 : i32
      %dma_wait3A_694 = arith.constant 0 : i32
      %dma_wait3A_695 = tpu.memref_slice %arg2[%dma_wait3A_693, %dma_wait3A_694] : memref<10000x128xf32, #tpu.memory_space<hbm>> -> memref<10000x128xf32, #tpu.memory_space<hbm>>
      tpu.wait_indirect_dma semaphore(%arg42 : memref<!tpu.dma_semaphore, #tpu.memory_space<semaphore_mem>>) src(%dma_wait3A_695 : memref<10000x128xf32, #tpu.memory_space<hbm>>) dst(%arg22 : memref<40x128xf32, #tpu.memory_space<vmem>>)
      %mul3A_696 = arith.constant 40 : i32
      %mul3A_697 = arith.muli %add3A_692, %mul3A_696 : i32
      %add3A_698 = arith.addi %mul3A_2, %mul3A_697 : i32
      %dma_wait3A_699 = arith.constant 0 : i32
      %dma_wait3A_700 = tpu.memref_slice %arg5[%add3A_698, %dma_wait3A_699] : memref<320000x128xf32, #tpu.memory_space<hbm>> -> memref<40x128xf32, #tpu.memory_space<hbm>>
      %dma_wait3A_701 = arith.constant 0 : i32
      %dma_wait3A_702 = tpu.memref_slice %arg5[%add3A_698, %dma_wait3A_701] : memref<320000x128xf32, #tpu.memory_space<hbm>> -> memref<40x128xf32, #tpu.memory_space<hbm>>
      tpu.wait_dma2 semaphore(%arg45 : memref<!tpu.dma_semaphore, #tpu.memory_space<semaphore_mem>>) src(%dma_wait3A_702 : memref<40x128xf32, #tpu.memory_space<hbm>>) dst(%arg25 : memref<40x128xf32, #tpu.memory_space<vmem>>)
      %dma_wait3A_703 = arith.constant 0 : i32
      %dma_wait3A_704 = arith.constant 0 : i32
      %dma_wait3A_705 = tpu.memref_slice %arg7[%dma_wait3A_703, %dma_wait3A_704] : memref<10240x128xf32, #tpu.memory_space<vmem_shared>> -> memref<10240x128xf32, #tpu.memory_space<vmem_shared>>
      tpu.wait_indirect_dma semaphore(%arg46 : memref<!tpu.dma_semaphore, #tpu.memory_space<semaphore_mem>>) src(%arg26 : memref<40x128xf32, #tpu.memory_space<vmem>>) dst(%dma_wait3A_705 : memref<10240x128xf32, #tpu.memory_space<vmem_shared>>)
      %add3A_706 = arith.constant 3 : i32
      %add3A_707 = arith.addi %add3A_692, %add3A_706 : i32
      %mul3A_708 = arith.constant 40 : i32
      %mul3A_709 = arith.muli %add3A_707, %mul3A_708 : i32
      %add3A_710 = arith.addi %mul3A_2, %mul3A_709 : i32
      %dma_start3A_711 = tpu.memref_slice %arg3[%add3A_710] : memref<320000xi32, #tpu.memory_space<hbm>> -> memref<40xi32, #tpu.memory_space<hbm>>
      %dma_start3A_712 = tpu.memref_slice %arg3[%add3A_710] : memref<320000xi32, #tpu.memory_space<hbm>> -> memref<40xi32, #tpu.memory_space<hbm>>
      tpu.enqueue_dma source(%dma_start3A_712 : memref<40xi32, #tpu.memory_space<hbm>>) target(%arg13 : memref<40xi32, #tpu.memory_space<vmem>>) target_semaphore(%arg33 : memref<!tpu.dma_semaphore, #tpu.memory_space<semaphore_mem>>)
      %add3A_713 = arith.constant 3 : i32
      %add3A_714 = arith.addi %add3A_692, %add3A_713 : i32
      %mul3A_715 = arith.constant 40 : i32
      %mul3A_716 = arith.muli %add3A_714, %mul3A_715 : i32
      %add3A_717 = arith.addi %mul3A_2, %mul3A_716 : i32
      %dma_start3A_718 = tpu.memref_slice %arg4[%add3A_717] : memref<320000xi32, #tpu.memory_space<hbm>> -> memref<40xi32, #tpu.memory_space<hbm>>
      %dma_start3A_719 = tpu.memref_slice %arg4[%add3A_717] : memref<320000xi32, #tpu.memory_space<hbm>> -> memref<40xi32, #tpu.memory_space<hbm>>
      tpu.enqueue_dma source(%dma_start3A_719 : memref<40xi32, #tpu.memory_space<hbm>>) target(%arg19 : memref<40xi32, #tpu.memory_space<vmem>>) target_semaphore(%arg39 : memref<!tpu.dma_semaphore, #tpu.memory_space<semaphore_mem>>)
      %add3A_720 = arith.constant 2 : i32
      %add3A_721 = arith.addi %add3A_692, %add3A_720 : i32
      %mul3A_722 = arith.constant 40 : i32
      %mul3A_723 = arith.muli %add3A_721, %mul3A_722 : i32
      %add3A_724 = arith.addi %mul3A_2, %mul3A_723 : i32
      %dma_wait3A_725 = tpu.memref_slice %arg3[%add3A_724] : memref<320000xi32, #tpu.memory_space<hbm>> -> memref<40xi32, #tpu.memory_space<hbm>>
      %dma_wait3A_726 = tpu.memref_slice %arg3[%add3A_724] : memref<320000xi32, #tpu.memory_space<hbm>> -> memref<40xi32, #tpu.memory_space<hbm>>
      tpu.wait_dma2 semaphore(%arg32 : memref<!tpu.dma_semaphore, #tpu.memory_space<semaphore_mem>>) src(%dma_wait3A_726 : memref<40xi32, #tpu.memory_space<hbm>>) dst(%arg12 : memref<40xi32, #tpu.memory_space<vmem>>)
      %add3A_727 = arith.constant 2 : i32
      %add3A_728 = arith.addi %add3A_692, %add3A_727 : i32
      %mul3A_729 = arith.constant 40 : i32
      %mul3A_730 = arith.muli %add3A_728, %mul3A_729 : i32
      %add3A_731 = arith.addi %mul3A_2, %mul3A_730 : i32
      %dma_wait3A_732 = tpu.memref_slice %arg4[%add3A_731] : memref<320000xi32, #tpu.memory_space<hbm>> -> memref<40xi32, #tpu.memory_space<hbm>>
      %dma_wait3A_733 = tpu.memref_slice %arg4[%add3A_731] : memref<320000xi32, #tpu.memory_space<hbm>> -> memref<40xi32, #tpu.memory_space<hbm>>
      tpu.wait_dma2 semaphore(%arg38 : memref<!tpu.dma_semaphore, #tpu.memory_space<semaphore_mem>>) src(%dma_wait3A_733 : memref<40xi32, #tpu.memory_space<hbm>>) dst(%arg18 : memref<40xi32, #tpu.memory_space<vmem>>)
      %dma_start3A_734 = arith.constant 0 : i32
      %dma_start3A_735 = arith.constant 0 : i32
      %dma_start3A_736 = tpu.memref_slice %arg2[%dma_start3A_734, %dma_start3A_735] : memref<10000x128xf32, #tpu.memory_space<hbm>> -> memref<10000x128xf32, #tpu.memory_space<hbm>>
      tpu.enqueue_indirect_dma source(%dma_start3A_736 : memref<10000x128xf32, #tpu.memory_space<hbm>>) target(%arg21 : memref<40x128xf32, #tpu.memory_space<vmem>>) offsets(%arg12 : memref<40xi32, #tpu.memory_space<vmem>>) semaphore(%arg41 : memref<!tpu.dma_semaphore, #tpu.memory_space<semaphore_mem>>)
      %add3A_737 = arith.constant 2 : i32
      %add3A_738 = arith.addi %add3A_692, %add3A_737 : i32
      %mul3A_739 = arith.constant 40 : i32
      %mul3A_740 = arith.muli %add3A_738, %mul3A_739 : i32
      %add3A_741 = arith.addi %mul3A_2, %mul3A_740 : i32
      %dma_start3A_742 = arith.constant 0 : i32
      %dma_start3A_743 = tpu.memref_slice %arg5[%add3A_741, %dma_start3A_742] : memref<320000x128xf32, #tpu.memory_space<hbm>> -> memref<40x128xf32, #tpu.memory_space<hbm>>
      %dma_start3A_744 = arith.constant 0 : i32
      %dma_start3A_745 = tpu.memref_slice %arg5[%add3A_741, %dma_start3A_744] : memref<320000x128xf32, #tpu.memory_space<hbm>> -> memref<40x128xf32, #tpu.memory_space<hbm>>
      tpu.enqueue_dma source(%dma_start3A_745 : memref<40x128xf32, #tpu.memory_space<hbm>>) target(%arg24 : memref<40x128xf32, #tpu.memory_space<vmem>>) target_semaphore(%arg44 : memref<!tpu.dma_semaphore, #tpu.memory_space<semaphore_mem>>)
      %scan3A_746 = arith.constant 0 : i32
      %scan3A_747 = arith.constant 0 : i32
      %scan3A_748 = arith.constant 40 : i32
      %scan3A_749 = arith.addi %scan3A_747, %scan3A_748 : i32
      %scan3A_750 = arith.constant 1 : i32
      %scan3A_751 = scf.for %scan3A_958 = %scan3A_747 to %scan3A_749 step %scan3A_750 iter_args(%scan3A_959 = %scan3A_746) -> (i32)  : i32 {
        %get3A = arith.index_cast %scan3A_958 : i32 to index
        %get3A_960 = arith.constant 0 : index
        %get3A_961 = tpu.vector_load %arg25[%get3A, %get3A_960] {strides = array<i32>} : memref<40x128xf32, #tpu.memory_space<vmem>>, vector<1x16xf32>,
        %get3A_962 = vector.shape_cast %get3A_961 : vector<1x16xf32> to vector<16xf32>
        %get3A_963 = arith.index_cast %scan3A_958 : i32 to index
        %get3A_964 = arith.constant 0 : index
        %get3A_965 = tpu.vector_load %arg22[%get3A_963, %get3A_964] {strides = array<i32>} : memref<40x128xf32, #tpu.memory_space<vmem>>, vector<1x16xf32>,
        %get3A_966 = vector.shape_cast %get3A_965 : vector<1x16xf32> to vector<16xf32>
        %add3A_967 = arith.addf %get3A_962, %get3A_966 : vector<16xf32>
        %max3A = arith.constant 0.000000e+00 : f32
        %max3A_968 = vector.broadcast %max3A : f32 to vector<16xf32>
        %max3A_969 = arith.maximumf %add3A_967, %max3A_968 : vector<16xf32>
        %swap3A = arith.index_cast %scan3A_958 : i32 to index
        %swap3A_970 = arith.constant 0 : index
        %swap3A_971 = tpu.vector_load %arg26[%swap3A, %swap3A_970] {strides = array<i32>} : memref<40x128xf32, #tpu.memory_space<vmem>>, vector<1x16xf32>,
        %swap3A_972 = vector.shape_cast %swap3A_971 : vector<1x16xf32> to vector<16xf32>
        %swap3A_973 = vector.shape_cast %max3A_969 : vector<16xf32> to vector<1x16xf32>
        tpu.vector_store %arg26[%swap3A, %swap3A_970], %swap3A_973 {strides = array<i32>} : memref<40x128xf32, #tpu.memory_space<vmem>>, vector<1x16xf32>,
        %get3A_974 = arith.index_cast %scan3A_958 : i32 to index
        %get3A_975 = arith.constant 16 : index
        %get3A_976 = tpu.vector_load %arg25[%get3A_974, %get3A_975] {strides = array<i32>} : memref<40x128xf32, #tpu.memory_space<vmem>>, vector<1x16xf32>,
        %get3A_977 = vector.shape_cast %get3A_976 : vector<1x16xf32> to vector<16xf32>
        %get3A_978 = arith.index_cast %scan3A_958 : i32 to index
        %get3A_979 = arith.constant 16 : index
        %get3A_980 = tpu.vector_load %arg22[%get3A_978, %get3A_979] {strides = array<i32>} : memref<40x128xf32, #tpu.memory_space<vmem>>, vector<1x16xf32>,
        %get3A_981 = vector.shape_cast %get3A_980 : vector<1x16xf32> to vector<16xf32>
        %add3A_982 = arith.addf %get3A_977, %get3A_981 : vector<16xf32>
        %max3A_983 = arith.constant 0.000000e+00 : f32
        %max3A_984 = vector.broadcast %max3A_983 : f32 to vector<16xf32>
        %max3A_985 = arith.maximumf %add3A_982, %max3A_984 : vector<16xf32>
        %swap3A_986 = arith.index_cast %scan3A_958 : i32 to index
        %swap3A_987 = arith.constant 16 : index
        %swap3A_988 = tpu.vector_load %arg26[%swap3A_986, %swap3A_987] {strides = array<i32>} : memref<40x128xf32, #tpu.memory_space<vmem>>, vector<1x16xf32>,
        %swap3A_989 = vector.shape_cast %swap3A_988 : vector<1x16xf32> to vector<16xf32>
        %swap3A_990 = vector.shape_cast %max3A_985 : vector<16xf32> to vector<1x16xf32>
        tpu.vector_store %arg26[%swap3A_986, %swap3A_987], %swap3A_990 {strides = array<i32>} : memref<40x128xf32, #tpu.memory_space<vmem>>, vector<1x16xf32>,
        %get3A_991 = arith.index_cast %scan3A_958 : i32 to index
        %get3A_992 = arith.constant 32 : index
        %get3A_993 = tpu.vector_load %arg25[%get3A_991, %get3A_992] {strides = array<i32>} : memref<40x128xf32, #tpu.memory_space<vmem>>, vector<1x16xf32>,
        %get3A_994 = vector.shape_cast %get3A_993 : vector<1x16xf32> to vector<16xf32>
        %get3A_995 = arith.index_cast %scan3A_958 : i32 to index
        %get3A_996 = arith.constant 32 : index
        %get3A_997 = tpu.vector_load %arg22[%get3A_995, %get3A_996] {strides = array<i32>} : memref<40x128xf32, #tpu.memory_space<vmem>>, vector<1x16xf32>,
        %get3A_998 = vector.shape_cast %get3A_997 : vector<1x16xf32> to vector<16xf32>
        %add3A_999 = arith.addf %get3A_994, %get3A_998 : vector<16xf32>
        %max3A_1000 = arith.constant 0.000000e+00 : f32
        %max3A_1001 = vector.broadcast %max3A_1000 : f32 to vector<16xf32>
        %max3A_1002 = arith.maximumf %add3A_999, %max3A_1001 : vector<16xf32>
        %swap3A_1003 = arith.index_cast %scan3A_958 : i32 to index
        %swap3A_1004 = arith.constant 32 : index
        %swap3A_1005 = tpu.vector_load %arg26[%swap3A_1003, %swap3A_1004] {strides = array<i32>} : memref<40x128xf32, #tpu.memory_space<vmem>>, vector<1x16xf32>,
        %swap3A_1006 = vector.shape_cast %swap3A_1005 : vector<1x16xf32> to vector<16xf32>
        %swap3A_1007 = vector.shape_cast %max3A_1002 : vector<16xf32> to vector<1x16xf32>
        tpu.vector_store %arg26[%swap3A_1003, %swap3A_1004], %swap3A_1007 {strides = array<i32>} : memref<40x128xf32, #tpu.memory_space<vmem>>, vector<1x16xf32>,
        %get3A_1008 = arith.index_cast %scan3A_958 : i32 to index
        %get3A_1009 = arith.constant 48 : index
        %get3A_1010 = tpu.vector_load %arg25[%get3A_1008, %get3A_1009] {strides = array<i32>} : memref<40x128xf32, #tpu.memory_space<vmem>>, vector<1x16xf32>,
        %get3A_1011 = vector.shape_cast %get3A_1010 : vector<1x16xf32> to vector<16xf32>
        %get3A_1012 = arith.index_cast %scan3A_958 : i32 to index
        %get3A_1013 = arith.constant 48 : index
        %get3A_1014 = tpu.vector_load %arg22[%get3A_1012, %get3A_1013] {strides = array<i32>} : memref<40x128xf32, #tpu.memory_space<vmem>>, vector<1x16xf32>,
        %get3A_1015 = vector.shape_cast %get3A_1014 : vector<1x16xf32> to vector<16xf32>
        %add3A_1016 = arith.addf %get3A_1011, %get3A_1015 : vector<16xf32>
        %max3A_1017 = arith.constant 0.000000e+00 : f32
        %max3A_1018 = vector.broadcast %max3A_1017 : f32 to vector<16xf32>
        %max3A_1019 = arith.maximumf %add3A_1016, %max3A_1018 : vector<16xf32>
        %swap3A_1020 = arith.index_cast %scan3A_958 : i32 to index
        %swap3A_1021 = arith.constant 48 : index
        %swap3A_1022 = tpu.vector_load %arg26[%swap3A_1020, %swap3A_1021] {strides = array<i32>} : memref<40x128xf32, #tpu.memory_space<vmem>>, vector<1x16xf32>,
        %swap3A_1023 = vector.shape_cast %swap3A_1022 : vector<1x16xf32> to vector<16xf32>
        %swap3A_1024 = vector.shape_cast %max3A_1019 : vector<16xf32> to vector<1x16xf32>
        tpu.vector_store %arg26[%swap3A_1020, %swap3A_1021], %swap3A_1024 {strides = array<i32>} : memref<40x128xf32, #tpu.memory_space<vmem>>, vector<1x16xf32>,
        %get3A_1025 = arith.index_cast %scan3A_958 : i32 to index
        %get3A_1026 = arith.constant 64 : index
        %get3A_1027 = tpu.vector_load %arg25[%get3A_1025, %get3A_1026] {strides = array<i32>} : memref<40x128xf32, #tpu.memory_space<vmem>>, vector<1x16xf32>,
        %get3A_1028 = vector.shape_cast %get3A_1027 : vector<1x16xf32> to vector<16xf32>
        %get3A_1029 = arith.index_cast %scan3A_958 : i32 to index
        %get3A_1030 = arith.constant 64 : index
        %get3A_1031 = tpu.vector_load %arg22[%get3A_1029, %get3A_1030] {strides = array<i32>} : memref<40x128xf32, #tpu.memory_space<vmem>>, vector<1x16xf32>,
        %get3A_1032 = vector.shape_cast %get3A_1031 : vector<1x16xf32> to vector<16xf32>
        %add3A_1033 = arith.addf %get3A_1028, %get3A_1032 : vector<16xf32>
        %max3A_1034 = arith.constant 0.000000e+00 : f32
        %max3A_1035 = vector.broadcast %max3A_1034 : f32 to vector<16xf32>
        %max3A_1036 = arith.maximumf %add3A_1033, %max3A_1035 : vector<16xf32>
        %swap3A_1037 = arith.index_cast %scan3A_958 : i32 to index
        %swap3A_1038 = arith.constant 64 : index
        %swap3A_1039 = tpu.vector_load %arg26[%swap3A_1037, %swap3A_1038] {strides = array<i32>} : memref<40x128xf32, #tpu.memory_space<vmem>>, vector<1x16xf32>,
        %swap3A_1040 = vector.shape_cast %swap3A_1039 : vector<1x16xf32> to vector<16xf32>
        %swap3A_1041 = vector.shape_cast %max3A_1036 : vector<16xf32> to vector<1x16xf32>
        tpu.vector_store %arg26[%swap3A_1037, %swap3A_1038], %swap3A_1041 {strides = array<i32>} : memref<40x128xf32, #tpu.memory_space<vmem>>, vector<1x16xf32>,
        %get3A_1042 = arith.index_cast %scan3A_958 : i32 to index
        %get3A_1043 = arith.constant 80 : index
        %get3A_1044 = tpu.vector_load %arg25[%get3A_1042, %get3A_1043] {strides = array<i32>} : memref<40x128xf32, #tpu.memory_space<vmem>>, vector<1x16xf32>,
        %get3A_1045 = vector.shape_cast %get3A_1044 : vector<1x16xf32> to vector<16xf32>
        %get3A_1046 = arith.index_cast %scan3A_958 : i32 to index
        %get3A_1047 = arith.constant 80 : index
        %get3A_1048 = tpu.vector_load %arg22[%get3A_1046, %get3A_1047] {strides = array<i32>} : memref<40x128xf32, #tpu.memory_space<vmem>>, vector<1x16xf32>,
        %get3A_1049 = vector.shape_cast %get3A_1048 : vector<1x16xf32> to vector<16xf32>
        %add3A_1050 = arith.addf %get3A_1045, %get3A_1049 : vector<16xf32>
        %max3A_1051 = arith.constant 0.000000e+00 : f32
        %max3A_1052 = vector.broadcast %max3A_1051 : f32 to vector<16xf32>
        %max3A_1053 = arith.maximumf %add3A_1050, %max3A_1052 : vector<16xf32>
        %swap3A_1054 = arith.index_cast %scan3A_958 : i32 to index
        %swap3A_1055 = arith.constant 80 : index
        %swap3A_1056 = tpu.vector_load %arg26[%swap3A_1054, %swap3A_1055] {strides = array<i32>} : memref<40x128xf32, #tpu.memory_space<vmem>>, vector<1x16xf32>,
        %swap3A_1057 = vector.shape_cast %swap3A_1056 : vector<1x16xf32> to vector<16xf32>
        %swap3A_1058 = vector.shape_cast %max3A_1053 : vector<16xf32> to vector<1x16xf32>
        tpu.vector_store %arg26[%swap3A_1054, %swap3A_1055], %swap3A_1058 {strides = array<i32>} : memref<40x128xf32, #tpu.memory_space<vmem>>, vector<1x16xf32>,
        %get3A_1059 = arith.index_cast %scan3A_958 : i32 to index
        %get3A_1060 = arith.constant 96 : index
        %get3A_1061 = tpu.vector_load %arg25[%get3A_1059, %get3A_1060] {strides = array<i32>} : memref<40x128xf32, #tpu.memory_space<vmem>>, vector<1x16xf32>,
        %get3A_1062 = vector.shape_cast %get3A_1061 : vector<1x16xf32> to vector<16xf32>
        %get3A_1063 = arith.index_cast %scan3A_958 : i32 to index
        %get3A_1064 = arith.constant 96 : index
        %get3A_1065 = tpu.vector_load %arg22[%get3A_1063, %get3A_1064] {strides = array<i32>} : memref<40x128xf32, #tpu.memory_space<vmem>>, vector<1x16xf32>,
        %get3A_1066 = vector.shape_cast %get3A_1065 : vector<1x16xf32> to vector<16xf32>
        %add3A_1067 = arith.addf %get3A_1062, %get3A_1066 : vector<16xf32>
        %max3A_1068 = arith.constant 0.000000e+00 : f32
        %max3A_1069 = vector.broadcast %max3A_1068 : f32 to vector<16xf32>
        %max3A_1070 = arith.maximumf %add3A_1067, %max3A_1069 : vector<16xf32>
        %swap3A_1071 = arith.index_cast %scan3A_958 : i32 to index
        %swap3A_1072 = arith.constant 96 : index
        %swap3A_1073 = tpu.vector_load %arg26[%swap3A_1071, %swap3A_1072] {strides = array<i32>} : memref<40x128xf32, #tpu.memory_space<vmem>>, vector<1x16xf32>,
        %swap3A_1074 = vector.shape_cast %swap3A_1073 : vector<1x16xf32> to vector<16xf32>
        %swap3A_1075 = vector.shape_cast %max3A_1070 : vector<16xf32> to vector<1x16xf32>
        tpu.vector_store %arg26[%swap3A_1071, %swap3A_1072], %swap3A_1075 {strides = array<i32>} : memref<40x128xf32, #tpu.memory_space<vmem>>, vector<1x16xf32>,
        %get3A_1076 = arith.index_cast %scan3A_958 : i32 to index
        %get3A_1077 = arith.constant 112 : index
        %get3A_1078 = tpu.vector_load %arg25[%get3A_1076, %get3A_1077] {strides = array<i32>} : memref<40x128xf32, #tpu.memory_space<vmem>>, vector<1x16xf32>,
        %get3A_1079 = vector.shape_cast %get3A_1078 : vector<1x16xf32> to vector<16xf32>
        %get3A_1080 = arith.index_cast %scan3A_958 : i32 to index
        %get3A_1081 = arith.constant 112 : index
        %get3A_1082 = tpu.vector_load %arg22[%get3A_1080, %get3A_1081] {strides = array<i32>} : memref<40x128xf32, #tpu.memory_space<vmem>>, vector<1x16xf32>,
        %get3A_1083 = vector.shape_cast %get3A_1082 : vector<1x16xf32> to vector<16xf32>
        %add3A_1084 = arith.addf %get3A_1079, %get3A_1083 : vector<16xf32>
        %max3A_1085 = arith.constant 0.000000e+00 : f32
        %max3A_1086 = vector.broadcast %max3A_1085 : f32 to vector<16xf32>
        %max3A_1087 = arith.maximumf %add3A_1084, %max3A_1086 : vector<16xf32>
        %swap3A_1088 = arith.index_cast %scan3A_958 : i32 to index
        %swap3A_1089 = arith.constant 112 : index
        %swap3A_1090 = tpu.vector_load %arg26[%swap3A_1088, %swap3A_1089] {strides = array<i32>} : memref<40x128xf32, #tpu.memory_space<vmem>>, vector<1x16xf32>,
        %swap3A_1091 = vector.shape_cast %swap3A_1090 : vector<1x16xf32> to vector<16xf32>
        %swap3A_1092 = vector.shape_cast %max3A_1087 : vector<16xf32> to vector<1x16xf32>
        tpu.vector_store %arg26[%swap3A_1088, %swap3A_1089], %swap3A_1092 {strides = array<i32>} : memref<40x128xf32, #tpu.memory_space<vmem>>, vector<1x16xf32>,
        %scan3A_1093 = arith.constant 0 : i32
        scf.yield %scan3A_1093 : i32
      }
      %scan3A_752 = arith.constant 40 : i32
      %dma_start3A_753 = arith.constant 0 : i32
      %dma_start3A_754 = arith.constant 0 : i32
      %dma_start3A_755 = tpu.memref_slice %arg7[%dma_start3A_753, %dma_start3A_754] : memref<10240x128xf32, #tpu.memory_space<vmem_shared>> -> memref<10240x128xf32, #tpu.memory_space<vmem_shared>>
      tpu.enqueue_indirect_dma source(%arg26 : memref<40x128xf32, #tpu.memory_space<vmem>>) target(%dma_start3A_755 : memref<10240x128xf32, #tpu.memory_space<vmem_shared>>) offsets(%arg16 : memref<40xi32, #tpu.memory_space<vmem>>) semaphore(%arg46 : memref<!tpu.dma_semaphore, #tpu.memory_space<semaphore_mem>>) {add = true}
      %mul3A_756 = arith.constant 6 : i32
      %mul3A_757 = arith.muli %scan3A_553, %mul3A_756 : i32
      %add3A_758 = arith.constant 3 : i32
      %add3A_759 = arith.addi %mul3A_757, %add3A_758 : i32
      %dma_wait3A_760 = arith.constant 0 : i32
      %dma_wait3A_761 = arith.constant 0 : i32
      %dma_wait3A_762 = tpu.memref_slice %arg2[%dma_wait3A_760, %dma_wait3A_761] : memref<10000x128xf32, #tpu.memory_space<hbm>> -> memref<10000x128xf32, #tpu.memory_space<hbm>>
      tpu.wait_indirect_dma semaphore(%arg40 : memref<!tpu.dma_semaphore, #tpu.memory_space<semaphore_mem>>) src(%dma_wait3A_762 : memref<10000x128xf32, #tpu.memory_space<hbm>>) dst(%arg20 : memref<40x128xf32, #tpu.memory_space<vmem>>)
      %mul3A_763 = arith.constant 40 : i32
      %mul3A_764 = arith.muli %add3A_759, %mul3A_763 : i32
      %add3A_765 = arith.addi %mul3A_2, %mul3A_764 : i32
      %dma_wait3A_766 = arith.constant 0 : i32
      %dma_wait3A_767 = tpu.memref_slice %arg5[%add3A_765, %dma_wait3A_766] : memref<320000x128xf32, #tpu.memory_space<hbm>> -> memref<40x128xf32, #tpu.memory_space<hbm>>
      %dma_wait3A_768 = arith.constant 0 : i32
      %dma_wait3A_769 = tpu.memref_slice %arg5[%add3A_765, %dma_wait3A_768] : memref<320000x128xf32, #tpu.memory_space<hbm>> -> memref<40x128xf32, #tpu.memory_space<hbm>>
      tpu.wait_dma2 semaphore(%arg43 : memref<!tpu.dma_semaphore, #tpu.memory_space<semaphore_mem>>) src(%dma_wait3A_769 : memref<40x128xf32, #tpu.memory_space<hbm>>) dst(%arg23 : memref<40x128xf32, #tpu.memory_space<vmem>>)
      %dma_wait3A_770 = arith.constant 0 : i32
      %dma_wait3A_771 = arith.constant 0 : i32
      %dma_wait3A_772 = tpu.memref_slice %arg7[%dma_wait3A_770, %dma_wait3A_771] : memref<10240x128xf32, #tpu.memory_space<vmem_shared>> -> memref<10240x128xf32, #tpu.memory_space<vmem_shared>>
      tpu.wait_indirect_dma semaphore(%arg47 : memref<!tpu.dma_semaphore, #tpu.memory_space<semaphore_mem>>) src(%arg27 : memref<40x128xf32, #tpu.memory_space<vmem>>) dst(%dma_wait3A_772 : memref<10240x128xf32, #tpu.memory_space<vmem_shared>>)
      %add3A_773 = arith.constant 3 : i32
      %add3A_774 = arith.addi %add3A_759, %add3A_773 : i32
      %mul3A_775 = arith.constant 40 : i32
      %mul3A_776 = arith.muli %add3A_774, %mul3A_775 : i32
      %add3A_777 = arith.addi %mul3A_2, %mul3A_776 : i32
      %dma_start3A_778 = tpu.memref_slice %arg3[%add3A_777] : memref<320000xi32, #tpu.memory_space<hbm>> -> memref<40xi32, #tpu.memory_space<hbm>>
      %dma_start3A_779 = tpu.memref_slice %arg3[%add3A_777] : memref<320000xi32, #tpu.memory_space<hbm>> -> memref<40xi32, #tpu.memory_space<hbm>>
      tpu.enqueue_dma source(%dma_start3A_779 : memref<40xi32, #tpu.memory_space<hbm>>) target(%arg8 : memref<40xi32, #tpu.memory_space<vmem>>) target_semaphore(%arg28 : memref<!tpu.dma_semaphore, #tpu.memory_space<semaphore_mem>>)
      %add3A_780 = arith.constant 3 : i32
      %add3A_781 = arith.addi %add3A_759, %add3A_780 : i32
      %mul3A_782 = arith.constant 40 : i32
      %mul3A_783 = arith.muli %add3A_781, %mul3A_782 : i32
      %add3A_784 = arith.addi %mul3A_2, %mul3A_783 : i32
      %dma_start3A_785 = tpu.memref_slice %arg4[%add3A_784] : memref<320000xi32, #tpu.memory_space<hbm>> -> memref<40xi32, #tpu.memory_space<hbm>>
      %dma_start3A_786 = tpu.memref_slice %arg4[%add3A_784] : memref<320000xi32, #tpu.memory_space<hbm>> -> memref<40xi32, #tpu.memory_space<hbm>>
      tpu.enqueue_dma source(%dma_start3A_786 : memref<40xi32, #tpu.memory_space<hbm>>) target(%arg14 : memref<40xi32, #tpu.memory_space<vmem>>) target_semaphore(%arg34 : memref<!tpu.dma_semaphore, #tpu.memory_space<semaphore_mem>>)
      %add3A_787 = arith.constant 2 : i32
      %add3A_788 = arith.addi %add3A_759, %add3A_787 : i32
      %mul3A_789 = arith.constant 40 : i32
      %mul3A_790 = arith.muli %add3A_788, %mul3A_789 : i32
      %add3A_791 = arith.addi %mul3A_2, %mul3A_790 : i32
      %dma_wait3A_792 = tpu.memref_slice %arg3[%add3A_791] : memref<320000xi32, #tpu.memory_space<hbm>> -> memref<40xi32, #tpu.memory_space<hbm>>
      %dma_wait3A_793 = tpu.memref_slice %arg3[%add3A_791] : memref<320000xi32, #tpu.memory_space<hbm>> -> memref<40xi32, #tpu.memory_space<hbm>>
      tpu.wait_dma2 semaphore(%arg33 : memref<!tpu.dma_semaphore, #tpu.memory_space<semaphore_mem>>) src(%dma_wait3A_793 : memref<40xi32, #tpu.memory_space<hbm>>) dst(%arg13 : memref<40xi32, #tpu.memory_space<vmem>>)
      %add3A_794 = arith.constant 2 : i32
      %add3A_795 = arith.addi %add3A_759, %add3A_794 : i32
      %mul3A_796 = arith.constant 40 : i32
      %mul3A_797 = arith.muli %add3A_795, %mul3A_796 : i32
      %add3A_798 = arith.addi %mul3A_2, %mul3A_797 : i32
      %dma_wait3A_799 = tpu.memref_slice %arg4[%add3A_798] : memref<320000xi32, #tpu.memory_space<hbm>> -> memref<40xi32, #tpu.memory_space<hbm>>
      %dma_wait3A_800 = tpu.memref_slice %arg4[%add3A_798] : memref<320000xi32, #tpu.memory_space<hbm>> -> memref<40xi32, #tpu.memory_space<hbm>>
      tpu.wait_dma2 semaphore(%arg39 : memref<!tpu.dma_semaphore, #tpu.memory_space<semaphore_mem>>) src(%dma_wait3A_800 : memref<40xi32, #tpu.memory_space<hbm>>) dst(%arg19 : memref<40xi32, #tpu.memory_space<vmem>>)
      %dma_start3A_801 = arith.constant 0 : i32
      %dma_start3A_802 = arith.constant 0 : i32
      %dma_start3A_803 = tpu.memref_slice %arg2[%dma_start3A_801, %dma_start3A_802] : memref<10000x128xf32, #tpu.memory_space<hbm>> -> memref<10000x128xf32, #tpu.memory_space<hbm>>
      tpu.enqueue_indirect_dma source(%dma_start3A_803 : memref<10000x128xf32, #tpu.memory_space<hbm>>) target(%arg22 : memref<40x128xf32, #tpu.memory_space<vmem>>) offsets(%arg13 : memref<40xi32, #tpu.memory_space<vmem>>) semaphore(%arg42 : memref<!tpu.dma_semaphore, #tpu.memory_space<semaphore_mem>>)
      %add3A_804 = arith.constant 2 : i32
      %add3A_805 = arith.addi %add3A_759, %add3A_804 : i32
      %mul3A_806 = arith.constant 40 : i32
      %mul3A_807 = arith.muli %add3A_805, %mul3A_806 : i32
      %add3A_808 = arith.addi %mul3A_2, %mul3A_807 : i32
      %dma_start3A_809 = arith.constant 0 : i32
      %dma_start3A_810 = tpu.memref_slice %arg5[%add3A_808, %dma_start3A_809] : memref<320000x128xf32, #tpu.memory_space<hbm>> -> memref<40x128xf32, #tpu.memory_space<hbm>>
      %dma_start3A_811 = arith.constant 0 : i32
      %dma_start3A_812 = tpu.memref_slice %arg5[%add3A_808, %dma_start3A_811] : memref<320000x128xf32, #tpu.memory_space<hbm>> -> memref<40x128xf32, #tpu.memory_space<hbm>>
      tpu.enqueue_dma source(%dma_start3A_812 : memref<40x128xf32, #tpu.memory_space<hbm>>) target(%arg25 : memref<40x128xf32, #tpu.memory_space<vmem>>) target_semaphore(%arg45 : memref<!tpu.dma_semaphore, #tpu.memory_space<semaphore_mem>>)
      %scan3A_813 = arith.constant 0 : i32
      %scan3A_814 = arith.constant 0 : i32
      %scan3A_815 = arith.constant 40 : i32
      %scan3A_816 = arith.addi %scan3A_814, %scan3A_815 : i32
      %scan3A_817 = arith.constant 1 : i32
      %scan3A_818 = scf.for %scan3A_958 = %scan3A_814 to %scan3A_816 step %scan3A_817 iter_args(%scan3A_959 = %scan3A_813) -> (i32)  : i32 {
        %get3A = arith.index_cast %scan3A_958 : i32 to index
        %get3A_960 = arith.constant 0 : index
        %get3A_961 = tpu.vector_load %arg23[%get3A, %get3A_960] {strides = array<i32>} : memref<40x128xf32, #tpu.memory_space<vmem>>, vector<1x16xf32>,
        %get3A_962 = vector.shape_cast %get3A_961 : vector<1x16xf32> to vector<16xf32>
        %get3A_963 = arith.index_cast %scan3A_958 : i32 to index
        %get3A_964 = arith.constant 0 : index
        %get3A_965 = tpu.vector_load %arg20[%get3A_963, %get3A_964] {strides = array<i32>} : memref<40x128xf32, #tpu.memory_space<vmem>>, vector<1x16xf32>,
        %get3A_966 = vector.shape_cast %get3A_965 : vector<1x16xf32> to vector<16xf32>
        %add3A_967 = arith.addf %get3A_962, %get3A_966 : vector<16xf32>
        %max3A = arith.constant 0.000000e+00 : f32
        %max3A_968 = vector.broadcast %max3A : f32 to vector<16xf32>
        %max3A_969 = arith.maximumf %add3A_967, %max3A_968 : vector<16xf32>
        %swap3A = arith.index_cast %scan3A_958 : i32 to index
        %swap3A_970 = arith.constant 0 : index
        %swap3A_971 = tpu.vector_load %arg27[%swap3A, %swap3A_970] {strides = array<i32>} : memref<40x128xf32, #tpu.memory_space<vmem>>, vector<1x16xf32>,
        %swap3A_972 = vector.shape_cast %swap3A_971 : vector<1x16xf32> to vector<16xf32>
        %swap3A_973 = vector.shape_cast %max3A_969 : vector<16xf32> to vector<1x16xf32>
        tpu.vector_store %arg27[%swap3A, %swap3A_970], %swap3A_973 {strides = array<i32>} : memref<40x128xf32, #tpu.memory_space<vmem>>, vector<1x16xf32>,
        %get3A_974 = arith.index_cast %scan3A_958 : i32 to index
        %get3A_975 = arith.constant 16 : index
        %get3A_976 = tpu.vector_load %arg23[%get3A_974, %get3A_975] {strides = array<i32>} : memref<40x128xf32, #tpu.memory_space<vmem>>, vector<1x16xf32>,
        %get3A_977 = vector.shape_cast %get3A_976 : vector<1x16xf32> to vector<16xf32>
        %get3A_978 = arith.index_cast %scan3A_958 : i32 to index
        %get3A_979 = arith.constant 16 : index
        %get3A_980 = tpu.vector_load %arg20[%get3A_978, %get3A_979] {strides = array<i32>} : memref<40x128xf32, #tpu.memory_space<vmem>>, vector<1x16xf32>,
        %get3A_981 = vector.shape_cast %get3A_980 : vector<1x16xf32> to vector<16xf32>
        %add3A_982 = arith.addf %get3A_977, %get3A_981 : vector<16xf32>
        %max3A_983 = arith.constant 0.000000e+00 : f32
        %max3A_984 = vector.broadcast %max3A_983 : f32 to vector<16xf32>
        %max3A_985 = arith.maximumf %add3A_982, %max3A_984 : vector<16xf32>
        %swap3A_986 = arith.index_cast %scan3A_958 : i32 to index
        %swap3A_987 = arith.constant 16 : index
        %swap3A_988 = tpu.vector_load %arg27[%swap3A_986, %swap3A_987] {strides = array<i32>} : memref<40x128xf32, #tpu.memory_space<vmem>>, vector<1x16xf32>,
        %swap3A_989 = vector.shape_cast %swap3A_988 : vector<1x16xf32> to vector<16xf32>
        %swap3A_990 = vector.shape_cast %max3A_985 : vector<16xf32> to vector<1x16xf32>
        tpu.vector_store %arg27[%swap3A_986, %swap3A_987], %swap3A_990 {strides = array<i32>} : memref<40x128xf32, #tpu.memory_space<vmem>>, vector<1x16xf32>,
        %get3A_991 = arith.index_cast %scan3A_958 : i32 to index
        %get3A_992 = arith.constant 32 : index
        %get3A_993 = tpu.vector_load %arg23[%get3A_991, %get3A_992] {strides = array<i32>} : memref<40x128xf32, #tpu.memory_space<vmem>>, vector<1x16xf32>,
        %get3A_994 = vector.shape_cast %get3A_993 : vector<1x16xf32> to vector<16xf32>
        %get3A_995 = arith.index_cast %scan3A_958 : i32 to index
        %get3A_996 = arith.constant 32 : index
        %get3A_997 = tpu.vector_load %arg20[%get3A_995, %get3A_996] {strides = array<i32>} : memref<40x128xf32, #tpu.memory_space<vmem>>, vector<1x16xf32>,
        %get3A_998 = vector.shape_cast %get3A_997 : vector<1x16xf32> to vector<16xf32>
        %add3A_999 = arith.addf %get3A_994, %get3A_998 : vector<16xf32>
        %max3A_1000 = arith.constant 0.000000e+00 : f32
        %max3A_1001 = vector.broadcast %max3A_1000 : f32 to vector<16xf32>
        %max3A_1002 = arith.maximumf %add3A_999, %max3A_1001 : vector<16xf32>
        %swap3A_1003 = arith.index_cast %scan3A_958 : i32 to index
        %swap3A_1004 = arith.constant 32 : index
        %swap3A_1005 = tpu.vector_load %arg27[%swap3A_1003, %swap3A_1004] {strides = array<i32>} : memref<40x128xf32, #tpu.memory_space<vmem>>, vector<1x16xf32>,
        %swap3A_1006 = vector.shape_cast %swap3A_1005 : vector<1x16xf32> to vector<16xf32>
        %swap3A_1007 = vector.shape_cast %max3A_1002 : vector<16xf32> to vector<1x16xf32>
        tpu.vector_store %arg27[%swap3A_1003, %swap3A_1004], %swap3A_1007 {strides = array<i32>} : memref<40x128xf32, #tpu.memory_space<vmem>>, vector<1x16xf32>,
        %get3A_1008 = arith.index_cast %scan3A_958 : i32 to index
        %get3A_1009 = arith.constant 48 : index
        %get3A_1010 = tpu.vector_load %arg23[%get3A_1008, %get3A_1009] {strides = array<i32>} : memref<40x128xf32, #tpu.memory_space<vmem>>, vector<1x16xf32>,
        %get3A_1011 = vector.shape_cast %get3A_1010 : vector<1x16xf32> to vector<16xf32>
        %get3A_1012 = arith.index_cast %scan3A_958 : i32 to index
        %get3A_1013 = arith.constant 48 : index
        %get3A_1014 = tpu.vector_load %arg20[%get3A_1012, %get3A_1013] {strides = array<i32>} : memref<40x128xf32, #tpu.memory_space<vmem>>, vector<1x16xf32>,
        %get3A_1015 = vector.shape_cast %get3A_1014 : vector<1x16xf32> to vector<16xf32>
        %add3A_1016 = arith.addf %get3A_1011, %get3A_1015 : vector<16xf32>
        %max3A_1017 = arith.constant 0.000000e+00 : f32
        %max3A_1018 = vector.broadcast %max3A_1017 : f32 to vector<16xf32>
        %max3A_1019 = arith.maximumf %add3A_1016, %max3A_1018 : vector<16xf32>
        %swap3A_1020 = arith.index_cast %scan3A_958 : i32 to index
        %swap3A_1021 = arith.constant 48 : index
        %swap3A_1022 = tpu.vector_load %arg27[%swap3A_1020, %swap3A_1021] {strides = array<i32>} : memref<40x128xf32, #tpu.memory_space<vmem>>, vector<1x16xf32>,
        %swap3A_1023 = vector.shape_cast %swap3A_1022 : vector<1x16xf32> to vector<16xf32>
        %swap3A_1024 = vector.shape_cast %max3A_1019 : vector<16xf32> to vector<1x16xf32>
        tpu.vector_store %arg27[%swap3A_1020, %swap3A_1021], %swap3A_1024 {strides = array<i32>} : memref<40x128xf32, #tpu.memory_space<vmem>>, vector<1x16xf32>,
        %get3A_1025 = arith.index_cast %scan3A_958 : i32 to index
        %get3A_1026 = arith.constant 64 : index
        %get3A_1027 = tpu.vector_load %arg23[%get3A_1025, %get3A_1026] {strides = array<i32>} : memref<40x128xf32, #tpu.memory_space<vmem>>, vector<1x16xf32>,
        %get3A_1028 = vector.shape_cast %get3A_1027 : vector<1x16xf32> to vector<16xf32>
        %get3A_1029 = arith.index_cast %scan3A_958 : i32 to index
        %get3A_1030 = arith.constant 64 : index
        %get3A_1031 = tpu.vector_load %arg20[%get3A_1029, %get3A_1030] {strides = array<i32>} : memref<40x128xf32, #tpu.memory_space<vmem>>, vector<1x16xf32>,
        %get3A_1032 = vector.shape_cast %get3A_1031 : vector<1x16xf32> to vector<16xf32>
        %add3A_1033 = arith.addf %get3A_1028, %get3A_1032 : vector<16xf32>
        %max3A_1034 = arith.constant 0.000000e+00 : f32
        %max3A_1035 = vector.broadcast %max3A_1034 : f32 to vector<16xf32>
        %max3A_1036 = arith.maximumf %add3A_1033, %max3A_1035 : vector<16xf32>
        %swap3A_1037 = arith.index_cast %scan3A_958 : i32 to index
        %swap3A_1038 = arith.constant 64 : index
        %swap3A_1039 = tpu.vector_load %arg27[%swap3A_1037, %swap3A_1038] {strides = array<i32>} : memref<40x128xf32, #tpu.memory_space<vmem>>, vector<1x16xf32>,
        %swap3A_1040 = vector.shape_cast %swap3A_1039 : vector<1x16xf32> to vector<16xf32>
        %swap3A_1041 = vector.shape_cast %max3A_1036 : vector<16xf32> to vector<1x16xf32>
        tpu.vector_store %arg27[%swap3A_1037, %swap3A_1038], %swap3A_1041 {strides = array<i32>} : memref<40x128xf32, #tpu.memory_space<vmem>>, vector<1x16xf32>,
        %get3A_1042 = arith.index_cast %scan3A_958 : i32 to index
        %get3A_1043 = arith.constant 80 : index
        %get3A_1044 = tpu.vector_load %arg23[%get3A_1042, %get3A_1043] {strides = array<i32>} : memref<40x128xf32, #tpu.memory_space<vmem>>, vector<1x16xf32>,
        %get3A_1045 = vector.shape_cast %get3A_1044 : vector<1x16xf32> to vector<16xf32>
        %get3A_1046 = arith.index_cast %scan3A_958 : i32 to index
        %get3A_1047 = arith.constant 80 : index
        %get3A_1048 = tpu.vector_load %arg20[%get3A_1046, %get3A_1047] {strides = array<i32>} : memref<40x128xf32, #tpu.memory_space<vmem>>, vector<1x16xf32>,
        %get3A_1049 = vector.shape_cast %get3A_1048 : vector<1x16xf32> to vector<16xf32>
        %add3A_1050 = arith.addf %get3A_1045, %get3A_1049 : vector<16xf32>
        %max3A_1051 = arith.constant 0.000000e+00 : f32
        %max3A_1052 = vector.broadcast %max3A_1051 : f32 to vector<16xf32>
        %max3A_1053 = arith.maximumf %add3A_1050, %max3A_1052 : vector<16xf32>
        %swap3A_1054 = arith.index_cast %scan3A_958 : i32 to index
        %swap3A_1055 = arith.constant 80 : index
        %swap3A_1056 = tpu.vector_load %arg27[%swap3A_1054, %swap3A_1055] {strides = array<i32>} : memref<40x128xf32, #tpu.memory_space<vmem>>, vector<1x16xf32>,
        %swap3A_1057 = vector.shape_cast %swap3A_1056 : vector<1x16xf32> to vector<16xf32>
        %swap3A_1058 = vector.shape_cast %max3A_1053 : vector<16xf32> to vector<1x16xf32>
        tpu.vector_store %arg27[%swap3A_1054, %swap3A_1055], %swap3A_1058 {strides = array<i32>} : memref<40x128xf32, #tpu.memory_space<vmem>>, vector<1x16xf32>,
        %get3A_1059 = arith.index_cast %scan3A_958 : i32 to index
        %get3A_1060 = arith.constant 96 : index
        %get3A_1061 = tpu.vector_load %arg23[%get3A_1059, %get3A_1060] {strides = array<i32>} : memref<40x128xf32, #tpu.memory_space<vmem>>, vector<1x16xf32>,
        %get3A_1062 = vector.shape_cast %get3A_1061 : vector<1x16xf32> to vector<16xf32>
        %get3A_1063 = arith.index_cast %scan3A_958 : i32 to index
        %get3A_1064 = arith.constant 96 : index
        %get3A_1065 = tpu.vector_load %arg20[%get3A_1063, %get3A_1064] {strides = array<i32>} : memref<40x128xf32, #tpu.memory_space<vmem>>, vector<1x16xf32>,
        %get3A_1066 = vector.shape_cast %get3A_1065 : vector<1x16xf32> to vector<16xf32>
        %add3A_1067 = arith.addf %get3A_1062, %get3A_1066 : vector<16xf32>
        %max3A_1068 = arith.constant 0.000000e+00 : f32
        %max3A_1069 = vector.broadcast %max3A_1068 : f32 to vector<16xf32>
        %max3A_1070 = arith.maximumf %add3A_1067, %max3A_1069 : vector<16xf32>
        %swap3A_1071 = arith.index_cast %scan3A_958 : i32 to index
        %swap3A_1072 = arith.constant 96 : index
        %swap3A_1073 = tpu.vector_load %arg27[%swap3A_1071, %swap3A_1072] {strides = array<i32>} : memref<40x128xf32, #tpu.memory_space<vmem>>, vector<1x16xf32>,
        %swap3A_1074 = vector.shape_cast %swap3A_1073 : vector<1x16xf32> to vector<16xf32>
        %swap3A_1075 = vector.shape_cast %max3A_1070 : vector<16xf32> to vector<1x16xf32>
        tpu.vector_store %arg27[%swap3A_1071, %swap3A_1072], %swap3A_1075 {strides = array<i32>} : memref<40x128xf32, #tpu.memory_space<vmem>>, vector<1x16xf32>,
        %get3A_1076 = arith.index_cast %scan3A_958 : i32 to index
        %get3A_1077 = arith.constant 112 : index
        %get3A_1078 = tpu.vector_load %arg23[%get3A_1076, %get3A_1077] {strides = array<i32>} : memref<40x128xf32, #tpu.memory_space<vmem>>, vector<1x16xf32>,
        %get3A_1079 = vector.shape_cast %get3A_1078 : vector<1x16xf32> to vector<16xf32>
        %get3A_1080 = arith.index_cast %scan3A_958 : i32 to index
        %get3A_1081 = arith.constant 112 : index
        %get3A_1082 = tpu.vector_load %arg20[%get3A_1080, %get3A_1081] {strides = array<i32>} : memref<40x128xf32, #tpu.memory_space<vmem>>, vector<1x16xf32>,
        %get3A_1083 = vector.shape_cast %get3A_1082 : vector<1x16xf32> to vector<16xf32>
        %add3A_1084 = arith.addf %get3A_1079, %get3A_1083 : vector<16xf32>
        %max3A_1085 = arith.constant 0.000000e+00 : f32
        %max3A_1086 = vector.broadcast %max3A_1085 : f32 to vector<16xf32>
        %max3A_1087 = arith.maximumf %add3A_1084, %max3A_1086 : vector<16xf32>
        %swap3A_1088 = arith.index_cast %scan3A_958 : i32 to index
        %swap3A_1089 = arith.constant 112 : index
        %swap3A_1090 = tpu.vector_load %arg27[%swap3A_1088, %swap3A_1089] {strides = array<i32>} : memref<40x128xf32, #tpu.memory_space<vmem>>, vector<1x16xf32>,
        %swap3A_1091 = vector.shape_cast %swap3A_1090 : vector<1x16xf32> to vector<16xf32>
        %swap3A_1092 = vector.shape_cast %max3A_1087 : vector<16xf32> to vector<1x16xf32>
        tpu.vector_store %arg27[%swap3A_1088, %swap3A_1089], %swap3A_1092 {strides = array<i32>} : memref<40x128xf32, #tpu.memory_space<vmem>>, vector<1x16xf32>,
        %scan3A_1093 = arith.constant 0 : i32
        scf.yield %scan3A_1093 : i32
      }
      %scan3A_819 = arith.constant 40 : i32
      %dma_start3A_820 = arith.constant 0 : i32
      %dma_start3A_821 = arith.constant 0 : i32
      %dma_start3A_822 = tpu.memref_slice %arg7[%dma_start3A_820, %dma_start3A_821] : memref<10240x128xf32, #tpu.memory_space<vmem_shared>> -> memref<10240x128xf32, #tpu.memory_space<vmem_shared>>
      tpu.enqueue_indirect_dma source(%arg27 : memref<40x128xf32, #tpu.memory_space<vmem>>) target(%dma_start3A_822 : memref<10240x128xf32, #tpu.memory_space<vmem_shared>>) offsets(%arg17 : memref<40xi32, #tpu.memory_space<vmem>>) semaphore(%arg47 : memref<!tpu.dma_semaphore, #tpu.memory_space<semaphore_mem>>) {add = true}
      %mul3A_823 = arith.constant 6 : i32
      %mul3A_824 = arith.muli %scan3A_553, %mul3A_823 : i32
      %add3A_825 = arith.constant 4 : i32
      %add3A_826 = arith.addi %mul3A_824, %add3A_825 : i32
      %dma_wait3A_827 = arith.constant 0 : i32
      %dma_wait3A_828 = arith.constant 0 : i32
      %dma_wait3A_829 = tpu.memref_slice %arg2[%dma_wait3A_827, %dma_wait3A_828] : memref<10000x128xf32, #tpu.memory_space<hbm>> -> memref<10000x128xf32, #tpu.memory_space<hbm>>
      tpu.wait_indirect_dma semaphore(%arg41 : memref<!tpu.dma_semaphore, #tpu.memory_space<semaphore_mem>>) src(%dma_wait3A_829 : memref<10000x128xf32, #tpu.memory_space<hbm>>) dst(%arg21 : memref<40x128xf32, #tpu.memory_space<vmem>>)
      %mul3A_830 = arith.constant 40 : i32
      %mul3A_831 = arith.muli %add3A_826, %mul3A_830 : i32
      %add3A_832 = arith.addi %mul3A_2, %mul3A_831 : i32
      %dma_wait3A_833 = arith.constant 0 : i32
      %dma_wait3A_834 = tpu.memref_slice %arg5[%add3A_832, %dma_wait3A_833] : memref<320000x128xf32, #tpu.memory_space<hbm>> -> memref<40x128xf32, #tpu.memory_space<hbm>>
      %dma_wait3A_835 = arith.constant 0 : i32
      %dma_wait3A_836 = tpu.memref_slice %arg5[%add3A_832, %dma_wait3A_835] : memref<320000x128xf32, #tpu.memory_space<hbm>> -> memref<40x128xf32, #tpu.memory_space<hbm>>
      tpu.wait_dma2 semaphore(%arg44 : memref<!tpu.dma_semaphore, #tpu.memory_space<semaphore_mem>>) src(%dma_wait3A_836 : memref<40x128xf32, #tpu.memory_space<hbm>>) dst(%arg24 : memref<40x128xf32, #tpu.memory_space<vmem>>)
      %dma_wait3A_837 = arith.constant 0 : i32
      %dma_wait3A_838 = arith.constant 0 : i32
      %dma_wait3A_839 = tpu.memref_slice %arg7[%dma_wait3A_837, %dma_wait3A_838] : memref<10240x128xf32, #tpu.memory_space<vmem_shared>> -> memref<10240x128xf32, #tpu.memory_space<vmem_shared>>
      tpu.wait_indirect_dma semaphore(%arg46 : memref<!tpu.dma_semaphore, #tpu.memory_space<semaphore_mem>>) src(%arg26 : memref<40x128xf32, #tpu.memory_space<vmem>>) dst(%dma_wait3A_839 : memref<10240x128xf32, #tpu.memory_space<vmem_shared>>)
      %add3A_840 = arith.constant 3 : i32
      %add3A_841 = arith.addi %add3A_826, %add3A_840 : i32
      %mul3A_842 = arith.constant 40 : i32
      %mul3A_843 = arith.muli %add3A_841, %mul3A_842 : i32
      %add3A_844 = arith.addi %mul3A_2, %mul3A_843 : i32
      %dma_start3A_845 = tpu.memref_slice %arg3[%add3A_844] : memref<320000xi32, #tpu.memory_space<hbm>> -> memref<40xi32, #tpu.memory_space<hbm>>
      %dma_start3A_846 = tpu.memref_slice %arg3[%add3A_844] : memref<320000xi32, #tpu.memory_space<hbm>> -> memref<40xi32, #tpu.memory_space<hbm>>
      tpu.enqueue_dma source(%dma_start3A_846 : memref<40xi32, #tpu.memory_space<hbm>>) target(%arg9 : memref<40xi32, #tpu.memory_space<vmem>>) target_semaphore(%arg29 : memref<!tpu.dma_semaphore, #tpu.memory_space<semaphore_mem>>)
      %add3A_847 = arith.constant 3 : i32
      %add3A_848 = arith.addi %add3A_826, %add3A_847 : i32
      %mul3A_849 = arith.constant 40 : i32
      %mul3A_850 = arith.muli %add3A_848, %mul3A_849 : i32
      %add3A_851 = arith.addi %mul3A_2, %mul3A_850 : i32
      %dma_start3A_852 = tpu.memref_slice %arg4[%add3A_851] : memref<320000xi32, #tpu.memory_space<hbm>> -> memref<40xi32, #tpu.memory_space<hbm>>
      %dma_start3A_853 = tpu.memref_slice %arg4[%add3A_851] : memref<320000xi32, #tpu.memory_space<hbm>> -> memref<40xi32, #tpu.memory_space<hbm>>
      tpu.enqueue_dma source(%dma_start3A_853 : memref<40xi32, #tpu.memory_space<hbm>>) target(%arg15 : memref<40xi32, #tpu.memory_space<vmem>>) target_semaphore(%arg35 : memref<!tpu.dma_semaphore, #tpu.memory_space<semaphore_mem>>)
      %add3A_854 = arith.constant 2 : i32
      %add3A_855 = arith.addi %add3A_826, %add3A_854 : i32
      %mul3A_856 = arith.constant 40 : i32
      %mul3A_857 = arith.muli %add3A_855, %mul3A_856 : i32
      %add3A_858 = arith.addi %mul3A_2, %mul3A_857 : i32
      %dma_wait3A_859 = tpu.memref_slice %arg3[%add3A_858] : memref<320000xi32, #tpu.memory_space<hbm>> -> memref<40xi32, #tpu.memory_space<hbm>>
      %dma_wait3A_860 = tpu.memref_slice %arg3[%add3A_858] : memref<320000xi32, #tpu.memory_space<hbm>> -> memref<40xi32, #tpu.memory_space<hbm>>
      tpu.wait_dma2 semaphore(%arg28 : memref<!tpu.dma_semaphore, #tpu.memory_space<semaphore_mem>>) src(%dma_wait3A_860 : memref<40xi32, #tpu.memory_space<hbm>>) dst(%arg8 : memref<40xi32, #tpu.memory_space<vmem>>)
      %add3A_861 = arith.constant 2 : i32
      %add3A_862 = arith.addi %add3A_826, %add3A_861 : i32
      %mul3A_863 = arith.constant 40 : i32
      %mul3A_864 = arith.muli %add3A_862, %mul3A_863 : i32
      %add3A_865 = arith.addi %mul3A_2, %mul3A_864 : i32
      %dma_wait3A_866 = tpu.memref_slice %arg4[%add3A_865] : memref<320000xi32, #tpu.memory_space<hbm>> -> memref<40xi32, #tpu.memory_space<hbm>>
      %dma_wait3A_867 = tpu.memref_slice %arg4[%add3A_865] : memref<320000xi32, #tpu.memory_space<hbm>> -> memref<40xi32, #tpu.memory_space<hbm>>
      tpu.wait_dma2 semaphore(%arg34 : memref<!tpu.dma_semaphore, #tpu.memory_space<semaphore_mem>>) src(%dma_wait3A_867 : memref<40xi32, #tpu.memory_space<hbm>>) dst(%arg14 : memref<40xi32, #tpu.memory_space<vmem>>)
      %dma_start3A_868 = arith.constant 0 : i32
      %dma_start3A_869 = arith.constant 0 : i32
      %dma_start3A_870 = tpu.memref_slice %arg2[%dma_start3A_868, %dma_start3A_869] : memref<10000x128xf32, #tpu.memory_space<hbm>> -> memref<10000x128xf32, #tpu.memory_space<hbm>>
      tpu.enqueue_indirect_dma source(%dma_start3A_870 : memref<10000x128xf32, #tpu.memory_space<hbm>>) target(%arg20 : memref<40x128xf32, #tpu.memory_space<vmem>>) offsets(%arg8 : memref<40xi32, #tpu.memory_space<vmem>>) semaphore(%arg40 : memref<!tpu.dma_semaphore, #tpu.memory_space<semaphore_mem>>)
      %add3A_871 = arith.constant 2 : i32
      %add3A_872 = arith.addi %add3A_826, %add3A_871 : i32
      %mul3A_873 = arith.constant 40 : i32
      %mul3A_874 = arith.muli %add3A_872, %mul3A_873 : i32
      %add3A_875 = arith.addi %mul3A_2, %mul3A_874 : i32
      %dma_start3A_876 = arith.constant 0 : i32
      %dma_start3A_877 = tpu.memref_slice %arg5[%add3A_875, %dma_start3A_876] : memref<320000x128xf32, #tpu.memory_space<hbm>> -> memref<40x128xf32, #tpu.memory_space<hbm>>
      %dma_start3A_878 = arith.constant 0 : i32
      %dma_start3A_879 = tpu.memref_slice %arg5[%add3A_875, %dma_start3A_878] : memref<320000x128xf32, #tpu.memory_space<hbm>> -> memref<40x128xf32, #tpu.memory_space<hbm>>
      tpu.enqueue_dma source(%dma_start3A_879 : memref<40x128xf32, #tpu.memory_space<hbm>>) target(%arg23 : memref<40x128xf32, #tpu.memory_space<vmem>>) target_semaphore(%arg43 : memref<!tpu.dma_semaphore, #tpu.memory_space<semaphore_mem>>)
      %scan3A_880 = arith.constant 0 : i32
      %scan3A_881 = arith.constant 0 : i32
      %scan3A_882 = arith.constant 40 : i32
      %scan3A_883 = arith.addi %scan3A_881, %scan3A_882 : i32
      %scan3A_884 = arith.constant 1 : i32
      %scan3A_885 = scf.for %scan3A_958 = %scan3A_881 to %scan3A_883 step %scan3A_884 iter_args(%scan3A_959 = %scan3A_880) -> (i32)  : i32 {
        %get3A = arith.index_cast %scan3A_958 : i32 to index
        %get3A_960 = arith.constant 0 : index
        %get3A_961 = tpu.vector_load %arg24[%get3A, %get3A_960] {strides = array<i32>} : memref<40x128xf32, #tpu.memory_space<vmem>>, vector<1x16xf32>,
        %get3A_962 = vector.shape_cast %get3A_961 : vector<1x16xf32> to vector<16xf32>
        %get3A_963 = arith.index_cast %scan3A_958 : i32 to index
        %get3A_964 = arith.constant 0 : index
        %get3A_965 = tpu.vector_load %arg21[%get3A_963, %get3A_964] {strides = array<i32>} : memref<40x128xf32, #tpu.memory_space<vmem>>, vector<1x16xf32>,
        %get3A_966 = vector.shape_cast %get3A_965 : vector<1x16xf32> to vector<16xf32>
        %add3A_967 = arith.addf %get3A_962, %get3A_966 : vector<16xf32>
        %max3A = arith.constant 0.000000e+00 : f32
        %max3A_968 = vector.broadcast %max3A : f32 to vector<16xf32>
        %max3A_969 = arith.maximumf %add3A_967, %max3A_968 : vector<16xf32>
        %swap3A = arith.index_cast %scan3A_958 : i32 to index
        %swap3A_970 = arith.constant 0 : index
        %swap3A_971 = tpu.vector_load %arg26[%swap3A, %swap3A_970] {strides = array<i32>} : memref<40x128xf32, #tpu.memory_space<vmem>>, vector<1x16xf32>,
        %swap3A_972 = vector.shape_cast %swap3A_971 : vector<1x16xf32> to vector<16xf32>
        %swap3A_973 = vector.shape_cast %max3A_969 : vector<16xf32> to vector<1x16xf32>
        tpu.vector_store %arg26[%swap3A, %swap3A_970], %swap3A_973 {strides = array<i32>} : memref<40x128xf32, #tpu.memory_space<vmem>>, vector<1x16xf32>,
        %get3A_974 = arith.index_cast %scan3A_958 : i32 to index
        %get3A_975 = arith.constant 16 : index
        %get3A_976 = tpu.vector_load %arg24[%get3A_974, %get3A_975] {strides = array<i32>} : memref<40x128xf32, #tpu.memory_space<vmem>>, vector<1x16xf32>,
        %get3A_977 = vector.shape_cast %get3A_976 : vector<1x16xf32> to vector<16xf32>
        %get3A_978 = arith.index_cast %scan3A_958 : i32 to index
        %get3A_979 = arith.constant 16 : index
        %get3A_980 = tpu.vector_load %arg21[%get3A_978, %get3A_979] {strides = array<i32>} : memref<40x128xf32, #tpu.memory_space<vmem>>, vector<1x16xf32>,
        %get3A_981 = vector.shape_cast %get3A_980 : vector<1x16xf32> to vector<16xf32>
        %add3A_982 = arith.addf %get3A_977, %get3A_981 : vector<16xf32>
        %max3A_983 = arith.constant 0.000000e+00 : f32
        %max3A_984 = vector.broadcast %max3A_983 : f32 to vector<16xf32>
        %max3A_985 = arith.maximumf %add3A_982, %max3A_984 : vector<16xf32>
        %swap3A_986 = arith.index_cast %scan3A_958 : i32 to index
        %swap3A_987 = arith.constant 16 : index
        %swap3A_988 = tpu.vector_load %arg26[%swap3A_986, %swap3A_987] {strides = array<i32>} : memref<40x128xf32, #tpu.memory_space<vmem>>, vector<1x16xf32>,
        %swap3A_989 = vector.shape_cast %swap3A_988 : vector<1x16xf32> to vector<16xf32>
        %swap3A_990 = vector.shape_cast %max3A_985 : vector<16xf32> to vector<1x16xf32>
        tpu.vector_store %arg26[%swap3A_986, %swap3A_987], %swap3A_990 {strides = array<i32>} : memref<40x128xf32, #tpu.memory_space<vmem>>, vector<1x16xf32>,
        %get3A_991 = arith.index_cast %scan3A_958 : i32 to index
        %get3A_992 = arith.constant 32 : index
        %get3A_993 = tpu.vector_load %arg24[%get3A_991, %get3A_992] {strides = array<i32>} : memref<40x128xf32, #tpu.memory_space<vmem>>, vector<1x16xf32>,
        %get3A_994 = vector.shape_cast %get3A_993 : vector<1x16xf32> to vector<16xf32>
        %get3A_995 = arith.index_cast %scan3A_958 : i32 to index
        %get3A_996 = arith.constant 32 : index
        %get3A_997 = tpu.vector_load %arg21[%get3A_995, %get3A_996] {strides = array<i32>} : memref<40x128xf32, #tpu.memory_space<vmem>>, vector<1x16xf32>,
        %get3A_998 = vector.shape_cast %get3A_997 : vector<1x16xf32> to vector<16xf32>
        %add3A_999 = arith.addf %get3A_994, %get3A_998 : vector<16xf32>
        %max3A_1000 = arith.constant 0.000000e+00 : f32
        %max3A_1001 = vector.broadcast %max3A_1000 : f32 to vector<16xf32>
        %max3A_1002 = arith.maximumf %add3A_999, %max3A_1001 : vector<16xf32>
        %swap3A_1003 = arith.index_cast %scan3A_958 : i32 to index
        %swap3A_1004 = arith.constant 32 : index
        %swap3A_1005 = tpu.vector_load %arg26[%swap3A_1003, %swap3A_1004] {strides = array<i32>} : memref<40x128xf32, #tpu.memory_space<vmem>>, vector<1x16xf32>,
        %swap3A_1006 = vector.shape_cast %swap3A_1005 : vector<1x16xf32> to vector<16xf32>
        %swap3A_1007 = vector.shape_cast %max3A_1002 : vector<16xf32> to vector<1x16xf32>
        tpu.vector_store %arg26[%swap3A_1003, %swap3A_1004], %swap3A_1007 {strides = array<i32>} : memref<40x128xf32, #tpu.memory_space<vmem>>, vector<1x16xf32>,
        %get3A_1008 = arith.index_cast %scan3A_958 : i32 to index
        %get3A_1009 = arith.constant 48 : index
        %get3A_1010 = tpu.vector_load %arg24[%get3A_1008, %get3A_1009] {strides = array<i32>} : memref<40x128xf32, #tpu.memory_space<vmem>>, vector<1x16xf32>,
        %get3A_1011 = vector.shape_cast %get3A_1010 : vector<1x16xf32> to vector<16xf32>
        %get3A_1012 = arith.index_cast %scan3A_958 : i32 to index
        %get3A_1013 = arith.constant 48 : index
        %get3A_1014 = tpu.vector_load %arg21[%get3A_1012, %get3A_1013] {strides = array<i32>} : memref<40x128xf32, #tpu.memory_space<vmem>>, vector<1x16xf32>,
        %get3A_1015 = vector.shape_cast %get3A_1014 : vector<1x16xf32> to vector<16xf32>
        %add3A_1016 = arith.addf %get3A_1011, %get3A_1015 : vector<16xf32>
        %max3A_1017 = arith.constant 0.000000e+00 : f32
        %max3A_1018 = vector.broadcast %max3A_1017 : f32 to vector<16xf32>
        %max3A_1019 = arith.maximumf %add3A_1016, %max3A_1018 : vector<16xf32>
        %swap3A_1020 = arith.index_cast %scan3A_958 : i32 to index
        %swap3A_1021 = arith.constant 48 : index
        %swap3A_1022 = tpu.vector_load %arg26[%swap3A_1020, %swap3A_1021] {strides = array<i32>} : memref<40x128xf32, #tpu.memory_space<vmem>>, vector<1x16xf32>,
        %swap3A_1023 = vector.shape_cast %swap3A_1022 : vector<1x16xf32> to vector<16xf32>
        %swap3A_1024 = vector.shape_cast %max3A_1019 : vector<16xf32> to vector<1x16xf32>
        tpu.vector_store %arg26[%swap3A_1020, %swap3A_1021], %swap3A_1024 {strides = array<i32>} : memref<40x128xf32, #tpu.memory_space<vmem>>, vector<1x16xf32>,
        %get3A_1025 = arith.index_cast %scan3A_958 : i32 to index
        %get3A_1026 = arith.constant 64 : index
        %get3A_1027 = tpu.vector_load %arg24[%get3A_1025, %get3A_1026] {strides = array<i32>} : memref<40x128xf32, #tpu.memory_space<vmem>>, vector<1x16xf32>,
        %get3A_1028 = vector.shape_cast %get3A_1027 : vector<1x16xf32> to vector<16xf32>
        %get3A_1029 = arith.index_cast %scan3A_958 : i32 to index
        %get3A_1030 = arith.constant 64 : index
        %get3A_1031 = tpu.vector_load %arg21[%get3A_1029, %get3A_1030] {strides = array<i32>} : memref<40x128xf32, #tpu.memory_space<vmem>>, vector<1x16xf32>,
        %get3A_1032 = vector.shape_cast %get3A_1031 : vector<1x16xf32> to vector<16xf32>
        %add3A_1033 = arith.addf %get3A_1028, %get3A_1032 : vector<16xf32>
        %max3A_1034 = arith.constant 0.000000e+00 : f32
        %max3A_1035 = vector.broadcast %max3A_1034 : f32 to vector<16xf32>
        %max3A_1036 = arith.maximumf %add3A_1033, %max3A_1035 : vector<16xf32>
        %swap3A_1037 = arith.index_cast %scan3A_958 : i32 to index
        %swap3A_1038 = arith.constant 64 : index
        %swap3A_1039 = tpu.vector_load %arg26[%swap3A_1037, %swap3A_1038] {strides = array<i32>} : memref<40x128xf32, #tpu.memory_space<vmem>>, vector<1x16xf32>,
        %swap3A_1040 = vector.shape_cast %swap3A_1039 : vector<1x16xf32> to vector<16xf32>
        %swap3A_1041 = vector.shape_cast %max3A_1036 : vector<16xf32> to vector<1x16xf32>
        tpu.vector_store %arg26[%swap3A_1037, %swap3A_1038], %swap3A_1041 {strides = array<i32>} : memref<40x128xf32, #tpu.memory_space<vmem>>, vector<1x16xf32>,
        %get3A_1042 = arith.index_cast %scan3A_958 : i32 to index
        %get3A_1043 = arith.constant 80 : index
        %get3A_1044 = tpu.vector_load %arg24[%get3A_1042, %get3A_1043] {strides = array<i32>} : memref<40x128xf32, #tpu.memory_space<vmem>>, vector<1x16xf32>,
        %get3A_1045 = vector.shape_cast %get3A_1044 : vector<1x16xf32> to vector<16xf32>
        %get3A_1046 = arith.index_cast %scan3A_958 : i32 to index
        %get3A_1047 = arith.constant 80 : index
        %get3A_1048 = tpu.vector_load %arg21[%get3A_1046, %get3A_1047] {strides = array<i32>} : memref<40x128xf32, #tpu.memory_space<vmem>>, vector<1x16xf32>,
        %get3A_1049 = vector.shape_cast %get3A_1048 : vector<1x16xf32> to vector<16xf32>
        %add3A_1050 = arith.addf %get3A_1045, %get3A_1049 : vector<16xf32>
        %max3A_1051 = arith.constant 0.000000e+00 : f32
        %max3A_1052 = vector.broadcast %max3A_1051 : f32 to vector<16xf32>
        %max3A_1053 = arith.maximumf %add3A_1050, %max3A_1052 : vector<16xf32>
        %swap3A_1054 = arith.index_cast %scan3A_958 : i32 to index
        %swap3A_1055 = arith.constant 80 : index
        %swap3A_1056 = tpu.vector_load %arg26[%swap3A_1054, %swap3A_1055] {strides = array<i32>} : memref<40x128xf32, #tpu.memory_space<vmem>>, vector<1x16xf32>,
        %swap3A_1057 = vector.shape_cast %swap3A_1056 : vector<1x16xf32> to vector<16xf32>
        %swap3A_1058 = vector.shape_cast %max3A_1053 : vector<16xf32> to vector<1x16xf32>
        tpu.vector_store %arg26[%swap3A_1054, %swap3A_1055], %swap3A_1058 {strides = array<i32>} : memref<40x128xf32, #tpu.memory_space<vmem>>, vector<1x16xf32>,
        %get3A_1059 = arith.index_cast %scan3A_958 : i32 to index
        %get3A_1060 = arith.constant 96 : index
        %get3A_1061 = tpu.vector_load %arg24[%get3A_1059, %get3A_1060] {strides = array<i32>} : memref<40x128xf32, #tpu.memory_space<vmem>>, vector<1x16xf32>,
        %get3A_1062 = vector.shape_cast %get3A_1061 : vector<1x16xf32> to vector<16xf32>
        %get3A_1063 = arith.index_cast %scan3A_958 : i32 to index
        %get3A_1064 = arith.constant 96 : index
        %get3A_1065 = tpu.vector_load %arg21[%get3A_1063, %get3A_1064] {strides = array<i32>} : memref<40x128xf32, #tpu.memory_space<vmem>>, vector<1x16xf32>,
        %get3A_1066 = vector.shape_cast %get3A_1065 : vector<1x16xf32> to vector<16xf32>
        %add3A_1067 = arith.addf %get3A_1062, %get3A_1066 : vector<16xf32>
        %max3A_1068 = arith.constant 0.000000e+00 : f32
        %max3A_1069 = vector.broadcast %max3A_1068 : f32 to vector<16xf32>
        %max3A_1070 = arith.maximumf %add3A_1067, %max3A_1069 : vector<16xf32>
        %swap3A_1071 = arith.index_cast %scan3A_958 : i32 to index
        %swap3A_1072 = arith.constant 96 : index
        %swap3A_1073 = tpu.vector_load %arg26[%swap3A_1071, %swap3A_1072] {strides = array<i32>} : memref<40x128xf32, #tpu.memory_space<vmem>>, vector<1x16xf32>,
        %swap3A_1074 = vector.shape_cast %swap3A_1073 : vector<1x16xf32> to vector<16xf32>
        %swap3A_1075 = vector.shape_cast %max3A_1070 : vector<16xf32> to vector<1x16xf32>
        tpu.vector_store %arg26[%swap3A_1071, %swap3A_1072], %swap3A_1075 {strides = array<i32>} : memref<40x128xf32, #tpu.memory_space<vmem>>, vector<1x16xf32>,
        %get3A_1076 = arith.index_cast %scan3A_958 : i32 to index
        %get3A_1077 = arith.constant 112 : index
        %get3A_1078 = tpu.vector_load %arg24[%get3A_1076, %get3A_1077] {strides = array<i32>} : memref<40x128xf32, #tpu.memory_space<vmem>>, vector<1x16xf32>,
        %get3A_1079 = vector.shape_cast %get3A_1078 : vector<1x16xf32> to vector<16xf32>
        %get3A_1080 = arith.index_cast %scan3A_958 : i32 to index
        %get3A_1081 = arith.constant 112 : index
        %get3A_1082 = tpu.vector_load %arg21[%get3A_1080, %get3A_1081] {strides = array<i32>} : memref<40x128xf32, #tpu.memory_space<vmem>>, vector<1x16xf32>,
        %get3A_1083 = vector.shape_cast %get3A_1082 : vector<1x16xf32> to vector<16xf32>
        %add3A_1084 = arith.addf %get3A_1079, %get3A_1083 : vector<16xf32>
        %max3A_1085 = arith.constant 0.000000e+00 : f32
        %max3A_1086 = vector.broadcast %max3A_1085 : f32 to vector<16xf32>
        %max3A_1087 = arith.maximumf %add3A_1084, %max3A_1086 : vector<16xf32>
        %swap3A_1088 = arith.index_cast %scan3A_958 : i32 to index
        %swap3A_1089 = arith.constant 112 : index
        %swap3A_1090 = tpu.vector_load %arg26[%swap3A_1088, %swap3A_1089] {strides = array<i32>} : memref<40x128xf32, #tpu.memory_space<vmem>>, vector<1x16xf32>,
        %swap3A_1091 = vector.shape_cast %swap3A_1090 : vector<1x16xf32> to vector<16xf32>
        %swap3A_1092 = vector.shape_cast %max3A_1087 : vector<16xf32> to vector<1x16xf32>
        tpu.vector_store %arg26[%swap3A_1088, %swap3A_1089], %swap3A_1092 {strides = array<i32>} : memref<40x128xf32, #tpu.memory_space<vmem>>, vector<1x16xf32>,
        %scan3A_1093 = arith.constant 0 : i32
        scf.yield %scan3A_1093 : i32
      }
      %scan3A_886 = arith.constant 40 : i32
      %dma_start3A_887 = arith.constant 0 : i32
      %dma_start3A_888 = arith.constant 0 : i32
      %dma_start3A_889 = tpu.memref_slice %arg7[%dma_start3A_887, %dma_start3A_888] : memref<10240x128xf32, #tpu.memory_space<vmem_shared>> -> memref<10240x128xf32, #tpu.memory_space<vmem_shared>>
      tpu.enqueue_indirect_dma source(%arg26 : memref<40x128xf32, #tpu.memory_space<vmem>>) target(%dma_start3A_889 : memref<10240x128xf32, #tpu.memory_space<vmem_shared>>) offsets(%arg18 : memref<40xi32, #tpu.memory_space<vmem>>) semaphore(%arg46 : memref<!tpu.dma_semaphore, #tpu.memory_space<semaphore_mem>>) {add = true}
      %mul3A_890 = arith.constant 6 : i32
      %mul3A_891 = arith.muli %scan3A_553, %mul3A_890 : i32
      %add3A_892 = arith.constant 5 : i32
      %add3A_893 = arith.addi %mul3A_891, %add3A_892 : i32
      %dma_wait3A_894 = arith.constant 0 : i32
      %dma_wait3A_895 = arith.constant 0 : i32
      %dma_wait3A_896 = tpu.memref_slice %arg2[%dma_wait3A_894, %dma_wait3A_895] : memref<10000x128xf32, #tpu.memory_space<hbm>> -> memref<10000x128xf32, #tpu.memory_space<hbm>>
      tpu.wait_indirect_dma semaphore(%arg42 : memref<!tpu.dma_semaphore, #tpu.memory_space<semaphore_mem>>) src(%dma_wait3A_896 : memref<10000x128xf32, #tpu.memory_space<hbm>>) dst(%arg22 : memref<40x128xf32, #tpu.memory_space<vmem>>)
      %mul3A_897 = arith.constant 40 : i32
      %mul3A_898 = arith.muli %add3A_893, %mul3A_897 : i32
      %add3A_899 = arith.addi %mul3A_2, %mul3A_898 : i32
      %dma_wait3A_900 = arith.constant 0 : i32
      %dma_wait3A_901 = tpu.memref_slice %arg5[%add3A_899, %dma_wait3A_900] : memref<320000x128xf32, #tpu.memory_space<hbm>> -> memref<40x128xf32, #tpu.memory_space<hbm>>
      %dma_wait3A_902 = arith.constant 0 : i32
      %dma_wait3A_903 = tpu.memref_slice %arg5[%add3A_899, %dma_wait3A_902] : memref<320000x128xf32, #tpu.memory_space<hbm>> -> memref<40x128xf32, #tpu.memory_space<hbm>>
      tpu.wait_dma2 semaphore(%arg45 : memref<!tpu.dma_semaphore, #tpu.memory_space<semaphore_mem>>) src(%dma_wait3A_903 : memref<40x128xf32, #tpu.memory_space<hbm>>) dst(%arg25 : memref<40x128xf32, #tpu.memory_space<vmem>>)
      %dma_wait3A_904 = arith.constant 0 : i32
      %dma_wait3A_905 = arith.constant 0 : i32
      %dma_wait3A_906 = tpu.memref_slice %arg7[%dma_wait3A_904, %dma_wait3A_905] : memref<10240x128xf32, #tpu.memory_space<vmem_shared>> -> memref<10240x128xf32, #tpu.memory_space<vmem_shared>>
      tpu.wait_indirect_dma semaphore(%arg47 : memref<!tpu.dma_semaphore, #tpu.memory_space<semaphore_mem>>) src(%arg27 : memref<40x128xf32, #tpu.memory_space<vmem>>) dst(%dma_wait3A_906 : memref<10240x128xf32, #tpu.memory_space<vmem_shared>>)
      %add3A_907 = arith.constant 3 : i32
      %add3A_908 = arith.addi %add3A_893, %add3A_907 : i32
      %mul3A_909 = arith.constant 40 : i32
      %mul3A_910 = arith.muli %add3A_908, %mul3A_909 : i32
      %add3A_911 = arith.addi %mul3A_2, %mul3A_910 : i32
      %dma_start3A_912 = tpu.memref_slice %arg3[%add3A_911] : memref<320000xi32, #tpu.memory_space<hbm>> -> memref<40xi32, #tpu.memory_space<hbm>>
      %dma_start3A_913 = tpu.memref_slice %arg3[%add3A_911] : memref<320000xi32, #tpu.memory_space<hbm>> -> memref<40xi32, #tpu.memory_space<hbm>>
      tpu.enqueue_dma source(%dma_start3A_913 : memref<40xi32, #tpu.memory_space<hbm>>) target(%arg10 : memref<40xi32, #tpu.memory_space<vmem>>) target_semaphore(%arg30 : memref<!tpu.dma_semaphore, #tpu.memory_space<semaphore_mem>>)
      %add3A_914 = arith.constant 3 : i32
      %add3A_915 = arith.addi %add3A_893, %add3A_914 : i32
      %mul3A_916 = arith.constant 40 : i32
      %mul3A_917 = arith.muli %add3A_915, %mul3A_916 : i32
      %add3A_918 = arith.addi %mul3A_2, %mul3A_917 : i32
      %dma_start3A_919 = tpu.memref_slice %arg4[%add3A_918] : memref<320000xi32, #tpu.memory_space<hbm>> -> memref<40xi32, #tpu.memory_space<hbm>>
      %dma_start3A_920 = tpu.memref_slice %arg4[%add3A_918] : memref<320000xi32, #tpu.memory_space<hbm>> -> memref<40xi32, #tpu.memory_space<hbm>>
      tpu.enqueue_dma source(%dma_start3A_920 : memref<40xi32, #tpu.memory_space<hbm>>) target(%arg16 : memref<40xi32, #tpu.memory_space<vmem>>) target_semaphore(%arg36 : memref<!tpu.dma_semaphore, #tpu.memory_space<semaphore_mem>>)
      %add3A_921 = arith.constant 2 : i32
      %add3A_922 = arith.addi %add3A_893, %add3A_921 : i32
      %mul3A_923 = arith.constant 40 : i32
      %mul3A_924 = arith.muli %add3A_922, %mul3A_923 : i32
      %add3A_925 = arith.addi %mul3A_2, %mul3A_924 : i32
      %dma_wait3A_926 = tpu.memref_slice %arg3[%add3A_925] : memref<320000xi32, #tpu.memory_space<hbm>> -> memref<40xi32, #tpu.memory_space<hbm>>
      %dma_wait3A_927 = tpu.memref_slice %arg3[%add3A_925] : memref<320000xi32, #tpu.memory_space<hbm>> -> memref<40xi32, #tpu.memory_space<hbm>>
      tpu.wait_dma2 semaphore(%arg29 : memref<!tpu.dma_semaphore, #tpu.memory_space<semaphore_mem>>) src(%dma_wait3A_927 : memref<40xi32, #tpu.memory_space<hbm>>) dst(%arg9 : memref<40xi32, #tpu.memory_space<vmem>>)
      %add3A_928 = arith.constant 2 : i32
      %add3A_929 = arith.addi %add3A_893, %add3A_928 : i32
      %mul3A_930 = arith.constant 40 : i32
      %mul3A_931 = arith.muli %add3A_929, %mul3A_930 : i32
      %add3A_932 = arith.addi %mul3A_2, %mul3A_931 : i32
      %dma_wait3A_933 = tpu.memref_slice %arg4[%add3A_932] : memref<320000xi32, #tpu.memory_space<hbm>> -> memref<40xi32, #tpu.memory_space<hbm>>
      %dma_wait3A_934 = tpu.memref_slice %arg4[%add3A_932] : memref<320000xi32, #tpu.memory_space<hbm>> -> memref<40xi32, #tpu.memory_space<hbm>>
      tpu.wait_dma2 semaphore(%arg35 : memref<!tpu.dma_semaphore, #tpu.memory_space<semaphore_mem>>) src(%dma_wait3A_934 : memref<40xi32, #tpu.memory_space<hbm>>) dst(%arg15 : memref<40xi32, #tpu.memory_space<vmem>>)
      %dma_start3A_935 = arith.constant 0 : i32
      %dma_start3A_936 = arith.constant 0 : i32
      %dma_start3A_937 = tpu.memref_slice %arg2[%dma_start3A_935, %dma_start3A_936] : memref<10000x128xf32, #tpu.memory_space<hbm>> -> memref<10000x128xf32, #tpu.memory_space<hbm>>
      tpu.enqueue_indirect_dma source(%dma_start3A_937 : memref<10000x128xf32, #tpu.memory_space<hbm>>) target(%arg21 : memref<40x128xf32, #tpu.memory_space<vmem>>) offsets(%arg9 : memref<40xi32, #tpu.memory_space<vmem>>) semaphore(%arg41 : memref<!tpu.dma_semaphore, #tpu.memory_space<semaphore_mem>>)
      %add3A_938 = arith.constant 2 : i32
      %add3A_939 = arith.addi %add3A_893, %add3A_938 : i32
      %mul3A_940 = arith.constant 40 : i32
      %mul3A_941 = arith.muli %add3A_939, %mul3A_940 : i32
      %add3A_942 = arith.addi %mul3A_2, %mul3A_941 : i32
      %dma_start3A_943 = arith.constant 0 : i32
      %dma_start3A_944 = tpu.memref_slice %arg5[%add3A_942, %dma_start3A_943] : memref<320000x128xf32, #tpu.memory_space<hbm>> -> memref<40x128xf32, #tpu.memory_space<hbm>>
      %dma_start3A_945 = arith.constant 0 : i32
      %dma_start3A_946 = tpu.memref_slice %arg5[%add3A_942, %dma_start3A_945] : memref<320000x128xf32, #tpu.memory_space<hbm>> -> memref<40x128xf32, #tpu.memory_space<hbm>>
      tpu.enqueue_dma source(%dma_start3A_946 : memref<40x128xf32, #tpu.memory_space<hbm>>) target(%arg24 : memref<40x128xf32, #tpu.memory_space<vmem>>) target_semaphore(%arg44 : memref<!tpu.dma_semaphore, #tpu.memory_space<semaphore_mem>>)
      %scan3A_947 = arith.constant 0 : i32
      %scan3A_948 = arith.constant 0 : i32
      %scan3A_949 = arith.constant 40 : i32
      %scan3A_950 = arith.addi %scan3A_948, %scan3A_949 : i32
      %scan3A_951 = arith.constant 1 : i32
      %scan3A_952 = scf.for %scan3A_958 = %scan3A_948 to %scan3A_950 step %scan3A_951 iter_args(%scan3A_959 = %scan3A_947) -> (i32)  : i32 {
        %get3A = arith.index_cast %scan3A_958 : i32 to index
        %get3A_960 = arith.constant 0 : index
        %get3A_961 = tpu.vector_load %arg25[%get3A, %get3A_960] {strides = array<i32>} : memref<40x128xf32, #tpu.memory_space<vmem>>, vector<1x16xf32>,
        %get3A_962 = vector.shape_cast %get3A_961 : vector<1x16xf32> to vector<16xf32>
        %get3A_963 = arith.index_cast %scan3A_958 : i32 to index
        %get3A_964 = arith.constant 0 : index
        %get3A_965 = tpu.vector_load %arg22[%get3A_963, %get3A_964] {strides = array<i32>} : memref<40x128xf32, #tpu.memory_space<vmem>>, vector<1x16xf32>,
        %get3A_966 = vector.shape_cast %get3A_965 : vector<1x16xf32> to vector<16xf32>
        %add3A_967 = arith.addf %get3A_962, %get3A_966 : vector<16xf32>
        %max3A = arith.constant 0.000000e+00 : f32
        %max3A_968 = vector.broadcast %max3A : f32 to vector<16xf32>
        %max3A_969 = arith.maximumf %add3A_967, %max3A_968 : vector<16xf32>
        %swap3A = arith.index_cast %scan3A_958 : i32 to index
        %swap3A_970 = arith.constant 0 : index
        %swap3A_971 = tpu.vector_load %arg27[%swap3A, %swap3A_970] {strides = array<i32>} : memref<40x128xf32, #tpu.memory_space<vmem>>, vector<1x16xf32>,
        %swap3A_972 = vector.shape_cast %swap3A_971 : vector<1x16xf32> to vector<16xf32>
        %swap3A_973 = vector.shape_cast %max3A_969 : vector<16xf32> to vector<1x16xf32>
        tpu.vector_store %arg27[%swap3A, %swap3A_970], %swap3A_973 {strides = array<i32>} : memref<40x128xf32, #tpu.memory_space<vmem>>, vector<1x16xf32>,
        %get3A_974 = arith.index_cast %scan3A_958 : i32 to index
        %get3A_975 = arith.constant 16 : index
        %get3A_976 = tpu.vector_load %arg25[%get3A_974, %get3A_975] {strides = array<i32>} : memref<40x128xf32, #tpu.memory_space<vmem>>, vector<1x16xf32>,
        %get3A_977 = vector.shape_cast %get3A_976 : vector<1x16xf32> to vector<16xf32>
        %get3A_978 = arith.index_cast %scan3A_958 : i32 to index
        %get3A_979 = arith.constant 16 : index
        %get3A_980 = tpu.vector_load %arg22[%get3A_978, %get3A_979] {strides = array<i32>} : memref<40x128xf32, #tpu.memory_space<vmem>>, vector<1x16xf32>,
        %get3A_981 = vector.shape_cast %get3A_980 : vector<1x16xf32> to vector<16xf32>
        %add3A_982 = arith.addf %get3A_977, %get3A_981 : vector<16xf32>
        %max3A_983 = arith.constant 0.000000e+00 : f32
        %max3A_984 = vector.broadcast %max3A_983 : f32 to vector<16xf32>
        %max3A_985 = arith.maximumf %add3A_982, %max3A_984 : vector<16xf32>
        %swap3A_986 = arith.index_cast %scan3A_958 : i32 to index
        %swap3A_987 = arith.constant 16 : index
        %swap3A_988 = tpu.vector_load %arg27[%swap3A_986, %swap3A_987] {strides = array<i32>} : memref<40x128xf32, #tpu.memory_space<vmem>>, vector<1x16xf32>,
        %swap3A_989 = vector.shape_cast %swap3A_988 : vector<1x16xf32> to vector<16xf32>
        %swap3A_990 = vector.shape_cast %max3A_985 : vector<16xf32> to vector<1x16xf32>
        tpu.vector_store %arg27[%swap3A_986, %swap3A_987], %swap3A_990 {strides = array<i32>} : memref<40x128xf32, #tpu.memory_space<vmem>>, vector<1x16xf32>,
        %get3A_991 = arith.index_cast %scan3A_958 : i32 to index
        %get3A_992 = arith.constant 32 : index
        %get3A_993 = tpu.vector_load %arg25[%get3A_991, %get3A_992] {strides = array<i32>} : memref<40x128xf32, #tpu.memory_space<vmem>>, vector<1x16xf32>,
        %get3A_994 = vector.shape_cast %get3A_993 : vector<1x16xf32> to vector<16xf32>
        %get3A_995 = arith.index_cast %scan3A_958 : i32 to index
        %get3A_996 = arith.constant 32 : index
        %get3A_997 = tpu.vector_load %arg22[%get3A_995, %get3A_996] {strides = array<i32>} : memref<40x128xf32, #tpu.memory_space<vmem>>, vector<1x16xf32>,
        %get3A_998 = vector.shape_cast %get3A_997 : vector<1x16xf32> to vector<16xf32>
        %add3A_999 = arith.addf %get3A_994, %get3A_998 : vector<16xf32>
        %max3A_1000 = arith.constant 0.000000e+00 : f32
        %max3A_1001 = vector.broadcast %max3A_1000 : f32 to vector<16xf32>
        %max3A_1002 = arith.maximumf %add3A_999, %max3A_1001 : vector<16xf32>
        %swap3A_1003 = arith.index_cast %scan3A_958 : i32 to index
        %swap3A_1004 = arith.constant 32 : index
        %swap3A_1005 = tpu.vector_load %arg27[%swap3A_1003, %swap3A_1004] {strides = array<i32>} : memref<40x128xf32, #tpu.memory_space<vmem>>, vector<1x16xf32>,
        %swap3A_1006 = vector.shape_cast %swap3A_1005 : vector<1x16xf32> to vector<16xf32>
        %swap3A_1007 = vector.shape_cast %max3A_1002 : vector<16xf32> to vector<1x16xf32>
        tpu.vector_store %arg27[%swap3A_1003, %swap3A_1004], %swap3A_1007 {strides = array<i32>} : memref<40x128xf32, #tpu.memory_space<vmem>>, vector<1x16xf32>,
        %get3A_1008 = arith.index_cast %scan3A_958 : i32 to index
        %get3A_1009 = arith.constant 48 : index
        %get3A_1010 = tpu.vector_load %arg25[%get3A_1008, %get3A_1009] {strides = array<i32>} : memref<40x128xf32, #tpu.memory_space<vmem>>, vector<1x16xf32>,
        %get3A_1011 = vector.shape_cast %get3A_1010 : vector<1x16xf32> to vector<16xf32>
        %get3A_1012 = arith.index_cast %scan3A_958 : i32 to index
        %get3A_1013 = arith.constant 48 : index
        %get3A_1014 = tpu.vector_load %arg22[%get3A_1012, %get3A_1013] {strides = array<i32>} : memref<40x128xf32, #tpu.memory_space<vmem>>, vector<1x16xf32>,
        %get3A_1015 = vector.shape_cast %get3A_1014 : vector<1x16xf32> to vector<16xf32>
        %add3A_1016 = arith.addf %get3A_1011, %get3A_1015 : vector<16xf32>
        %max3A_1017 = arith.constant 0.000000e+00 : f32
        %max3A_1018 = vector.broadcast %max3A_1017 : f32 to vector<16xf32>
        %max3A_1019 = arith.maximumf %add3A_1016, %max3A_1018 : vector<16xf32>
        %swap3A_1020 = arith.index_cast %scan3A_958 : i32 to index
        %swap3A_1021 = arith.constant 48 : index
        %swap3A_1022 = tpu.vector_load %arg27[%swap3A_1020, %swap3A_1021] {strides = array<i32>} : memref<40x128xf32, #tpu.memory_space<vmem>>, vector<1x16xf32>,
        %swap3A_1023 = vector.shape_cast %swap3A_1022 : vector<1x16xf32> to vector<16xf32>
        %swap3A_1024 = vector.shape_cast %max3A_1019 : vector<16xf32> to vector<1x16xf32>
        tpu.vector_store %arg27[%swap3A_1020, %swap3A_1021], %swap3A_1024 {strides = array<i32>} : memref<40x128xf32, #tpu.memory_space<vmem>>, vector<1x16xf32>,
        %get3A_1025 = arith.index_cast %scan3A_958 : i32 to index
        %get3A_1026 = arith.constant 64 : index
        %get3A_1027 = tpu.vector_load %arg25[%get3A_1025, %get3A_1026] {strides = array<i32>} : memref<40x128xf32, #tpu.memory_space<vmem>>, vector<1x16xf32>,
        %get3A_1028 = vector.shape_cast %get3A_1027 : vector<1x16xf32> to vector<16xf32>
        %get3A_1029 = arith.index_cast %scan3A_958 : i32 to index
        %get3A_1030 = arith.constant 64 : index
        %get3A_1031 = tpu.vector_load %arg22[%get3A_1029, %get3A_1030] {strides = array<i32>} : memref<40x128xf32, #tpu.memory_space<vmem>>, vector<1x16xf32>,
        %get3A_1032 = vector.shape_cast %get3A_1031 : vector<1x16xf32> to vector<16xf32>
        %add3A_1033 = arith.addf %get3A_1028, %get3A_1032 : vector<16xf32>
        %max3A_1034 = arith.constant 0.000000e+00 : f32
        %max3A_1035 = vector.broadcast %max3A_1034 : f32 to vector<16xf32>
        %max3A_1036 = arith.maximumf %add3A_1033, %max3A_1035 : vector<16xf32>
        %swap3A_1037 = arith.index_cast %scan3A_958 : i32 to index
        %swap3A_1038 = arith.constant 64 : index
        %swap3A_1039 = tpu.vector_load %arg27[%swap3A_1037, %swap3A_1038] {strides = array<i32>} : memref<40x128xf32, #tpu.memory_space<vmem>>, vector<1x16xf32>,
        %swap3A_1040 = vector.shape_cast %swap3A_1039 : vector<1x16xf32> to vector<16xf32>
        %swap3A_1041 = vector.shape_cast %max3A_1036 : vector<16xf32> to vector<1x16xf32>
        tpu.vector_store %arg27[%swap3A_1037, %swap3A_1038], %swap3A_1041 {strides = array<i32>} : memref<40x128xf32, #tpu.memory_space<vmem>>, vector<1x16xf32>,
        %get3A_1042 = arith.index_cast %scan3A_958 : i32 to index
        %get3A_1043 = arith.constant 80 : index
        %get3A_1044 = tpu.vector_load %arg25[%get3A_1042, %get3A_1043] {strides = array<i32>} : memref<40x128xf32, #tpu.memory_space<vmem>>, vector<1x16xf32>,
        %get3A_1045 = vector.shape_cast %get3A_1044 : vector<1x16xf32> to vector<16xf32>
        %get3A_1046 = arith.index_cast %scan3A_958 : i32 to index
        %get3A_1047 = arith.constant 80 : index
        %get3A_1048 = tpu.vector_load %arg22[%get3A_1046, %get3A_1047] {strides = array<i32>} : memref<40x128xf32, #tpu.memory_space<vmem>>, vector<1x16xf32>,
        %get3A_1049 = vector.shape_cast %get3A_1048 : vector<1x16xf32> to vector<16xf32>
        %add3A_1050 = arith.addf %get3A_1045, %get3A_1049 : vector<16xf32>
        %max3A_1051 = arith.constant 0.000000e+00 : f32
        %max3A_1052 = vector.broadcast %max3A_1051 : f32 to vector<16xf32>
        %max3A_1053 = arith.maximumf %add3A_1050, %max3A_1052 : vector<16xf32>
        %swap3A_1054 = arith.index_cast %scan3A_958 : i32 to index
        %swap3A_1055 = arith.constant 80 : index
        %swap3A_1056 = tpu.vector_load %arg27[%swap3A_1054, %swap3A_1055] {strides = array<i32>} : memref<40x128xf32, #tpu.memory_space<vmem>>, vector<1x16xf32>,
        %swap3A_1057 = vector.shape_cast %swap3A_1056 : vector<1x16xf32> to vector<16xf32>
        %swap3A_1058 = vector.shape_cast %max3A_1053 : vector<16xf32> to vector<1x16xf32>
        tpu.vector_store %arg27[%swap3A_1054, %swap3A_1055], %swap3A_1058 {strides = array<i32>} : memref<40x128xf32, #tpu.memory_space<vmem>>, vector<1x16xf32>,
        %get3A_1059 = arith.index_cast %scan3A_958 : i32 to index
        %get3A_1060 = arith.constant 96 : index
        %get3A_1061 = tpu.vector_load %arg25[%get3A_1059, %get3A_1060] {strides = array<i32>} : memref<40x128xf32, #tpu.memory_space<vmem>>, vector<1x16xf32>,
        %get3A_1062 = vector.shape_cast %get3A_1061 : vector<1x16xf32> to vector<16xf32>
        %get3A_1063 = arith.index_cast %scan3A_958 : i32 to index
        %get3A_1064 = arith.constant 96 : index
        %get3A_1065 = tpu.vector_load %arg22[%get3A_1063, %get3A_1064] {strides = array<i32>} : memref<40x128xf32, #tpu.memory_space<vmem>>, vector<1x16xf32>,
        %get3A_1066 = vector.shape_cast %get3A_1065 : vector<1x16xf32> to vector<16xf32>
        %add3A_1067 = arith.addf %get3A_1062, %get3A_1066 : vector<16xf32>
        %max3A_1068 = arith.constant 0.000000e+00 : f32
        %max3A_1069 = vector.broadcast %max3A_1068 : f32 to vector<16xf32>
        %max3A_1070 = arith.maximumf %add3A_1067, %max3A_1069 : vector<16xf32>
        %swap3A_1071 = arith.index_cast %scan3A_958 : i32 to index
        %swap3A_1072 = arith.constant 96 : index
        %swap3A_1073 = tpu.vector_load %arg27[%swap3A_1071, %swap3A_1072] {strides = array<i32>} : memref<40x128xf32, #tpu.memory_space<vmem>>, vector<1x16xf32>,
        %swap3A_1074 = vector.shape_cast %swap3A_1073 : vector<1x16xf32> to vector<16xf32>
        %swap3A_1075 = vector.shape_cast %max3A_1070 : vector<16xf32> to vector<1x16xf32>
        tpu.vector_store %arg27[%swap3A_1071, %swap3A_1072], %swap3A_1075 {strides = array<i32>} : memref<40x128xf32, #tpu.memory_space<vmem>>, vector<1x16xf32>,
        %get3A_1076 = arith.index_cast %scan3A_958 : i32 to index
        %get3A_1077 = arith.constant 112 : index
        %get3A_1078 = tpu.vector_load %arg25[%get3A_1076, %get3A_1077] {strides = array<i32>} : memref<40x128xf32, #tpu.memory_space<vmem>>, vector<1x16xf32>,
        %get3A_1079 = vector.shape_cast %get3A_1078 : vector<1x16xf32> to vector<16xf32>
        %get3A_1080 = arith.index_cast %scan3A_958 : i32 to index
        %get3A_1081 = arith.constant 112 : index
        %get3A_1082 = tpu.vector_load %arg22[%get3A_1080, %get3A_1081] {strides = array<i32>} : memref<40x128xf32, #tpu.memory_space<vmem>>, vector<1x16xf32>,
        %get3A_1083 = vector.shape_cast %get3A_1082 : vector<1x16xf32> to vector<16xf32>
        %add3A_1084 = arith.addf %get3A_1079, %get3A_1083 : vector<16xf32>
        %max3A_1085 = arith.constant 0.000000e+00 : f32
        %max3A_1086 = vector.broadcast %max3A_1085 : f32 to vector<16xf32>
        %max3A_1087 = arith.maximumf %add3A_1084, %max3A_1086 : vector<16xf32>
        %swap3A_1088 = arith.index_cast %scan3A_958 : i32 to index
        %swap3A_1089 = arith.constant 112 : index
        %swap3A_1090 = tpu.vector_load %arg27[%swap3A_1088, %swap3A_1089] {strides = array<i32>} : memref<40x128xf32, #tpu.memory_space<vmem>>, vector<1x16xf32>,
        %swap3A_1091 = vector.shape_cast %swap3A_1090 : vector<1x16xf32> to vector<16xf32>
        %swap3A_1092 = vector.shape_cast %max3A_1087 : vector<16xf32> to vector<1x16xf32>
        tpu.vector_store %arg27[%swap3A_1088, %swap3A_1089], %swap3A_1092 {strides = array<i32>} : memref<40x128xf32, #tpu.memory_space<vmem>>, vector<1x16xf32>,
        %scan3A_1093 = arith.constant 0 : i32
        scf.yield %scan3A_1093 : i32
      }
      %scan3A_953 = arith.constant 40 : i32
      %dma_start3A_954 = arith.constant 0 : i32
      %dma_start3A_955 = arith.constant 0 : i32
      %dma_start3A_956 = tpu.memref_slice %arg7[%dma_start3A_954, %dma_start3A_955] : memref<10240x128xf32, #tpu.memory_space<vmem_shared>> -> memref<10240x128xf32, #tpu.memory_space<vmem_shared>>
      tpu.enqueue_indirect_dma source(%arg27 : memref<40x128xf32, #tpu.memory_space<vmem>>) target(%dma_start3A_956 : memref<10240x128xf32, #tpu.memory_space<vmem_shared>>) offsets(%arg19 : memref<40xi32, #tpu.memory_space<vmem>>) semaphore(%arg47 : memref<!tpu.dma_semaphore, #tpu.memory_space<semaphore_mem>>) {add = true}
      %scan3A_957 = arith.constant 0 : i32
      scf.yield %scan3A_957 : i32
    }
    %scan3A_411 = arith.constant 40 : i32
    %dma_wait3A_412 = arith.constant 0 : i32
    %dma_wait3A_413 = arith.constant 0 : i32
    %dma_wait3A_414 = tpu.memref_slice %arg2[%dma_wait3A_412, %dma_wait3A_413] : memref<10000x128xf32, #tpu.memory_space<hbm>> -> memref<10000x128xf32, #tpu.memory_space<hbm>>
    tpu.wait_indirect_dma semaphore(%arg40 : memref<!tpu.dma_semaphore, #tpu.memory_space<semaphore_mem>>) src(%dma_wait3A_414 : memref<10000x128xf32, #tpu.memory_space<hbm>>) dst(%arg20 : memref<40x128xf32, #tpu.memory_space<vmem>>)
    %add3A_415 = arith.constant 9840 : i32
    %add3A_416 = arith.addi %mul3A_2, %add3A_415 : i32
    %dma_wait3A_417 = arith.constant 0 : i32
    %dma_wait3A_418 = tpu.memref_slice %arg5[%add3A_416, %dma_wait3A_417] : memref<320000x128xf32, #tpu.memory_space<hbm>> -> memref<40x128xf32, #tpu.memory_space<hbm>>
    %dma_wait3A_419 = arith.constant 0 : i32
    %dma_wait3A_420 = tpu.memref_slice %arg5[%add3A_416, %dma_wait3A_419] : memref<320000x128xf32, #tpu.memory_space<hbm>> -> memref<40x128xf32, #tpu.memory_space<hbm>>
    tpu.wait_dma2 semaphore(%arg43 : memref<!tpu.dma_semaphore, #tpu.memory_space<semaphore_mem>>) src(%dma_wait3A_420 : memref<40x128xf32, #tpu.memory_space<hbm>>) dst(%arg23 : memref<40x128xf32, #tpu.memory_space<vmem>>)
    %dma_wait3A_421 = arith.constant 0 : i32
    %dma_wait3A_422 = arith.constant 0 : i32
    %dma_wait3A_423 = tpu.memref_slice %arg7[%dma_wait3A_421, %dma_wait3A_422] : memref<10240x128xf32, #tpu.memory_space<vmem_shared>> -> memref<10240x128xf32, #tpu.memory_space<vmem_shared>>
    tpu.wait_indirect_dma semaphore(%arg46 : memref<!tpu.dma_semaphore, #tpu.memory_space<semaphore_mem>>) src(%arg26 : memref<40x128xf32, #tpu.memory_space<vmem>>) dst(%dma_wait3A_423 : memref<10240x128xf32, #tpu.memory_space<vmem_shared>>)
    %add3A_424 = arith.constant 9960 : i32
    %add3A_425 = arith.addi %mul3A_2, %add3A_424 : i32
    %dma_start3A_426 = tpu.memref_slice %arg3[%add3A_425] : memref<320000xi32, #tpu.memory_space<hbm>> -> memref<40xi32, #tpu.memory_space<hbm>>
    %dma_start3A_427 = tpu.memref_slice %arg3[%add3A_425] : memref<320000xi32, #tpu.memory_space<hbm>> -> memref<40xi32, #tpu.memory_space<hbm>>
    tpu.enqueue_dma source(%dma_start3A_427 : memref<40xi32, #tpu.memory_space<hbm>>) target(%arg11 : memref<40xi32, #tpu.memory_space<vmem>>) target_semaphore(%arg31 : memref<!tpu.dma_semaphore, #tpu.memory_space<semaphore_mem>>)
    %add3A_428 = arith.constant 9960 : i32
    %add3A_429 = arith.addi %mul3A_2, %add3A_428 : i32
    %dma_start3A_430 = tpu.memref_slice %arg4[%add3A_429] : memref<320000xi32, #tpu.memory_space<hbm>> -> memref<40xi32, #tpu.memory_space<hbm>>
    %dma_start3A_431 = tpu.memref_slice %arg4[%add3A_429] : memref<320000xi32, #tpu.memory_space<hbm>> -> memref<40xi32, #tpu.memory_space<hbm>>
    tpu.enqueue_dma source(%dma_start3A_431 : memref<40xi32, #tpu.memory_space<hbm>>) target(%arg17 : memref<40xi32, #tpu.memory_space<vmem>>) target_semaphore(%arg37 : memref<!tpu.dma_semaphore, #tpu.memory_space<semaphore_mem>>)
    %add3A_432 = arith.constant 9920 : i32
    %add3A_433 = arith.addi %mul3A_2, %add3A_432 : i32
    %dma_wait3A_434 = tpu.memref_slice %arg3[%add3A_433] : memref<320000xi32, #tpu.memory_space<hbm>> -> memref<40xi32, #tpu.memory_space<hbm>>
    %dma_wait3A_435 = tpu.memref_slice %arg3[%add3A_433] : memref<320000xi32, #tpu.memory_space<hbm>> -> memref<40xi32, #tpu.memory_space<hbm>>
    tpu.wait_dma2 semaphore(%arg30 : memref<!tpu.dma_semaphore, #tpu.memory_space<semaphore_mem>>) src(%dma_wait3A_435 : memref<40xi32, #tpu.memory_space<hbm>>) dst(%arg10 : memref<40xi32, #tpu.memory_space<vmem>>)
    %add3A_436 = arith.constant 9920 : i32
    %add3A_437 = arith.addi %mul3A_2, %add3A_436 : i32
    %dma_wait3A_438 = tpu.memref_slice %arg4[%add3A_437] : memref<320000xi32, #tpu.memory_space<hbm>> -> memref<40xi32, #tpu.memory_space<hbm>>
    %dma_wait3A_439 = tpu.memref_slice %arg4[%add3A_437] : memref<320000xi32, #tpu.memory_space<hbm>> -> memref<40xi32, #tpu.memory_space<hbm>>
    tpu.wait_dma2 semaphore(%arg36 : memref<!tpu.dma_semaphore, #tpu.memory_space<semaphore_mem>>) src(%dma_wait3A_439 : memref<40xi32, #tpu.memory_space<hbm>>) dst(%arg16 : memref<40xi32, #tpu.memory_space<vmem>>)
    %dma_start3A_440 = arith.constant 0 : i32
    %dma_start3A_441 = arith.constant 0 : i32
    %dma_start3A_442 = tpu.memref_slice %arg2[%dma_start3A_440, %dma_start3A_441] : memref<10000x128xf32, #tpu.memory_space<hbm>> -> memref<10000x128xf32, #tpu.memory_space<hbm>>
    tpu.enqueue_indirect_dma source(%dma_start3A_442 : memref<10000x128xf32, #tpu.memory_space<hbm>>) target(%arg22 : memref<40x128xf32, #tpu.memory_space<vmem>>) offsets(%arg10 : memref<40xi32, #tpu.memory_space<vmem>>) semaphore(%arg42 : memref<!tpu.dma_semaphore, #tpu.memory_space<semaphore_mem>>)
    %add3A_443 = arith.constant 9920 : i32
    %add3A_444 = arith.addi %mul3A_2, %add3A_443 : i32
    %dma_start3A_445 = arith.constant 0 : i32
    %dma_start3A_446 = tpu.memref_slice %arg5[%add3A_444, %dma_start3A_445] : memref<320000x128xf32, #tpu.memory_space<hbm>> -> memref<40x128xf32, #tpu.memory_space<hbm>>
    %dma_start3A_447 = arith.constant 0 : i32
    %dma_start3A_448 = tpu.memref_slice %arg5[%add3A_444, %dma_start3A_447] : memref<320000x128xf32, #tpu.memory_space<hbm>> -> memref<40x128xf32, #tpu.memory_space<hbm>>
    tpu.enqueue_dma source(%dma_start3A_448 : memref<40x128xf32, #tpu.memory_space<hbm>>) target(%arg25 : memref<40x128xf32, #tpu.memory_space<vmem>>) target_semaphore(%arg45 : memref<!tpu.dma_semaphore, #tpu.memory_space<semaphore_mem>>)
    %scan3A_449 = arith.constant 0 : i32
    %scan3A_450 = arith.constant 0 : i32
    %scan3A_451 = arith.constant 40 : i32
    %scan3A_452 = arith.addi %scan3A_450, %scan3A_451 : i32
    %scan3A_453 = arith.constant 1 : i32
    %scan3A_454 = scf.for %scan3A_553 = %scan3A_450 to %scan3A_452 step %scan3A_453 iter_args(%scan3A_554 = %scan3A_449) -> (i32)  : i32 {
      %get3A = arith.index_cast %scan3A_553 : i32 to index
      %get3A_555 = arith.constant 0 : index
      %get3A_556 = tpu.vector_load %arg23[%get3A, %get3A_555] {strides = array<i32>} : memref<40x128xf32, #tpu.memory_space<vmem>>, vector<1x16xf32>,
      %get3A_557 = vector.shape_cast %get3A_556 : vector<1x16xf32> to vector<16xf32>
      %get3A_558 = arith.index_cast %scan3A_553 : i32 to index
      %get3A_559 = arith.constant 0 : index
      %get3A_560 = tpu.vector_load %arg20[%get3A_558, %get3A_559] {strides = array<i32>} : memref<40x128xf32, #tpu.memory_space<vmem>>, vector<1x16xf32>,
      %get3A_561 = vector.shape_cast %get3A_560 : vector<1x16xf32> to vector<16xf32>
      %add3A_562 = arith.addf %get3A_557, %get3A_561 : vector<16xf32>
      %max3A = arith.constant 0.000000e+00 : f32
      %max3A_563 = vector.broadcast %max3A : f32 to vector<16xf32>
      %max3A_564 = arith.maximumf %add3A_562, %max3A_563 : vector<16xf32>
      %swap3A = arith.index_cast %scan3A_553 : i32 to index
      %swap3A_565 = arith.constant 0 : index
      %swap3A_566 = tpu.vector_load %arg26[%swap3A, %swap3A_565] {strides = array<i32>} : memref<40x128xf32, #tpu.memory_space<vmem>>, vector<1x16xf32>,
      %swap3A_567 = vector.shape_cast %swap3A_566 : vector<1x16xf32> to vector<16xf32>
      %swap3A_568 = vector.shape_cast %max3A_564 : vector<16xf32> to vector<1x16xf32>
      tpu.vector_store %arg26[%swap3A, %swap3A_565], %swap3A_568 {strides = array<i32>} : memref<40x128xf32, #tpu.memory_space<vmem>>, vector<1x16xf32>,
      %get3A_569 = arith.index_cast %scan3A_553 : i32 to index
      %get3A_570 = arith.constant 16 : index
      %get3A_571 = tpu.vector_load %arg23[%get3A_569, %get3A_570] {strides = array<i32>} : memref<40x128xf32, #tpu.memory_space<vmem>>, vector<1x16xf32>,
      %get3A_572 = vector.shape_cast %get3A_571 : vector<1x16xf32> to vector<16xf32>
      %get3A_573 = arith.index_cast %scan3A_553 : i32 to index
      %get3A_574 = arith.constant 16 : index
      %get3A_575 = tpu.vector_load %arg20[%get3A_573, %get3A_574] {strides = array<i32>} : memref<40x128xf32, #tpu.memory_space<vmem>>, vector<1x16xf32>,
      %get3A_576 = vector.shape_cast %get3A_575 : vector<1x16xf32> to vector<16xf32>
      %add3A_577 = arith.addf %get3A_572, %get3A_576 : vector<16xf32>
      %max3A_578 = arith.constant 0.000000e+00 : f32
      %max3A_579 = vector.broadcast %max3A_578 : f32 to vector<16xf32>
      %max3A_580 = arith.maximumf %add3A_577, %max3A_579 : vector<16xf32>
      %swap3A_581 = arith.index_cast %scan3A_553 : i32 to index
      %swap3A_582 = arith.constant 16 : index
      %swap3A_583 = tpu.vector_load %arg26[%swap3A_581, %swap3A_582] {strides = array<i32>} : memref<40x128xf32, #tpu.memory_space<vmem>>, vector<1x16xf32>,
      %swap3A_584 = vector.shape_cast %swap3A_583 : vector<1x16xf32> to vector<16xf32>
      %swap3A_585 = vector.shape_cast %max3A_580 : vector<16xf32> to vector<1x16xf32>
      tpu.vector_store %arg26[%swap3A_581, %swap3A_582], %swap3A_585 {strides = array<i32>} : memref<40x128xf32, #tpu.memory_space<vmem>>, vector<1x16xf32>,
      %get3A_586 = arith.index_cast %scan3A_553 : i32 to index
      %get3A_587 = arith.constant 32 : index
      %get3A_588 = tpu.vector_load %arg23[%get3A_586, %get3A_587] {strides = array<i32>} : memref<40x128xf32, #tpu.memory_space<vmem>>, vector<1x16xf32>,
      %get3A_589 = vector.shape_cast %get3A_588 : vector<1x16xf32> to vector<16xf32>
      %get3A_590 = arith.index_cast %scan3A_553 : i32 to index
      %get3A_591 = arith.constant 32 : index
      %get3A_592 = tpu.vector_load %arg20[%get3A_590, %get3A_591] {strides = array<i32>} : memref<40x128xf32, #tpu.memory_space<vmem>>, vector<1x16xf32>,
      %get3A_593 = vector.shape_cast %get3A_592 : vector<1x16xf32> to vector<16xf32>
      %add3A_594 = arith.addf %get3A_589, %get3A_593 : vector<16xf32>
      %max3A_595 = arith.constant 0.000000e+00 : f32
      %max3A_596 = vector.broadcast %max3A_595 : f32 to vector<16xf32>
      %max3A_597 = arith.maximumf %add3A_594, %max3A_596 : vector<16xf32>
      %swap3A_598 = arith.index_cast %scan3A_553 : i32 to index
      %swap3A_599 = arith.constant 32 : index
      %swap3A_600 = tpu.vector_load %arg26[%swap3A_598, %swap3A_599] {strides = array<i32>} : memref<40x128xf32, #tpu.memory_space<vmem>>, vector<1x16xf32>,
      %swap3A_601 = vector.shape_cast %swap3A_600 : vector<1x16xf32> to vector<16xf32>
      %swap3A_602 = vector.shape_cast %max3A_597 : vector<16xf32> to vector<1x16xf32>
      tpu.vector_store %arg26[%swap3A_598, %swap3A_599], %swap3A_602 {strides = array<i32>} : memref<40x128xf32, #tpu.memory_space<vmem>>, vector<1x16xf32>,
      %get3A_603 = arith.index_cast %scan3A_553 : i32 to index
      %get3A_604 = arith.constant 48 : index
      %get3A_605 = tpu.vector_load %arg23[%get3A_603, %get3A_604] {strides = array<i32>} : memref<40x128xf32, #tpu.memory_space<vmem>>, vector<1x16xf32>,
      %get3A_606 = vector.shape_cast %get3A_605 : vector<1x16xf32> to vector<16xf32>
      %get3A_607 = arith.index_cast %scan3A_553 : i32 to index
      %get3A_608 = arith.constant 48 : index
      %get3A_609 = tpu.vector_load %arg20[%get3A_607, %get3A_608] {strides = array<i32>} : memref<40x128xf32, #tpu.memory_space<vmem>>, vector<1x16xf32>,
      %get3A_610 = vector.shape_cast %get3A_609 : vector<1x16xf32> to vector<16xf32>
      %add3A_611 = arith.addf %get3A_606, %get3A_610 : vector<16xf32>
      %max3A_612 = arith.constant 0.000000e+00 : f32
      %max3A_613 = vector.broadcast %max3A_612 : f32 to vector<16xf32>
      %max3A_614 = arith.maximumf %add3A_611, %max3A_613 : vector<16xf32>
      %swap3A_615 = arith.index_cast %scan3A_553 : i32 to index
      %swap3A_616 = arith.constant 48 : index
      %swap3A_617 = tpu.vector_load %arg26[%swap3A_615, %swap3A_616] {strides = array<i32>} : memref<40x128xf32, #tpu.memory_space<vmem>>, vector<1x16xf32>,
      %swap3A_618 = vector.shape_cast %swap3A_617 : vector<1x16xf32> to vector<16xf32>
      %swap3A_619 = vector.shape_cast %max3A_614 : vector<16xf32> to vector<1x16xf32>
      tpu.vector_store %arg26[%swap3A_615, %swap3A_616], %swap3A_619 {strides = array<i32>} : memref<40x128xf32, #tpu.memory_space<vmem>>, vector<1x16xf32>,
      %get3A_620 = arith.index_cast %scan3A_553 : i32 to index
      %get3A_621 = arith.constant 64 : index
      %get3A_622 = tpu.vector_load %arg23[%get3A_620, %get3A_621] {strides = array<i32>} : memref<40x128xf32, #tpu.memory_space<vmem>>, vector<1x16xf32>,
      %get3A_623 = vector.shape_cast %get3A_622 : vector<1x16xf32> to vector<16xf32>
      %get3A_624 = arith.index_cast %scan3A_553 : i32 to index
      %get3A_625 = arith.constant 64 : index
      %get3A_626 = tpu.vector_load %arg20[%get3A_624, %get3A_625] {strides = array<i32>} : memref<40x128xf32, #tpu.memory_space<vmem>>, vector<1x16xf32>,
      %get3A_627 = vector.shape_cast %get3A_626 : vector<1x16xf32> to vector<16xf32>
      %add3A_628 = arith.addf %get3A_623, %get3A_627 : vector<16xf32>
      %max3A_629 = arith.constant 0.000000e+00 : f32
      %max3A_630 = vector.broadcast %max3A_629 : f32 to vector<16xf32>
      %max3A_631 = arith.maximumf %add3A_628, %max3A_630 : vector<16xf32>
      %swap3A_632 = arith.index_cast %scan3A_553 : i32 to index
      %swap3A_633 = arith.constant 64 : index
      %swap3A_634 = tpu.vector_load %arg26[%swap3A_632, %swap3A_633] {strides = array<i32>} : memref<40x128xf32, #tpu.memory_space<vmem>>, vector<1x16xf32>,
      %swap3A_635 = vector.shape_cast %swap3A_634 : vector<1x16xf32> to vector<16xf32>
      %swap3A_636 = vector.shape_cast %max3A_631 : vector<16xf32> to vector<1x16xf32>
      tpu.vector_store %arg26[%swap3A_632, %swap3A_633], %swap3A_636 {strides = array<i32>} : memref<40x128xf32, #tpu.memory_space<vmem>>, vector<1x16xf32>,
      %get3A_637 = arith.index_cast %scan3A_553 : i32 to index
      %get3A_638 = arith.constant 80 : index
      %get3A_639 = tpu.vector_load %arg23[%get3A_637, %get3A_638] {strides = array<i32>} : memref<40x128xf32, #tpu.memory_space<vmem>>, vector<1x16xf32>,
      %get3A_640 = vector.shape_cast %get3A_639 : vector<1x16xf32> to vector<16xf32>
      %get3A_641 = arith.index_cast %scan3A_553 : i32 to index
      %get3A_642 = arith.constant 80 : index
      %get3A_643 = tpu.vector_load %arg20[%get3A_641, %get3A_642] {strides = array<i32>} : memref<40x128xf32, #tpu.memory_space<vmem>>, vector<1x16xf32>,
      %get3A_644 = vector.shape_cast %get3A_643 : vector<1x16xf32> to vector<16xf32>
      %add3A_645 = arith.addf %get3A_640, %get3A_644 : vector<16xf32>
      %max3A_646 = arith.constant 0.000000e+00 : f32
      %max3A_647 = vector.broadcast %max3A_646 : f32 to vector<16xf32>
      %max3A_648 = arith.maximumf %add3A_645, %max3A_647 : vector<16xf32>
      %swap3A_649 = arith.index_cast %scan3A_553 : i32 to index
      %swap3A_650 = arith.constant 80 : index
      %swap3A_651 = tpu.vector_load %arg26[%swap3A_649, %swap3A_650] {strides = array<i32>} : memref<40x128xf32, #tpu.memory_space<vmem>>, vector<1x16xf32>,
      %swap3A_652 = vector.shape_cast %swap3A_651 : vector<1x16xf32> to vector<16xf32>
      %swap3A_653 = vector.shape_cast %max3A_648 : vector<16xf32> to vector<1x16xf32>
      tpu.vector_store %arg26[%swap3A_649, %swap3A_650], %swap3A_653 {strides = array<i32>} : memref<40x128xf32, #tpu.memory_space<vmem>>, vector<1x16xf32>,
      %get3A_654 = arith.index_cast %scan3A_553 : i32 to index
      %get3A_655 = arith.constant 96 : index
      %get3A_656 = tpu.vector_load %arg23[%get3A_654, %get3A_655] {strides = array<i32>} : memref<40x128xf32, #tpu.memory_space<vmem>>, vector<1x16xf32>,
      %get3A_657 = vector.shape_cast %get3A_656 : vector<1x16xf32> to vector<16xf32>
      %get3A_658 = arith.index_cast %scan3A_553 : i32 to index
      %get3A_659 = arith.constant 96 : index
      %get3A_660 = tpu.vector_load %arg20[%get3A_658, %get3A_659] {strides = array<i32>} : memref<40x128xf32, #tpu.memory_space<vmem>>, vector<1x16xf32>,
      %get3A_661 = vector.shape_cast %get3A_660 : vector<1x16xf32> to vector<16xf32>
      %add3A_662 = arith.addf %get3A_657, %get3A_661 : vector<16xf32>
      %max3A_663 = arith.constant 0.000000e+00 : f32
      %max3A_664 = vector.broadcast %max3A_663 : f32 to vector<16xf32>
      %max3A_665 = arith.maximumf %add3A_662, %max3A_664 : vector<16xf32>
      %swap3A_666 = arith.index_cast %scan3A_553 : i32 to index
      %swap3A_667 = arith.constant 96 : index
      %swap3A_668 = tpu.vector_load %arg26[%swap3A_666, %swap3A_667] {strides = array<i32>} : memref<40x128xf32, #tpu.memory_space<vmem>>, vector<1x16xf32>,
      %swap3A_669 = vector.shape_cast %swap3A_668 : vector<1x16xf32> to vector<16xf32>
      %swap3A_670 = vector.shape_cast %max3A_665 : vector<16xf32> to vector<1x16xf32>
      tpu.vector_store %arg26[%swap3A_666, %swap3A_667], %swap3A_670 {strides = array<i32>} : memref<40x128xf32, #tpu.memory_space<vmem>>, vector<1x16xf32>,
      %get3A_671 = arith.index_cast %scan3A_553 : i32 to index
      %get3A_672 = arith.constant 112 : index
      %get3A_673 = tpu.vector_load %arg23[%get3A_671, %get3A_672] {strides = array<i32>} : memref<40x128xf32, #tpu.memory_space<vmem>>, vector<1x16xf32>,
      %get3A_674 = vector.shape_cast %get3A_673 : vector<1x16xf32> to vector<16xf32>
      %get3A_675 = arith.index_cast %scan3A_553 : i32 to index
      %get3A_676 = arith.constant 112 : index
      %get3A_677 = tpu.vector_load %arg20[%get3A_675, %get3A_676] {strides = array<i32>} : memref<40x128xf32, #tpu.memory_space<vmem>>, vector<1x16xf32>,
      %get3A_678 = vector.shape_cast %get3A_677 : vector<1x16xf32> to vector<16xf32>
      %add3A_679 = arith.addf %get3A_674, %get3A_678 : vector<16xf32>
      %max3A_680 = arith.constant 0.000000e+00 : f32
      %max3A_681 = vector.broadcast %max3A_680 : f32 to vector<16xf32>
      %max3A_682 = arith.maximumf %add3A_679, %max3A_681 : vector<16xf32>
      %swap3A_683 = arith.index_cast %scan3A_553 : i32 to index
      %swap3A_684 = arith.constant 112 : index
      %swap3A_685 = tpu.vector_load %arg26[%swap3A_683, %swap3A_684] {strides = array<i32>} : memref<40x128xf32, #tpu.memory_space<vmem>>, vector<1x16xf32>,
      %swap3A_686 = vector.shape_cast %swap3A_685 : vector<1x16xf32> to vector<16xf32>
      %swap3A_687 = vector.shape_cast %max3A_682 : vector<16xf32> to vector<1x16xf32>
      tpu.vector_store %arg26[%swap3A_683, %swap3A_684], %swap3A_687 {strides = array<i32>} : memref<40x128xf32, #tpu.memory_space<vmem>>, vector<1x16xf32>,
      %scan3A_688 = arith.constant 0 : i32
      scf.yield %scan3A_688 : i32
    }
    %scan3A_455 = arith.constant 40 : i32
    %dma_start3A_456 = arith.constant 0 : i32
    %dma_start3A_457 = arith.constant 0 : i32
    %dma_start3A_458 = tpu.memref_slice %arg7[%dma_start3A_456, %dma_start3A_457] : memref<10240x128xf32, #tpu.memory_space<vmem_shared>> -> memref<10240x128xf32, #tpu.memory_space<vmem_shared>>
    tpu.enqueue_indirect_dma source(%arg26 : memref<40x128xf32, #tpu.memory_space<vmem>>) target(%dma_start3A_458 : memref<10240x128xf32, #tpu.memory_space<vmem_shared>>) offsets(%arg14 : memref<40xi32, #tpu.memory_space<vmem>>) semaphore(%arg46 : memref<!tpu.dma_semaphore, #tpu.memory_space<semaphore_mem>>) {add = true}
    %dma_wait3A_459 = arith.constant 0 : i32
    %dma_wait3A_460 = arith.constant 0 : i32
    %dma_wait3A_461 = tpu.memref_slice %arg2[%dma_wait3A_459, %dma_wait3A_460] : memref<10000x128xf32, #tpu.memory_space<hbm>> -> memref<10000x128xf32, #tpu.memory_space<hbm>>
    tpu.wait_indirect_dma semaphore(%arg41 : memref<!tpu.dma_semaphore, #tpu.memory_space<semaphore_mem>>) src(%dma_wait3A_461 : memref<10000x128xf32, #tpu.memory_space<hbm>>) dst(%arg21 : memref<40x128xf32, #tpu.memory_space<vmem>>)
    %add3A_462 = arith.constant 9880 : i32
    %add3A_463 = arith.addi %mul3A_2, %add3A_462 : i32
    %dma_wait3A_464 = arith.constant 0 : i32
    %dma_wait3A_465 = tpu.memref_slice %arg5[%add3A_463, %dma_wait3A_464] : memref<320000x128xf32, #tpu.memory_space<hbm>> -> memref<40x128xf32, #tpu.memory_space<hbm>>
    %dma_wait3A_466 = arith.constant 0 : i32
    %dma_wait3A_467 = tpu.memref_slice %arg5[%add3A_463, %dma_wait3A_466] : memref<320000x128xf32, #tpu.memory_space<hbm>> -> memref<40x128xf32, #tpu.memory_space<hbm>>
    tpu.wait_dma2 semaphore(%arg44 : memref<!tpu.dma_semaphore, #tpu.memory_space<semaphore_mem>>) src(%dma_wait3A_467 : memref<40x128xf32, #tpu.memory_space<hbm>>) dst(%arg24 : memref<40x128xf32, #tpu.memory_space<vmem>>)
    %dma_wait3A_468 = arith.constant 0 : i32
    %dma_wait3A_469 = arith.constant 0 : i32
    %dma_wait3A_470 = tpu.memref_slice %arg7[%dma_wait3A_468, %dma_wait3A_469] : memref<10240x128xf32, #tpu.memory_space<vmem_shared>> -> memref<10240x128xf32, #tpu.memory_space<vmem_shared>>
    tpu.wait_indirect_dma semaphore(%arg47 : memref<!tpu.dma_semaphore, #tpu.memory_space<semaphore_mem>>) src(%arg27 : memref<40x128xf32, #tpu.memory_space<vmem>>) dst(%dma_wait3A_470 : memref<10240x128xf32, #tpu.memory_space<vmem_shared>>)
    %add3A_471 = arith.constant 9960 : i32
    %add3A_472 = arith.addi %mul3A_2, %add3A_471 : i32
    %dma_wait3A_473 = tpu.memref_slice %arg3[%add3A_472] : memref<320000xi32, #tpu.memory_space<hbm>> -> memref<40xi32, #tpu.memory_space<hbm>>
    %dma_wait3A_474 = tpu.memref_slice %arg3[%add3A_472] : memref<320000xi32, #tpu.memory_space<hbm>> -> memref<40xi32, #tpu.memory_space<hbm>>
    tpu.wait_dma2 semaphore(%arg31 : memref<!tpu.dma_semaphore, #tpu.memory_space<semaphore_mem>>) src(%dma_wait3A_474 : memref<40xi32, #tpu.memory_space<hbm>>) dst(%arg11 : memref<40xi32, #tpu.memory_space<vmem>>)
    %add3A_475 = arith.constant 9960 : i32
    %add3A_476 = arith.addi %mul3A_2, %add3A_475 : i32
    %dma_wait3A_477 = tpu.memref_slice %arg4[%add3A_476] : memref<320000xi32, #tpu.memory_space<hbm>> -> memref<40xi32, #tpu.memory_space<hbm>>
    %dma_wait3A_478 = tpu.memref_slice %arg4[%add3A_476] : memref<320000xi32, #tpu.memory_space<hbm>> -> memref<40xi32, #tpu.memory_space<hbm>>
    tpu.wait_dma2 semaphore(%arg37 : memref<!tpu.dma_semaphore, #tpu.memory_space<semaphore_mem>>) src(%dma_wait3A_478 : memref<40xi32, #tpu.memory_space<hbm>>) dst(%arg17 : memref<40xi32, #tpu.memory_space<vmem>>)
    %dma_start3A_479 = arith.constant 0 : i32
    %dma_start3A_480 = arith.constant 0 : i32
    %dma_start3A_481 = tpu.memref_slice %arg2[%dma_start3A_479, %dma_start3A_480] : memref<10000x128xf32, #tpu.memory_space<hbm>> -> memref<10000x128xf32, #tpu.memory_space<hbm>>
    tpu.enqueue_indirect_dma source(%dma_start3A_481 : memref<10000x128xf32, #tpu.memory_space<hbm>>) target(%arg20 : memref<40x128xf32, #tpu.memory_space<vmem>>) offsets(%arg11 : memref<40xi32, #tpu.memory_space<vmem>>) semaphore(%arg40 : memref<!tpu.dma_semaphore, #tpu.memory_space<semaphore_mem>>)
    %add3A_482 = arith.constant 9960 : i32
    %add3A_483 = arith.addi %mul3A_2, %add3A_482 : i32
    %dma_start3A_484 = arith.constant 0 : i32
    %dma_start3A_485 = tpu.memref_slice %arg5[%add3A_483, %dma_start3A_484] : memref<320000x128xf32, #tpu.memory_space<hbm>> -> memref<40x128xf32, #tpu.memory_space<hbm>>
    %dma_start3A_486 = arith.constant 0 : i32
    %dma_start3A_487 = tpu.memref_slice %arg5[%add3A_483, %dma_start3A_486] : memref<320000x128xf32, #tpu.memory_space<hbm>> -> memref<40x128xf32, #tpu.memory_space<hbm>>
    tpu.enqueue_dma source(%dma_start3A_487 : memref<40x128xf32, #tpu.memory_space<hbm>>) target(%arg23 : memref<40x128xf32, #tpu.memory_space<vmem>>) target_semaphore(%arg43 : memref<!tpu.dma_semaphore, #tpu.memory_space<semaphore_mem>>)
    %scan3A_488 = arith.constant 0 : i32
    %scan3A_489 = arith.constant 0 : i32
    %scan3A_490 = arith.constant 40 : i32
    %scan3A_491 = arith.addi %scan3A_489, %scan3A_490 : i32
    %scan3A_492 = arith.constant 1 : i32
    %scan3A_493 = scf.for %scan3A_553 = %scan3A_489 to %scan3A_491 step %scan3A_492 iter_args(%scan3A_554 = %scan3A_488) -> (i32)  : i32 {
      %get3A = arith.index_cast %scan3A_553 : i32 to index
      %get3A_555 = arith.constant 0 : index
      %get3A_556 = tpu.vector_load %arg24[%get3A, %get3A_555] {strides = array<i32>} : memref<40x128xf32, #tpu.memory_space<vmem>>, vector<1x16xf32>,
      %get3A_557 = vector.shape_cast %get3A_556 : vector<1x16xf32> to vector<16xf32>
      %get3A_558 = arith.index_cast %scan3A_553 : i32 to index
      %get3A_559 = arith.constant 0 : index
      %get3A_560 = tpu.vector_load %arg21[%get3A_558, %get3A_559] {strides = array<i32>} : memref<40x128xf32, #tpu.memory_space<vmem>>, vector<1x16xf32>,
      %get3A_561 = vector.shape_cast %get3A_560 : vector<1x16xf32> to vector<16xf32>
      %add3A_562 = arith.addf %get3A_557, %get3A_561 : vector<16xf32>
      %max3A = arith.constant 0.000000e+00 : f32
      %max3A_563 = vector.broadcast %max3A : f32 to vector<16xf32>
      %max3A_564 = arith.maximumf %add3A_562, %max3A_563 : vector<16xf32>
      %swap3A = arith.index_cast %scan3A_553 : i32 to index
      %swap3A_565 = arith.constant 0 : index
      %swap3A_566 = tpu.vector_load %arg27[%swap3A, %swap3A_565] {strides = array<i32>} : memref<40x128xf32, #tpu.memory_space<vmem>>, vector<1x16xf32>,
      %swap3A_567 = vector.shape_cast %swap3A_566 : vector<1x16xf32> to vector<16xf32>
      %swap3A_568 = vector.shape_cast %max3A_564 : vector<16xf32> to vector<1x16xf32>
      tpu.vector_store %arg27[%swap3A, %swap3A_565], %swap3A_568 {strides = array<i32>} : memref<40x128xf32, #tpu.memory_space<vmem>>, vector<1x16xf32>,
      %get3A_569 = arith.index_cast %scan3A_553 : i32 to index
      %get3A_570 = arith.constant 16 : index
      %get3A_571 = tpu.vector_load %arg24[%get3A_569, %get3A_570] {strides = array<i32>} : memref<40x128xf32, #tpu.memory_space<vmem>>, vector<1x16xf32>,
      %get3A_572 = vector.shape_cast %get3A_571 : vector<1x16xf32> to vector<16xf32>
      %get3A_573 = arith.index_cast %scan3A_553 : i32 to index
      %get3A_574 = arith.constant 16 : index
      %get3A_575 = tpu.vector_load %arg21[%get3A_573, %get3A_574] {strides = array<i32>} : memref<40x128xf32, #tpu.memory_space<vmem>>, vector<1x16xf32>,
      %get3A_576 = vector.shape_cast %get3A_575 : vector<1x16xf32> to vector<16xf32>
      %add3A_577 = arith.addf %get3A_572, %get3A_576 : vector<16xf32>
      %max3A_578 = arith.constant 0.000000e+00 : f32
      %max3A_579 = vector.broadcast %max3A_578 : f32 to vector<16xf32>
      %max3A_580 = arith.maximumf %add3A_577, %max3A_579 : vector<16xf32>
      %swap3A_581 = arith.index_cast %scan3A_553 : i32 to index
      %swap3A_582 = arith.constant 16 : index
      %swap3A_583 = tpu.vector_load %arg27[%swap3A_581, %swap3A_582] {strides = array<i32>} : memref<40x128xf32, #tpu.memory_space<vmem>>, vector<1x16xf32>,
      %swap3A_584 = vector.shape_cast %swap3A_583 : vector<1x16xf32> to vector<16xf32>
      %swap3A_585 = vector.shape_cast %max3A_580 : vector<16xf32> to vector<1x16xf32>
      tpu.vector_store %arg27[%swap3A_581, %swap3A_582], %swap3A_585 {strides = array<i32>} : memref<40x128xf32, #tpu.memory_space<vmem>>, vector<1x16xf32>,
      %get3A_586 = arith.index_cast %scan3A_553 : i32 to index
      %get3A_587 = arith.constant 32 : index
      %get3A_588 = tpu.vector_load %arg24[%get3A_586, %get3A_587] {strides = array<i32>} : memref<40x128xf32, #tpu.memory_space<vmem>>, vector<1x16xf32>,
      %get3A_589 = vector.shape_cast %get3A_588 : vector<1x16xf32> to vector<16xf32>
      %get3A_590 = arith.index_cast %scan3A_553 : i32 to index
      %get3A_591 = arith.constant 32 : index
      %get3A_592 = tpu.vector_load %arg21[%get3A_590, %get3A_591] {strides = array<i32>} : memref<40x128xf32, #tpu.memory_space<vmem>>, vector<1x16xf32>,
      %get3A_593 = vector.shape_cast %get3A_592 : vector<1x16xf32> to vector<16xf32>
      %add3A_594 = arith.addf %get3A_589, %get3A_593 : vector<16xf32>
      %max3A_595 = arith.constant 0.000000e+00 : f32
      %max3A_596 = vector.broadcast %max3A_595 : f32 to vector<16xf32>
      %max3A_597 = arith.maximumf %add3A_594, %max3A_596 : vector<16xf32>
      %swap3A_598 = arith.index_cast %scan3A_553 : i32 to index
      %swap3A_599 = arith.constant 32 : index
      %swap3A_600 = tpu.vector_load %arg27[%swap3A_598, %swap3A_599] {strides = array<i32>} : memref<40x128xf32, #tpu.memory_space<vmem>>, vector<1x16xf32>,
      %swap3A_601 = vector.shape_cast %swap3A_600 : vector<1x16xf32> to vector<16xf32>
      %swap3A_602 = vector.shape_cast %max3A_597 : vector<16xf32> to vector<1x16xf32>
      tpu.vector_store %arg27[%swap3A_598, %swap3A_599], %swap3A_602 {strides = array<i32>} : memref<40x128xf32, #tpu.memory_space<vmem>>, vector<1x16xf32>,
      %get3A_603 = arith.index_cast %scan3A_553 : i32 to index
      %get3A_604 = arith.constant 48 : index
      %get3A_605 = tpu.vector_load %arg24[%get3A_603, %get3A_604] {strides = array<i32>} : memref<40x128xf32, #tpu.memory_space<vmem>>, vector<1x16xf32>,
      %get3A_606 = vector.shape_cast %get3A_605 : vector<1x16xf32> to vector<16xf32>
      %get3A_607 = arith.index_cast %scan3A_553 : i32 to index
      %get3A_608 = arith.constant 48 : index
      %get3A_609 = tpu.vector_load %arg21[%get3A_607, %get3A_608] {strides = array<i32>} : memref<40x128xf32, #tpu.memory_space<vmem>>, vector<1x16xf32>,
      %get3A_610 = vector.shape_cast %get3A_609 : vector<1x16xf32> to vector<16xf32>
      %add3A_611 = arith.addf %get3A_606, %get3A_610 : vector<16xf32>
      %max3A_612 = arith.constant 0.000000e+00 : f32
      %max3A_613 = vector.broadcast %max3A_612 : f32 to vector<16xf32>
      %max3A_614 = arith.maximumf %add3A_611, %max3A_613 : vector<16xf32>
      %swap3A_615 = arith.index_cast %scan3A_553 : i32 to index
      %swap3A_616 = arith.constant 48 : index
      %swap3A_617 = tpu.vector_load %arg27[%swap3A_615, %swap3A_616] {strides = array<i32>} : memref<40x128xf32, #tpu.memory_space<vmem>>, vector<1x16xf32>,
      %swap3A_618 = vector.shape_cast %swap3A_617 : vector<1x16xf32> to vector<16xf32>
      %swap3A_619 = vector.shape_cast %max3A_614 : vector<16xf32> to vector<1x16xf32>
      tpu.vector_store %arg27[%swap3A_615, %swap3A_616], %swap3A_619 {strides = array<i32>} : memref<40x128xf32, #tpu.memory_space<vmem>>, vector<1x16xf32>,
      %get3A_620 = arith.index_cast %scan3A_553 : i32 to index
      %get3A_621 = arith.constant 64 : index
      %get3A_622 = tpu.vector_load %arg24[%get3A_620, %get3A_621] {strides = array<i32>} : memref<40x128xf32, #tpu.memory_space<vmem>>, vector<1x16xf32>,
      %get3A_623 = vector.shape_cast %get3A_622 : vector<1x16xf32> to vector<16xf32>
      %get3A_624 = arith.index_cast %scan3A_553 : i32 to index
      %get3A_625 = arith.constant 64 : index
      %get3A_626 = tpu.vector_load %arg21[%get3A_624, %get3A_625] {strides = array<i32>} : memref<40x128xf32, #tpu.memory_space<vmem>>, vector<1x16xf32>,
      %get3A_627 = vector.shape_cast %get3A_626 : vector<1x16xf32> to vector<16xf32>
      %add3A_628 = arith.addf %get3A_623, %get3A_627 : vector<16xf32>
      %max3A_629 = arith.constant 0.000000e+00 : f32
      %max3A_630 = vector.broadcast %max3A_629 : f32 to vector<16xf32>
      %max3A_631 = arith.maximumf %add3A_628, %max3A_630 : vector<16xf32>
      %swap3A_632 = arith.index_cast %scan3A_553 : i32 to index
      %swap3A_633 = arith.constant 64 : index
      %swap3A_634 = tpu.vector_load %arg27[%swap3A_632, %swap3A_633] {strides = array<i32>} : memref<40x128xf32, #tpu.memory_space<vmem>>, vector<1x16xf32>,
      %swap3A_635 = vector.shape_cast %swap3A_634 : vector<1x16xf32> to vector<16xf32>
      %swap3A_636 = vector.shape_cast %max3A_631 : vector<16xf32> to vector<1x16xf32>
      tpu.vector_store %arg27[%swap3A_632, %swap3A_633], %swap3A_636 {strides = array<i32>} : memref<40x128xf32, #tpu.memory_space<vmem>>, vector<1x16xf32>,
      %get3A_637 = arith.index_cast %scan3A_553 : i32 to index
      %get3A_638 = arith.constant 80 : index
      %get3A_639 = tpu.vector_load %arg24[%get3A_637, %get3A_638] {strides = array<i32>} : memref<40x128xf32, #tpu.memory_space<vmem>>, vector<1x16xf32>,
      %get3A_640 = vector.shape_cast %get3A_639 : vector<1x16xf32> to vector<16xf32>
      %get3A_641 = arith.index_cast %scan3A_553 : i32 to index
      %get3A_642 = arith.constant 80 : index
      %get3A_643 = tpu.vector_load %arg21[%get3A_641, %get3A_642] {strides = array<i32>} : memref<40x128xf32, #tpu.memory_space<vmem>>, vector<1x16xf32>,
      %get3A_644 = vector.shape_cast %get3A_643 : vector<1x16xf32> to vector<16xf32>
      %add3A_645 = arith.addf %get3A_640, %get3A_644 : vector<16xf32>
      %max3A_646 = arith.constant 0.000000e+00 : f32
      %max3A_647 = vector.broadcast %max3A_646 : f32 to vector<16xf32>
      %max3A_648 = arith.maximumf %add3A_645, %max3A_647 : vector<16xf32>
      %swap3A_649 = arith.index_cast %scan3A_553 : i32 to index
      %swap3A_650 = arith.constant 80 : index
      %swap3A_651 = tpu.vector_load %arg27[%swap3A_649, %swap3A_650] {strides = array<i32>} : memref<40x128xf32, #tpu.memory_space<vmem>>, vector<1x16xf32>,
      %swap3A_652 = vector.shape_cast %swap3A_651 : vector<1x16xf32> to vector<16xf32>
      %swap3A_653 = vector.shape_cast %max3A_648 : vector<16xf32> to vector<1x16xf32>
      tpu.vector_store %arg27[%swap3A_649, %swap3A_650], %swap3A_653 {strides = array<i32>} : memref<40x128xf32, #tpu.memory_space<vmem>>, vector<1x16xf32>,
      %get3A_654 = arith.index_cast %scan3A_553 : i32 to index
      %get3A_655 = arith.constant 96 : index
      %get3A_656 = tpu.vector_load %arg24[%get3A_654, %get3A_655] {strides = array<i32>} : memref<40x128xf32, #tpu.memory_space<vmem>>, vector<1x16xf32>,
      %get3A_657 = vector.shape_cast %get3A_656 : vector<1x16xf32> to vector<16xf32>
      %get3A_658 = arith.index_cast %scan3A_553 : i32 to index
      %get3A_659 = arith.constant 96 : index
      %get3A_660 = tpu.vector_load %arg21[%get3A_658, %get3A_659] {strides = array<i32>} : memref<40x128xf32, #tpu.memory_space<vmem>>, vector<1x16xf32>,
      %get3A_661 = vector.shape_cast %get3A_660 : vector<1x16xf32> to vector<16xf32>
      %add3A_662 = arith.addf %get3A_657, %get3A_661 : vector<16xf32>
      %max3A_663 = arith.constant 0.000000e+00 : f32
      %max3A_664 = vector.broadcast %max3A_663 : f32 to vector<16xf32>
      %max3A_665 = arith.maximumf %add3A_662, %max3A_664 : vector<16xf32>
      %swap3A_666 = arith.index_cast %scan3A_553 : i32 to index
      %swap3A_667 = arith.constant 96 : index
      %swap3A_668 = tpu.vector_load %arg27[%swap3A_666, %swap3A_667] {strides = array<i32>} : memref<40x128xf32, #tpu.memory_space<vmem>>, vector<1x16xf32>,
      %swap3A_669 = vector.shape_cast %swap3A_668 : vector<1x16xf32> to vector<16xf32>
      %swap3A_670 = vector.shape_cast %max3A_665 : vector<16xf32> to vector<1x16xf32>
      tpu.vector_store %arg27[%swap3A_666, %swap3A_667], %swap3A_670 {strides = array<i32>} : memref<40x128xf32, #tpu.memory_space<vmem>>, vector<1x16xf32>,
      %get3A_671 = arith.index_cast %scan3A_553 : i32 to index
      %get3A_672 = arith.constant 112 : index
      %get3A_673 = tpu.vector_load %arg24[%get3A_671, %get3A_672] {strides = array<i32>} : memref<40x128xf32, #tpu.memory_space<vmem>>, vector<1x16xf32>,
      %get3A_674 = vector.shape_cast %get3A_673 : vector<1x16xf32> to vector<16xf32>
      %get3A_675 = arith.index_cast %scan3A_553 : i32 to index
      %get3A_676 = arith.constant 112 : index
      %get3A_677 = tpu.vector_load %arg21[%get3A_675, %get3A_676] {strides = array<i32>} : memref<40x128xf32, #tpu.memory_space<vmem>>, vector<1x16xf32>,
      %get3A_678 = vector.shape_cast %get3A_677 : vector<1x16xf32> to vector<16xf32>
      %add3A_679 = arith.addf %get3A_674, %get3A_678 : vector<16xf32>
      %max3A_680 = arith.constant 0.000000e+00 : f32
      %max3A_681 = vector.broadcast %max3A_680 : f32 to vector<16xf32>
      %max3A_682 = arith.maximumf %add3A_679, %max3A_681 : vector<16xf32>
      %swap3A_683 = arith.index_cast %scan3A_553 : i32 to index
      %swap3A_684 = arith.constant 112 : index
      %swap3A_685 = tpu.vector_load %arg27[%swap3A_683, %swap3A_684] {strides = array<i32>} : memref<40x128xf32, #tpu.memory_space<vmem>>, vector<1x16xf32>,
      %swap3A_686 = vector.shape_cast %swap3A_685 : vector<1x16xf32> to vector<16xf32>
      %swap3A_687 = vector.shape_cast %max3A_682 : vector<16xf32> to vector<1x16xf32>
      tpu.vector_store %arg27[%swap3A_683, %swap3A_684], %swap3A_687 {strides = array<i32>} : memref<40x128xf32, #tpu.memory_space<vmem>>, vector<1x16xf32>,
      %scan3A_688 = arith.constant 0 : i32
      scf.yield %scan3A_688 : i32
    }
    %scan3A_494 = arith.constant 40 : i32
    %dma_start3A_495 = arith.constant 0 : i32
    %dma_start3A_496 = arith.constant 0 : i32
    %dma_start3A_497 = tpu.memref_slice %arg7[%dma_start3A_495, %dma_start3A_496] : memref<10240x128xf32, #tpu.memory_space<vmem_shared>> -> memref<10240x128xf32, #tpu.memory_space<vmem_shared>>
    tpu.enqueue_indirect_dma source(%arg27 : memref<40x128xf32, #tpu.memory_space<vmem>>) target(%dma_start3A_497 : memref<10240x128xf32, #tpu.memory_space<vmem_shared>>) offsets(%arg15 : memref<40xi32, #tpu.memory_space<vmem>>) semaphore(%arg47 : memref<!tpu.dma_semaphore, #tpu.memory_space<semaphore_mem>>) {add = true}
    %dma_wait3A_498 = arith.constant 0 : i32
    %dma_wait3A_499 = arith.constant 0 : i32
    %dma_wait3A_500 = tpu.memref_slice %arg2[%dma_wait3A_498, %dma_wait3A_499] : memref<10000x128xf32, #tpu.memory_space<hbm>> -> memref<10000x128xf32, #tpu.memory_space<hbm>>
    tpu.wait_indirect_dma semaphore(%arg42 : memref<!tpu.dma_semaphore, #tpu.memory_space<semaphore_mem>>) src(%dma_wait3A_500 : memref<10000x128xf32, #tpu.memory_space<hbm>>) dst(%arg22 : memref<40x128xf32, #tpu.memory_space<vmem>>)
    %add3A_501 = arith.constant 9920 : i32
    %add3A_502 = arith.addi %mul3A_2, %add3A_501 : i32
    %dma_wait3A_503 = arith.constant 0 : i32
    %dma_wait3A_504 = tpu.memref_slice %arg5[%add3A_502, %dma_wait3A_503] : memref<320000x128xf32, #tpu.memory_space<hbm>> -> memref<40x128xf32, #tpu.memory_space<hbm>>
    %dma_wait3A_505 = arith.constant 0 : i32
    %dma_wait3A_506 = tpu.memref_slice %arg5[%add3A_502, %dma_wait3A_505] : memref<320000x128xf32, #tpu.memory_space<hbm>> -> memref<40x128xf32, #tpu.memory_space<hbm>>
    tpu.wait_dma2 semaphore(%arg45 : memref<!tpu.dma_semaphore, #tpu.memory_space<semaphore_mem>>) src(%dma_wait3A_506 : memref<40x128xf32, #tpu.memory_space<hbm>>) dst(%arg25 : memref<40x128xf32, #tpu.memory_space<vmem>>)
    %dma_wait3A_507 = arith.constant 0 : i32
    %dma_wait3A_508 = arith.constant 0 : i32
    %dma_wait3A_509 = tpu.memref_slice %arg7[%dma_wait3A_507, %dma_wait3A_508] : memref<10240x128xf32, #tpu.memory_space<vmem_shared>> -> memref<10240x128xf32, #tpu.memory_space<vmem_shared>>
    tpu.wait_indirect_dma semaphore(%arg46 : memref<!tpu.dma_semaphore, #tpu.memory_space<semaphore_mem>>) src(%arg26 : memref<40x128xf32, #tpu.memory_space<vmem>>) dst(%dma_wait3A_509 : memref<10240x128xf32, #tpu.memory_space<vmem_shared>>)
    %scan3A_510 = arith.constant 0 : i32
    %scan3A_511 = arith.constant 0 : i32
    %scan3A_512 = arith.constant 40 : i32
    %scan3A_513 = arith.addi %scan3A_511, %scan3A_512 : i32
    %scan3A_514 = arith.constant 1 : i32
    %scan3A_515 = scf.for %scan3A_553 = %scan3A_511 to %scan3A_513 step %scan3A_514 iter_args(%scan3A_554 = %scan3A_510) -> (i32)  : i32 {
      %get3A = arith.index_cast %scan3A_553 : i32 to index
      %get3A_555 = arith.constant 0 : index
      %get3A_556 = tpu.vector_load %arg25[%get3A, %get3A_555] {strides = array<i32>} : memref<40x128xf32, #tpu.memory_space<vmem>>, vector<1x16xf32>,
      %get3A_557 = vector.shape_cast %get3A_556 : vector<1x16xf32> to vector<16xf32>
      %get3A_558 = arith.index_cast %scan3A_553 : i32 to index
      %get3A_559 = arith.constant 0 : index
      %get3A_560 = tpu.vector_load %arg22[%get3A_558, %get3A_559] {strides = array<i32>} : memref<40x128xf32, #tpu.memory_space<vmem>>, vector<1x16xf32>,
      %get3A_561 = vector.shape_cast %get3A_560 : vector<1x16xf32> to vector<16xf32>
      %add3A_562 = arith.addf %get3A_557, %get3A_561 : vector<16xf32>
      %max3A = arith.constant 0.000000e+00 : f32
      %max3A_563 = vector.broadcast %max3A : f32 to vector<16xf32>
      %max3A_564 = arith.maximumf %add3A_562, %max3A_563 : vector<16xf32>
      %swap3A = arith.index_cast %scan3A_553 : i32 to index
      %swap3A_565 = arith.constant 0 : index
      %swap3A_566 = tpu.vector_load %arg26[%swap3A, %swap3A_565] {strides = array<i32>} : memref<40x128xf32, #tpu.memory_space<vmem>>, vector<1x16xf32>,
      %swap3A_567 = vector.shape_cast %swap3A_566 : vector<1x16xf32> to vector<16xf32>
      %swap3A_568 = vector.shape_cast %max3A_564 : vector<16xf32> to vector<1x16xf32>
      tpu.vector_store %arg26[%swap3A, %swap3A_565], %swap3A_568 {strides = array<i32>} : memref<40x128xf32, #tpu.memory_space<vmem>>, vector<1x16xf32>,
      %get3A_569 = arith.index_cast %scan3A_553 : i32 to index
      %get3A_570 = arith.constant 16 : index
      %get3A_571 = tpu.vector_load %arg25[%get3A_569, %get3A_570] {strides = array<i32>} : memref<40x128xf32, #tpu.memory_space<vmem>>, vector<1x16xf32>,
      %get3A_572 = vector.shape_cast %get3A_571 : vector<1x16xf32> to vector<16xf32>
      %get3A_573 = arith.index_cast %scan3A_553 : i32 to index
      %get3A_574 = arith.constant 16 : index
      %get3A_575 = tpu.vector_load %arg22[%get3A_573, %get3A_574] {strides = array<i32>} : memref<40x128xf32, #tpu.memory_space<vmem>>, vector<1x16xf32>,
      %get3A_576 = vector.shape_cast %get3A_575 : vector<1x16xf32> to vector<16xf32>
      %add3A_577 = arith.addf %get3A_572, %get3A_576 : vector<16xf32>
      %max3A_578 = arith.constant 0.000000e+00 : f32
      %max3A_579 = vector.broadcast %max3A_578 : f32 to vector<16xf32>
      %max3A_580 = arith.maximumf %add3A_577, %max3A_579 : vector<16xf32>
      %swap3A_581 = arith.index_cast %scan3A_553 : i32 to index
      %swap3A_582 = arith.constant 16 : index
      %swap3A_583 = tpu.vector_load %arg26[%swap3A_581, %swap3A_582] {strides = array<i32>} : memref<40x128xf32, #tpu.memory_space<vmem>>, vector<1x16xf32>,
      %swap3A_584 = vector.shape_cast %swap3A_583 : vector<1x16xf32> to vector<16xf32>
      %swap3A_585 = vector.shape_cast %max3A_580 : vector<16xf32> to vector<1x16xf32>
      tpu.vector_store %arg26[%swap3A_581, %swap3A_582], %swap3A_585 {strides = array<i32>} : memref<40x128xf32, #tpu.memory_space<vmem>>, vector<1x16xf32>,
      %get3A_586 = arith.index_cast %scan3A_553 : i32 to index
      %get3A_587 = arith.constant 32 : index
      %get3A_588 = tpu.vector_load %arg25[%get3A_586, %get3A_587] {strides = array<i32>} : memref<40x128xf32, #tpu.memory_space<vmem>>, vector<1x16xf32>,
      %get3A_589 = vector.shape_cast %get3A_588 : vector<1x16xf32> to vector<16xf32>
      %get3A_590 = arith.index_cast %scan3A_553 : i32 to index
      %get3A_591 = arith.constant 32 : index
      %get3A_592 = tpu.vector_load %arg22[%get3A_590, %get3A_591] {strides = array<i32>} : memref<40x128xf32, #tpu.memory_space<vmem>>, vector<1x16xf32>,
      %get3A_593 = vector.shape_cast %get3A_592 : vector<1x16xf32> to vector<16xf32>
      %add3A_594 = arith.addf %get3A_589, %get3A_593 : vector<16xf32>
      %max3A_595 = arith.constant 0.000000e+00 : f32
      %max3A_596 = vector.broadcast %max3A_595 : f32 to vector<16xf32>
      %max3A_597 = arith.maximumf %add3A_594, %max3A_596 : vector<16xf32>
      %swap3A_598 = arith.index_cast %scan3A_553 : i32 to index
      %swap3A_599 = arith.constant 32 : index
      %swap3A_600 = tpu.vector_load %arg26[%swap3A_598, %swap3A_599] {strides = array<i32>} : memref<40x128xf32, #tpu.memory_space<vmem>>, vector<1x16xf32>,
      %swap3A_601 = vector.shape_cast %swap3A_600 : vector<1x16xf32> to vector<16xf32>
      %swap3A_602 = vector.shape_cast %max3A_597 : vector<16xf32> to vector<1x16xf32>
      tpu.vector_store %arg26[%swap3A_598, %swap3A_599], %swap3A_602 {strides = array<i32>} : memref<40x128xf32, #tpu.memory_space<vmem>>, vector<1x16xf32>,
      %get3A_603 = arith.index_cast %scan3A_553 : i32 to index
      %get3A_604 = arith.constant 48 : index
      %get3A_605 = tpu.vector_load %arg25[%get3A_603, %get3A_604] {strides = array<i32>} : memref<40x128xf32, #tpu.memory_space<vmem>>, vector<1x16xf32>,
      %get3A_606 = vector.shape_cast %get3A_605 : vector<1x16xf32> to vector<16xf32>
      %get3A_607 = arith.index_cast %scan3A_553 : i32 to index
      %get3A_608 = arith.constant 48 : index
      %get3A_609 = tpu.vector_load %arg22[%get3A_607, %get3A_608] {strides = array<i32>} : memref<40x128xf32, #tpu.memory_space<vmem>>, vector<1x16xf32>,
      %get3A_610 = vector.shape_cast %get3A_609 : vector<1x16xf32> to vector<16xf32>
      %add3A_611 = arith.addf %get3A_606, %get3A_610 : vector<16xf32>
      %max3A_612 = arith.constant 0.000000e+00 : f32
      %max3A_613 = vector.broadcast %max3A_612 : f32 to vector<16xf32>
      %max3A_614 = arith.maximumf %add3A_611, %max3A_613 : vector<16xf32>
      %swap3A_615 = arith.index_cast %scan3A_553 : i32 to index
      %swap3A_616 = arith.constant 48 : index
      %swap3A_617 = tpu.vector_load %arg26[%swap3A_615, %swap3A_616] {strides = array<i32>} : memref<40x128xf32, #tpu.memory_space<vmem>>, vector<1x16xf32>,
      %swap3A_618 = vector.shape_cast %swap3A_617 : vector<1x16xf32> to vector<16xf32>
      %swap3A_619 = vector.shape_cast %max3A_614 : vector<16xf32> to vector<1x16xf32>
      tpu.vector_store %arg26[%swap3A_615, %swap3A_616], %swap3A_619 {strides = array<i32>} : memref<40x128xf32, #tpu.memory_space<vmem>>, vector<1x16xf32>,
      %get3A_620 = arith.index_cast %scan3A_553 : i32 to index
      %get3A_621 = arith.constant 64 : index
      %get3A_622 = tpu.vector_load %arg25[%get3A_620, %get3A_621] {strides = array<i32>} : memref<40x128xf32, #tpu.memory_space<vmem>>, vector<1x16xf32>,
      %get3A_623 = vector.shape_cast %get3A_622 : vector<1x16xf32> to vector<16xf32>
      %get3A_624 = arith.index_cast %scan3A_553 : i32 to index
      %get3A_625 = arith.constant 64 : index
      %get3A_626 = tpu.vector_load %arg22[%get3A_624, %get3A_625] {strides = array<i32>} : memref<40x128xf32, #tpu.memory_space<vmem>>, vector<1x16xf32>,
      %get3A_627 = vector.shape_cast %get3A_626 : vector<1x16xf32> to vector<16xf32>
      %add3A_628 = arith.addf %get3A_623, %get3A_627 : vector<16xf32>
      %max3A_629 = arith.constant 0.000000e+00 : f32
      %max3A_630 = vector.broadcast %max3A_629 : f32 to vector<16xf32>
      %max3A_631 = arith.maximumf %add3A_628, %max3A_630 : vector<16xf32>
      %swap3A_632 = arith.index_cast %scan3A_553 : i32 to index
      %swap3A_633 = arith.constant 64 : index
      %swap3A_634 = tpu.vector_load %arg26[%swap3A_632, %swap3A_633] {strides = array<i32>} : memref<40x128xf32, #tpu.memory_space<vmem>>, vector<1x16xf32>,
      %swap3A_635 = vector.shape_cast %swap3A_634 : vector<1x16xf32> to vector<16xf32>
      %swap3A_636 = vector.shape_cast %max3A_631 : vector<16xf32> to vector<1x16xf32>
      tpu.vector_store %arg26[%swap3A_632, %swap3A_633], %swap3A_636 {strides = array<i32>} : memref<40x128xf32, #tpu.memory_space<vmem>>, vector<1x16xf32>,
      %get3A_637 = arith.index_cast %scan3A_553 : i32 to index
      %get3A_638 = arith.constant 80 : index
      %get3A_639 = tpu.vector_load %arg25[%get3A_637, %get3A_638] {strides = array<i32>} : memref<40x128xf32, #tpu.memory_space<vmem>>, vector<1x16xf32>,
      %get3A_640 = vector.shape_cast %get3A_639 : vector<1x16xf32> to vector<16xf32>
      %get3A_641 = arith.index_cast %scan3A_553 : i32 to index
      %get3A_642 = arith.constant 80 : index
      %get3A_643 = tpu.vector_load %arg22[%get3A_641, %get3A_642] {strides = array<i32>} : memref<40x128xf32, #tpu.memory_space<vmem>>, vector<1x16xf32>,
      %get3A_644 = vector.shape_cast %get3A_643 : vector<1x16xf32> to vector<16xf32>
      %add3A_645 = arith.addf %get3A_640, %get3A_644 : vector<16xf32>
      %max3A_646 = arith.constant 0.000000e+00 : f32
      %max3A_647 = vector.broadcast %max3A_646 : f32 to vector<16xf32>
      %max3A_648 = arith.maximumf %add3A_645, %max3A_647 : vector<16xf32>
      %swap3A_649 = arith.index_cast %scan3A_553 : i32 to index
      %swap3A_650 = arith.constant 80 : index
      %swap3A_651 = tpu.vector_load %arg26[%swap3A_649, %swap3A_650] {strides = array<i32>} : memref<40x128xf32, #tpu.memory_space<vmem>>, vector<1x16xf32>,
      %swap3A_652 = vector.shape_cast %swap3A_651 : vector<1x16xf32> to vector<16xf32>
      %swap3A_653 = vector.shape_cast %max3A_648 : vector<16xf32> to vector<1x16xf32>
      tpu.vector_store %arg26[%swap3A_649, %swap3A_650], %swap3A_653 {strides = array<i32>} : memref<40x128xf32, #tpu.memory_space<vmem>>, vector<1x16xf32>,
      %get3A_654 = arith.index_cast %scan3A_553 : i32 to index
      %get3A_655 = arith.constant 96 : index
      %get3A_656 = tpu.vector_load %arg25[%get3A_654, %get3A_655] {strides = array<i32>} : memref<40x128xf32, #tpu.memory_space<vmem>>, vector<1x16xf32>,
      %get3A_657 = vector.shape_cast %get3A_656 : vector<1x16xf32> to vector<16xf32>
      %get3A_658 = arith.index_cast %scan3A_553 : i32 to index
      %get3A_659 = arith.constant 96 : index
      %get3A_660 = tpu.vector_load %arg22[%get3A_658, %get3A_659] {strides = array<i32>} : memref<40x128xf32, #tpu.memory_space<vmem>>, vector<1x16xf32>,
      %get3A_661 = vector.shape_cast %get3A_660 : vector<1x16xf32> to vector<16xf32>
      %add3A_662 = arith.addf %get3A_657, %get3A_661 : vector<16xf32>
      %max3A_663 = arith.constant 0.000000e+00 : f32
      %max3A_664 = vector.broadcast %max3A_663 : f32 to vector<16xf32>
      %max3A_665 = arith.maximumf %add3A_662, %max3A_664 : vector<16xf32>
      %swap3A_666 = arith.index_cast %scan3A_553 : i32 to index
      %swap3A_667 = arith.constant 96 : index
      %swap3A_668 = tpu.vector_load %arg26[%swap3A_666, %swap3A_667] {strides = array<i32>} : memref<40x128xf32, #tpu.memory_space<vmem>>, vector<1x16xf32>,
      %swap3A_669 = vector.shape_cast %swap3A_668 : vector<1x16xf32> to vector<16xf32>
      %swap3A_670 = vector.shape_cast %max3A_665 : vector<16xf32> to vector<1x16xf32>
      tpu.vector_store %arg26[%swap3A_666, %swap3A_667], %swap3A_670 {strides = array<i32>} : memref<40x128xf32, #tpu.memory_space<vmem>>, vector<1x16xf32>,
      %get3A_671 = arith.index_cast %scan3A_553 : i32 to index
      %get3A_672 = arith.constant 112 : index
      %get3A_673 = tpu.vector_load %arg25[%get3A_671, %get3A_672] {strides = array<i32>} : memref<40x128xf32, #tpu.memory_space<vmem>>, vector<1x16xf32>,
      %get3A_674 = vector.shape_cast %get3A_673 : vector<1x16xf32> to vector<16xf32>
      %get3A_675 = arith.index_cast %scan3A_553 : i32 to index
      %get3A_676 = arith.constant 112 : index
      %get3A_677 = tpu.vector_load %arg22[%get3A_675, %get3A_676] {strides = array<i32>} : memref<40x128xf32, #tpu.memory_space<vmem>>, vector<1x16xf32>,
      %get3A_678 = vector.shape_cast %get3A_677 : vector<1x16xf32> to vector<16xf32>
      %add3A_679 = arith.addf %get3A_674, %get3A_678 : vector<16xf32>
      %max3A_680 = arith.constant 0.000000e+00 : f32
      %max3A_681 = vector.broadcast %max3A_680 : f32 to vector<16xf32>
      %max3A_682 = arith.maximumf %add3A_679, %max3A_681 : vector<16xf32>
      %swap3A_683 = arith.index_cast %scan3A_553 : i32 to index
      %swap3A_684 = arith.constant 112 : index
      %swap3A_685 = tpu.vector_load %arg26[%swap3A_683, %swap3A_684] {strides = array<i32>} : memref<40x128xf32, #tpu.memory_space<vmem>>, vector<1x16xf32>,
      %swap3A_686 = vector.shape_cast %swap3A_685 : vector<1x16xf32> to vector<16xf32>
      %swap3A_687 = vector.shape_cast %max3A_682 : vector<16xf32> to vector<1x16xf32>
      tpu.vector_store %arg26[%swap3A_683, %swap3A_684], %swap3A_687 {strides = array<i32>} : memref<40x128xf32, #tpu.memory_space<vmem>>, vector<1x16xf32>,
      %scan3A_688 = arith.constant 0 : i32
      scf.yield %scan3A_688 : i32
    }
    %scan3A_516 = arith.constant 40 : i32
    %dma_start3A_517 = arith.constant 0 : i32
    %dma_start3A_518 = arith.constant 0 : i32
    %dma_start3A_519 = tpu.memref_slice %arg7[%dma_start3A_517, %dma_start3A_518] : memref<10240x128xf32, #tpu.memory_space<vmem_shared>> -> memref<10240x128xf32, #tpu.memory_space<vmem_shared>>
    tpu.enqueue_indirect_dma source(%arg26 : memref<40x128xf32, #tpu.memory_space<vmem>>) target(%dma_start3A_519 : memref<10240x128xf32, #tpu.memory_space<vmem_shared>>) offsets(%arg16 : memref<40xi32, #tpu.memory_space<vmem>>) semaphore(%arg46 : memref<!tpu.dma_semaphore, #tpu.memory_space<semaphore_mem>>) {add = true}
    %dma_wait3A_520 = arith.constant 0 : i32
    %dma_wait3A_521 = arith.constant 0 : i32
    %dma_wait3A_522 = tpu.memref_slice %arg2[%dma_wait3A_520, %dma_wait3A_521] : memref<10000x128xf32, #tpu.memory_space<hbm>> -> memref<10000x128xf32, #tpu.memory_space<hbm>>
    tpu.wait_indirect_dma semaphore(%arg40 : memref<!tpu.dma_semaphore, #tpu.memory_space<semaphore_mem>>) src(%dma_wait3A_522 : memref<10000x128xf32, #tpu.memory_space<hbm>>) dst(%arg20 : memref<40x128xf32, #tpu.memory_space<vmem>>)
    %add3A_523 = arith.constant 9960 : i32
    %add3A_524 = arith.addi %mul3A_2, %add3A_523 : i32
    %dma_wait3A_525 = arith.constant 0 : i32
    %dma_wait3A_526 = tpu.memref_slice %arg5[%add3A_524, %dma_wait3A_525] : memref<320000x128xf32, #tpu.memory_space<hbm>> -> memref<40x128xf32, #tpu.memory_space<hbm>>
    %dma_wait3A_527 = arith.constant 0 : i32
    %dma_wait3A_528 = tpu.memref_slice %arg5[%add3A_524, %dma_wait3A_527] : memref<320000x128xf32, #tpu.memory_space<hbm>> -> memref<40x128xf32, #tpu.memory_space<hbm>>
    tpu.wait_dma2 semaphore(%arg43 : memref<!tpu.dma_semaphore, #tpu.memory_space<semaphore_mem>>) src(%dma_wait3A_528 : memref<40x128xf32, #tpu.memory_space<hbm>>) dst(%arg23 : memref<40x128xf32, #tpu.memory_space<vmem>>)
    %dma_wait3A_529 = arith.constant 0 : i32
    %dma_wait3A_530 = arith.constant 0 : i32
    %dma_wait3A_531 = tpu.memref_slice %arg7[%dma_wait3A_529, %dma_wait3A_530] : memref<10240x128xf32, #tpu.memory_space<vmem_shared>> -> memref<10240x128xf32, #tpu.memory_space<vmem_shared>>
    tpu.wait_indirect_dma semaphore(%arg47 : memref<!tpu.dma_semaphore, #tpu.memory_space<semaphore_mem>>) src(%arg27 : memref<40x128xf32, #tpu.memory_space<vmem>>) dst(%dma_wait3A_531 : memref<10240x128xf32, #tpu.memory_space<vmem_shared>>)
    %dma_wait3A_532 = arith.constant 0 : i32
    %dma_wait3A_533 = arith.constant 0 : i32
    %dma_wait3A_534 = tpu.memref_slice %arg7[%dma_wait3A_532, %dma_wait3A_533] : memref<10240x128xf32, #tpu.memory_space<vmem_shared>> -> memref<10240x128xf32, #tpu.memory_space<vmem_shared>>
    tpu.wait_indirect_dma semaphore(%arg46 : memref<!tpu.dma_semaphore, #tpu.memory_space<semaphore_mem>>) src(%arg26 : memref<40x128xf32, #tpu.memory_space<vmem>>) dst(%dma_wait3A_534 : memref<10240x128xf32, #tpu.memory_space<vmem_shared>>)
    %scan3A_535 = arith.constant 0 : i32
    %scan3A_536 = arith.constant 0 : i32
    %scan3A_537 = arith.constant 40 : i32
    %scan3A_538 = arith.addi %scan3A_536, %scan3A_537 : i32
    %scan3A_539 = arith.constant 1 : i32
    %scan3A_540 = scf.for %scan3A_553 = %scan3A_536 to %scan3A_538 step %scan3A_539 iter_args(%scan3A_554 = %scan3A_535) -> (i32)  : i32 {
      %get3A = arith.index_cast %scan3A_553 : i32 to index
      %get3A_555 = arith.constant 0 : index
      %get3A_556 = tpu.vector_load %arg23[%get3A, %get3A_555] {strides = array<i32>} : memref<40x128xf32, #tpu.memory_space<vmem>>, vector<1x16xf32>,
      %get3A_557 = vector.shape_cast %get3A_556 : vector<1x16xf32> to vector<16xf32>
      %get3A_558 = arith.index_cast %scan3A_553 : i32 to index
      %get3A_559 = arith.constant 0 : index
      %get3A_560 = tpu.vector_load %arg20[%get3A_558, %get3A_559] {strides = array<i32>} : memref<40x128xf32, #tpu.memory_space<vmem>>, vector<1x16xf32>,
      %get3A_561 = vector.shape_cast %get3A_560 : vector<1x16xf32> to vector<16xf32>
      %add3A_562 = arith.addf %get3A_557, %get3A_561 : vector<16xf32>
      %max3A = arith.constant 0.000000e+00 : f32
      %max3A_563 = vector.broadcast %max3A : f32 to vector<16xf32>
      %max3A_564 = arith.maximumf %add3A_562, %max3A_563 : vector<16xf32>
      %swap3A = arith.index_cast %scan3A_553 : i32 to index
      %swap3A_565 = arith.constant 0 : index
      %swap3A_566 = tpu.vector_load %arg27[%swap3A, %swap3A_565] {strides = array<i32>} : memref<40x128xf32, #tpu.memory_space<vmem>>, vector<1x16xf32>,
      %swap3A_567 = vector.shape_cast %swap3A_566 : vector<1x16xf32> to vector<16xf32>
      %swap3A_568 = vector.shape_cast %max3A_564 : vector<16xf32> to vector<1x16xf32>
      tpu.vector_store %arg27[%swap3A, %swap3A_565], %swap3A_568 {strides = array<i32>} : memref<40x128xf32, #tpu.memory_space<vmem>>, vector<1x16xf32>,
      %get3A_569 = arith.index_cast %scan3A_553 : i32 to index
      %get3A_570 = arith.constant 16 : index
      %get3A_571 = tpu.vector_load %arg23[%get3A_569, %get3A_570] {strides = array<i32>} : memref<40x128xf32, #tpu.memory_space<vmem>>, vector<1x16xf32>,
      %get3A_572 = vector.shape_cast %get3A_571 : vector<1x16xf32> to vector<16xf32>
      %get3A_573 = arith.index_cast %scan3A_553 : i32 to index
      %get3A_574 = arith.constant 16 : index
      %get3A_575 = tpu.vector_load %arg20[%get3A_573, %get3A_574] {strides = array<i32>} : memref<40x128xf32, #tpu.memory_space<vmem>>, vector<1x16xf32>,
      %get3A_576 = vector.shape_cast %get3A_575 : vector<1x16xf32> to vector<16xf32>
      %add3A_577 = arith.addf %get3A_572, %get3A_576 : vector<16xf32>
      %max3A_578 = arith.constant 0.000000e+00 : f32
      %max3A_579 = vector.broadcast %max3A_578 : f32 to vector<16xf32>
      %max3A_580 = arith.maximumf %add3A_577, %max3A_579 : vector<16xf32>
      %swap3A_581 = arith.index_cast %scan3A_553 : i32 to index
      %swap3A_582 = arith.constant 16 : index
      %swap3A_583 = tpu.vector_load %arg27[%swap3A_581, %swap3A_582] {strides = array<i32>} : memref<40x128xf32, #tpu.memory_space<vmem>>, vector<1x16xf32>,
      %swap3A_584 = vector.shape_cast %swap3A_583 : vector<1x16xf32> to vector<16xf32>
      %swap3A_585 = vector.shape_cast %max3A_580 : vector<16xf32> to vector<1x16xf32>
      tpu.vector_store %arg27[%swap3A_581, %swap3A_582], %swap3A_585 {strides = array<i32>} : memref<40x128xf32, #tpu.memory_space<vmem>>, vector<1x16xf32>,
      %get3A_586 = arith.index_cast %scan3A_553 : i32 to index
      %get3A_587 = arith.constant 32 : index
      %get3A_588 = tpu.vector_load %arg23[%get3A_586, %get3A_587] {strides = array<i32>} : memref<40x128xf32, #tpu.memory_space<vmem>>, vector<1x16xf32>,
      %get3A_589 = vector.shape_cast %get3A_588 : vector<1x16xf32> to vector<16xf32>
      %get3A_590 = arith.index_cast %scan3A_553 : i32 to index
      %get3A_591 = arith.constant 32 : index
      %get3A_592 = tpu.vector_load %arg20[%get3A_590, %get3A_591] {strides = array<i32>} : memref<40x128xf32, #tpu.memory_space<vmem>>, vector<1x16xf32>,
      %get3A_593 = vector.shape_cast %get3A_592 : vector<1x16xf32> to vector<16xf32>
      %add3A_594 = arith.addf %get3A_589, %get3A_593 : vector<16xf32>
      %max3A_595 = arith.constant 0.000000e+00 : f32
      %max3A_596 = vector.broadcast %max3A_595 : f32 to vector<16xf32>
      %max3A_597 = arith.maximumf %add3A_594, %max3A_596 : vector<16xf32>
      %swap3A_598 = arith.index_cast %scan3A_553 : i32 to index
      %swap3A_599 = arith.constant 32 : index
      %swap3A_600 = tpu.vector_load %arg27[%swap3A_598, %swap3A_599] {strides = array<i32>} : memref<40x128xf32, #tpu.memory_space<vmem>>, vector<1x16xf32>,
      %swap3A_601 = vector.shape_cast %swap3A_600 : vector<1x16xf32> to vector<16xf32>
      %swap3A_602 = vector.shape_cast %max3A_597 : vector<16xf32> to vector<1x16xf32>
      tpu.vector_store %arg27[%swap3A_598, %swap3A_599], %swap3A_602 {strides = array<i32>} : memref<40x128xf32, #tpu.memory_space<vmem>>, vector<1x16xf32>,
      %get3A_603 = arith.index_cast %scan3A_553 : i32 to index
      %get3A_604 = arith.constant 48 : index
      %get3A_605 = tpu.vector_load %arg23[%get3A_603, %get3A_604] {strides = array<i32>} : memref<40x128xf32, #tpu.memory_space<vmem>>, vector<1x16xf32>,
      %get3A_606 = vector.shape_cast %get3A_605 : vector<1x16xf32> to vector<16xf32>
      %get3A_607 = arith.index_cast %scan3A_553 : i32 to index
      %get3A_608 = arith.constant 48 : index
      %get3A_609 = tpu.vector_load %arg20[%get3A_607, %get3A_608] {strides = array<i32>} : memref<40x128xf32, #tpu.memory_space<vmem>>, vector<1x16xf32>,
      %get3A_610 = vector.shape_cast %get3A_609 : vector<1x16xf32> to vector<16xf32>
      %add3A_611 = arith.addf %get3A_606, %get3A_610 : vector<16xf32>
      %max3A_612 = arith.constant 0.000000e+00 : f32
      %max3A_613 = vector.broadcast %max3A_612 : f32 to vector<16xf32>
      %max3A_614 = arith.maximumf %add3A_611, %max3A_613 : vector<16xf32>
      %swap3A_615 = arith.index_cast %scan3A_553 : i32 to index
      %swap3A_616 = arith.constant 48 : index
      %swap3A_617 = tpu.vector_load %arg27[%swap3A_615, %swap3A_616] {strides = array<i32>} : memref<40x128xf32, #tpu.memory_space<vmem>>, vector<1x16xf32>,
      %swap3A_618 = vector.shape_cast %swap3A_617 : vector<1x16xf32> to vector<16xf32>
      %swap3A_619 = vector.shape_cast %max3A_614 : vector<16xf32> to vector<1x16xf32>
      tpu.vector_store %arg27[%swap3A_615, %swap3A_616], %swap3A_619 {strides = array<i32>} : memref<40x128xf32, #tpu.memory_space<vmem>>, vector<1x16xf32>,
      %get3A_620 = arith.index_cast %scan3A_553 : i32 to index
      %get3A_621 = arith.constant 64 : index
      %get3A_622 = tpu.vector_load %arg23[%get3A_620, %get3A_621] {strides = array<i32>} : memref<40x128xf32, #tpu.memory_space<vmem>>, vector<1x16xf32>,
      %get3A_623 = vector.shape_cast %get3A_622 : vector<1x16xf32> to vector<16xf32>
      %get3A_624 = arith.index_cast %scan3A_553 : i32 to index
      %get3A_625 = arith.constant 64 : index
      %get3A_626 = tpu.vector_load %arg20[%get3A_624, %get3A_625] {strides = array<i32>} : memref<40x128xf32, #tpu.memory_space<vmem>>, vector<1x16xf32>,
      %get3A_627 = vector.shape_cast %get3A_626 : vector<1x16xf32> to vector<16xf32>
      %add3A_628 = arith.addf %get3A_623, %get3A_627 : vector<16xf32>
      %max3A_629 = arith.constant 0.000000e+00 : f32
      %max3A_630 = vector.broadcast %max3A_629 : f32 to vector<16xf32>
      %max3A_631 = arith.maximumf %add3A_628, %max3A_630 : vector<16xf32>
      %swap3A_632 = arith.index_cast %scan3A_553 : i32 to index
      %swap3A_633 = arith.constant 64 : index
      %swap3A_634 = tpu.vector_load %arg27[%swap3A_632, %swap3A_633] {strides = array<i32>} : memref<40x128xf32, #tpu.memory_space<vmem>>, vector<1x16xf32>,
      %swap3A_635 = vector.shape_cast %swap3A_634 : vector<1x16xf32> to vector<16xf32>
      %swap3A_636 = vector.shape_cast %max3A_631 : vector<16xf32> to vector<1x16xf32>
      tpu.vector_store %arg27[%swap3A_632, %swap3A_633], %swap3A_636 {strides = array<i32>} : memref<40x128xf32, #tpu.memory_space<vmem>>, vector<1x16xf32>,
      %get3A_637 = arith.index_cast %scan3A_553 : i32 to index
      %get3A_638 = arith.constant 80 : index
      %get3A_639 = tpu.vector_load %arg23[%get3A_637, %get3A_638] {strides = array<i32>} : memref<40x128xf32, #tpu.memory_space<vmem>>, vector<1x16xf32>,
      %get3A_640 = vector.shape_cast %get3A_639 : vector<1x16xf32> to vector<16xf32>
      %get3A_641 = arith.index_cast %scan3A_553 : i32 to index
      %get3A_642 = arith.constant 80 : index
      %get3A_643 = tpu.vector_load %arg20[%get3A_641, %get3A_642] {strides = array<i32>} : memref<40x128xf32, #tpu.memory_space<vmem>>, vector<1x16xf32>,
      %get3A_644 = vector.shape_cast %get3A_643 : vector<1x16xf32> to vector<16xf32>
      %add3A_645 = arith.addf %get3A_640, %get3A_644 : vector<16xf32>
      %max3A_646 = arith.constant 0.000000e+00 : f32
      %max3A_647 = vector.broadcast %max3A_646 : f32 to vector<16xf32>
      %max3A_648 = arith.maximumf %add3A_645, %max3A_647 : vector<16xf32>
      %swap3A_649 = arith.index_cast %scan3A_553 : i32 to index
      %swap3A_650 = arith.constant 80 : index
      %swap3A_651 = tpu.vector_load %arg27[%swap3A_649, %swap3A_650] {strides = array<i32>} : memref<40x128xf32, #tpu.memory_space<vmem>>, vector<1x16xf32>,
      %swap3A_652 = vector.shape_cast %swap3A_651 : vector<1x16xf32> to vector<16xf32>
      %swap3A_653 = vector.shape_cast %max3A_648 : vector<16xf32> to vector<1x16xf32>
      tpu.vector_store %arg27[%swap3A_649, %swap3A_650], %swap3A_653 {strides = array<i32>} : memref<40x128xf32, #tpu.memory_space<vmem>>, vector<1x16xf32>,
      %get3A_654 = arith.index_cast %scan3A_553 : i32 to index
      %get3A_655 = arith.constant 96 : index
      %get3A_656 = tpu.vector_load %arg23[%get3A_654, %get3A_655] {strides = array<i32>} : memref<40x128xf32, #tpu.memory_space<vmem>>, vector<1x16xf32>,
      %get3A_657 = vector.shape_cast %get3A_656 : vector<1x16xf32> to vector<16xf32>
      %get3A_658 = arith.index_cast %scan3A_553 : i32 to index
      %get3A_659 = arith.constant 96 : index
      %get3A_660 = tpu.vector_load %arg20[%get3A_658, %get3A_659] {strides = array<i32>} : memref<40x128xf32, #tpu.memory_space<vmem>>, vector<1x16xf32>,
      %get3A_661 = vector.shape_cast %get3A_660 : vector<1x16xf32> to vector<16xf32>
      %add3A_662 = arith.addf %get3A_657, %get3A_661 : vector<16xf32>
      %max3A_663 = arith.constant 0.000000e+00 : f32
      %max3A_664 = vector.broadcast %max3A_663 : f32 to vector<16xf32>
      %max3A_665 = arith.maximumf %add3A_662, %max3A_664 : vector<16xf32>
      %swap3A_666 = arith.index_cast %scan3A_553 : i32 to index
      %swap3A_667 = arith.constant 96 : index
      %swap3A_668 = tpu.vector_load %arg27[%swap3A_666, %swap3A_667] {strides = array<i32>} : memref<40x128xf32, #tpu.memory_space<vmem>>, vector<1x16xf32>,
      %swap3A_669 = vector.shape_cast %swap3A_668 : vector<1x16xf32> to vector<16xf32>
      %swap3A_670 = vector.shape_cast %max3A_665 : vector<16xf32> to vector<1x16xf32>
      tpu.vector_store %arg27[%swap3A_666, %swap3A_667], %swap3A_670 {strides = array<i32>} : memref<40x128xf32, #tpu.memory_space<vmem>>, vector<1x16xf32>,
      %get3A_671 = arith.index_cast %scan3A_553 : i32 to index
      %get3A_672 = arith.constant 112 : index
      %get3A_673 = tpu.vector_load %arg23[%get3A_671, %get3A_672] {strides = array<i32>} : memref<40x128xf32, #tpu.memory_space<vmem>>, vector<1x16xf32>,
      %get3A_674 = vector.shape_cast %get3A_673 : vector<1x16xf32> to vector<16xf32>
      %get3A_675 = arith.index_cast %scan3A_553 : i32 to index
      %get3A_676 = arith.constant 112 : index
      %get3A_677 = tpu.vector_load %arg20[%get3A_675, %get3A_676] {strides = array<i32>} : memref<40x128xf32, #tpu.memory_space<vmem>>, vector<1x16xf32>,
      %get3A_678 = vector.shape_cast %get3A_677 : vector<1x16xf32> to vector<16xf32>
      %add3A_679 = arith.addf %get3A_674, %get3A_678 : vector<16xf32>
      %max3A_680 = arith.constant 0.000000e+00 : f32
      %max3A_681 = vector.broadcast %max3A_680 : f32 to vector<16xf32>
      %max3A_682 = arith.maximumf %add3A_679, %max3A_681 : vector<16xf32>
      %swap3A_683 = arith.index_cast %scan3A_553 : i32 to index
      %swap3A_684 = arith.constant 112 : index
      %swap3A_685 = tpu.vector_load %arg27[%swap3A_683, %swap3A_684] {strides = array<i32>} : memref<40x128xf32, #tpu.memory_space<vmem>>, vector<1x16xf32>,
      %swap3A_686 = vector.shape_cast %swap3A_685 : vector<1x16xf32> to vector<16xf32>
      %swap3A_687 = vector.shape_cast %max3A_682 : vector<16xf32> to vector<1x16xf32>
      tpu.vector_store %arg27[%swap3A_683, %swap3A_684], %swap3A_687 {strides = array<i32>} : memref<40x128xf32, #tpu.memory_space<vmem>>, vector<1x16xf32>,
      %scan3A_688 = arith.constant 0 : i32
      scf.yield %scan3A_688 : i32
    }
    %scan3A_541 = arith.constant 40 : i32
    %dma_start3A_542 = arith.constant 0 : i32
    %dma_start3A_543 = arith.constant 0 : i32
    %dma_start3A_544 = tpu.memref_slice %arg7[%dma_start3A_542, %dma_start3A_543] : memref<10240x128xf32, #tpu.memory_space<vmem_shared>> -> memref<10240x128xf32, #tpu.memory_space<vmem_shared>>
    tpu.enqueue_indirect_dma source(%arg27 : memref<40x128xf32, #tpu.memory_space<vmem>>) target(%dma_start3A_544 : memref<10240x128xf32, #tpu.memory_space<vmem_shared>>) offsets(%arg17 : memref<40xi32, #tpu.memory_space<vmem>>) semaphore(%arg47 : memref<!tpu.dma_semaphore, #tpu.memory_space<semaphore_mem>>) {add = true}
    %dma_wait3A_545 = arith.constant 0 : i32
    %dma_wait3A_546 = arith.constant 0 : i32
    %dma_wait3A_547 = tpu.memref_slice %arg7[%dma_wait3A_545, %dma_wait3A_546] : memref<10240x128xf32, #tpu.memory_space<vmem_shared>> -> memref<10240x128xf32, #tpu.memory_space<vmem_shared>>
    tpu.wait_indirect_dma semaphore(%arg47 : memref<!tpu.dma_semaphore, #tpu.memory_space<semaphore_mem>>) src(%arg27 : memref<40x128xf32, #tpu.memory_space<vmem>>) dst(%dma_wait3A_547 : memref<10240x128xf32, #tpu.memory_space<vmem_shared>>)
    %barrier3A_548 = arith.constant 0 : index
    tpu.barrier barrier_id(%barrier3A_548)
    %mul3A_549 = arith.constant 640 : i32
    %mul3A_550 = arith.muli %arg1, %mul3A_549 : i32
    %mul3A_551 = arith.constant 640 : i32
    %mul3A_552 = arith.muli %arg1, %mul3A_551 : i32
    "tpu.region"() ({
      %run_scoped3A = tpu.sem_alloc : memref<!tpu.dma_semaphore, #tpu.memory_space<semaphore_mem>>
      %dma_start3A_553 = arith.constant 0 : i32
      %dma_start3A_554 = tpu.memref_slice %arg6[%arg0, %mul3A_552, %dma_start3A_553] : memref<2x10240x128xf32, #tpu.memory_space<hbm>> -> memref<1x640x128xf32, #tpu.memory_space<hbm>>
      %dma_start3A_555 = tpu.memref_squeeze %dma_start3A_554 : memref<1x640x128xf32, #tpu.memory_space<hbm>> -> memref<640x128xf32, #tpu.memory_space<hbm>>
      %dma_start3A_556 = arith.constant 0 : i32
      %dma_start3A_557 = tpu.memref_slice %arg7[%mul3A_550, %dma_start3A_556] : memref<10240x128xf32, #tpu.memory_space<vmem_shared>> -> memref<640x128xf32, #tpu.memory_space<vmem_shared>>
      tpu.enqueue_dma source(%dma_start3A_557 : memref<640x128xf32, #tpu.memory_space<vmem_shared>>) target(%dma_start3A_555 : memref<640x128xf32, #tpu.memory_space<hbm>>) target_semaphore(%run_scoped3A : memref<!tpu.dma_semaphore, #tpu.memory_space<semaphore_mem>>)
      %dma_wait3A_558 = arith.constant 0 : i32
      %dma_wait3A_559 = tpu.memref_slice %arg6[%arg0, %mul3A_552, %dma_wait3A_558] : memref<2x10240x128xf32, #tpu.memory_space<hbm>> -> memref<1x640x128xf32, #tpu.memory_space<hbm>>
      %dma_wait3A_560 = tpu.memref_squeeze %dma_wait3A_559 : memref<1x640x128xf32, #tpu.memory_space<hbm>> -> memref<640x128xf32, #tpu.memory_space<hbm>>
      %dma_wait3A_561 = arith.constant 0 : i32
      %dma_wait3A_562 = tpu.memref_slice %arg7[%mul3A_550, %dma_wait3A_561] : memref<10240x128xf32, #tpu.memory_space<vmem_shared>> -> memref<640x128xf32, #tpu.memory_space<vmem_shared>>
      tpu.wait_dma2 semaphore(%run_scoped3A : memref<!tpu.dma_semaphore, #tpu.memory_space<semaphore_mem>>) src(%dma_wait3A_562 : memref<640x128xf32, #tpu.memory_space<vmem_shared>>) dst(%dma_wait3A_560 : memref<640x128xf32, #tpu.memory_space<hbm>>)
      tpu.yield
    }) : () -> ()
    return
  }
}

module attributes {stable_mosaic.version = 14 : i64} {
  func.func @_tc_mlp_body(%arg0: memref<2x10240x128xf32, #tpu.memory_space<vmem>>, %arg1: memref<10000x128xf32, #tpu.memory_space<vmem>>, %arg2: memref<128x256xf32, #tpu.memory_space<vmem>>, %arg3: memref<1x256xf32, #tpu.memory_space<vmem>>, %arg4: memref<1x256xf32, #tpu.memory_space<vmem>>, %arg5: memref<1x256xf32, #tpu.memory_space<vmem>>, %arg6: memref<256x128xf32, #tpu.memory_space<vmem>>, %arg7: memref<1x128xf32, #tpu.memory_space<vmem>>, %arg8: memref<10000x128xf32, #tpu.memory_space<vmem>>) attributes {dimension_semantics = [], scalar_prefetch = 0 : i64, scratch_operands = 0 : i64, tpu.core_type = #tpu.core_type<tc>} {
    %get3A = arith.constant 0 : index
    %get3A_0 = arith.constant 0 : index
    %get3A_1 = arith.constant 0 : index
    %get3A_2 = vector.load %arg0[%get3A, %get3A_0, %get3A_1] : memref<2x10240x128xf32, #tpu.memory_space<vmem>>, vector<1x10000x128xf32>
    %get3A_3 = vector.shape_cast %get3A_2 : vector<1x10000x128xf32> to vector<10000x128xf32>
    %get3A_4 = arith.constant 1 : index
    %get3A_5 = arith.constant 0 : index
    %get3A_6 = arith.constant 0 : index
    %get3A_7 = vector.load %arg0[%get3A_4, %get3A_5, %get3A_6] : memref<2x10240x128xf32, #tpu.memory_space<vmem>>, vector<1x10000x128xf32>
    %get3A_8 = vector.shape_cast %get3A_7 : vector<1x10000x128xf32> to vector<10000x128xf32>
    %add3A = arith.addf %get3A_3, %get3A_8 : vector<10000x128xf32>
    %get3A_9 = arith.constant 0 : index
    %get3A_10 = arith.constant 0 : index
    %get3A_11 = vector.load %arg1[%get3A_9, %get3A_10] : memref<10000x128xf32, #tpu.memory_space<vmem>>, vector<10000x128xf32>
    %add3A_12 = arith.addf %add3A, %get3A_11 : vector<10000x128xf32>
    %get3A_13 = arith.constant 0 : index
    %get3A_14 = arith.constant 0 : index
    %get3A_15 = vector.load %arg2[%get3A_13, %get3A_14] : memref<128x256xf32, #tpu.memory_space<vmem>>, vector<128x256xf32>
    %dot_general3A = arith.constant dense<0.000000e+00> : vector<10000x256xf32>
    %dot_general3A_16 = tpu.matmul %add3A_12, %get3A_15, %dot_general3A {dimension_numbers = #tpu.dot_dimension_numbers<[1], [0], [0], [1], [0, 0, 1, 1], [], []>, transpose_lhs_hint = false} : vector<10000x128xf32>, vector<128x256xf32>, vector<10000x256xf32> -> vector<10000x256xf32>
    %get3A_17 = arith.constant 0 : index
    %get3A_18 = arith.constant 0 : index
    %get3A_19 = vector.load %arg3[%get3A_17, %get3A_18] : memref<1x256xf32, #tpu.memory_space<vmem>>, vector<1x256xf32>
    %add3A_20 = vector.broadcast %get3A_19 : vector<1x256xf32> to vector<10000x256xf32>
    %add3A_21 = arith.addf %dot_general3A_16, %add3A_20 : vector<10000x256xf32>
    %reduce_sum3A = arith.constant dense<0.000000e+00> : vector<256xf32>
    %reduce_sum3A_22 = vector.multi_reduction <add>, %add3A_21, %reduce_sum3A [0] : vector<10000x256xf32> to vector<256xf32>
    %broadcast_in_dim3A = vector.shape_cast %reduce_sum3A_22 : vector<256xf32> to vector<1x256xf32>
    %div3A = arith.constant 1.000000e+04 : f32
    %div3A_23 = vector.broadcast %div3A : f32 to vector<1x256xf32>
    %div3A_24 = arith.divf %broadcast_in_dim3A, %div3A_23 : vector<1x256xf32>
    %sub3A = vector.broadcast %div3A_24 : vector<1x256xf32> to vector<10000x256xf32>
    %sub3A_25 = arith.subf %add3A_21, %sub3A : vector<10000x256xf32>
    %mul3A = arith.mulf %sub3A_25, %sub3A_25 : vector<10000x256xf32>
    %reduce_sum3A_26 = arith.constant dense<0.000000e+00> : vector<256xf32>
    %reduce_sum3A_27 = vector.multi_reduction <add>, %mul3A, %reduce_sum3A_26 [0] : vector<10000x256xf32> to vector<256xf32>
    %broadcast_in_dim3A_28 = vector.shape_cast %reduce_sum3A_27 : vector<256xf32> to vector<1x256xf32>
    %div3A_29 = arith.constant 1.000000e+04 : f32
    %div3A_30 = vector.broadcast %div3A_29 : f32 to vector<1x256xf32>
    %div3A_31 = arith.divf %broadcast_in_dim3A_28, %div3A_30 : vector<1x256xf32>
    %add3A_32 = arith.constant 9.99999974E-6 : f32
    %add3A_33 = vector.broadcast %add3A_32 : f32 to vector<1x256xf32>
    %add3A_34 = arith.addf %div3A_31, %add3A_33 : vector<1x256xf32>
    %rsqrt3A = math.rsqrt %add3A_34 : vector<1x256xf32>
    %mul3A_35 = vector.broadcast %rsqrt3A : vector<1x256xf32> to vector<10000x256xf32>
    %mul3A_36 = arith.mulf %sub3A_25, %mul3A_35 : vector<10000x256xf32>
    %get3A_37 = arith.constant 0 : index
    %get3A_38 = arith.constant 0 : index
    %get3A_39 = vector.load %arg4[%get3A_37, %get3A_38] : memref<1x256xf32, #tpu.memory_space<vmem>>, vector<1x256xf32>
    %mul3A_40 = vector.broadcast %get3A_39 : vector<1x256xf32> to vector<10000x256xf32>
    %mul3A_41 = arith.mulf %mul3A_36, %mul3A_40 : vector<10000x256xf32>
    %get3A_42 = arith.constant 0 : index
    %get3A_43 = arith.constant 0 : index
    %get3A_44 = vector.load %arg5[%get3A_42, %get3A_43] : memref<1x256xf32, #tpu.memory_space<vmem>>, vector<1x256xf32>
    %add3A_45 = vector.broadcast %get3A_44 : vector<1x256xf32> to vector<10000x256xf32>
    %add3A_46 = arith.addf %mul3A_41, %add3A_45 : vector<10000x256xf32>
    %max3A = arith.constant 0.000000e+00 : f32
    %max3A_47 = vector.broadcast %max3A : f32 to vector<10000x256xf32>
    %max3A_48 = arith.maximumf %add3A_46, %max3A_47 : vector<10000x256xf32>
    %get3A_49 = arith.constant 0 : index
    %get3A_50 = arith.constant 0 : index
    %get3A_51 = vector.load %arg6[%get3A_49, %get3A_50] : memref<256x128xf32, #tpu.memory_space<vmem>>, vector<256x128xf32>
    %dot_general3A_52 = arith.constant dense<0.000000e+00> : vector<10000x128xf32>
    %dot_general3A_53 = tpu.matmul %max3A_48, %get3A_51, %dot_general3A_52 {dimension_numbers = #tpu.dot_dimension_numbers<[1], [0], [0], [1], [0, 0, 1, 1], [], []>, transpose_lhs_hint = false} : vector<10000x256xf32>, vector<256x128xf32>, vector<10000x128xf32> -> vector<10000x128xf32>
    %get3A_54 = arith.constant 0 : index
    %get3A_55 = arith.constant 0 : index
    %get3A_56 = vector.load %arg7[%get3A_54, %get3A_55] : memref<1x128xf32, #tpu.memory_space<vmem>>, vector<1x128xf32>
    %add3A_57 = vector.broadcast %get3A_56 : vector<1x128xf32> to vector<10000x128xf32>
    %add3A_58 = arith.addf %dot_general3A_53, %add3A_57 : vector<10000x128xf32>
    %swap3A = arith.constant 0 : index
    %swap3A_59 = arith.constant 0 : index
    %swap3A_60 = vector.load %arg8[%swap3A, %swap3A_59] : memref<10000x128xf32, #tpu.memory_space<vmem>>, vector<10000x128xf32>
    tpu.vector_store %arg8[%swap3A, %swap3A_59], %add3A_58 {strides = array<i32>} : memref<10000x128xf32, #tpu.memory_space<vmem>>, vector<10000x128xf32>,
    return
  }
}

</mosaic_0001>

<sc_bundles>
// kernel: kernel.4.cloned.1.call-start
scs
__scs_entry_jumppad:
0x0: {  	(pc) =	sbr.rel $0x88, $3  }
0x1: {  	(tag) =	ssettag $0x0;
	lr =	simm.s32 $0x1  }
0x2: {  	[smem:$0x3F98] =	sst lr;
	_ =	strace $0xD0000000  }
0x3: {  	_ = 	snop  }
0x4: {  	_ = 	snop  }
0x5: {  	_ = 	snop  }
0x6: {  	_ = 	snop  }
0x7: {  	_ = 	snop  }
__scs_overlays_trampoline_lowered:
0x8: {  	[smem:$0x3FA7] =	sst s0  }
0x9: {  	[smem:$0x3FA8] =	sst s1  }
0xa: {  	[smem:$0x3FA9] =	sst s2  }
0xb: {  	[smem:$0x3FAA] =	sst s3  }
0xc: {  	[smem:$0x3FAB] =	sst s4  }
0xd: {  	[smem:$0x3FAC] =	sst s5  }
0xe: {  	[smem:$0x3FAD] =	sst s6  }
0xf: {  	[smem:$0x3FAE] =	sst s7  }
0x10: {  	[smem:$0x3FAF] =	sst s8  }
0x11: {  	[smem:$0x3FB0] =	sst s9;
	s0 =	simm.s32 @!p0 $0x0  }
0x12: {  	s1 =	sld [smem:$0x3F96];
	s0 =	simm.s32 @p0 $0x1  }
0x13: {  	[smem:$0x3FB1] =	sst s0;
	s0 =	simm.s32 @!p1 $0x0  }
0x14: {  	s2 =	sld [smem:$0x3F95];
	s0 =	simm.s32 @p1 $0x1  }
0x15: {  	[smem:$0x3FB2] =	sst s0;
	s0 =	simm.s32 @!p2 $0x0  }
0x16: {  	s3 =	sld [smem:$0x3FDB];
	s0 =	simm.s32 @p2 $0x1  }
0x17: {  	s4 =	simm.s32 $0x1BF5;
	[smem:$0x3FB4] =	sst s0  }
0x18: {  	s0 =	sld [smem:$0x3F97];
	_ =	swait.ge [sflag:s4], $0x0  }
0x19: {  	s7 =	sld [smem:$0x3F98]  }
0x1a: {  	s8 =	sadd.s32 $0xFFFFE003, lr  }
0x1b: {  	s9 =	sadd.s32 $0xFFFFFEF7, lr;
	s5 =	simm.s32 $0xFFFFFFFF;
	p2 =	slt.u32 s8, $0xFFFFF086  }
0x1c: {  	p1 =	slt.u32 s9, $0xF7A;
	s5 =	simm.s32 @!p2 $0x0  }
0x1d: {  	s5 =	simm.s32 @p1 $0x1;
	p0 =	seq.s32 s7, s2  }
0x1e: {  	s7 =	smul.u32 @!p0 $0xF7A, s2;
	p2 =	seq.s32 @!p0 s5, $0x0  }
0x1f: {  	s9 =	smul.u32 $0xF7A, s1;
	s8 =	simm.s32 @!p0 $0x1BF5;
	p2 =	por !p2, p0  }
0x20: {  	[sflag:s8] =	ssyncset.s32 @!p0 $0xFFFFF086;
	s6 =	sadd.s32 @!p0 s3, s7;
	s7 =	simm.s32 @!p0 $0x108  }
0x21: {  	s3 =	sadd.s32 s3, s9;
	s6 =	sadd.s32 @!p0 $0x88, s6;
	s7 =	simm.s32 @p2 $0x1082  }
0x22: {  	[simem:s7], [sflag:s8] =	dma.local @!p0 [hbm:s6], $0xF7A  }
0x23: {  	s9 =	sor.u32 $0xD0000000, s2;
	s6 =	simm.s32 $0x108;
	_ =	swait.ge @!p0 [sflag:s8], $0x0  }
0x24: {  	s3 =	sadd.s32 $0x88, s3;
	s6 =	simm.s32 @!p1 $0x1082;
	[sflag:s4] =	ssyncset.s32 $0xFFFFF086  }
0x25: {  	[simem:s6], [sflag:s4] =	dma.local [hbm:s3], $0xF7A  }
0x26: {  	[smem:$0x3F98] =	sst s1;
	(tag) =	ssettag s2;
	_ =	strace s9  }
0x27: {  	s1 =	sld [smem:$0x3FA8]  }
0x28: {  	s2 =	sld [smem:$0x3FA9]  }
0x29: {  	s4 =	sld [smem:$0x3FAB]  }
0x2a: {  	p0 =	seq.s32 s5, $0x0;
	s5 =	sld [smem:$0x3FAC]  }
0x2b: {  	s6 =	sld [smem:$0x3FAD]  }
0x2c: {  	s7 =	sld [smem:$0x3FAE]  }
0x2d: {  	s3 =	simm.s32 $0x108;
	s8 =	sld [smem:$0x3FAF]  }
0x2e: {  	s3 =	simm.s32 @!p0 $0x1082;
	s9 =	sld [smem:$0x3FB0]  }
0x2f: {  	lr =	sadd.s32 s0, s3;
	s0 =	sld [smem:$0x3FA7]  }
0x30: {  	s3 =	sld [smem:$0x3FAA]  }
0x31: {  	[smem:$0x3FB3] =	sst s10  }
0x32: {  	s10 =	sld [smem:$0x3FB1];
	_ =	sdelay $0x3  }
0x33: {  	p0 =	seq.s32 s10, $0x1;
	s10 =	sld [smem:$0x3FB3];
	_ =	sdelay $0x3  }
0x34: {  	[smem:$0x3FB3] =	sst s10  }
0x35: {  	s10 =	sld [smem:$0x3FB2];
	_ =	sdelay $0x3  }
0x36: {  	p1 =	seq.s32 s10, $0x1;
	s10 =	sld [smem:$0x3FB3];
	_ =	sdelay $0x3  }
0x37: {  	[smem:$0x3FB3] =	sst s10  }
0x38: {  	s10 =	sld [smem:$0x3FB4]  }
0x39: {  	_ = 	snop;
	(pc) =	sbr.ind lr, $3  }
0x3a: {  	_ = 	snop  }
0x3b: {  	_ = 	snop  }
0x3c: {  	p2 =	seq.s32 s10, $0x1;
	s10 =	sld [smem:$0x3FB3]  }
0x3d: {  	_ =	shalt  }
0x3e: {  	_ =	shalt  }
0x3f: {  	_ =	shalt  }
0x40: {  	_ =	shalt  }
0x41: {  	_ =	shalt  }
0x42: {  	_ =	shalt  }
0x43: {  	_ =	shalt  }
0x44: {  	_ =	shalt  }
0x45: {  	_ =	shalt  }
0x46: {  	_ =	shalt  }
0x47: {  	_ =	shalt  }
0x48: {  	_ =	shalt  }
0x49: {  	_ =	shalt  }
0x4a: {  	_ =	shalt  }
0x4b: {  	_ =	shalt  }
0x4c: {  	_ =	shalt  }
0x4d: {  	_ =	shalt  }
0x4e: {  	_ =	shalt  }
0x4f: {  	_ =	shalt  }
0x50: {  	_ =	shalt  }
0x51: {  	_ =	shalt  }
0x52: {  	_ =	shalt  }
0x53: {  	_ =	shalt  }
0x54: {  	_ =	shalt  }
0x55: {  	_ =	shalt  }
0x56: {  	_ =	shalt  }
0x57: {  	_ =	shalt  }
0x58: {  	_ =	shalt  }
0x59: {  	_ =	shalt  }
0x5a: {  	_ =	shalt  }
0x5b: {  	_ =	shalt  }
0x5c: {  	_ =	shalt  }
0x5d: {  	_ =	shalt  }
0x5e: {  	_ =	shalt  }
0x5f: {  	_ =	shalt  }
0x60: {  	_ =	shalt  }
0x61: {  	_ =	shalt  }
0x62: {  	_ =	shalt  }
0x63: {  	_ =	shalt  }
0x64: {  	_ =	shalt  }
0x65: {  	_ =	shalt  }
0x66: {  	_ =	shalt  }
0x67: {  	_ =	shalt  }
0x68: {  	_ =	shalt  }
0x69: {  	_ =	shalt  }
0x6a: {  	_ =	shalt  }
0x6b: {  	_ =	shalt  }
0x6c: {  	_ =	shalt  }
0x6d: {  	_ =	shalt  }
0x6e: {  	_ =	shalt  }
0x6f: {  	_ =	shalt  }
0x70: {  	_ =	shalt  }
0x71: {  	_ =	shalt  }
0x72: {  	_ =	shalt  }
0x73: {  	_ =	shalt  }
0x74: {  	_ =	shalt  }
0x75: {  	_ =	shalt  }
0x76: {  	_ =	shalt  }
0x77: {  	_ =	shalt  }
0x78: {  	_ =	shalt  }
0x79: {  	_ =	shalt  }
0x7a: {  	_ =	shalt  }
0x7b: {  	_ =	shalt  }
0x7c: {  	_ =	shalt  }
0x7d: {  	_ =	shalt  }
0x7e: {  	_ =	shalt  }
0x7f: {  	_ =	shalt  }
0x80: {  	_ =	shalt  }
0x81: {  	_ =	shalt  }
0x82: {  	_ =	shalt  }
0x83: {  	_ =	shalt  }
0x84: {  	_ =	shalt  }
0x85: {  	_ =	shalt  }
0x86: {  	_ =	shalt  }
0x87: {  	_ =	shalt  }
.Lfunc_end0:
.L_simem_size_0:
called_computation_lowered:
.L_overlay_start_0:
0x88: {  	s2 =	sld [smem:$0x3FD9]  }
0x89: {  	s3 =	sld [smem:$0x3FFE];
	_ =	sdelay $0x1  }
0x8a: {  	s1 =	srdreg.scid  }
0x8b: {  	s0 =	sand.u32 $0x1, s1  }
0x8c: {  	s17 =	sshll.u32 s0, $0xA;
	s2 =	sadd.s32 s3, s2  }
0x8d: {  	s2 =	sadd.s32 s2, s17  }
0x8e: {  	[smem:$0x3FBF] =	sst s2  }
0x8f: {  	_ = 	snop  }
0x90: {  	s2 =	sld [smem:$0x3FC9]  }
0x91: {  	s18 =	sld [smem:$0x3FC7]  }
0x92: {  	s4 =	sld [smem:$0x3FD0];
	(tm) =	ssettm $0x1  }
0x93: {  	s5 =	sld [smem:$0x3FFB];
	_ =	sdelay $0x3  }
0x94: {  	_ =	strace s5  }
0x95: {  	s5 =	sld [smem:$0x3FFC];
	_ =	sdelay $0x3  }
0x96: {  	_ =	strace s5  }
0x97: {  	s5 =	sld [smem:$0x3FFD];
	_ =	sdelay $0x3  }
0x98: {  	_ =	strace s5  }
0x99: {  	_ =	strace $0x8FFFFFFF  }
0x9a: {  	s19 =	sld [smem:$0x3FDB];
	_ =	sdelay $0x1  }
0x9b: {  	s6 =	simm.s32 $_scs_section_size  }
0x9c: {  	s7 =	simm.s32 $_size__tile_overlayer_lowered;
	s8 =	simm.s32 $_tile_overlayer_lowered  }
0x9d: {  	s22 =	simm.s32 $0x1BFF;
	s21 =	sshll.u32 s8, $0x1;
	s5 =	sadd.s32 s6, s19  }
0x9e: {  	s9 =	simm.s32 $0x0;
	s20 =	sshll.u32 s7, $0x1;
	s7 =	sadd.s32 s21, s5  }
0x9f: {  	[timem:s9], [sflag:s22] =	dma.local [hbm:s7], s20  }
0xa0: {  	_ =	swait.ge [sflag:s22], s20  }
0xa1: {  	s6 =	ssub.s32 $0x0, s20;
	[sflag:s22] =	ssyncset.done $0x0  }
0xa2: {  	[sflag:s22] =	ssyncadd.s32 s6;
	_ =	sdelay $0x1  }
0xa3: {  	s23 =	simm.s32 $0x1B8B  }
0xa4: {  	_ =	swait.ge [sflag:s23], $0x1  }
0xa5: {  	[sflag:s23] =	ssyncset.done $0x0  }
0xa6: {  	s25 =	simm.s32 $0x1B8E;
	s24 =	sld [smem:$0x3FFE];
	[sflag:s23] =	ssyncadd.s32 $0xFFFFFFFF  }
0xa7: {  	s26 =	simm.s32 $execute0_lowered;
	[smem:$0x3FD2] =	sst s25  }
0xa8: {  	s7 =	sshll.u32 s26, $0x1;
	_ =	strace $0x80000046;
	[dreg:$0x1] =	wrdreg $0xFFFFFFFF  }
0xa9: {  	s28 =	simm.s32 $_size_execute0_lowered;
	s5 =	sadd.s32 s5, s7;
	[dreg:$0x0] =	wrdreg $0x0  }
0xaa: {  	s7 =	sshll.u32 s28, $0x1;
	[dreg:$0x2] =	wrdreg s5  }
0xab: {  	[dreg:$0x3] =	wrdreg s7  }
0xac: {  	[dreg:$0x4] =	wrdreg $0xC0  }
0xad: {  	_ =	task [dreg:s9], $0x5FFFF  }
0xae: {  	[dreg:$0x1] =	wrdreg $0xFFFFFFFF  }
0xaf: {  	[dreg:$0x0] =	wrdreg $0x60  }
0xb0: {  	[dreg:$0x2] =	wrdreg s2  }
0xb1: {  	[dreg:$0x3] =	wrdreg s24  }
0xb2: {  	[dreg:$0x4] =	wrdreg s4  }
0xb3: {  	[dreg:$0x5] =	wrdreg s18  }
0xb4: {  	[dreg:$0x6] =	wrdreg $0x0  }
0xb5: {  	[dreg:$0x7] =	wrdreg $0x9  }
0xb6: {  	_ =	task.clear_ibuf [dreg:s9], $0x8FFFF;
	_ =	strace $0x90000046  }
0xb7: {  	s29 =	simm.s32 $0x9;
	_ =	strace $0x80000048  }
0xb8: {  	_ =	swait.ge [sflag:s29], $0x1  }
0xb9: {  	[sflag:s29] =	ssyncadd.s32 $0xFFFFFFFF  }
0xba: {  	_ =	strace $0x90000048  }
0xbb: {  	_ =	sfence  }
0xbc: {  	s30 =	sld [smem:$0x0];
	_ =	sdelay $0x2  }
0xbd: {  	s31 =	sshll.u32 s1, $0xD;
	s1 =	sshrl.u32 s1, $0x2  }
0xbe: {  	s3 =	sand.u32 $0x4000, s31;
	s1 =	sadd.s32 s1, s30  }
0xbf: {  	s0 =	sor.u32 s3, s0;
	s1 =	sshll.u32 s1, $0x11  }
0xc0: {  	s0 =	sor.u32 s1, s0  }
0xc1: {  	s0 =	sadd.s32 $0x8F2B, s0  }
0xc2: {  	[sflag:s0] =	ssyncadd.remote.s32 $0x1  }
0xc3: {  	_ =	sfence.sel $0xFFFF  }
0xc4: {  	[dreg:$0x0] =	wrdreg $0xFFFFFFFF;
	(pc) =	sbr.abs _section_cstart, $3  }
0xc5: {  	[dreg:$0x1] =	wrdreg $0xFFFFFFFF  }
0xc6: {  	_ =	task.clear_ibuf [dreg:s9], $0x2FFFF;
	_ =	strace $0x9FFFFFFF  }
0xc7: {  	(tm) =	ssettm $0x7FFFFFFF  }
tec
execute0_lowered:
.L_overlay_start_1:
0x0: {  	(tag) =	ssettag $0x1  }
0x1: {  	s1 =	rddreg [dreg:$0x0]  }
0x2: {  	s0 =	rddreg [dreg:$0x1]  }
0x3: {  	s2 =	rddreg [dreg:$0x2]  }
0x4: {  	s3 =	rddreg [dreg:$0x3]  }
0x5: {  	s5 =	rddreg [dreg:$0x4];
	s10 =	stileid.u32  }
0x6: {  	s4 =	srdreg.scid;
	s12 =	simm.s32 $0x0;
	s7 =	smul.u32 $0x14000, s10  }
0x7: {  	s4 =	sand.u32 $0x1, s4;
	s8 =	sshll.u32 s10, $0x1;
	s10 =	smul.u32 $0x50000, s10  }
0x8: {  	[smem:$0x7FF] =	sst s12;
	s6 =	smul.u32 $0x140000, s4  }
0x9: {  	s8 =	sor.u32 s4, s8;
	_ =	strace $0x80000047;
	s4 =	ssub.s32 $0x2, s4  }
0xa: {  	s9 =	smul.u32 $0x2710, s8;
	s11 =	sshrl.u32 s4, $0x1;
	s13 =	sshrl.u32 s10, $0x2  }
0xb: {  	s6 =	sadd.s32 s7, s6;
	s7 =	sadd.s32 $0xC00, s0;
	s18 =	sadd.s32 s13, s5  }
0xc: {  	s4 =	ssub.s32 s4, s11;
	s13 =	sadd.s32 $0x50, s9;
	[dreg:$0x7] =	wrdreg s18  }
0xd: {  	s14 =	sshrl.u32 s9, $0x3;
	s26 =	sadd.s32 $0xA0, s9;
	[dreg:$0xa] =	wrdreg s13  }
0xe: {  	s16 =	sadd.s32 $0x28, s9;
	s15 =	sadd.s32 s7, s14;
	[dreg:$0x14] =	wrdreg s26  }
0xf: {  	s10 =	sadd.s32 s2, s14;
	s17 =	sshrl.u32 s16, $0x3;
	[dreg:$0x8] =	wrdreg s15  }
0x10: {  	s19 =	sshrl.u32 s13, $0x3;
	s14 =	sadd.s32 $0x78, s9;
	[dreg:$0x9] =	wrdreg s10  }
0x11: {  	s25 =	sshll.u32 s13, $0x4;
	s13 =	sadd.s32 $0x2800, s18;
	[dreg:$0xe] =	wrdreg s14  }
0x12: {  	s6 =	sshrl.u32 s6, $0x3;
	s11 =	sadd.s32 s7, s17;
	[smem:$0x7F0] =	sst s13  }
0x13: {  	s0 =	sadd.s32 s6, s0;
	s10 =	sadd.s32 s2, s17;
	[dreg:$0xb] =	wrdreg s11  }
0x14: {  	s6 =	sshll.u32 s16, $0x4;
	s20 =	sadd.s32 s7, s19;
	[dreg:$0xc] =	wrdreg s10  }
0x15: {  	s6 =	sadd.s32 s3, s6;
	[dreg:$0xd] =	wrdreg s20  }
0x16: {  	s15 =	sadd.s32 $0xC8, s9;
	[dreg:$0x11] =	wrdreg s6  }
0x17: {  	s21 =	smul.u32 $0x27100, s8;
	s0 =	sadd.s32 $0xAA00, s0;
	[dreg:$0x16] =	wrdreg s15  }
0x18: {  	s10 =	sadd.s32 s2, s19;
	[smem:$0x7ED] =	sst s0  }
0x19: {  	s22 =	sshrl.u32 s14, $0x3;
	s11 =	sadd.s32 s3, s21;
	[dreg:$0xf] =	wrdreg s10  }
0x1a: {  	s23 =	sadd.s32 s7, s22;
	[dreg:$0x10] =	wrdreg s11  }
0x1b: {  	s24 =	sadd.s32 s2, s22;
	[dreg:$0x12] =	wrdreg s23  }
0x1c: {  	s14 =	sshll.u32 s14, $0x4;
	s6 =	sadd.s32 s3, s25;
	[dreg:$0x13] =	wrdreg s24  }
0x1d: {  	s17 =	sadd.s32 s3, s14;
	[dreg:$0x15] =	wrdreg s6  }
0x1e: {  	s22 =	sadd.s32 $0xF0, s9;
	[dreg:$0x19] =	wrdreg s17  }
0x1f: {  	s28 =	sshrl.u32 s26, $0x3;
	s14 =	sadd.s32 $0x3C00, s18;
	[dreg:$0x1c] =	wrdreg s22  }
0x20: {  	s11 =	sadd.s32 s7, s28;
	[smem:$0x7F1] =	sst s14  }
0x21: {  	s16 =	sshrl.u32 s15, $0x3;
	s6 =	sadd.s32 s2, s28;
	[dreg:$0x17] =	wrdreg s11  }
0x22: {  	s21 =	sshll.u32 s26, $0x4;
	s19 =	sadd.s32 s7, s16;
	[dreg:$0x18] =	wrdreg s6  }
0x23: {  	s26 =	sshll.u32 s15, $0x4;
	s20 =	sadd.s32 s2, s16;
	[dreg:$0x1a] =	wrdreg s19  }
0x24: {  	s15 =	sadd.s32 s3, s26;
	[dreg:$0x1b] =	wrdreg s20  }
0x25: {  	s24 =	sadd.s32 $0x118, s9;
	[smem:$0x7E1] =	sst s15  }
0x26: {  	s23 =	sshrl.u32 s22, $0x3;
	s6 =	sadd.s32 s3, s21;
	[dreg:$0x1e] =	wrdreg s24  }
0x27: {  	s30 =	simm.s32 $0xF;
	s25 =	sadd.s32 s7, s23;
	[dreg:$0x1d] =	wrdreg s6  }
0x28: {  	s29 =	simm.s32 $0x12;
	s20 =	sadd.s32 $0x140, s9;
	[dreg:$0x1f] =	wrdreg s25  }
0x29: {  	s31 =	simm.s32 $0x13;
	s11 =	sadd.s32 $0x1400, s18;
	[smem:$0x7E5] =	sst s20  }
0x2a: {  	s0 =	simm.s32 $0xE;
	s15 =	sadd.s32 $0x5000, s18;
	[smem:$0x7EF] =	sst s11  }
0x2b: {  	s28 =	sshrl.u32 s24, $0x3;
	s6 =	sadd.s32 s2, s23;
	[smem:$0x7F2] =	sst s15  }
0x2c: {  	s19 =	sshll.u32 s22, $0x4;
	s16 =	sadd.s32 s7, s28;
	[smem:$0x7E0] =	sst s6  }
0x2d: {  	s24 =	sshll.u32 s24, $0x4;
	s17 =	sadd.s32 s2, s28;
	[smem:$0x7E2] =	sst s16  }
0x2e: {  	s23 =	sadd.s32 $0x26E8, s9;
	s9 =	sadd.s32 s3, s24;
	[smem:$0x7E3] =	sst s17  }
0x2f: {  	s22 =	sshrl.u32 s20, $0x3;
	s20 =	sadd.s32 $0xA000, s18;
	[smem:$0x7E8] =	sst s9  }
0x30: {  	s14 =	simm.s32 $0x11;
	s24 =	sadd.s32 $0xF000, s18;
	[smem:$0x7F6] =	sst s20  }
0x31: {  	s21 =	smul.u32 $0x138800, s8;
	s6 =	sadd.s32 s3, s19;
	[smem:$0x7FA] =	sst s24  }
0x32: {  	s11 =	simm.s32 $0x15;
	s10 =	sadd.s32 s7, s22;
	[smem:$0x7E4] =	sst s6  }
0x33: {  	s15 =	simm.s32 $0x3;
	s8 =	sadd.s32 s2, s22;
	[smem:$0x7E6] =	sst s10  }
0x34: {  	s25 =	sshrl.u32 s23, $0x3;
	s16 =	sadd.s32 $0x6400, s18;
	[smem:$0x7E7] =	sst s8  }
0x35: {  	s9 =	sshll.u32 s23, $0x4;
	s17 =	sadd.s32 $0x7800, s18;
	[smem:$0x7F3] =	sst s16  }
0x36: {  	s19 =	sadd.s32 $0x8C00, s18;
	s22 =	sadd.s32 $0xC800, s18;
	[smem:$0x7F4] =	sst s17  }
0x37: {  	s23 =	sadd.s32 $0xDC00, s18;
	s20 =	simm.s32 $0x2;
	[smem:$0x7F5] =	sst s19  }
0x38: {  	s24 =	simm.s32 $0x4;
	s6 =	sshrl.u32 s21, $0x3;
	[smem:$0x7F8] =	sst s22  }
0x39: {  	s26 =	sadd.s32 s7, s25;
	s28 =	sadd.s32 s2, s25;
	[smem:$0x7F9] =	sst s23  }
0x3a: {  	s10 =	smax.u32 s4, $0x1;
	s21 =	sadd.s32 $0xB400, s18;
	[smem:$0x7E9] =	sst s26  }
0x3b: {  	s25 =	sadd.s32 $0x10400, s18;
	s23 =	simm.s32 $0x14300;
	[smem:$0x7EA] =	sst s28  }
0x3c: {  	s16 =	simm.s32 $0x7;
	s17 =	simm.s32 $0x28;
	[smem:$0x7EE] =	sst s10  }
0x3d: {  	s22 =	simm.s32 $0x8;
	s8 =	simm.s32 $0xD;
	[smem:$0x7F7] =	sst s21  }
0x3e: {  	s6 =	sadd.s32 s3, s6;
	[smem:$0x7FB] =	sst s25;
	s26 =	sadd.s32 $0x11800, s18  }
0x3f: {  	s28 =	sadd.s32 $0x12C00, s18;
	s21 =	simm.s32 $0x9;
	[smem:$0x7FC] =	sst s26  }
0x40: {  	s25 =	simm.s32 $0xA;
	s6 =	sadd.s32 $0x26C00, s6;
	[smem:$0x7FD] =	sst s28  }
0x41: {  	s10 =	simm.s32 $0x14;
	[smem:$0x7EB] =	sst s6;
	s6 =	sadd.s32 s3, s9  }
0x42: {  	v0 =	vimm.f32 $0.0e+00;
	s26 =	simm.s32 $0x1BE00;
	[smem:$0x7EC] =	sst s6;
	s6 =	simm.s32 $0x10  }
.LBB2_1:
0x43: {  	s19 =	simm.s32 $0x14380;
	s4 =	simm.s32 $0x0;
	s9 =	simm.s32 $0x200  }
.LBB2_2:
0x44: {  	p0 =	sne.s32 s9, $0x4E00;
	[tilespmem:s4+$0x1BE70] =	vst v0  }
0x45: {  	[tilespmem:s4+$0x1BE00] =	vst v0  }
0x46: {  	[tilespmem:s4+$0x1BE10] =	vst v0  }
.Ltmp0:
0x47: {  	[tilespmem:s4+$0x1BE20] =	vst v0;
	(pc) =	sbr.rel @p0 .LBB2_2-.Ltmp0, $4  }
0x48: {  	[tilespmem:s4+$0x1BE30] =	vst v0  }
0x49: {  	[tilespmem:s4+$0x1BE40] =	vst v0  }
0x4a: {  	[tilespmem:s4+$0x1BE50] =	vst v0  }
0x4b: {  	[tilespmem:s4+$0x1BE60] =	vst v0;
	s4 =	sshra.s32 s9, $0x2;
	s9 =	sadd.s32 $0x200, s9  }
0x4c: {  	[tilespmem:s4+$0x1BE70] =	vst v0  }
0x4d: {  	[tilespmem:s4+$0x1BE00] =	vst v0  }
0x4e: {  	[tilespmem:s4+$0x1BE10] =	vst v0  }
0x4f: {  	[tilespmem:s4+$0x1BE20] =	vst v0  }
0x50: {  	[tilespmem:s4+$0x1BE30] =	vst v0  }
0x51: {  	[tilespmem:s4+$0x1BE40] =	vst v0  }
0x52: {  	[tilespmem:s4+$0x1BE50] =	vst v0  }
0x53: {  	[tilespmem:s4+$0x1BE60] =	vst v0  }
0x54: {  	[spmem:s18] =	stream.linear.scatter [tilespmem:s26], [sflag:$0x15], $0x1400, $0x38;
	[tilespmem:$0x1E600] =	vst v63  }
0x55: {  	_ =	swait.ge [sflag:s11], $0x1400  }
0x56: {  	s28 =	sld [smem:$0x7EF]  }
0x57: {  	[sflag:s11] =	ssyncset.done $0x0  }
0x58: {  	[sflag:s11] =	ssyncadd.s32 $0xFFFFEC00  }
0x59: {  	[spmem:s28] =	stream.linear.scatter [tilespmem:s26], [sflag:$0x15], $0x1400, $0x38;
	[tilespmem:$0x1E600] =	vst v63  }
0x5a: {  	_ =	swait.ge [sflag:s11], $0x1400  }
0x5b: {  	s9 =	sld [smem:$0x7F0]  }
0x5c: {  	[sflag:s11] =	ssyncset.done $0x0  }
0x5d: {  	[sflag:s11] =	ssyncadd.s32 $0xFFFFEC00  }
0x5e: {  	[spmem:s9] =	stream.linear.scatter [tilespmem:s26], [sflag:$0x15], $0x1400, $0x38;
	[tilespmem:$0x1E600] =	vst v63  }
0x5f: {  	_ =	swait.ge [sflag:s11], $0x1400  }
0x60: {  	s13 =	sld [smem:$0x7F1]  }
0x61: {  	[sflag:s11] =	ssyncset.done $0x0  }
0x62: {  	[sflag:s11] =	ssyncadd.s32 $0xFFFFEC00  }
0x63: {  	[spmem:s13] =	stream.linear.scatter [tilespmem:s26], [sflag:$0x15], $0x1400, $0x38;
	[tilespmem:$0x1E600] =	vst v63  }
0x64: {  	_ =	swait.ge [sflag:s11], $0x1400  }
0x65: {  	s18 =	sld [smem:$0x7F2]  }
0x66: {  	[sflag:s11] =	ssyncset.done $0x0  }
0x67: {  	[sflag:s11] =	ssyncadd.s32 $0xFFFFEC00  }
0x68: {  	[spmem:s18] =	stream.linear.scatter [tilespmem:s26], [sflag:$0x15], $0x1400, $0x38;
	[tilespmem:$0x1E600] =	vst v63  }
0x69: {  	_ =	swait.ge [sflag:s11], $0x1400  }
0x6a: {  	s28 =	sld [smem:$0x7F3]  }
0x6b: {  	[sflag:s11] =	ssyncset.done $0x0  }
0x6c: {  	[sflag:s11] =	ssyncadd.s32 $0xFFFFEC00  }
0x6d: {  	[spmem:s28] =	stream.linear.scatter [tilespmem:s26], [sflag:$0x15], $0x1400, $0x38;
	[tilespmem:$0x1E600] =	vst v63  }
0x6e: {  	_ =	swait.ge [sflag:s11], $0x1400  }
0x6f: {  	s9 =	sld [smem:$0x7F4]  }
0x70: {  	[sflag:s11] =	ssyncset.done $0x0  }
0x71: {  	[sflag:s11] =	ssyncadd.s32 $0xFFFFEC00  }
0x72: {  	[spmem:s9] =	stream.linear.scatter [tilespmem:s26], [sflag:$0x15], $0x1400, $0x38;
	[tilespmem:$0x1E600] =	vst v63  }
0x73: {  	_ =	swait.ge [sflag:s11], $0x1400  }
0x74: {  	s13 =	sld [smem:$0x7F5]  }
0x75: {  	[sflag:s11] =	ssyncset.done $0x0  }
0x76: {  	[sflag:s11] =	ssyncadd.s32 $0xFFFFEC00  }
0x77: {  	[spmem:s13] =	stream.linear.scatter [tilespmem:s26], [sflag:$0x15], $0x1400, $0x38;
	[tilespmem:$0x1E600] =	vst v63  }
0x78: {  	_ =	swait.ge [sflag:s11], $0x1400  }
0x79: {  	s18 =	sld [smem:$0x7F6]  }
0x7a: {  	[sflag:s11] =	ssyncset.done $0x0  }
0x7b: {  	[sflag:s11] =	ssyncadd.s32 $0xFFFFEC00  }
0x7c: {  	[spmem:s18] =	stream.linear.scatter [tilespmem:s26], [sflag:$0x15], $0x1400, $0x38;
	[tilespmem:$0x1E600] =	vst v63  }
0x7d: {  	_ =	swait.ge [sflag:s11], $0x1400  }
0x7e: {  	s28 =	sld [smem:$0x7F7]  }
0x7f: {  	[sflag:s11] =	ssyncset.done $0x0  }
0x80: {  	[sflag:s11] =	ssyncadd.s32 $0xFFFFEC00  }
0x81: {  	[spmem:s28] =	stream.linear.scatter [tilespmem:s26], [sflag:$0x15], $0x1400, $0x38;
	[tilespmem:$0x1E600] =	vst v63  }
0x82: {  	_ =	swait.ge [sflag:s11], $0x1400  }
0x83: {  	s9 =	sld [smem:$0x7F8]  }
0x84: {  	[sflag:s11] =	ssyncset.done $0x0  }
0x85: {  	[sflag:s11] =	ssyncadd.s32 $0xFFFFEC00  }
0x86: {  	[spmem:s9] =	stream.linear.scatter [tilespmem:s26], [sflag:$0x15], $0x1400, $0x38;
	[tilespmem:$0x1E600] =	vst v63  }
0x87: {  	_ =	swait.ge [sflag:s11], $0x1400  }
0x88: {  	s13 =	sld [smem:$0x7F9]  }
0x89: {  	[sflag:s11] =	ssyncset.done $0x0  }
0x8a: {  	[sflag:s11] =	ssyncadd.s32 $0xFFFFEC00  }
0x8b: {  	[spmem:s13] =	stream.linear.scatter [tilespmem:s26], [sflag:$0x15], $0x1400, $0x38;
	[tilespmem:$0x1E600] =	vst v63  }
0x8c: {  	_ =	swait.ge [sflag:s11], $0x1400  }
0x8d: {  	s18 =	sld [smem:$0x7FA]  }
0x8e: {  	[sflag:s11] =	ssyncset.done $0x0  }
0x8f: {  	[sflag:s11] =	ssyncadd.s32 $0xFFFFEC00  }
0x90: {  	[spmem:s18] =	stream.linear.scatter [tilespmem:s26], [sflag:$0x15], $0x1400, $0x38;
	[tilespmem:$0x1E600] =	vst v63  }
0x91: {  	_ =	swait.ge [sflag:s11], $0x1400  }
0x92: {  	s28 =	sld [smem:$0x7FB]  }
0x93: {  	[sflag:s11] =	ssyncset.done $0x0  }
0x94: {  	[sflag:s11] =	ssyncadd.s32 $0xFFFFEC00  }
0x95: {  	[spmem:s28] =	stream.linear.scatter [tilespmem:s26], [sflag:$0x15], $0x1400, $0x38;
	[tilespmem:$0x1E600] =	vst v63  }
0x96: {  	_ =	swait.ge [sflag:s11], $0x1400  }
0x97: {  	s9 =	sld [smem:$0x7FC]  }
0x98: {  	[sflag:s11] =	ssyncset.done $0x0  }
0x99: {  	[sflag:s11] =	ssyncadd.s32 $0xFFFFEC00  }
0x9a: {  	[spmem:s9] =	stream.linear.scatter [tilespmem:s26], [sflag:$0x15], $0x1400, $0x38;
	[tilespmem:$0x1E600] =	vst v63  }
0x9b: {  	_ =	swait.ge [sflag:s11], $0x1400  }
0x9c: {  	s13 =	sld [smem:$0x7FD]  }
0x9d: {  	[sflag:s11] =	ssyncset.done $0x0  }
0x9e: {  	[sflag:s11] =	ssyncadd.s32 $0xFFFFEC00  }
0x9f: {  	[spmem:s13] =	stream.linear.scatter [tilespmem:s26], [sflag:$0x15], $0x1400, $0x38;
	[tilespmem:$0x1E600] =	vst v63  }
0xa0: {  	_ =	swait.ge [sflag:s11], $0x1400  }
0xa1: {  	[sflag:s11] =	ssyncset.done $0x0  }
0xa2: {  	[sflag:s11] =	ssyncadd.s32 $0xFFFFEC00  }
0xa3: {  	[bflag:$0x0] =	sbarrier.arrive $0xFFFF  }
0xa4: {  	s4 =	simm.s32 $0x0;
	s11 =	simm.s32 $0x14000;
	s9 =	rddreg [dreg:$0x8]  }
0xa5: {  	[tilespmem:s11], [sflag:$0x1] =	stream.linear.gather [hbm4b:s9+s4], $0x28, $0x38;
	[tilespmem:$0x1E600] =	vst v63  }
0xa6: {  	s18 =	rddreg [dreg:$0x9]  }
0xa7: {  	[tilespmem:s23], [sflag:$0x7] =	stream.linear.gather [hbm4b:s18+s4], $0x28, $0x38;
	[tilespmem:$0x1E600] =	vst v63  }
0xa8: {  	s13 =	simm.s32 $0x14080;
	s28 =	rddreg [dreg:$0xb]  }
0xa9: {  	[tilespmem:s13], [sflag:$0x2] =	stream.linear.gather [hbm4b:s28+s4], $0x28, $0x38;
	[tilespmem:$0x1E600] =	vst v63  }
0xaa: {  	s18 =	rddreg [dreg:$0xc]  }
0xab: {  	[tilespmem:s19], [sflag:$0x8] =	stream.linear.gather [hbm4b:s18+s4], $0x28, $0x38;
	[tilespmem:$0x1E600] =	vst v63  }
0xac: {  	s28 =	rddreg [dreg:$0xd];
	s19 =	simm.s32 $0x14100  }
0xad: {  	[tilespmem:s19], [sflag:$0x3] =	stream.linear.gather [hbm4b:s28+s4], $0x28, $0x38;
	[tilespmem:$0x1E600] =	vst v63  }
0xae: {  	s18 =	rddreg [dreg:$0xf];
	s28 =	simm.s32 $0x14400  }
0xaf: {  	[tilespmem:s28], [sflag:$0x9] =	stream.linear.gather [hbm4b:s18+s4], $0x28, $0x38;
	[tilespmem:$0x1E600] =	vst v63  }
0xb0: {  	s18 =	simm.s32 $0x1  }
0xb1: {  	_ =	swait.ge [sflag:s18], $0x28  }
0xb2: {  	[sflag:s18] =	ssyncset.done $0x0  }
0xb3: {  	[sflag:s18] =	ssyncadd.s32 $0xFFFFFFD8  }
0xb4: {  	_ =	swait.ge [sflag:s16], $0x28  }
0xb5: {  	[sflag:s16] =	ssyncset.done $0x0  }
0xb6: {  	s28 =	simm.s32 $0x14600;
	[sflag:s16] =	ssyncadd.s32 $0xFFFFFFD8  }
0xb7: {  	[tilespmem:s28], [sflag:$0xD] =	stream.indirect.gather [hbm4b:s1+s17], $0x80, s11, s17, $0xb8;
	[tilespmem:$0x1E600] =	vst v63  }
0xb8: {  	s18 =	simm.s32 $0x18200;
	s11 =	rddreg [dreg:$0x10]  }
0xb9: {  	[tilespmem:s18], [sflag:$0x10] =	stream.linear.gather [hbm4b:s11+s4], $0x1400, $0x38;
	[tilespmem:$0x1E600] =	vst v63  }
0xba: {  	_ =	swait.ge [sflag:s20], $0x28  }
0xbb: {  	[sflag:s20] =	ssyncset.done $0x0  }
0xbc: {  	[sflag:s20] =	ssyncadd.s32 $0xFFFFFFD8  }
0xbd: {  	_ =	swait.ge [sflag:s22], $0x28  }
0xbe: {  	[sflag:s22] =	ssyncset.done $0x0  }
0xbf: {  	s28 =	simm.s32 $0x15A00;
	[sflag:s22] =	ssyncadd.s32 $0xFFFFFFD8  }
0xc0: {  	[tilespmem:s28], [sflag:$0xE] =	stream.indirect.gather [hbm4b:s1+s17], $0x80, s13, s17, $0xb8;
	[tilespmem:$0x1E600] =	vst v63  }
0xc1: {  	s11 =	rddreg [dreg:$0x11];
	s13 =	simm.s32 $0x19600  }
0xc2: {  	[tilespmem:s13], [sflag:$0x11] =	stream.linear.gather [hbm4b:s11+s4], $0x1400, $0x38;
	[tilespmem:$0x1E600] =	vst v63  }
0xc3: {  	_ =	swait.ge [sflag:s8], $0x1400  }
0xc4: {  	[sflag:s8] =	ssyncset.done $0x0  }
0xc5: {  	[sflag:s8] =	ssyncadd.s32 $0xFFFFEC00  }
0xc6: {  	_ =	swait.ge [sflag:s6], $0x1400  }
0xc7: {  	[sflag:s6] =	ssyncset.done $0x0  }
0xc8: {  	s28 =	simm.s32 $0x14180;
	s18 =	rddreg [dreg:$0x12];
	[sflag:s6] =	ssyncadd.s32 $0xFFFFEC00  }
0xc9: {  	[tilespmem:s28], [sflag:$0x4] =	stream.linear.gather [hbm4b:s18+s4], $0x28, $0x38;
	[tilespmem:$0x1E600] =	vst v63  }
0xca: {  	s13 =	simm.s32 $0x14480;
	s11 =	rddreg [dreg:$0x13]  }
0xcb: {  	[tilespmem:s13], [sflag:$0xA] =	stream.linear.gather [hbm4b:s11+s4], $0x28, $0x38;
	[tilespmem:$0x1E600] =	vst v63  }
0xcc: {  	_ =	swait.ge [sflag:s15], $0x28  }
0xcd: {  	[sflag:s15] =	ssyncset.done $0x0  }
0xce: {  	[sflag:s15] =	ssyncadd.s32 $0xFFFFFFD8  }
0xcf: {  	_ =	swait.ge [sflag:s21], $0x28  }
0xd0: {  	[sflag:s21] =	ssyncset.done $0x0  }
0xd1: {  	s18 =	simm.s32 $0x16E00;
	[sflag:s21] =	ssyncadd.s32 $0xFFFFFFD8  }
0xd2: {  	[tilespmem:s18], [sflag:$0xF] =	stream.indirect.gather [hbm4b:s1+s17], $0x80, s19, s17, $0xb8;
	[tilespmem:$0x1E600] =	vst v63  }
0xd3: {  	s28 =	simm.s32 $0x1AA00;
	s19 =	rddreg [dreg:$0x15]  }
0xd4: {  	[tilespmem:s28], [sflag:$0x12] =	stream.linear.gather [hbm4b:s19+s4], $0x1400, $0x38;
	[tilespmem:$0x1E600] =	vst v63  }
0xd5: {  	s4 =	simm.s32 $0x0  }
0xd6: {  	v1 =	vld [tilespmem:s4+$0x18270]  }
0xd7: {  	v2 =	vld [tilespmem:s4+$0x14670]  }
0xd8: {  	v3 =	vld [tilespmem:s4+$0x18200]  }
0xd9: {  	v4 =	vld [tilespmem:s4+$0x14600]  }
0xda: {  	v5 =	vld [tilespmem:s4+$0x18210]  }
0xdb: {  	v6 =	vld [tilespmem:s4+$0x14610]  }
0xdc: {  	v7 =	vld [tilespmem:s4+$0x18220]  }
0xdd: {  	v1 =	vadd.f32 v2, v1;
	v2 =	vld [tilespmem:s4+$0x14620]  }
0xde: {  	v8 =	vld [tilespmem:s4+$0x18230]  }
0xdf: {  	v9 =	vld [tilespmem:s4+$0x14630];
	v3 =	vadd.f32 v4, v3  }
0xe0: {  	v10 =	vld [tilespmem:s4+$0x18240];
	v1 =	vmax.f32 v1, $0.0e+00  }
0xe1: {  	[tilespmem:s4+$0x1BE70] =	vst v1;
	v1 =	vmax.f32 v3, $0.0e+00;
	v3 =	vadd.f32 v6, v5;
	v6 =	vld [tilespmem:s4+$0x14640]  }
0xe2: {  	v4 =	vld [tilespmem:s4+$0x14650];
	v2 =	vadd.f32 v2, v7  }
0xe3: {  	[tilespmem:s4+$0x1BE00] =	vst v1;
	v1 =	vld [tilespmem:s4+$0x18250];
	v3 =	vmax.f32 v3, $0.0e+00  }
0xe4: {  	v5 =	vld [tilespmem:s4+$0x14660];
	v7 =	vadd.f32 v9, v8;
	[tilespmem:s4+$0x1BE10] =	vst v3;
	v3 =	vmax.f32 v2, $0.0e+00  }
0xe5: {  	s11 =	simm.s32 $0x80;
	v2 =	vld [tilespmem:s4+$0x18260];
	[tilespmem:s4+$0x1BE20] =	vst v3  }
0xe6: {  	s9 =	simm.s32 $0x400;
	v7 =	vmax.f32 v7, $0.0e+00;
	v6 =	vadd.f32 v6, v10;
	v3 =	vld [tilespmem:s11+$0x18270]  }
.LBB2_4:
0xe7: {  	p0 =	sne.s32 s9, $0x4E00;
	v8 =	vld [tilespmem:s11+$0x14670];
	[tilespmem:s4+$0x1BE30] =	vst v7  }
0xe8: {  	v7 =	vld [tilespmem:s11+$0x18200];
	v6 =	vmax.f32 v6, $0.0e+00;
	v1 =	vadd.f32 v4, v1  }
0xe9: {  	v4 =	vld [tilespmem:s11+$0x14600];
	[tilespmem:s4+$0x1BE40] =	vst v6  }
0xea: {  	v6 =	vld [tilespmem:s11+$0x18210];
	v1 =	vmax.f32 v1, $0.0e+00;
	v2 =	vadd.f32 v5, v2  }
0xeb: {  	v5 =	vld [tilespmem:s11+$0x14610];
	[tilespmem:s4+$0x1BE50] =	vst v1  }
0xec: {  	v1 =	vld [tilespmem:s11+$0x18220];
	v3 =	vadd.f32 v8, v3;
	v2 =	vmax.f32 v2, $0.0e+00  }
0xed: {  	v8 =	vld [tilespmem:s11+$0x14620];
	[tilespmem:s4+$0x1BE60] =	vst v2;
	s4 =	smov.u32 s11  }
0xee: {  	v2 =	vadd.f32 v4, v7;
	v7 =	vld [tilespmem:s4+$0x18230];
	v3 =	vmax.f32 v3, $0.0e+00  }
0xef: {  	v9 =	vld [tilespmem:s4+$0x14630];
	[tilespmem:s4+$0x1BE70] =	vst v3  }
0xf0: {  	v2 =	vmax.f32 v2, $0.0e+00;
	v3 =	vadd.f32 v5, v6;
	v6 =	vld [tilespmem:s4+$0x18240]  }
0xf1: {  	[tilespmem:s4+$0x1BE00] =	vst v2;
	v10 =	vld [tilespmem:s4+$0x14640]  }
.Ltmp1:
0xf2: {  	v2 =	vmax.f32 v3, $0.0e+00;
	v3 =	vadd.f32 v8, v1;
	v1 =	vld [tilespmem:s4+$0x18250];
	(pc) =	sbr.rel @p0 .LBB2_4-.Ltmp1, $4  }
0xf3: {  	[tilespmem:s4+$0x1BE10] =	vst v2;
	v4 =	vld [tilespmem:s4+$0x14650]  }
0xf4: {  	v3 =	vmax.f32 v3, $0.0e+00;
	v7 =	vadd.f32 v9, v7;
	v2 =	vld [tilespmem:s4+$0x18260]  }
0xf5: {  	s11 =	sshra.s32 s9, $0x2;
	[tilespmem:s4+$0x1BE20] =	vst v3;
	v5 =	vld [tilespmem:s4+$0x14660]  }
0xf6: {  	s9 =	sadd.s32 $0x200, s9;
	v3 =	vld [tilespmem:s11+$0x18270];
	v7 =	vmax.f32 v7, $0.0e+00;
	v6 =	vadd.f32 v10, v6  }
0xf7: {  	v8 =	vld [tilespmem:s11+$0x14670];
	[tilespmem:s4+$0x1BE30] =	vst v7  }
0xf8: {  	v7 =	vld [tilespmem:s11+$0x18200];
	v6 =	vmax.f32 v6, $0.0e+00;
	v1 =	vadd.f32 v4, v1  }
0xf9: {  	v9 =	vld [tilespmem:s11+$0x14600];
	[tilespmem:s4+$0x1BE40] =	vst v6  }
0xfa: {  	v4 =	vld [tilespmem:s11+$0x18210];
	v1 =	vmax.f32 v1, $0.0e+00;
	v2 =	vadd.f32 v5, v2  }
0xfb: {  	v6 =	vld [tilespmem:s11+$0x14610];
	[tilespmem:s4+$0x1BE50] =	vst v1  }
0xfc: {  	v1 =	vld [tilespmem:s11+$0x18220];
	v2 =	vmax.f32 v2, $0.0e+00  }
0xfd: {  	v5 =	vld [tilespmem:s11+$0x14620];
	v3 =	vadd.f32 v8, v3;
	[tilespmem:s4+$0x1BE60] =	vst v2  }
0xfe: {  	v7 =	vadd.f32 v9, v7;
	v2 =	vld [tilespmem:s11+$0x18230]  }
0xff: {  	v3 =	vmax.f32 v3, $0.0e+00;
	v8 =	vld [tilespmem:s11+$0x14630]  }
0x100: {  	[tilespmem:s11+$0x1BE70] =	vst v3;
	v3 =	vmax.f32 v7, $0.0e+00;
	v7 =	vld [tilespmem:s11+$0x18240]  }
0x101: {  	v4 =	vadd.f32 v6, v4;
	v6 =	vld [tilespmem:s11+$0x18250]  }
0x102: {  	[tilespmem:s11+$0x1BE00] =	vst v3;
	v3 =	vld [tilespmem:s11+$0x14640];
	v1 =	vadd.f32 v5, v1  }
0x103: {  	v4 =	vmax.f32 v4, $0.0e+00;
	v5 =	vld [tilespmem:s11+$0x18260]  }
0x104: {  	[tilespmem:s11+$0x1BE10] =	vst v4;
	v4 =	vld [tilespmem:s11+$0x14650];
	v1 =	vmax.f32 v1, $0.0e+00  }
0x105: {  	[tilespmem:s11+$0x1BE20] =	vst v1;
	v1 =	vld [tilespmem:s11+$0x14660];
	_ =	sdelay $0x1  }
0x106: {  	v2 =	vadd.f32 v8, v2  }
0x107: {  	v3 =	vadd.f32 v3, v7  }
0x108: {  	v2 =	vmax.f32 v2, $0.0e+00;
	v4 =	vadd.f32 v4, v6  }
0x109: {  	[tilespmem:s11+$0x1BE30] =	vst v2;
	v2 =	vmax.f32 v3, $0.0e+00;
	v1 =	vadd.f32 v1, v5  }
0x10a: {  	[tilespmem:s11+$0x1BE40] =	vst v2;
	v2 =	vmax.f32 v4, $0.0e+00  }
0x10b: {  	[tilespmem:s11+$0x1BE50] =	vst v2;
	v1 =	vmax.f32 v1, $0.0e+00  }
0x10c: {  	[tilespmem:s11+$0x1BE60] =	vst v1  }
0x10d: {  	[spmem:s5] =	stream.indirect.scatter.add.f32 [tilespmem:s26], [sflag:$0x13], $0x80, s23, s17, $0xb8;
	[tilespmem:$0x1E600] =	vst v63  }
0x10e: {  	_ =	swait.ge [sflag:s0], $0x1400  }
0x10f: {  	[sflag:s0] =	ssyncset.done $0x0  }
0x110: {  	[sflag:s0] =	ssyncadd.s32 $0xFFFFEC00  }
0x111: {  	_ =	swait.ge [sflag:s14], $0x1400  }
0x112: {  	s18 =	simm.s32 $0x14200;
	[sflag:s14] =	ssyncset.done $0x0  }
0x113: {  	s4 =	simm.s32 $0x0;
	s9 =	rddreg [dreg:$0x17];
	[sflag:s14] =	ssyncadd.s32 $0xFFFFEC00  }
0x114: {  	[tilespmem:s18], [sflag:$0x5] =	stream.linear.gather [hbm4b:s9+s4], $0x28, $0x38;
	[tilespmem:$0x1E600] =	vst v63  }
0x115: {  	s28 =	simm.s32 $0x14500;
	s19 =	rddreg [dreg:$0x18]  }
0x116: {  	[tilespmem:s28], [sflag:$0xB] =	stream.linear.gather [hbm4b:s19+s4], $0x28, $0x38;
	[tilespmem:$0x1E600] =	vst v63  }
0x117: {  	_ =	swait.ge [sflag:s24], $0x28  }
0x118: {  	[sflag:s24] =	ssyncset.done $0x0  }
0x119: {  	[sflag:s24] =	ssyncadd.s32 $0xFFFFFFD8  }
0x11a: {  	_ =	swait.ge [sflag:s25], $0x28  }
0x11b: {  	[sflag:s25] =	ssyncset.done $0x0  }
0x11c: {  	s13 =	simm.s32 $0x14600;
	s18 =	simm.s32 $0x14180;
	[sflag:s25] =	ssyncadd.s32 $0xFFFFFFD8  }
0x11d: {  	[tilespmem:s13], [sflag:$0xD] =	stream.indirect.gather [hbm4b:s1+s17], $0x80, s18, s17, $0xb8;
	[tilespmem:$0x1E600] =	vst v63  }
0x11e: {  	s28 =	simm.s32 $0x18200;
	s19 =	rddreg [dreg:$0x19]  }
0x11f: {  	[tilespmem:s28], [sflag:$0x10] =	stream.linear.gather [hbm4b:s19+s4], $0x1400, $0x38;
	[tilespmem:$0x1E600] =	vst v63  }
0x120: {  	s4 =	simm.s32 $0x0  }
0x121: {  	v1 =	vld [tilespmem:s4+$0x19670]  }
0x122: {  	v2 =	vld [tilespmem:s4+$0x15A70]  }
0x123: {  	v3 =	vld [tilespmem:s4+$0x19600]  }
0x124: {  	v4 =	vld [tilespmem:s4+$0x15A00]  }
0x125: {  	v5 =	vld [tilespmem:s4+$0x19610]  }
0x126: {  	v6 =	vld [tilespmem:s4+$0x15A10]  }
0x127: {  	v7 =	vld [tilespmem:s4+$0x19620]  }
0x128: {  	v1 =	vadd.f32 v2, v1;
	v2 =	vld [tilespmem:s4+$0x15A20]  }
0x129: {  	v8 =	vld [tilespmem:s4+$0x19630]  }
0x12a: {  	v63 =	vld [tilespmem:s4+$0x15A30];
	v3 =	vadd.f32 v4, v3  }
0x12b: {  	v10 =	vld [tilespmem:s4+$0x19640];
	v1 =	vmax.f32 v1, $0.0e+00  }
0x12c: {  	[tilespmem:s4+$0x1D270] =	vst v1;
	v1 =	vmax.f32 v3, $0.0e+00;
	v3 =	vadd.f32 v6, v5;
	v6 =	vld [tilespmem:s4+$0x15A40]  }
0x12d: {  	v4 =	vld [tilespmem:s4+$0x15A50];
	v2 =	vadd.f32 v2, v7  }
0x12e: {  	[tilespmem:s4+$0x1D200] =	vst v1;
	v1 =	vld [tilespmem:s4+$0x19650];
	v3 =	vmax.f32 v3, $0.0e+00  }
0x12f: {  	v5 =	vld [tilespmem:s4+$0x15A60];
	v7 =	vadd.f32 v63, v8;
	[tilespmem:s4+$0x1D210] =	vst v3;
	v3 =	vmax.f32 v2, $0.0e+00  }
0x130: {  	s11 =	simm.s32 $0x80;
	v2 =	vld [tilespmem:s4+$0x19660];
	[tilespmem:s4+$0x1D220] =	vst v3  }
0x131: {  	s9 =	simm.s32 $0x400;
	v7 =	vmax.f32 v7, $0.0e+00;
	v6 =	vadd.f32 v6, v10;
	v3 =	vld [tilespmem:s11+$0x19670]  }
.LBB2_6:
0x132: {  	p0 =	sne.s32 s9, $0x4E00;
	v8 =	vld [tilespmem:s11+$0x15A70];
	[tilespmem:s4+$0x1D230] =	vst v7  }
0x133: {  	v7 =	vld [tilespmem:s11+$0x19600];
	v6 =	vmax.f32 v6, $0.0e+00;
	v1 =	vadd.f32 v4, v1  }
0x134: {  	v4 =	vld [tilespmem:s11+$0x15A00];
	[tilespmem:s4+$0x1D240] =	vst v6  }
0x135: {  	v6 =	vld [tilespmem:s11+$0x19610];
	v1 =	vmax.f32 v1, $0.0e+00;
	v2 =	vadd.f32 v5, v2  }
0x136: {  	v5 =	vld [tilespmem:s11+$0x15A10];
	[tilespmem:s4+$0x1D250] =	vst v1  }
0x137: {  	v1 =	vld [tilespmem:s11+$0x19620];
	v3 =	vadd.f32 v8, v3;
	v2 =	vmax.f32 v2, $0.0e+00  }
0x138: {  	v8 =	vld [tilespmem:s11+$0x15A20];
	[tilespmem:s4+$0x1D260] =	vst v2;
	s4 =	smov.u32 s11  }
0x139: {  	v2 =	vadd.f32 v4, v7;
	v7 =	vld [tilespmem:s4+$0x19630];
	v3 =	vmax.f32 v3, $0.0e+00  }
0x13a: {  	v9 =	vld [tilespmem:s4+$0x15A30];
	[tilespmem:s4+$0x1D270] =	vst v3  }
0x13b: {  	v2 =	vmax.f32 v2, $0.0e+00;
	v3 =	vadd.f32 v5, v6;
	v6 =	vld [tilespmem:s4+$0x19640]  }
0x13c: {  	[tilespmem:s4+$0x1D200] =	vst v2;
	v10 =	vld [tilespmem:s4+$0x15A40]  }
.Ltmp2:
0x13d: {  	v2 =	vmax.f32 v3, $0.0e+00;
	v3 =	vadd.f32 v8, v1;
	v1 =	vld [tilespmem:s4+$0x19650];
	(pc) =	sbr.rel @p0 .LBB2_6-.Ltmp2, $4  }
0x13e: {  	[tilespmem:s4+$0x1D210] =	vst v2;
	v4 =	vld [tilespmem:s4+$0x15A50]  }
0x13f: {  	v3 =	vmax.f32 v3, $0.0e+00;
	v7 =	vadd.f32 v9, v7;
	v2 =	vld [tilespmem:s4+$0x19660]  }
0x140: {  	s11 =	sshra.s32 s9, $0x2;
	[tilespmem:s4+$0x1D220] =	vst v3;
	v5 =	vld [tilespmem:s4+$0x15A60]  }
0x141: {  	s9 =	sadd.s32 $0x200, s9;
	v3 =	vld [tilespmem:s11+$0x19670];
	v7 =	vmax.f32 v7, $0.0e+00;
	v6 =	vadd.f32 v10, v6  }
0x142: {  	v8 =	vld [tilespmem:s11+$0x15A70];
	[tilespmem:s4+$0x1D230] =	vst v7  }
0x143: {  	v7 =	vld [tilespmem:s11+$0x19600];
	v6 =	vmax.f32 v6, $0.0e+00;
	v1 =	vadd.f32 v4, v1  }
0x144: {  	v9 =	vld [tilespmem:s11+$0x15A00];
	[tilespmem:s4+$0x1D240] =	vst v6  }
0x145: {  	v4 =	vld [tilespmem:s11+$0x19610];
	v1 =	vmax.f32 v1, $0.0e+00;
	v2 =	vadd.f32 v5, v2  }
0x146: {  	v6 =	vld [tilespmem:s11+$0x15A10];
	[tilespmem:s4+$0x1D250] =	vst v1  }
0x147: {  	v1 =	vld [tilespmem:s11+$0x19620];
	v2 =	vmax.f32 v2, $0.0e+00  }
0x148: {  	v5 =	vld [tilespmem:s11+$0x15A20];
	v3 =	vadd.f32 v8, v3;
	[tilespmem:s4+$0x1D260] =	vst v2  }
0x149: {  	v7 =	vadd.f32 v9, v7;
	v2 =	vld [tilespmem:s11+$0x19630]  }
0x14a: {  	v3 =	vmax.f32 v3, $0.0e+00;
	v8 =	vld [tilespmem:s11+$0x15A30]  }
0x14b: {  	[tilespmem:s11+$0x1D270] =	vst v3;
	v3 =	vmax.f32 v7, $0.0e+00;
	v7 =	vld [tilespmem:s11+$0x19640]  }
0x14c: {  	v4 =	vadd.f32 v6, v4;
	v6 =	vld [tilespmem:s11+$0x19650]  }
0x14d: {  	[tilespmem:s11+$0x1D200] =	vst v3;
	v3 =	vld [tilespmem:s11+$0x15A40];
	v1 =	vadd.f32 v5, v1  }
0x14e: {  	v4 =	vmax.f32 v4, $0.0e+00;
	v5 =	vld [tilespmem:s11+$0x19660]  }
0x14f: {  	[tilespmem:s11+$0x1D210] =	vst v4;
	v4 =	vld [tilespmem:s11+$0x15A50];
	v1 =	vmax.f32 v1, $0.0e+00  }
0x150: {  	[tilespmem:s11+$0x1D220] =	vst v1;
	v1 =	vld [tilespmem:s11+$0x15A60];
	_ =	sdelay $0x1  }
0x151: {  	v2 =	vadd.f32 v8, v2  }
0x152: {  	v3 =	vadd.f32 v3, v7  }
0x153: {  	v2 =	vmax.f32 v2, $0.0e+00;
	v4 =	vadd.f32 v4, v6  }
0x154: {  	[tilespmem:s11+$0x1D230] =	vst v2;
	v2 =	vmax.f32 v3, $0.0e+00;
	v1 =	vadd.f32 v1, v5  }
0x155: {  	[tilespmem:s11+$0x1D240] =	vst v2;
	v2 =	vmax.f32 v4, $0.0e+00  }
0x156: {  	[tilespmem:s11+$0x1D250] =	vst v2;
	v1 =	vmax.f32 v1, $0.0e+00  }
0x157: {  	s13 =	simm.s32 $0x14380;
	s19 =	simm.s32 $0x1D200;
	[tilespmem:s11+$0x1D260] =	vst v1  }
0x158: {  	[spmem:s5] =	stream.indirect.scatter.add.f32 [tilespmem:s19], [sflag:$0x14], $0x80, s13, s17, $0xb8;
	[tilespmem:$0x1E600] =	vst v63  }
0x159: {  	_ =	swait.ge [sflag:s30], $0x1400  }
0x15a: {  	[sflag:s30] =	ssyncset.done $0x0  }
0x15b: {  	[sflag:s30] =	ssyncadd.s32 $0xFFFFEC00  }
0x15c: {  	_ =	swait.ge [sflag:s29], $0x1400  }
0x15d: {  	[sflag:s29] =	ssyncset.done $0x0  }
0x15e: {  	[sflag:s29] =	ssyncadd.s32 $0xFFFFEC00  }
0x15f: {  	_ =	swait.ge [sflag:s31], $0x1400  }
0x160: {  	s28 =	simm.s32 $0x14280;
	[sflag:s31] =	ssyncset.done $0x0  }
0x161: {  	s4 =	simm.s32 $0x0;
	s9 =	rddreg [dreg:$0x1a];
	[sflag:s31] =	ssyncadd.s32 $0xFFFFEC00  }
0x162: {  	[tilespmem:s28], [sflag:$0x6] =	stream.linear.gather [hbm4b:s9+s4], $0x28, $0x38;
	[tilespmem:$0x1E600] =	vst v63  }
0x163: {  	s18 =	simm.s32 $0x14580;
	s19 =	simm.s32 $0x5;
	s11 =	rddreg [dreg:$0x1b]  }
0x164: {  	[tilespmem:s18], [sflag:$0xC] =	stream.linear.gather [hbm4b:s11+s4], $0x28, $0x38;
	[tilespmem:$0x1E600] =	vst v63  }
0x165: {  	_ =	swait.ge [sflag:s19], $0x28  }
0x166: {  	[sflag:s19] =	ssyncset.done $0x0  }
0x167: {  	s28 =	simm.s32 $0xB;
	[sflag:s19] =	ssyncadd.s32 $0xFFFFFFD8  }
0x168: {  	_ =	swait.ge [sflag:s28], $0x28  }
0x169: {  	[sflag:s28] =	ssyncset.done $0x0  }
0x16a: {  	s11 =	simm.s32 $0x15A00;
	s18 =	simm.s32 $0x14200;
	[sflag:s28] =	ssyncadd.s32 $0xFFFFFFD8  }
0x16b: {  	[tilespmem:s11], [sflag:$0xE] =	stream.indirect.gather [hbm4b:s1+s17], $0x80, s18, s17, $0xb8;
	[tilespmem:$0x1E600] =	vst v63  }
0x16c: {  	s19 =	rddreg [dreg:$0x1d];
	s28 =	simm.s32 $0x19600  }
0x16d: {  	[tilespmem:s28], [sflag:$0x11] =	stream.linear.gather [hbm4b:s19+s4], $0x1400, $0x38;
	[tilespmem:$0x1E600] =	vst v63  }
0x16e: {  	s4 =	simm.s32 $0x0  }
0x16f: {  	v1 =	vld [tilespmem:s4+$0x1AA70]  }
0x170: {  	v2 =	vld [tilespmem:s4+$0x16E70]  }
0x171: {  	v3 =	vld [tilespmem:s4+$0x1AA00]  }
0x172: {  	v4 =	vld [tilespmem:s4+$0x16E00]  }
0x173: {  	v5 =	vld [tilespmem:s4+$0x1AA10]  }
0x174: {  	v6 =	vld [tilespmem:s4+$0x16E10]  }
0x175: {  	v7 =	vld [tilespmem:s4+$0x1AA20]  }
0x176: {  	v1 =	vadd.f32 v2, v1;
	v2 =	vld [tilespmem:s4+$0x16E20]  }
0x177: {  	v8 =	vld [tilespmem:s4+$0x1AA30]  }
0x178: {  	v63 =	vld [tilespmem:s4+$0x16E30];
	v3 =	vadd.f32 v4, v3  }
0x179: {  	v10 =	vld [tilespmem:s4+$0x1AA40];
	v1 =	vmax.f32 v1, $0.0e+00  }
0x17a: {  	[tilespmem:s4+$0x1BE70] =	vst v1;
	v1 =	vmax.f32 v3, $0.0e+00;
	v3 =	vadd.f32 v6, v5;
	v6 =	vld [tilespmem:s4+$0x16E40]  }
0x17b: {  	v4 =	vld [tilespmem:s4+$0x16E50];
	v2 =	vadd.f32 v2, v7  }
0x17c: {  	[tilespmem:s4+$0x1BE00] =	vst v1;
	v1 =	vld [tilespmem:s4+$0x1AA50];
	v3 =	vmax.f32 v3, $0.0e+00  }
0x17d: {  	v5 =	vld [tilespmem:s4+$0x16E60];
	v7 =	vadd.f32 v63, v8;
	[tilespmem:s4+$0x1BE10] =	vst v3;
	v3 =	vmax.f32 v2, $0.0e+00  }
0x17e: {  	s11 =	simm.s32 $0x80;
	v2 =	vld [tilespmem:s4+$0x1AA60];
	[tilespmem:s4+$0x1BE20] =	vst v3  }
0x17f: {  	s9 =	simm.s32 $0x400;
	v7 =	vmax.f32 v7, $0.0e+00;
	v6 =	vadd.f32 v6, v10;
	v3 =	vld [tilespmem:s11+$0x1AA70]  }
.LBB2_8:
0x180: {  	p0 =	sne.s32 s9, $0x4E00;
	v8 =	vld [tilespmem:s11+$0x16E70];
	[tilespmem:s4+$0x1BE30] =	vst v7  }
0x181: {  	v7 =	vld [tilespmem:s11+$0x1AA00];
	v6 =	vmax.f32 v6, $0.0e+00;
	v1 =	vadd.f32 v4, v1  }
0x182: {  	v4 =	vld [tilespmem:s11+$0x16E00];
	[tilespmem:s4+$0x1BE40] =	vst v6  }
0x183: {  	v6 =	vld [tilespmem:s11+$0x1AA10];
	v1 =	vmax.f32 v1, $0.0e+00;
	v2 =	vadd.f32 v5, v2  }
0x184: {  	v5 =	vld [tilespmem:s11+$0x16E10];
	[tilespmem:s4+$0x1BE50] =	vst v1  }
0x185: {  	v1 =	vld [tilespmem:s11+$0x1AA20];
	v3 =	vadd.f32 v8, v3;
	v2 =	vmax.f32 v2, $0.0e+00  }
0x186: {  	v8 =	vld [tilespmem:s11+$0x16E20];
	[tilespmem:s4+$0x1BE60] =	vst v2;
	s4 =	smov.u32 s11  }
0x187: {  	v2 =	vadd.f32 v4, v7;
	v7 =	vld [tilespmem:s4+$0x1AA30];
	v3 =	vmax.f32 v3, $0.0e+00  }
0x188: {  	v9 =	vld [tilespmem:s4+$0x16E30];
	[tilespmem:s4+$0x1BE70] =	vst v3  }
0x189: {  	v2 =	vmax.f32 v2, $0.0e+00;
	v3 =	vadd.f32 v5, v6;
	v6 =	vld [tilespmem:s4+$0x1AA40]  }
0x18a: {  	[tilespmem:s4+$0x1BE00] =	vst v2;
	v10 =	vld [tilespmem:s4+$0x16E40]  }
.Ltmp3:
0x18b: {  	v2 =	vmax.f32 v3, $0.0e+00;
	v3 =	vadd.f32 v8, v1;
	v1 =	vld [tilespmem:s4+$0x1AA50];
	(pc) =	sbr.rel @p0 .LBB2_8-.Ltmp3, $4  }
0x18c: {  	[tilespmem:s4+$0x1BE10] =	vst v2;
	v4 =	vld [tilespmem:s4+$0x16E50]  }
0x18d: {  	v3 =	vmax.f32 v3, $0.0e+00;
	v7 =	vadd.f32 v9, v7;
	v2 =	vld [tilespmem:s4+$0x1AA60]  }
0x18e: {  	s11 =	sshra.s32 s9, $0x2;
	[tilespmem:s4+$0x1BE20] =	vst v3;
	v5 =	vld [tilespmem:s4+$0x16E60]  }
0x18f: {  	s9 =	sadd.s32 $0x200, s9;
	v3 =	vld [tilespmem:s11+$0x1AA70];
	v7 =	vmax.f32 v7, $0.0e+00;
	v6 =	vadd.f32 v10, v6  }
0x190: {  	v8 =	vld [tilespmem:s11+$0x16E70];
	[tilespmem:s4+$0x1BE30] =	vst v7  }
0x191: {  	v7 =	vld [tilespmem:s11+$0x1AA00];
	v6 =	vmax.f32 v6, $0.0e+00;
	v1 =	vadd.f32 v4, v1  }
0x192: {  	v9 =	vld [tilespmem:s11+$0x16E00];
	[tilespmem:s4+$0x1BE40] =	vst v6  }
0x193: {  	v4 =	vld [tilespmem:s11+$0x1AA10];
	v1 =	vmax.f32 v1, $0.0e+00;
	v2 =	vadd.f32 v5, v2  }
0x194: {  	v6 =	vld [tilespmem:s11+$0x16E10];
	[tilespmem:s4+$0x1BE50] =	vst v1  }
0x195: {  	v1 =	vld [tilespmem:s11+$0x1AA20];
	v2 =	vmax.f32 v2, $0.0e+00  }
0x196: {  	v5 =	vld [tilespmem:s11+$0x16E20];
	v3 =	vadd.f32 v8, v3;
	[tilespmem:s4+$0x1BE60] =	vst v2  }
0x197: {  	v7 =	vadd.f32 v9, v7;
	v2 =	vld [tilespmem:s11+$0x1AA30]  }
0x198: {  	v3 =	vmax.f32 v3, $0.0e+00;
	v8 =	vld [tilespmem:s11+$0x16E30]  }
0x199: {  	[tilespmem:s11+$0x1BE70] =	vst v3;
	v3 =	vmax.f32 v7, $0.0e+00;
	v7 =	vld [tilespmem:s11+$0x1AA40]  }
0x19a: {  	v4 =	vadd.f32 v6, v4;
	v6 =	vld [tilespmem:s11+$0x1AA50]  }
0x19b: {  	[tilespmem:s11+$0x1BE00] =	vst v3;
	v3 =	vld [tilespmem:s11+$0x16E40];
	v1 =	vadd.f32 v5, v1  }
0x19c: {  	v4 =	vmax.f32 v4, $0.0e+00;
	v5 =	vld [tilespmem:s11+$0x1AA60]  }
0x19d: {  	[tilespmem:s11+$0x1BE10] =	vst v4;
	v4 =	vld [tilespmem:s11+$0x16E50];
	v1 =	vmax.f32 v1, $0.0e+00  }
0x19e: {  	[tilespmem:s11+$0x1BE20] =	vst v1;
	v1 =	vld [tilespmem:s11+$0x16E60];
	_ =	sdelay $0x1  }
0x19f: {  	v2 =	vadd.f32 v8, v2  }
0x1a0: {  	v3 =	vadd.f32 v3, v7  }
0x1a1: {  	v2 =	vmax.f32 v2, $0.0e+00;
	v4 =	vadd.f32 v4, v6  }
0x1a2: {  	[tilespmem:s11+$0x1BE30] =	vst v2;
	v2 =	vmax.f32 v3, $0.0e+00;
	v1 =	vadd.f32 v1, v5  }
0x1a3: {  	[tilespmem:s11+$0x1BE40] =	vst v2;
	v2 =	vmax.f32 v4, $0.0e+00  }
0x1a4: {  	[tilespmem:s11+$0x1BE50] =	vst v2;
	v1 =	vmax.f32 v1, $0.0e+00  }
0x1a5: {  	s19 =	simm.s32 $0x14400;
	[tilespmem:s11+$0x1BE60] =	vst v1  }
0x1a6: {  	[spmem:s5] =	stream.indirect.scatter.add.f32 [tilespmem:s26], [sflag:$0x13], $0x80, s19, s17, $0xb8;
	[tilespmem:$0x1E600] =	vst v63  }
0x1a7: {  	_ =	swait.ge [sflag:s8], $0x1400  }
0x1a8: {  	[sflag:s8] =	ssyncset.done $0x0  }
0x1a9: {  	[sflag:s8] =	ssyncadd.s32 $0xFFFFEC00  }
0x1aa: {  	_ =	swait.ge [sflag:s6], $0x1400  }
0x1ab: {  	[sflag:s6] =	ssyncset.done $0x0  }
0x1ac: {  	[sflag:s6] =	ssyncadd.s32 $0xFFFFEC00  }
0x1ad: {  	_ =	swait.ge [sflag:s10], $0x1400  }
0x1ae: {  	s28 =	simm.s32 $0x14000;
	[sflag:s10] =	ssyncset.done $0x0;
	s9 =	rddreg [dreg:$0x1f]  }
0x1af: {  	s4 =	simm.s32 $0x0;
	s18 =	sld [smem:$0x7E0];
	[sflag:s10] =	ssyncadd.s32 $0xFFFFEC00  }
0x1b0: {  	[tilespmem:s28], [sflag:$0x1] =	stream.linear.gather [hbm4b:s9+s4], $0x28, $0x38;
	[tilespmem:$0x1E600] =	vst v63  }
0x1b1: {  	s19 =	simm.s32 $0x6  }
0x1b2: {  	[tilespmem:s23], [sflag:$0x7] =	stream.linear.gather [hbm4b:s18+s4], $0x28, $0x38;
	[tilespmem:$0x1E600] =	vst v63  }
0x1b3: {  	_ =	swait.ge [sflag:s19], $0x28  }
0x1b4: {  	[sflag:s19] =	ssyncset.done $0x0  }
0x1b5: {  	s28 =	simm.s32 $0xC;
	[sflag:s19] =	ssyncadd.s32 $0xFFFFFFD8  }
0x1b6: {  	_ =	swait.ge [sflag:s28], $0x28  }
0x1b7: {  	s11 =	simm.s32 $0x16E00;
	[sflag:s28] =	ssyncset.done $0x0  }
0x1b8: {  	s18 =	simm.s32 $0x14280;
	s19 =	sld [smem:$0x7E1];
	[sflag:s28] =	ssyncadd.s32 $0xFFFFFFD8  }
0x1b9: {  	[tilespmem:s11], [sflag:$0xF] =	stream.indirect.gather [hbm4b:s1+s17], $0x80, s18, s17, $0xb8;
	[tilespmem:$0x1E600] =	vst v63  }
0x1ba: {  	s28 =	simm.s32 $0x1AA00  }
0x1bb: {  	[tilespmem:s28], [sflag:$0x12] =	stream.linear.gather [hbm4b:s19+s4], $0x1400, $0x38;
	[tilespmem:$0x1E600] =	vst v63  }
0x1bc: {  	s4 =	simm.s32 $0x0  }
0x1bd: {  	v1 =	vld [tilespmem:s4+$0x18270]  }
0x1be: {  	v2 =	vld [tilespmem:s4+$0x14670]  }
0x1bf: {  	v3 =	vld [tilespmem:s4+$0x18200]  }
0x1c0: {  	v4 =	vld [tilespmem:s4+$0x14600]  }
0x1c1: {  	v5 =	vld [tilespmem:s4+$0x18210]  }
0x1c2: {  	v6 =	vld [tilespmem:s4+$0x14610]  }
0x1c3: {  	v7 =	vld [tilespmem:s4+$0x18220]  }
0x1c4: {  	v1 =	vadd.f32 v2, v1;
	v2 =	vld [tilespmem:s4+$0x14620]  }
0x1c5: {  	v8 =	vld [tilespmem:s4+$0x18230]  }
0x1c6: {  	v63 =	vld [tilespmem:s4+$0x14630];
	v3 =	vadd.f32 v4, v3  }
0x1c7: {  	v10 =	vld [tilespmem:s4+$0x18240];
	v1 =	vmax.f32 v1, $0.0e+00  }
0x1c8: {  	[tilespmem:s4+$0x1D270] =	vst v1;
	v1 =	vmax.f32 v3, $0.0e+00;
	v3 =	vadd.f32 v6, v5;
	v6 =	vld [tilespmem:s4+$0x14640]  }
0x1c9: {  	v4 =	vld [tilespmem:s4+$0x14650];
	v2 =	vadd.f32 v2, v7  }
0x1ca: {  	[tilespmem:s4+$0x1D200] =	vst v1;
	v1 =	vld [tilespmem:s4+$0x18250];
	v3 =	vmax.f32 v3, $0.0e+00  }
0x1cb: {  	v5 =	vld [tilespmem:s4+$0x14660];
	v7 =	vadd.f32 v63, v8;
	[tilespmem:s4+$0x1D210] =	vst v3;
	v3 =	vmax.f32 v2, $0.0e+00  }
0x1cc: {  	s11 =	simm.s32 $0x80;
	v2 =	vld [tilespmem:s4+$0x18260];
	[tilespmem:s4+$0x1D220] =	vst v3  }
0x1cd: {  	s9 =	simm.s32 $0x400;
	v7 =	vmax.f32 v7, $0.0e+00;
	v6 =	vadd.f32 v6, v10;
	v3 =	vld [tilespmem:s11+$0x18270]  }
.LBB2_10:
0x1ce: {  	p0 =	sne.s32 s9, $0x4E00;
	v8 =	vld [tilespmem:s11+$0x14670];
	[tilespmem:s4+$0x1D230] =	vst v7  }
0x1cf: {  	v7 =	vld [tilespmem:s11+$0x18200];
	v6 =	vmax.f32 v6, $0.0e+00;
	v1 =	vadd.f32 v4, v1  }
0x1d0: {  	v4 =	vld [tilespmem:s11+$0x14600];
	[tilespmem:s4+$0x1D240] =	vst v6  }
0x1d1: {  	v6 =	vld [tilespmem:s11+$0x18210];
	v1 =	vmax.f32 v1, $0.0e+00;
	v2 =	vadd.f32 v5, v2  }
0x1d2: {  	v5 =	vld [tilespmem:s11+$0x14610];
	[tilespmem:s4+$0x1D250] =	vst v1  }
0x1d3: {  	v1 =	vld [tilespmem:s11+$0x18220];
	v3 =	vadd.f32 v8, v3;
	v2 =	vmax.f32 v2, $0.0e+00  }
0x1d4: {  	v8 =	vld [tilespmem:s11+$0x14620];
	[tilespmem:s4+$0x1D260] =	vst v2;
	s4 =	smov.u32 s11  }
0x1d5: {  	v2 =	vadd.f32 v4, v7;
	v7 =	vld [tilespmem:s4+$0x18230];
	v3 =	vmax.f32 v3, $0.0e+00  }
0x1d6: {  	v9 =	vld [tilespmem:s4+$0x14630];
	[tilespmem:s4+$0x1D270] =	vst v3  }
0x1d7: {  	v2 =	vmax.f32 v2, $0.0e+00;
	v3 =	vadd.f32 v5, v6;
	v6 =	vld [tilespmem:s4+$0x18240]  }
0x1d8: {  	[tilespmem:s4+$0x1D200] =	vst v2;
	v10 =	vld [tilespmem:s4+$0x14640]  }
.Ltmp4:
0x1d9: {  	v2 =	vmax.f32 v3, $0.0e+00;
	v3 =	vadd.f32 v8, v1;
	v1 =	vld [tilespmem:s4+$0x18250];
	(pc) =	sbr.rel @p0 .LBB2_10-.Ltmp4, $4  }
0x1da: {  	[tilespmem:s4+$0x1D210] =	vst v2;
	v4 =	vld [tilespmem:s4+$0x14650]  }
0x1db: {  	v3 =	vmax.f32 v3, $0.0e+00;
	v7 =	vadd.f32 v9, v7;
	v2 =	vld [tilespmem:s4+$0x18260]  }
0x1dc: {  	s11 =	sshra.s32 s9, $0x2;
	[tilespmem:s4+$0x1D220] =	vst v3;
	v5 =	vld [tilespmem:s4+$0x14660]  }
0x1dd: {  	s9 =	sadd.s32 $0x200, s9;
	v3 =	vld [tilespmem:s11+$0x18270];
	v7 =	vmax.f32 v7, $0.0e+00;
	v6 =	vadd.f32 v10, v6  }
0x1de: {  	v8 =	vld [tilespmem:s11+$0x14670];
	[tilespmem:s4+$0x1D230] =	vst v7  }
0x1df: {  	v7 =	vld [tilespmem:s11+$0x18200];
	v6 =	vmax.f32 v6, $0.0e+00;
	v1 =	vadd.f32 v4, v1  }
0x1e0: {  	v9 =	vld [tilespmem:s11+$0x14600];
	[tilespmem:s4+$0x1D240] =	vst v6  }
0x1e1: {  	v4 =	vld [tilespmem:s11+$0x18210];
	v1 =	vmax.f32 v1, $0.0e+00;
	v2 =	vadd.f32 v5, v2  }
0x1e2: {  	v6 =	vld [tilespmem:s11+$0x14610];
	[tilespmem:s4+$0x1D250] =	vst v1  }
0x1e3: {  	v1 =	vld [tilespmem:s11+$0x18220];
	v2 =	vmax.f32 v2, $0.0e+00  }
0x1e4: {  	v5 =	vld [tilespmem:s11+$0x14620];
	v3 =	vadd.f32 v8, v3;
	[tilespmem:s4+$0x1D260] =	vst v2  }
0x1e5: {  	v7 =	vadd.f32 v9, v7;
	v2 =	vld [tilespmem:s11+$0x18230]  }
0x1e6: {  	v3 =	vmax.f32 v3, $0.0e+00;
	v8 =	vld [tilespmem:s11+$0x14630]  }
0x1e7: {  	[tilespmem:s11+$0x1D270] =	vst v3;
	v3 =	vmax.f32 v7, $0.0e+00;
	v7 =	vld [tilespmem:s11+$0x18240]  }
0x1e8: {  	v4 =	vadd.f32 v6, v4;
	v6 =	vld [tilespmem:s11+$0x18250]  }
0x1e9: {  	[tilespmem:s11+$0x1D200] =	vst v3;
	v3 =	vld [tilespmem:s11+$0x14640];
	v1 =	vadd.f32 v5, v1  }
0x1ea: {  	v4 =	vmax.f32 v4, $0.0e+00;
	v5 =	vld [tilespmem:s11+$0x18260]  }
0x1eb: {  	[tilespmem:s11+$0x1D210] =	vst v4;
	v4 =	vld [tilespmem:s11+$0x14650];
	v1 =	vmax.f32 v1, $0.0e+00  }
0x1ec: {  	[tilespmem:s11+$0x1D220] =	vst v1;
	v1 =	vld [tilespmem:s11+$0x14660];
	_ =	sdelay $0x1  }
0x1ed: {  	v2 =	vadd.f32 v8, v2  }
0x1ee: {  	v3 =	vadd.f32 v3, v7  }
0x1ef: {  	v2 =	vmax.f32 v2, $0.0e+00;
	v4 =	vadd.f32 v4, v6  }
0x1f0: {  	[tilespmem:s11+$0x1D230] =	vst v2;
	v2 =	vmax.f32 v3, $0.0e+00;
	v1 =	vadd.f32 v1, v5  }
0x1f1: {  	[tilespmem:s11+$0x1D240] =	vst v2;
	v2 =	vmax.f32 v4, $0.0e+00  }
0x1f2: {  	[tilespmem:s11+$0x1D250] =	vst v2;
	v1 =	vmax.f32 v1, $0.0e+00  }
0x1f3: {  	s28 =	simm.s32 $0x14480;
	s9 =	simm.s32 $0x1D200;
	[tilespmem:s11+$0x1D260] =	vst v1  }
0x1f4: {  	[spmem:s5] =	stream.indirect.scatter.add.f32 [tilespmem:s9], [sflag:$0x14], $0x80, s28, s17, $0xb8;
	[tilespmem:$0x1E600] =	vst v63  }
0x1f5: {  	_ =	swait.ge [sflag:s0], $0x1400  }
0x1f6: {  	[sflag:s0] =	ssyncset.done $0x0  }
0x1f7: {  	[sflag:s0] =	ssyncadd.s32 $0xFFFFEC00  }
0x1f8: {  	_ =	swait.ge [sflag:s14], $0x1400  }
0x1f9: {  	[sflag:s14] =	ssyncset.done $0x0  }
0x1fa: {  	[sflag:s14] =	ssyncadd.s32 $0xFFFFEC00  }
0x1fb: {  	_ =	swait.ge [sflag:s31], $0x1400  }
0x1fc: {  	s11 =	sld [smem:$0x7E2]  }
0x1fd: {  	s18 =	simm.s32 $0x14080;
	[sflag:s31] =	ssyncset.done $0x0  }
0x1fe: {  	s4 =	simm.s32 $0x0;
	s19 =	sld [smem:$0x7E3];
	[sflag:s31] =	ssyncadd.s32 $0xFFFFEC00  }
0x1ff: {  	[tilespmem:s18], [sflag:$0x2] =	stream.linear.gather [hbm4b:s11+s4], $0x28, $0x38;
	[tilespmem:$0x1E600] =	vst v63  }
0x200: {  	s28 =	simm.s32 $0x1  }
0x201: {  	[tilespmem:s13], [sflag:$0x8] =	stream.linear.gather [hbm4b:s19+s4], $0x28, $0x38;
	[tilespmem:$0x1E600] =	vst v63  }
0x202: {  	_ =	swait.ge [sflag:s28], $0x28  }
0x203: {  	[sflag:s28] =	ssyncset.done $0x0  }
0x204: {  	[sflag:s28] =	ssyncadd.s32 $0xFFFFFFD8  }
0x205: {  	_ =	swait.ge [sflag:s16], $0x28  }
0x206: {  	s11 =	simm.s32 $0x14000;
	[sflag:s16] =	ssyncset.done $0x0  }
0x207: {  	s18 =	simm.s32 $0x14600;
	s19 =	sld [smem:$0x7E4];
	[sflag:s16] =	ssyncadd.s32 $0xFFFFFFD8  }
0x208: {  	[tilespmem:s18], [sflag:$0xD] =	stream.indirect.gather [hbm4b:s1+s17], $0x80, s11, s17, $0xb8;
	[tilespmem:$0x1E600] =	vst v63  }
0x209: {  	s28 =	simm.s32 $0x18200  }
0x20a: {  	[tilespmem:s28], [sflag:$0x10] =	stream.linear.gather [hbm4b:s19+s4], $0x1400, $0x38;
	[tilespmem:$0x1E600] =	vst v63  }
0x20b: {  	s4 =	simm.s32 $0x0  }
0x20c: {  	v1 =	vld [tilespmem:s4+$0x19670]  }
0x20d: {  	v2 =	vld [tilespmem:s4+$0x15A70]  }
0x20e: {  	v3 =	vld [tilespmem:s4+$0x19600]  }
0x20f: {  	v4 =	vld [tilespmem:s4+$0x15A00]  }
0x210: {  	v5 =	vld [tilespmem:s4+$0x19610]  }
0x211: {  	v6 =	vld [tilespmem:s4+$0x15A10]  }
0x212: {  	v7 =	vld [tilespmem:s4+$0x19620]  }
0x213: {  	v1 =	vadd.f32 v2, v1;
	v2 =	vld [tilespmem:s4+$0x15A20]  }
0x214: {  	v8 =	vld [tilespmem:s4+$0x19630]  }
0x215: {  	v63 =	vld [tilespmem:s4+$0x15A30];
	v3 =	vadd.f32 v4, v3  }
0x216: {  	v10 =	vld [tilespmem:s4+$0x19640];
	v1 =	vmax.f32 v1, $0.0e+00  }
0x217: {  	[tilespmem:s4+$0x1BE70] =	vst v1;
	v1 =	vmax.f32 v3, $0.0e+00;
	v3 =	vadd.f32 v6, v5;
	v6 =	vld [tilespmem:s4+$0x15A40]  }
0x218: {  	v4 =	vld [tilespmem:s4+$0x15A50];
	v2 =	vadd.f32 v2, v7  }
0x219: {  	[tilespmem:s4+$0x1BE00] =	vst v1;
	v1 =	vld [tilespmem:s4+$0x19650];
	v3 =	vmax.f32 v3, $0.0e+00  }
0x21a: {  	v5 =	vld [tilespmem:s4+$0x15A60];
	v7 =	vadd.f32 v63, v8;
	[tilespmem:s4+$0x1BE10] =	vst v3;
	v3 =	vmax.f32 v2, $0.0e+00  }
0x21b: {  	s11 =	simm.s32 $0x80;
	v2 =	vld [tilespmem:s4+$0x19660];
	[tilespmem:s4+$0x1BE20] =	vst v3  }
0x21c: {  	s9 =	simm.s32 $0x400;
	v7 =	vmax.f32 v7, $0.0e+00;
	v6 =	vadd.f32 v6, v10;
	v3 =	vld [tilespmem:s11+$0x19670]  }
.LBB2_12:
0x21d: {  	p0 =	sne.s32 s9, $0x4E00;
	v8 =	vld [tilespmem:s11+$0x15A70];
	[tilespmem:s4+$0x1BE30] =	vst v7  }
0x21e: {  	v7 =	vld [tilespmem:s11+$0x19600];
	v6 =	vmax.f32 v6, $0.0e+00;
	v1 =	vadd.f32 v4, v1  }
0x21f: {  	v4 =	vld [tilespmem:s11+$0x15A00];
	[tilespmem:s4+$0x1BE40] =	vst v6  }
0x220: {  	v6 =	vld [tilespmem:s11+$0x19610];
	v1 =	vmax.f32 v1, $0.0e+00;
	v2 =	vadd.f32 v5, v2  }
0x221: {  	v5 =	vld [tilespmem:s11+$0x15A10];
	[tilespmem:s4+$0x1BE50] =	vst v1  }
0x222: {  	v1 =	vld [tilespmem:s11+$0x19620];
	v3 =	vadd.f32 v8, v3;
	v2 =	vmax.f32 v2, $0.0e+00  }
0x223: {  	v8 =	vld [tilespmem:s11+$0x15A20];
	[tilespmem:s4+$0x1BE60] =	vst v2;
	s4 =	smov.u32 s11  }
0x224: {  	v2 =	vadd.f32 v4, v7;
	v7 =	vld [tilespmem:s4+$0x19630];
	v3 =	vmax.f32 v3, $0.0e+00  }
0x225: {  	v9 =	vld [tilespmem:s4+$0x15A30];
	[tilespmem:s4+$0x1BE70] =	vst v3  }
0x226: {  	v2 =	vmax.f32 v2, $0.0e+00;
	v3 =	vadd.f32 v5, v6;
	v6 =	vld [tilespmem:s4+$0x19640]  }
0x227: {  	[tilespmem:s4+$0x1BE00] =	vst v2;
	v10 =	vld [tilespmem:s4+$0x15A40]  }
.Ltmp5:
0x228: {  	v2 =	vmax.f32 v3, $0.0e+00;
	v3 =	vadd.f32 v8, v1;
	v1 =	vld [tilespmem:s4+$0x19650];
	(pc) =	sbr.rel @p0 .LBB2_12-.Ltmp5, $4  }
0x229: {  	[tilespmem:s4+$0x1BE10] =	vst v2;
	v4 =	vld [tilespmem:s4+$0x15A50]  }
0x22a: {  	v3 =	vmax.f32 v3, $0.0e+00;
	v7 =	vadd.f32 v9, v7;
	v2 =	vld [tilespmem:s4+$0x19660]  }
0x22b: {  	s11 =	sshra.s32 s9, $0x2;
	[tilespmem:s4+$0x1BE20] =	vst v3;
	v5 =	vld [tilespmem:s4+$0x15A60]  }
0x22c: {  	s9 =	sadd.s32 $0x200, s9;
	v3 =	vld [tilespmem:s11+$0x19670];
	v7 =	vmax.f32 v7, $0.0e+00;
	v6 =	vadd.f32 v10, v6  }
0x22d: {  	v8 =	vld [tilespmem:s11+$0x15A70];
	[tilespmem:s4+$0x1BE30] =	vst v7  }
0x22e: {  	v7 =	vld [tilespmem:s11+$0x19600];
	v6 =	vmax.f32 v6, $0.0e+00;
	v1 =	vadd.f32 v4, v1  }
0x22f: {  	v9 =	vld [tilespmem:s11+$0x15A00];
	[tilespmem:s4+$0x1BE40] =	vst v6  }
0x230: {  	v4 =	vld [tilespmem:s11+$0x19610];
	v1 =	vmax.f32 v1, $0.0e+00;
	v2 =	vadd.f32 v5, v2  }
0x231: {  	v6 =	vld [tilespmem:s11+$0x15A10];
	[tilespmem:s4+$0x1BE50] =	vst v1  }
0x232: {  	v1 =	vld [tilespmem:s11+$0x19620];
	v2 =	vmax.f32 v2, $0.0e+00  }
0x233: {  	v5 =	vld [tilespmem:s11+$0x15A20];
	v3 =	vadd.f32 v8, v3;
	[tilespmem:s4+$0x1BE60] =	vst v2  }
0x234: {  	v7 =	vadd.f32 v9, v7;
	v2 =	vld [tilespmem:s11+$0x19630]  }
0x235: {  	v3 =	vmax.f32 v3, $0.0e+00;
	v8 =	vld [tilespmem:s11+$0x15A30]  }
0x236: {  	[tilespmem:s11+$0x1BE70] =	vst v3;
	v3 =	vmax.f32 v7, $0.0e+00;
	v7 =	vld [tilespmem:s11+$0x19640]  }
0x237: {  	v4 =	vadd.f32 v6, v4;
	v6 =	vld [tilespmem:s11+$0x19650]  }
0x238: {  	[tilespmem:s11+$0x1BE00] =	vst v3;
	v3 =	vld [tilespmem:s11+$0x15A40];
	v1 =	vadd.f32 v5, v1  }
0x239: {  	v4 =	vmax.f32 v4, $0.0e+00;
	v5 =	vld [tilespmem:s11+$0x19660]  }
0x23a: {  	[tilespmem:s11+$0x1BE10] =	vst v4;
	v4 =	vld [tilespmem:s11+$0x15A50];
	v1 =	vmax.f32 v1, $0.0e+00  }
0x23b: {  	[tilespmem:s11+$0x1BE20] =	vst v1;
	v1 =	vld [tilespmem:s11+$0x15A60];
	_ =	sdelay $0x1  }
0x23c: {  	v2 =	vadd.f32 v8, v2  }
0x23d: {  	v3 =	vadd.f32 v3, v7  }
0x23e: {  	v2 =	vmax.f32 v2, $0.0e+00;
	v4 =	vadd.f32 v4, v6  }
0x23f: {  	[tilespmem:s11+$0x1BE30] =	vst v2;
	v2 =	vmax.f32 v3, $0.0e+00;
	v1 =	vadd.f32 v1, v5  }
0x240: {  	[tilespmem:s11+$0x1BE40] =	vst v2;
	v2 =	vmax.f32 v4, $0.0e+00  }
0x241: {  	[tilespmem:s11+$0x1BE50] =	vst v2;
	v1 =	vmax.f32 v1, $0.0e+00  }
0x242: {  	[dreg:$0x6] =	wrdreg s12;
	s12 =	simm.s32 $0x14500;
	[tilespmem:s11+$0x1BE60] =	vst v1  }
0x243: {  	[spmem:s5] =	stream.indirect.scatter.add.f32 [tilespmem:s26], [sflag:$0x13], $0x80, s12, s17, $0xb8;
	[tilespmem:$0x1E600] =	vst v63  }
0x244: {  	_ =	swait.ge [sflag:s30], $0x1400  }
0x245: {  	[sflag:s30] =	ssyncset.done $0x0  }
0x246: {  	[sflag:s30] =	ssyncadd.s32 $0xFFFFEC00  }
0x247: {  	_ =	swait.ge [sflag:s29], $0x1400  }
0x248: {  	[sflag:s29] =	ssyncset.done $0x0  }
0x249: {  	[sflag:s29] =	ssyncadd.s32 $0xFFFFEC00  }
0x24a: {  	_ =	swait.ge [sflag:s10], $0x1400  }
0x24b: {  	s9 =	sld [smem:$0x7E6]  }
0x24c: {  	s18 =	simm.s32 $0x14100;
	[sflag:s10] =	ssyncset.done $0x0  }
0x24d: {  	s4 =	simm.s32 $0x0;
	s19 =	sld [smem:$0x7E7];
	[sflag:s10] =	ssyncadd.s32 $0xFFFFEC00  }
0x24e: {  	[tilespmem:s18], [sflag:$0x3] =	stream.linear.gather [hbm4b:s9+s4], $0x28, $0x38;
	[tilespmem:$0x1E600] =	vst v63  }
0x24f: {  	s28 =	simm.s32 $0x14400  }
0x250: {  	[tilespmem:s28], [sflag:$0x9] =	stream.linear.gather [hbm4b:s19+s4], $0x28, $0x38;
	[tilespmem:$0x1E600] =	vst v63  }
0x251: {  	_ =	swait.ge [sflag:s20], $0x28  }
0x252: {  	[sflag:s20] =	ssyncset.done $0x0  }
0x253: {  	[sflag:s20] =	ssyncadd.s32 $0xFFFFFFD8  }
0x254: {  	_ =	swait.ge [sflag:s22], $0x28  }
0x255: {  	s12 =	simm.s32 $0x14080;
	[sflag:s22] =	ssyncset.done $0x0  }
0x256: {  	s18 =	simm.s32 $0x15A00;
	s19 =	sld [smem:$0x7E8];
	[sflag:s22] =	ssyncadd.s32 $0xFFFFFFD8  }
0x257: {  	[tilespmem:s18], [sflag:$0xE] =	stream.indirect.gather [hbm4b:s1+s17], $0x80, s12, s17, $0xb8;
	[tilespmem:$0x1E600] =	vst v63  }
0x258: {  	s28 =	simm.s32 $0x19600  }
0x259: {  	[tilespmem:s28], [sflag:$0x11] =	stream.linear.gather [hbm4b:s19+s4], $0x1400, $0x38;
	[tilespmem:$0x1E600] =	vst v63  }
0x25a: {  	s4 =	simm.s32 $0x0  }
0x25b: {  	v1 =	vld [tilespmem:s4+$0x1AA70]  }
0x25c: {  	v2 =	vld [tilespmem:s4+$0x16E70]  }
0x25d: {  	v3 =	vld [tilespmem:s4+$0x1AA00]  }
0x25e: {  	v4 =	vld [tilespmem:s4+$0x16E00]  }
0x25f: {  	v5 =	vld [tilespmem:s4+$0x1AA10]  }
0x260: {  	v6 =	vld [tilespmem:s4+$0x16E10]  }
0x261: {  	v7 =	vld [tilespmem:s4+$0x1AA20]  }
0x262: {  	v1 =	vadd.f32 v2, v1;
	v2 =	vld [tilespmem:s4+$0x16E20]  }
0x263: {  	v8 =	vld [tilespmem:s4+$0x1AA30]  }
0x264: {  	v63 =	vld [tilespmem:s4+$0x16E30];
	v3 =	vadd.f32 v4, v3  }
0x265: {  	v10 =	vld [tilespmem:s4+$0x1AA40];
	v1 =	vmax.f32 v1, $0.0e+00  }
0x266: {  	[tilespmem:s4+$0x1D270] =	vst v1;
	v1 =	vmax.f32 v3, $0.0e+00;
	v3 =	vadd.f32 v6, v5;
	v6 =	vld [tilespmem:s4+$0x16E40]  }
0x267: {  	v4 =	vld [tilespmem:s4+$0x16E50];
	v2 =	vadd.f32 v2, v7  }
0x268: {  	[tilespmem:s4+$0x1D200] =	vst v1;
	v1 =	vld [tilespmem:s4+$0x1AA50];
	v3 =	vmax.f32 v3, $0.0e+00  }
0x269: {  	v5 =	vld [tilespmem:s4+$0x16E60];
	v7 =	vadd.f32 v63, v8;
	[tilespmem:s4+$0x1D210] =	vst v3;
	v3 =	vmax.f32 v2, $0.0e+00  }
0x26a: {  	s11 =	simm.s32 $0x80;
	v2 =	vld [tilespmem:s4+$0x1AA60];
	[tilespmem:s4+$0x1D220] =	vst v3  }
0x26b: {  	s9 =	simm.s32 $0x400;
	v7 =	vmax.f32 v7, $0.0e+00;
	v6 =	vadd.f32 v6, v10;
	v3 =	vld [tilespmem:s11+$0x1AA70]  }
.LBB2_14:
0x26c: {  	p0 =	sne.s32 s9, $0x4E00;
	v8 =	vld [tilespmem:s11+$0x16E70];
	[tilespmem:s4+$0x1D230] =	vst v7  }
0x26d: {  	v7 =	vld [tilespmem:s11+$0x1AA00];
	v6 =	vmax.f32 v6, $0.0e+00;
	v1 =	vadd.f32 v4, v1  }
0x26e: {  	v4 =	vld [tilespmem:s11+$0x16E00];
	[tilespmem:s4+$0x1D240] =	vst v6  }
0x26f: {  	v6 =	vld [tilespmem:s11+$0x1AA10];
	v1 =	vmax.f32 v1, $0.0e+00;
	v2 =	vadd.f32 v5, v2  }
0x270: {  	v5 =	vld [tilespmem:s11+$0x16E10];
	[tilespmem:s4+$0x1D250] =	vst v1  }
0x271: {  	v1 =	vld [tilespmem:s11+$0x1AA20];
	v3 =	vadd.f32 v8, v3;
	v2 =	vmax.f32 v2, $0.0e+00  }
0x272: {  	v8 =	vld [tilespmem:s11+$0x16E20];
	[tilespmem:s4+$0x1D260] =	vst v2;
	s4 =	smov.u32 s11  }
0x273: {  	v2 =	vadd.f32 v4, v7;
	v7 =	vld [tilespmem:s4+$0x1AA30];
	v3 =	vmax.f32 v3, $0.0e+00  }
0x274: {  	v9 =	vld [tilespmem:s4+$0x16E30];
	[tilespmem:s4+$0x1D270] =	vst v3  }
0x275: {  	v2 =	vmax.f32 v2, $0.0e+00;
	v3 =	vadd.f32 v5, v6;
	v6 =	vld [tilespmem:s4+$0x1AA40]  }
0x276: {  	[tilespmem:s4+$0x1D200] =	vst v2;
	v10 =	vld [tilespmem:s4+$0x16E40]  }
.Ltmp6:
0x277: {  	v2 =	vmax.f32 v3, $0.0e+00;
	v3 =	vadd.f32 v8, v1;
	v1 =	vld [tilespmem:s4+$0x1AA50];
	(pc) =	sbr.rel @p0 .LBB2_14-.Ltmp6, $4  }
0x278: {  	[tilespmem:s4+$0x1D210] =	vst v2;
	v4 =	vld [tilespmem:s4+$0x16E50]  }
0x279: {  	v3 =	vmax.f32 v3, $0.0e+00;
	v7 =	vadd.f32 v9, v7;
	v2 =	vld [tilespmem:s4+$0x1AA60]  }
0x27a: {  	s11 =	sshra.s32 s9, $0x2;
	[tilespmem:s4+$0x1D220] =	vst v3;
	v5 =	vld [tilespmem:s4+$0x16E60]  }
0x27b: {  	s9 =	sadd.s32 $0x200, s9;
	v3 =	vld [tilespmem:s11+$0x1AA70];
	v7 =	vmax.f32 v7, $0.0e+00;
	v6 =	vadd.f32 v10, v6  }
0x27c: {  	v8 =	vld [tilespmem:s11+$0x16E70];
	[tilespmem:s4+$0x1D230] =	vst v7  }
0x27d: {  	v7 =	vld [tilespmem:s11+$0x1AA00];
	v6 =	vmax.f32 v6, $0.0e+00;
	v1 =	vadd.f32 v4, v1  }
0x27e: {  	v9 =	vld [tilespmem:s11+$0x16E00];
	[tilespmem:s4+$0x1D240] =	vst v6  }
0x27f: {  	v57 =	vld [tilespmem:s11+$0x1AA10];
	v1 =	vmax.f32 v1, $0.0e+00;
	v2 =	vadd.f32 v5, v2  }
0x280: {  	v6 =	vld [tilespmem:s11+$0x16E10];
	[tilespmem:s4+$0x1D250] =	vst v1  }
0x281: {  	v1 =	vld [tilespmem:s11+$0x1AA20];
	v2 =	vmax.f32 v2, $0.0e+00  }
0x282: {  	v58 =	vld [tilespmem:s11+$0x16E20];
	[tilespmem:s4+$0x1D260] =	vst v2  }
0x283: {  	v2 =	vld [tilespmem:s11+$0x1AA30]  }
0x284: {  	v3 =	vadd.f32 v8, v3;
	v59 =	vld [tilespmem:s11+$0x16E30]  }
0x285: {  	v7 =	vadd.f32 v9, v7;
	v60 =	vld [tilespmem:s11+$0x1AA40]  }
0x286: {  	v3 =	vmax.f32 v3, $0.0e+00;
	v61 =	vld [tilespmem:s11+$0x1AA50]  }
0x287: {  	v62 =	vld [tilespmem:s11+$0x16E50];
	[tilespmem:s11+$0x1D270] =	vst v3;
	v3 =	vmax.f32 v7, $0.0e+00;
	v1 =	vadd.f32 v58, v1  }
0x288: {  	[tilespmem:s11+$0x1D200] =	vst v3;
	v3 =	vld [tilespmem:s11+$0x16E40]  }
0x289: {  	v63 =	vld [tilespmem:s11+$0x1AA60];
	v1 =	vmax.f32 v1, $0.0e+00  }
0x28a: {  	[tilespmem:s11+$0x1D220] =	vst v1;
	v1 =	vld [tilespmem:s11+$0x16E60]  }
0x28b: {  	v4 =	vadd.f32 v6, v57  }
0x28c: {  	v2 =	vadd.f32 v59, v2  }
0x28d: {  	v4 =	vmax.f32 v4, $0.0e+00;
	v3 =	vadd.f32 v3, v60  }
0x28e: {  	[tilespmem:s11+$0x1D210] =	vst v4;
	v4 =	vadd.f32 v62, v61;
	v2 =	vmax.f32 v2, $0.0e+00  }
0x28f: {  	[tilespmem:s11+$0x1D230] =	vst v2;
	v2 =	vmax.f32 v3, $0.0e+00;
	v1 =	vadd.f32 v1, v63  }
0x290: {  	[tilespmem:s11+$0x1D240] =	vst v2;
	v2 =	vmax.f32 v4, $0.0e+00  }
0x291: {  	[tilespmem:s11+$0x1D250] =	vst v2;
	v1 =	vmax.f32 v1, $0.0e+00  }
0x292: {  	s28 =	simm.s32 $0x1D200;
	s9 =	simm.s32 $0x14580;
	s19 =	simm.s32 $0x1;
	[tilespmem:s11+$0x1D260] =	vst v1  }
0x293: {  	[spmem:s5] =	stream.indirect.scatter.add.f32 [tilespmem:s28], [sflag:$0x14], $0x80, s9, s17, $0xb8;
	[tilespmem:$0x1E600] =	vst v63  }
.LBB2_16:
0x294: {  	_ =	swait.ge [sflag:s8], $0x1400  }
0x295: {  	[sflag:s8] =	ssyncset.done $0x0  }
0x296: {  	[sflag:s8] =	ssyncadd.s32 $0xFFFFEC00  }
0x297: {  	_ =	swait.ge [sflag:s6], $0x1400  }
0x298: {  	[sflag:s6] =	ssyncset.done $0x0  }
0x299: {  	[sflag:s6] =	ssyncadd.s32 $0xFFFFEC00  }
0x29a: {  	s28 =	smul.u32 $0xF0, s19;
	_ =	swait.ge [sflag:s31], $0x1400  }
0x29b: {  	s4 =	rddreg [dreg:$0xe]  }
0x29c: {  	s11 =	sadd.s32 s28, s4  }
0x29d: {  	s12 =	simm.s32 $0x0;
	[sflag:s31] =	ssyncset.done $0x0;
	s4 =	sshrl.u32 s11, $0x3  }
0x29e: {  	s18 =	simm.s32 $0x14180;
	[sflag:s31] =	ssyncadd.s32 $0xFFFFEC00;
	s9 =	sadd.s32 s7, s4  }
0x29f: {  	[tilespmem:s18], [sflag:$0x4] =	stream.linear.gather [hbm4b:s9+s12], $0x28, $0x38;
	[tilespmem:$0x1E600] =	vst v63  }
0x2a0: {  	s4 =	sadd.s32 s2, s4;
	s18 =	simm.s32 $0x14480  }
0x2a1: {  	[tilespmem:s18], [sflag:$0xA] =	stream.linear.gather [hbm4b:s4+s12], $0x28, $0x38;
	[tilespmem:$0x1E600] =	vst v63  }
0x2a2: {  	_ =	swait.ge [sflag:s15], $0x28  }
0x2a3: {  	[sflag:s15] =	ssyncset.done $0x0  }
0x2a4: {  	[sflag:s15] =	ssyncadd.s32 $0xFFFFFFD8  }
0x2a5: {  	_ =	swait.ge [sflag:s21], $0x28  }
0x2a6: {  	[sflag:s21] =	ssyncset.done $0x0  }
0x2a7: {  	s9 =	simm.s32 $0x14100;
	s18 =	simm.s32 $0x16E00;
	[sflag:s21] =	ssyncadd.s32 $0xFFFFFFD8  }
0x2a8: {  	[tilespmem:s18], [sflag:$0xF] =	stream.indirect.gather [hbm4b:s1+s17], $0x80, s9, s17, $0xb8;
	[tilespmem:$0x1E600] =	vst v63  }
0x2a9: {  	s9 =	rddreg [dreg:$0xa]  }
0x2aa: {  	s4 =	sadd.s32 s28, s9  }
0x2ab: {  	s4 =	sshll.u32 s4, $0x4  }
0x2ac: {  	s18 =	simm.s32 $0x1AA00;
	s4 =	sadd.s32 s3, s4  }
0x2ad: {  	[tilespmem:s18], [sflag:$0x12] =	stream.linear.gather [hbm4b:s4+s12], $0x1400, $0x38;
	[tilespmem:$0x1E600] =	vst v63  }
0x2ae: {  	s4 =	simm.s32 $0x0  }
0x2af: {  	v1 =	vld [tilespmem:s4+$0x18270]  }
0x2b0: {  	v2 =	vld [tilespmem:s4+$0x14670]  }
0x2b1: {  	v3 =	vld [tilespmem:s4+$0x18200]  }
0x2b2: {  	v4 =	vld [tilespmem:s4+$0x14600]  }
0x2b3: {  	v5 =	vld [tilespmem:s4+$0x18210]  }
0x2b4: {  	v6 =	vld [tilespmem:s4+$0x14610]  }
0x2b5: {  	v7 =	vld [tilespmem:s4+$0x18220]  }
0x2b6: {  	v1 =	vadd.f32 v2, v1;
	v2 =	vld [tilespmem:s4+$0x14620]  }
0x2b7: {  	v8 =	vld [tilespmem:s4+$0x18230]  }
0x2b8: {  	v9 =	vld [tilespmem:s4+$0x14630];
	v3 =	vadd.f32 v4, v3  }
0x2b9: {  	v10 =	vld [tilespmem:s4+$0x18240];
	v1 =	vmax.f32 v1, $0.0e+00  }
0x2ba: {  	[tilespmem:s4+$0x1BE70] =	vst v1;
	v1 =	vmax.f32 v3, $0.0e+00;
	v3 =	vadd.f32 v6, v5;
	v6 =	vld [tilespmem:s4+$0x14640]  }
0x2bb: {  	v4 =	vld [tilespmem:s4+$0x14650];
	v2 =	vadd.f32 v2, v7  }
0x2bc: {  	[tilespmem:s4+$0x1BE00] =	vst v1;
	v1 =	vld [tilespmem:s4+$0x18250];
	v3 =	vmax.f32 v3, $0.0e+00  }
0x2bd: {  	v5 =	vld [tilespmem:s4+$0x14660];
	v7 =	vadd.f32 v9, v8;
	[tilespmem:s4+$0x1BE10] =	vst v3;
	v3 =	vmax.f32 v2, $0.0e+00  }
0x2be: {  	s9 =	simm.s32 $0x80;
	v2 =	vld [tilespmem:s4+$0x18260];
	[tilespmem:s4+$0x1BE20] =	vst v3  }
0x2bf: {  	s12 =	simm.s32 $0x400;
	v7 =	vmax.f32 v7, $0.0e+00;
	v6 =	vadd.f32 v6, v10;
	v3 =	vld [tilespmem:s9+$0x18270]  }
.LBB2_17:
0x2c0: {  	p0 =	sne.s32 s12, $0x4E00;
	v8 =	vld [tilespmem:s9+$0x14670];
	[tilespmem:s4+$0x1BE30] =	vst v7  }
0x2c1: {  	v7 =	vld [tilespmem:s9+$0x18200];
	v6 =	vmax.f32 v6, $0.0e+00;
	v1 =	vadd.f32 v4, v1  }
0x2c2: {  	v4 =	vld [tilespmem:s9+$0x14600];
	[tilespmem:s4+$0x1BE40] =	vst v6  }
0x2c3: {  	v6 =	vld [tilespmem:s9+$0x18210];
	v1 =	vmax.f32 v1, $0.0e+00;
	v2 =	vadd.f32 v5, v2  }
0x2c4: {  	v5 =	vld [tilespmem:s9+$0x14610];
	[tilespmem:s4+$0x1BE50] =	vst v1  }
0x2c5: {  	v1 =	vld [tilespmem:s9+$0x18220];
	v3 =	vadd.f32 v8, v3;
	v2 =	vmax.f32 v2, $0.0e+00  }
0x2c6: {  	v8 =	vld [tilespmem:s9+$0x14620];
	[tilespmem:s4+$0x1BE60] =	vst v2;
	s4 =	smov.u32 s9  }
0x2c7: {  	v2 =	vadd.f32 v4, v7;
	v7 =	vld [tilespmem:s4+$0x18230];
	v3 =	vmax.f32 v3, $0.0e+00  }
0x2c8: {  	v9 =	vld [tilespmem:s4+$0x14630];
	[tilespmem:s4+$0x1BE70] =	vst v3  }
0x2c9: {  	v2 =	vmax.f32 v2, $0.0e+00;
	v3 =	vadd.f32 v5, v6;
	v6 =	vld [tilespmem:s4+$0x18240]  }
0x2ca: {  	[tilespmem:s4+$0x1BE00] =	vst v2;
	v10 =	vld [tilespmem:s4+$0x14640]  }
.Ltmp7:
0x2cb: {  	v2 =	vmax.f32 v3, $0.0e+00;
	v3 =	vadd.f32 v8, v1;
	v1 =	vld [tilespmem:s4+$0x18250];
	(pc) =	sbr.rel @p0 .LBB2_17-.Ltmp7, $4  }
0x2cc: {  	[tilespmem:s4+$0x1BE10] =	vst v2;
	v4 =	vld [tilespmem:s4+$0x14650]  }
0x2cd: {  	v3 =	vmax.f32 v3, $0.0e+00;
	v7 =	vadd.f32 v9, v7;
	v2 =	vld [tilespmem:s4+$0x18260]  }
0x2ce: {  	s9 =	sshra.s32 s12, $0x2;
	[tilespmem:s4+$0x1BE20] =	vst v3;
	v5 =	vld [tilespmem:s4+$0x14660]  }
0x2cf: {  	s12 =	sadd.s32 $0x200, s12;
	v3 =	vld [tilespmem:s9+$0x18270];
	v7 =	vmax.f32 v7, $0.0e+00;
	v6 =	vadd.f32 v10, v6  }
0x2d0: {  	v8 =	vld [tilespmem:s9+$0x14670];
	[tilespmem:s4+$0x1BE30] =	vst v7  }
0x2d1: {  	v7 =	vld [tilespmem:s9+$0x18200];
	v6 =	vmax.f32 v6, $0.0e+00;
	v1 =	vadd.f32 v4, v1  }
0x2d2: {  	v9 =	vld [tilespmem:s9+$0x14600];
	[tilespmem:s4+$0x1BE40] =	vst v6  }
0x2d3: {  	v4 =	vld [tilespmem:s9+$0x18210];
	v1 =	vmax.f32 v1, $0.0e+00;
	v2 =	vadd.f32 v5, v2  }
0x2d4: {  	v6 =	vld [tilespmem:s9+$0x14610];
	[tilespmem:s4+$0x1BE50] =	vst v1  }
0x2d5: {  	v1 =	vld [tilespmem:s9+$0x18220];
	v2 =	vmax.f32 v2, $0.0e+00  }
0x2d6: {  	v5 =	vld [tilespmem:s9+$0x14620];
	v3 =	vadd.f32 v8, v3;
	[tilespmem:s4+$0x1BE60] =	vst v2  }
0x2d7: {  	v7 =	vadd.f32 v9, v7;
	v2 =	vld [tilespmem:s9+$0x18230]  }
0x2d8: {  	v3 =	vmax.f32 v3, $0.0e+00;
	v8 =	vld [tilespmem:s9+$0x14630]  }
0x2d9: {  	[tilespmem:s9+$0x1BE70] =	vst v3;
	v3 =	vmax.f32 v7, $0.0e+00;
	v7 =	vld [tilespmem:s9+$0x18240]  }
0x2da: {  	v4 =	vadd.f32 v6, v4;
	v6 =	vld [tilespmem:s9+$0x18250]  }
0x2db: {  	[tilespmem:s9+$0x1BE00] =	vst v3;
	v3 =	vld [tilespmem:s9+$0x14640];
	v1 =	vadd.f32 v5, v1  }
0x2dc: {  	v4 =	vmax.f32 v4, $0.0e+00;
	v5 =	vld [tilespmem:s9+$0x18260]  }
0x2dd: {  	[tilespmem:s9+$0x1BE10] =	vst v4;
	v4 =	vld [tilespmem:s9+$0x14650];
	v1 =	vmax.f32 v1, $0.0e+00  }
0x2de: {  	[tilespmem:s9+$0x1BE20] =	vst v1;
	v1 =	vld [tilespmem:s9+$0x14660];
	_ =	sdelay $0x1  }
0x2df: {  	v2 =	vadd.f32 v8, v2  }
0x2e0: {  	v3 =	vadd.f32 v3, v7  }
0x2e1: {  	v2 =	vmax.f32 v2, $0.0e+00;
	v4 =	vadd.f32 v4, v6  }
0x2e2: {  	[tilespmem:s9+$0x1BE30] =	vst v2;
	v2 =	vmax.f32 v3, $0.0e+00;
	v1 =	vadd.f32 v1, v5  }
0x2e3: {  	[tilespmem:s9+$0x1BE40] =	vst v2;
	v2 =	vmax.f32 v4, $0.0e+00  }
0x2e4: {  	[tilespmem:s9+$0x1BE50] =	vst v2;
	v1 =	vmax.f32 v1, $0.0e+00  }
0x2e5: {  	[tilespmem:s9+$0x1BE60] =	vst v1  }
0x2e6: {  	[spmem:s5] =	stream.indirect.scatter.add.f32 [tilespmem:s26], [sflag:$0x13], $0x80, s23, s17, $0xb8;
	[tilespmem:$0x1E600] =	vst v63  }
0x2e7: {  	_ =	swait.ge [sflag:s0], $0x1400  }
0x2e8: {  	[sflag:s0] =	ssyncset.done $0x0  }
0x2e9: {  	[sflag:s0] =	ssyncadd.s32 $0xFFFFEC00  }
0x2ea: {  	_ =	swait.ge [sflag:s14], $0x1400  }
0x2eb: {  	[sflag:s14] =	ssyncset.done $0x0  }
0x2ec: {  	[sflag:s14] =	ssyncadd.s32 $0xFFFFEC00  }
0x2ed: {  	_ =	swait.ge [sflag:s10], $0x1400  }
0x2ee: {  	s18 =	rddreg [dreg:$0x14]  }
0x2ef: {  	s4 =	sadd.s32 s28, s18  }
0x2f0: {  	s23 =	simm.s32 $0x14200;
	[sflag:s10] =	ssyncset.done $0x0;
	s9 =	sshrl.u32 s4, $0x3  }
0x2f1: {  	[sflag:s10] =	ssyncadd.s32 $0xFFFFEC00;
	s18 =	simm.s32 $0x0;
	s12 =	sadd.s32 s7, s9  }
0x2f2: {  	[tilespmem:s23], [sflag:$0x5] =	stream.linear.gather [hbm4b:s12+s18], $0x28, $0x38;
	[tilespmem:$0x1E600] =	vst v63  }
0x2f3: {  	s9 =	sadd.s32 s2, s9;
	s23 =	simm.s32 $0x14500  }
0x2f4: {  	[tilespmem:s23], [sflag:$0xB] =	stream.linear.gather [hbm4b:s9+s18], $0x28, $0x38;
	[tilespmem:$0x1E600] =	vst v63  }
0x2f5: {  	_ =	swait.ge [sflag:s24], $0x28  }
0x2f6: {  	[sflag:s24] =	ssyncset.done $0x0  }
0x2f7: {  	[sflag:s24] =	ssyncadd.s32 $0xFFFFFFD8  }
0x2f8: {  	_ =	swait.ge [sflag:s25], $0x28  }
0x2f9: {  	[sflag:s25] =	ssyncset.done $0x0  }
0x2fa: {  	s12 =	simm.s32 $0x14600;
	s23 =	simm.s32 $0x14180;
	[sflag:s25] =	ssyncadd.s32 $0xFFFFFFD8  }
0x2fb: {  	[tilespmem:s12], [sflag:$0xD] =	stream.indirect.gather [hbm4b:s1+s17], $0x80, s23, s17, $0xb8;
	[tilespmem:$0x1E600] =	vst v63  }
0x2fc: {  	s12 =	sshll.u32 s11, $0x4  }
0x2fd: {  	s23 =	simm.s32 $0x18200;
	s11 =	simm.s32 $0x0;
	s9 =	sadd.s32 s3, s12  }
0x2fe: {  	[tilespmem:s23], [sflag:$0x10] =	stream.linear.gather [hbm4b:s9+s18], $0x1400, $0x38;
	[tilespmem:$0x1E600] =	vst v63  }
0x2ff: {  	v1 =	vld [tilespmem:s11+$0x19670]  }
0x300: {  	v2 =	vld [tilespmem:s11+$0x15A70]  }
0x301: {  	v3 =	vld [tilespmem:s11+$0x19600]  }
0x302: {  	v4 =	vld [tilespmem:s11+$0x15A00]  }
0x303: {  	v5 =	vld [tilespmem:s11+$0x19610]  }
0x304: {  	v6 =	vld [tilespmem:s11+$0x15A10]  }
0x305: {  	v7 =	vld [tilespmem:s11+$0x19620]  }
0x306: {  	v1 =	vadd.f32 v2, v1;
	v2 =	vld [tilespmem:s11+$0x15A20]  }
0x307: {  	v8 =	vld [tilespmem:s11+$0x19630]  }
0x308: {  	v63 =	vld [tilespmem:s11+$0x15A30];
	v3 =	vadd.f32 v4, v3  }
0x309: {  	v10 =	vld [tilespmem:s11+$0x19640];
	v1 =	vmax.f32 v1, $0.0e+00  }
0x30a: {  	[tilespmem:s11+$0x1D270] =	vst v1;
	v1 =	vmax.f32 v3, $0.0e+00;
	v3 =	vadd.f32 v6, v5;
	v6 =	vld [tilespmem:s11+$0x15A40]  }
0x30b: {  	v4 =	vld [tilespmem:s11+$0x15A50];
	v2 =	vadd.f32 v2, v7  }
0x30c: {  	[tilespmem:s11+$0x1D200] =	vst v1;
	v1 =	vld [tilespmem:s11+$0x19650];
	v3 =	vmax.f32 v3, $0.0e+00  }
0x30d: {  	v5 =	vld [tilespmem:s11+$0x15A60];
	v7 =	vadd.f32 v63, v8;
	[tilespmem:s11+$0x1D210] =	vst v3;
	v3 =	vmax.f32 v2, $0.0e+00  }
0x30e: {  	s9 =	simm.s32 $0x80;
	v2 =	vld [tilespmem:s11+$0x19660];
	[tilespmem:s11+$0x1D220] =	vst v3  }
0x30f: {  	s12 =	simm.s32 $0x400;
	v7 =	vmax.f32 v7, $0.0e+00;
	v6 =	vadd.f32 v6, v10;
	v3 =	vld [tilespmem:s9+$0x19670]  }
.LBB2_19:
0x310: {  	p0 =	sne.s32 s12, $0x4E00;
	v8 =	vld [tilespmem:s9+$0x15A70];
	[tilespmem:s11+$0x1D230] =	vst v7  }
0x311: {  	v7 =	vld [tilespmem:s9+$0x19600];
	v6 =	vmax.f32 v6, $0.0e+00;
	v1 =	vadd.f32 v4, v1  }
0x312: {  	v4 =	vld [tilespmem:s9+$0x15A00];
	[tilespmem:s11+$0x1D240] =	vst v6  }
0x313: {  	v6 =	vld [tilespmem:s9+$0x19610];
	v1 =	vmax.f32 v1, $0.0e+00;
	v2 =	vadd.f32 v5, v2  }
0x314: {  	v5 =	vld [tilespmem:s9+$0x15A10];
	[tilespmem:s11+$0x1D250] =	vst v1  }
0x315: {  	v1 =	vld [tilespmem:s9+$0x19620];
	v3 =	vadd.f32 v8, v3;
	v2 =	vmax.f32 v2, $0.0e+00  }
0x316: {  	v8 =	vld [tilespmem:s9+$0x15A20];
	[tilespmem:s11+$0x1D260] =	vst v2;
	s11 =	smov.u32 s9  }
0x317: {  	v2 =	vadd.f32 v4, v7;
	v7 =	vld [tilespmem:s11+$0x19630];
	v3 =	vmax.f32 v3, $0.0e+00  }
0x318: {  	v9 =	vld [tilespmem:s11+$0x15A30];
	[tilespmem:s11+$0x1D270] =	vst v3  }
0x319: {  	v2 =	vmax.f32 v2, $0.0e+00;
	v3 =	vadd.f32 v5, v6;
	v6 =	vld [tilespmem:s11+$0x19640]  }
0x31a: {  	[tilespmem:s11+$0x1D200] =	vst v2;
	v10 =	vld [tilespmem:s11+$0x15A40]  }
.Ltmp8:
0x31b: {  	v2 =	vmax.f32 v3, $0.0e+00;
	v3 =	vadd.f32 v8, v1;
	v1 =	vld [tilespmem:s11+$0x19650];
	(pc) =	sbr.rel @p0 .LBB2_19-.Ltmp8, $4  }
0x31c: {  	[tilespmem:s11+$0x1D210] =	vst v2;
	v4 =	vld [tilespmem:s11+$0x15A50]  }
0x31d: {  	v3 =	vmax.f32 v3, $0.0e+00;
	v7 =	vadd.f32 v9, v7;
	v2 =	vld [tilespmem:s11+$0x19660]  }
0x31e: {  	s9 =	sshra.s32 s12, $0x2;
	[tilespmem:s11+$0x1D220] =	vst v3;
	v5 =	vld [tilespmem:s11+$0x15A60]  }
0x31f: {  	s12 =	sadd.s32 $0x200, s12;
	v3 =	vld [tilespmem:s9+$0x19670];
	v7 =	vmax.f32 v7, $0.0e+00;
	v6 =	vadd.f32 v10, v6  }
0x320: {  	v8 =	vld [tilespmem:s9+$0x15A70];
	[tilespmem:s11+$0x1D230] =	vst v7  }
0x321: {  	v7 =	vld [tilespmem:s9+$0x19600];
	v6 =	vmax.f32 v6, $0.0e+00;
	v1 =	vadd.f32 v4, v1  }
0x322: {  	v9 =	vld [tilespmem:s9+$0x15A00];
	[tilespmem:s11+$0x1D240] =	vst v6  }
0x323: {  	v4 =	vld [tilespmem:s9+$0x19610];
	v1 =	vmax.f32 v1, $0.0e+00;
	v2 =	vadd.f32 v5, v2  }
0x324: {  	v6 =	vld [tilespmem:s9+$0x15A10];
	[tilespmem:s11+$0x1D250] =	vst v1  }
0x325: {  	v1 =	vld [tilespmem:s9+$0x19620];
	v2 =	vmax.f32 v2, $0.0e+00  }
0x326: {  	v5 =	vld [tilespmem:s9+$0x15A20];
	v3 =	vadd.f32 v8, v3;
	[tilespmem:s11+$0x1D260] =	vst v2  }
0x327: {  	v7 =	vadd.f32 v9, v7;
	v2 =	vld [tilespmem:s9+$0x19630]  }
0x328: {  	v3 =	vmax.f32 v3, $0.0e+00;
	v8 =	vld [tilespmem:s9+$0x15A30]  }
0x329: {  	[tilespmem:s9+$0x1D270] =	vst v3;
	v3 =	vmax.f32 v7, $0.0e+00;
	v7 =	vld [tilespmem:s9+$0x19640]  }
0x32a: {  	v4 =	vadd.f32 v6, v4;
	v6 =	vld [tilespmem:s9+$0x19650]  }
0x32b: {  	[tilespmem:s9+$0x1D200] =	vst v3;
	v3 =	vld [tilespmem:s9+$0x15A40];
	v1 =	vadd.f32 v5, v1  }
0x32c: {  	v4 =	vmax.f32 v4, $0.0e+00;
	v5 =	vld [tilespmem:s9+$0x19660]  }
0x32d: {  	[tilespmem:s9+$0x1D210] =	vst v4;
	v4 =	vld [tilespmem:s9+$0x15A50];
	v1 =	vmax.f32 v1, $0.0e+00  }
0x32e: {  	[tilespmem:s9+$0x1D220] =	vst v1;
	v1 =	vld [tilespmem:s9+$0x15A60];
	_ =	sdelay $0x1  }
0x32f: {  	v2 =	vadd.f32 v8, v2  }
0x330: {  	v3 =	vadd.f32 v3, v7  }
0x331: {  	v2 =	vmax.f32 v2, $0.0e+00;
	v4 =	vadd.f32 v4, v6  }
0x332: {  	[tilespmem:s9+$0x1D230] =	vst v2;
	v2 =	vmax.f32 v3, $0.0e+00;
	v1 =	vadd.f32 v1, v5  }
0x333: {  	[tilespmem:s9+$0x1D240] =	vst v2;
	v2 =	vmax.f32 v4, $0.0e+00  }
0x334: {  	[tilespmem:s9+$0x1D250] =	vst v2;
	v1 =	vmax.f32 v1, $0.0e+00  }
0x335: {  	s12 =	simm.s32 $0x1D200;
	[tilespmem:s9+$0x1D260] =	vst v1  }
0x336: {  	[spmem:s5] =	stream.indirect.scatter.add.f32 [tilespmem:s12], [sflag:$0x14], $0x80, s13, s17, $0xb8;
	[tilespmem:$0x1E600] =	vst v63  }
0x337: {  	_ =	swait.ge [sflag:s30], $0x1400  }
0x338: {  	[sflag:s30] =	ssyncset.done $0x0  }
0x339: {  	[sflag:s30] =	ssyncadd.s32 $0xFFFFEC00  }
0x33a: {  	_ =	swait.ge [sflag:s29], $0x1400  }
0x33b: {  	[sflag:s29] =	ssyncset.done $0x0  }
0x33c: {  	[sflag:s29] =	ssyncadd.s32 $0xFFFFEC00  }
0x33d: {  	_ =	swait.ge [sflag:s31], $0x1400  }
0x33e: {  	s18 =	rddreg [dreg:$0x16]  }
0x33f: {  	s11 =	sadd.s32 s28, s18  }
0x340: {  	s23 =	simm.s32 $0x14280;
	[sflag:s31] =	ssyncset.done $0x0;
	s9 =	sshrl.u32 s11, $0x3  }
0x341: {  	[sflag:s31] =	ssyncadd.s32 $0xFFFFEC00;
	s18 =	simm.s32 $0x0;
	s12 =	sadd.s32 s7, s9  }
0x342: {  	[tilespmem:s23], [sflag:$0x6] =	stream.linear.gather [hbm4b:s12+s18], $0x28, $0x38;
	[tilespmem:$0x1E600] =	vst v63  }
0x343: {  	s13 =	simm.s32 $0x5;
	s9 =	sadd.s32 s2, s9;
	s23 =	simm.s32 $0x14580  }
0x344: {  	[tilespmem:s23], [sflag:$0xC] =	stream.linear.gather [hbm4b:s9+s18], $0x28, $0x38;
	[tilespmem:$0x1E600] =	vst v63  }
0x345: {  	_ =	swait.ge [sflag:s13], $0x28  }
0x346: {  	[sflag:s13] =	ssyncset.done $0x0  }
0x347: {  	s23 =	simm.s32 $0xB;
	[sflag:s13] =	ssyncadd.s32 $0xFFFFFFD8  }
0x348: {  	_ =	swait.ge [sflag:s23], $0x28  }
0x349: {  	s4 =	sshll.u32 s4, $0x4;
	[sflag:s23] =	ssyncset.done $0x0  }
0x34a: {  	s12 =	simm.s32 $0x15A00;
	s13 =	simm.s32 $0x14200;
	[sflag:s23] =	ssyncadd.s32 $0xFFFFFFD8  }
0x34b: {  	[tilespmem:s12], [sflag:$0xE] =	stream.indirect.gather [hbm4b:s1+s17], $0x80, s13, s17, $0xb8;
	[tilespmem:$0x1E600] =	vst v63  }
0x34c: {  	s4 =	sadd.s32 s3, s4;
	s23 =	simm.s32 $0x19600  }
0x34d: {  	[tilespmem:s23], [sflag:$0x11] =	stream.linear.gather [hbm4b:s4+s18], $0x1400, $0x38;
	[tilespmem:$0x1E600] =	vst v63  }
0x34e: {  	s4 =	simm.s32 $0x0  }
0x34f: {  	v1 =	vld [tilespmem:s4+$0x1AA70]  }
0x350: {  	v2 =	vld [tilespmem:s4+$0x16E70]  }
0x351: {  	v3 =	vld [tilespmem:s4+$0x1AA00]  }
0x352: {  	v4 =	vld [tilespmem:s4+$0x16E00]  }
0x353: {  	v5 =	vld [tilespmem:s4+$0x1AA10]  }
0x354: {  	v6 =	vld [tilespmem:s4+$0x16E10]  }
0x355: {  	v7 =	vld [tilespmem:s4+$0x1AA20]  }
0x356: {  	v1 =	vadd.f32 v2, v1;
	v2 =	vld [tilespmem:s4+$0x16E20]  }
0x357: {  	v8 =	vld [tilespmem:s4+$0x1AA30]  }
0x358: {  	v63 =	vld [tilespmem:s4+$0x16E30];
	v3 =	vadd.f32 v4, v3  }
0x359: {  	v10 =	vld [tilespmem:s4+$0x1AA40];
	v1 =	vmax.f32 v1, $0.0e+00  }
0x35a: {  	[tilespmem:s4+$0x1BE70] =	vst v1;
	v1 =	vmax.f32 v3, $0.0e+00;
	v3 =	vadd.f32 v6, v5;
	v6 =	vld [tilespmem:s4+$0x16E40]  }
0x35b: {  	v4 =	vld [tilespmem:s4+$0x16E50];
	v2 =	vadd.f32 v2, v7  }
0x35c: {  	[tilespmem:s4+$0x1BE00] =	vst v1;
	v1 =	vld [tilespmem:s4+$0x1AA50];
	v3 =	vmax.f32 v3, $0.0e+00  }
0x35d: {  	v5 =	vld [tilespmem:s4+$0x16E60];
	v7 =	vadd.f32 v63, v8;
	[tilespmem:s4+$0x1BE10] =	vst v3;
	v3 =	vmax.f32 v2, $0.0e+00  }
0x35e: {  	s9 =	simm.s32 $0x80;
	v2 =	vld [tilespmem:s4+$0x1AA60];
	[tilespmem:s4+$0x1BE20] =	vst v3  }
0x35f: {  	s12 =	simm.s32 $0x400;
	v7 =	vmax.f32 v7, $0.0e+00;
	v6 =	vadd.f32 v6, v10;
	v3 =	vld [tilespmem:s9+$0x1AA70]  }
.LBB2_21:
0x360: {  	p0 =	sne.s32 s12, $0x4E00;
	v8 =	vld [tilespmem:s9+$0x16E70];
	[tilespmem:s4+$0x1BE30] =	vst v7  }
0x361: {  	v7 =	vld [tilespmem:s9+$0x1AA00];
	v6 =	vmax.f32 v6, $0.0e+00;
	v1 =	vadd.f32 v4, v1  }
0x362: {  	v4 =	vld [tilespmem:s9+$0x16E00];
	[tilespmem:s4+$0x1BE40] =	vst v6  }
0x363: {  	v6 =	vld [tilespmem:s9+$0x1AA10];
	v1 =	vmax.f32 v1, $0.0e+00;
	v2 =	vadd.f32 v5, v2  }
0x364: {  	v5 =	vld [tilespmem:s9+$0x16E10];
	[tilespmem:s4+$0x1BE50] =	vst v1  }
0x365: {  	v1 =	vld [tilespmem:s9+$0x1AA20];
	v3 =	vadd.f32 v8, v3;
	v2 =	vmax.f32 v2, $0.0e+00  }
0x366: {  	v8 =	vld [tilespmem:s9+$0x16E20];
	[tilespmem:s4+$0x1BE60] =	vst v2;
	s4 =	smov.u32 s9  }
0x367: {  	v2 =	vadd.f32 v4, v7;
	v7 =	vld [tilespmem:s4+$0x1AA30];
	v3 =	vmax.f32 v3, $0.0e+00  }
0x368: {  	v9 =	vld [tilespmem:s4+$0x16E30];
	[tilespmem:s4+$0x1BE70] =	vst v3  }
0x369: {  	v2 =	vmax.f32 v2, $0.0e+00;
	v3 =	vadd.f32 v5, v6;
	v6 =	vld [tilespmem:s4+$0x1AA40]  }
0x36a: {  	[tilespmem:s4+$0x1BE00] =	vst v2;
	v10 =	vld [tilespmem:s4+$0x16E40]  }
.Ltmp9:
0x36b: {  	v2 =	vmax.f32 v3, $0.0e+00;
	v3 =	vadd.f32 v8, v1;
	v1 =	vld [tilespmem:s4+$0x1AA50];
	(pc) =	sbr.rel @p0 .LBB2_21-.Ltmp9, $4  }
0x36c: {  	[tilespmem:s4+$0x1BE10] =	vst v2;
	v4 =	vld [tilespmem:s4+$0x16E50]  }
0x36d: {  	v3 =	vmax.f32 v3, $0.0e+00;
	v7 =	vadd.f32 v9, v7;
	v2 =	vld [tilespmem:s4+$0x1AA60]  }
0x36e: {  	s9 =	sshra.s32 s12, $0x2;
	[tilespmem:s4+$0x1BE20] =	vst v3;
	v5 =	vld [tilespmem:s4+$0x16E60]  }
0x36f: {  	s12 =	sadd.s32 $0x200, s12;
	v3 =	vld [tilespmem:s9+$0x1AA70];
	v7 =	vmax.f32 v7, $0.0e+00;
	v6 =	vadd.f32 v10, v6  }
0x370: {  	v8 =	vld [tilespmem:s9+$0x16E70];
	[tilespmem:s4+$0x1BE30] =	vst v7  }
0x371: {  	v7 =	vld [tilespmem:s9+$0x1AA00];
	v6 =	vmax.f32 v6, $0.0e+00;
	v1 =	vadd.f32 v4, v1  }
0x372: {  	v9 =	vld [tilespmem:s9+$0x16E00];
	[tilespmem:s4+$0x1BE40] =	vst v6  }
0x373: {  	v4 =	vld [tilespmem:s9+$0x1AA10];
	v1 =	vmax.f32 v1, $0.0e+00;
	v2 =	vadd.f32 v5, v2  }
0x374: {  	v6 =	vld [tilespmem:s9+$0x16E10];
	[tilespmem:s4+$0x1BE50] =	vst v1  }
0x375: {  	v1 =	vld [tilespmem:s9+$0x1AA20];
	v2 =	vmax.f32 v2, $0.0e+00  }
0x376: {  	v5 =	vld [tilespmem:s9+$0x16E20];
	v3 =	vadd.f32 v8, v3;
	[tilespmem:s4+$0x1BE60] =	vst v2  }
0x377: {  	v7 =	vadd.f32 v9, v7;
	v2 =	vld [tilespmem:s9+$0x1AA30]  }
0x378: {  	v3 =	vmax.f32 v3, $0.0e+00;
	v8 =	vld [tilespmem:s9+$0x16E30]  }
0x379: {  	[tilespmem:s9+$0x1BE70] =	vst v3;
	v3 =	vmax.f32 v7, $0.0e+00;
	v7 =	vld [tilespmem:s9+$0x1AA40]  }
0x37a: {  	v4 =	vadd.f32 v6, v4;
	v6 =	vld [tilespmem:s9+$0x1AA50]  }
0x37b: {  	[tilespmem:s9+$0x1BE00] =	vst v3;
	v3 =	vld [tilespmem:s9+$0x16E40];
	v1 =	vadd.f32 v5, v1  }
0x37c: {  	v4 =	vmax.f32 v4, $0.0e+00;
	v5 =	vld [tilespmem:s9+$0x1AA60]  }
0x37d: {  	[tilespmem:s9+$0x1BE10] =	vst v4;
	v4 =	vld [tilespmem:s9+$0x16E50];
	v1 =	vmax.f32 v1, $0.0e+00  }
0x37e: {  	[tilespmem:s9+$0x1BE20] =	vst v1;
	v1 =	vld [tilespmem:s9+$0x16E60];
	_ =	sdelay $0x1  }
0x37f: {  	v2 =	vadd.f32 v8, v2  }
0x380: {  	v3 =	vadd.f32 v3, v7  }
0x381: {  	v2 =	vmax.f32 v2, $0.0e+00;
	v4 =	vadd.f32 v4, v6  }
0x382: {  	[tilespmem:s9+$0x1BE30] =	vst v2;
	v2 =	vmax.f32 v3, $0.0e+00;
	v1 =	vadd.f32 v1, v5  }
0x383: {  	[tilespmem:s9+$0x1BE40] =	vst v2;
	v2 =	vmax.f32 v4, $0.0e+00  }
0x384: {  	[tilespmem:s9+$0x1BE50] =	vst v2;
	v1 =	vmax.f32 v1, $0.0e+00  }
0x385: {  	[tilespmem:s9+$0x1BE60] =	vst v1;
	s9 =	simm.s32 $0x14400  }
0x386: {  	[spmem:s5] =	stream.indirect.scatter.add.f32 [tilespmem:s26], [sflag:$0x13], $0x80, s9, s17, $0xb8;
	[tilespmem:$0x1E600] =	vst v63  }
0x387: {  	_ =	swait.ge [sflag:s8], $0x1400  }
0x388: {  	[sflag:s8] =	ssyncset.done $0x0  }
0x389: {  	[sflag:s8] =	ssyncadd.s32 $0xFFFFEC00  }
0x38a: {  	_ =	swait.ge [sflag:s6], $0x1400  }
0x38b: {  	[sflag:s6] =	ssyncset.done $0x0  }
0x38c: {  	[sflag:s6] =	ssyncadd.s32 $0xFFFFEC00  }
0x38d: {  	_ =	swait.ge [sflag:s10], $0x1400  }
0x38e: {  	s12 =	rddreg [dreg:$0x1c]  }
0x38f: {  	s4 =	sadd.s32 s28, s12  }
0x390: {  	s18 =	simm.s32 $0x0;
	[sflag:s10] =	ssyncset.done $0x0;
	s13 =	sshrl.u32 s4, $0x3  }
0x391: {  	s23 =	simm.s32 $0x14000;
	[sflag:s10] =	ssyncadd.s32 $0xFFFFEC00;
	s12 =	sadd.s32 s7, s13  }
0x392: {  	[tilespmem:s23], [sflag:$0x1] =	stream.linear.gather [hbm4b:s12+s18], $0x28, $0x38;
	[tilespmem:$0x1E600] =	vst v63  }
0x393: {  	s9 =	sadd.s32 s2, s13;
	s23 =	simm.s32 $0x14300;
	s12 =	simm.s32 $0x6  }
0x394: {  	[tilespmem:s23], [sflag:$0x7] =	stream.linear.gather [hbm4b:s9+s18], $0x28, $0x38;
	[tilespmem:$0x1E600] =	vst v63  }
0x395: {  	_ =	swait.ge [sflag:s12], $0x28  }
0x396: {  	[sflag:s12] =	ssyncset.done $0x0  }
0x397: {  	s13 =	simm.s32 $0xC;
	[sflag:s12] =	ssyncadd.s32 $0xFFFFFFD8  }
0x398: {  	_ =	swait.ge [sflag:s13], $0x28  }
0x399: {  	[sflag:s13] =	ssyncset.done $0x0  }
0x39a: {  	s12 =	simm.s32 $0x16E00;
	[sflag:s13] =	ssyncadd.s32 $0xFFFFFFD8;
	s13 =	simm.s32 $0x14280  }
0x39b: {  	[tilespmem:s12], [sflag:$0xF] =	stream.indirect.gather [hbm4b:s1+s17], $0x80, s13, s17, $0xb8;
	[tilespmem:$0x1E600] =	vst v63  }
0x39c: {  	s12 =	sshll.u32 s11, $0x4  }
0x39d: {  	s13 =	simm.s32 $0x1AA00;
	s11 =	simm.s32 $0x0;
	s9 =	sadd.s32 s3, s12  }
0x39e: {  	[tilespmem:s13], [sflag:$0x12] =	stream.linear.gather [hbm4b:s9+s18], $0x1400, $0x38;
	[tilespmem:$0x1E600] =	vst v63  }
0x39f: {  	v1 =	vld [tilespmem:s11+$0x18270]  }
0x3a0: {  	v2 =	vld [tilespmem:s11+$0x14670]  }
0x3a1: {  	v3 =	vld [tilespmem:s11+$0x18200]  }
0x3a2: {  	v4 =	vld [tilespmem:s11+$0x14600]  }
0x3a3: {  	v5 =	vld [tilespmem:s11+$0x18210]  }
0x3a4: {  	v6 =	vld [tilespmem:s11+$0x14610]  }
0x3a5: {  	v7 =	vld [tilespmem:s11+$0x18220]  }
0x3a6: {  	v1 =	vadd.f32 v2, v1;
	v2 =	vld [tilespmem:s11+$0x14620]  }
0x3a7: {  	v8 =	vld [tilespmem:s11+$0x18230]  }
0x3a8: {  	v63 =	vld [tilespmem:s11+$0x14630];
	v3 =	vadd.f32 v4, v3  }
0x3a9: {  	v10 =	vld [tilespmem:s11+$0x18240];
	v1 =	vmax.f32 v1, $0.0e+00  }
0x3aa: {  	[tilespmem:s11+$0x1D270] =	vst v1;
	v1 =	vmax.f32 v3, $0.0e+00;
	v3 =	vadd.f32 v6, v5;
	v6 =	vld [tilespmem:s11+$0x14640]  }
0x3ab: {  	v4 =	vld [tilespmem:s11+$0x14650];
	v2 =	vadd.f32 v2, v7  }
0x3ac: {  	[tilespmem:s11+$0x1D200] =	vst v1;
	v1 =	vld [tilespmem:s11+$0x18250];
	v3 =	vmax.f32 v3, $0.0e+00  }
0x3ad: {  	v5 =	vld [tilespmem:s11+$0x14660];
	v7 =	vadd.f32 v63, v8;
	[tilespmem:s11+$0x1D210] =	vst v3;
	v3 =	vmax.f32 v2, $0.0e+00  }
0x3ae: {  	s9 =	simm.s32 $0x80;
	v2 =	vld [tilespmem:s11+$0x18260];
	[tilespmem:s11+$0x1D220] =	vst v3  }
0x3af: {  	s12 =	simm.s32 $0x400;
	v7 =	vmax.f32 v7, $0.0e+00;
	v6 =	vadd.f32 v6, v10;
	v3 =	vld [tilespmem:s9+$0x18270]  }
.LBB2_23:
0x3b0: {  	p0 =	sne.s32 s12, $0x4E00;
	v8 =	vld [tilespmem:s9+$0x14670];
	[tilespmem:s11+$0x1D230] =	vst v7  }
0x3b1: {  	v7 =	vld [tilespmem:s9+$0x18200];
	v6 =	vmax.f32 v6, $0.0e+00;
	v1 =	vadd.f32 v4, v1  }
0x3b2: {  	v4 =	vld [tilespmem:s9+$0x14600];
	[tilespmem:s11+$0x1D240] =	vst v6  }
0x3b3: {  	v6 =	vld [tilespmem:s9+$0x18210];
	v1 =	vmax.f32 v1, $0.0e+00;
	v2 =	vadd.f32 v5, v2  }
0x3b4: {  	v5 =	vld [tilespmem:s9+$0x14610];
	[tilespmem:s11+$0x1D250] =	vst v1  }
0x3b5: {  	v1 =	vld [tilespmem:s9+$0x18220];
	v3 =	vadd.f32 v8, v3;
	v2 =	vmax.f32 v2, $0.0e+00  }
0x3b6: {  	v8 =	vld [tilespmem:s9+$0x14620];
	[tilespmem:s11+$0x1D260] =	vst v2;
	s11 =	smov.u32 s9  }
0x3b7: {  	v2 =	vadd.f32 v4, v7;
	v7 =	vld [tilespmem:s11+$0x18230];
	v3 =	vmax.f32 v3, $0.0e+00  }
0x3b8: {  	v9 =	vld [tilespmem:s11+$0x14630];
	[tilespmem:s11+$0x1D270] =	vst v3  }
0x3b9: {  	v2 =	vmax.f32 v2, $0.0e+00;
	v3 =	vadd.f32 v5, v6;
	v6 =	vld [tilespmem:s11+$0x18240]  }
0x3ba: {  	[tilespmem:s11+$0x1D200] =	vst v2;
	v10 =	vld [tilespmem:s11+$0x14640]  }
.Ltmp10:
0x3bb: {  	v2 =	vmax.f32 v3, $0.0e+00;
	v3 =	vadd.f32 v8, v1;
	v1 =	vld [tilespmem:s11+$0x18250];
	(pc) =	sbr.rel @p0 .LBB2_23-.Ltmp10, $4  }
0x3bc: {  	[tilespmem:s11+$0x1D210] =	vst v2;
	v4 =	vld [tilespmem:s11+$0x14650]  }
0x3bd: {  	v3 =	vmax.f32 v3, $0.0e+00;
	v7 =	vadd.f32 v9, v7;
	v2 =	vld [tilespmem:s11+$0x18260]  }
0x3be: {  	s9 =	sshra.s32 s12, $0x2;
	[tilespmem:s11+$0x1D220] =	vst v3;
	v5 =	vld [tilespmem:s11+$0x14660]  }
0x3bf: {  	s12 =	sadd.s32 $0x200, s12;
	v3 =	vld [tilespmem:s9+$0x18270];
	v7 =	vmax.f32 v7, $0.0e+00;
	v6 =	vadd.f32 v10, v6  }
0x3c0: {  	v8 =	vld [tilespmem:s9+$0x14670];
	[tilespmem:s11+$0x1D230] =	vst v7  }
0x3c1: {  	v7 =	vld [tilespmem:s9+$0x18200];
	v6 =	vmax.f32 v6, $0.0e+00;
	v1 =	vadd.f32 v4, v1  }
0x3c2: {  	v9 =	vld [tilespmem:s9+$0x14600];
	[tilespmem:s11+$0x1D240] =	vst v6  }
0x3c3: {  	v4 =	vld [tilespmem:s9+$0x18210];
	v1 =	vmax.f32 v1, $0.0e+00;
	v2 =	vadd.f32 v5, v2  }
0x3c4: {  	v6 =	vld [tilespmem:s9+$0x14610];
	[tilespmem:s11+$0x1D250] =	vst v1  }
0x3c5: {  	v1 =	vld [tilespmem:s9+$0x18220];
	v2 =	vmax.f32 v2, $0.0e+00  }
0x3c6: {  	v5 =	vld [tilespmem:s9+$0x14620];
	v3 =	vadd.f32 v8, v3;
	[tilespmem:s11+$0x1D260] =	vst v2  }
0x3c7: {  	v7 =	vadd.f32 v9, v7;
	v2 =	vld [tilespmem:s9+$0x18230]  }
0x3c8: {  	v3 =	vmax.f32 v3, $0.0e+00;
	v8 =	vld [tilespmem:s9+$0x14630]  }
0x3c9: {  	[tilespmem:s9+$0x1D270] =	vst v3;
	v3 =	vmax.f32 v7, $0.0e+00;
	v7 =	vld [tilespmem:s9+$0x18240]  }
0x3ca: {  	v4 =	vadd.f32 v6, v4;
	v6 =	vld [tilespmem:s9+$0x18250]  }
0x3cb: {  	[tilespmem:s9+$0x1D200] =	vst v3;
	v3 =	vld [tilespmem:s9+$0x14640];
	v1 =	vadd.f32 v5, v1  }
0x3cc: {  	v4 =	vmax.f32 v4, $0.0e+00;
	v5 =	vld [tilespmem:s9+$0x18260]  }
0x3cd: {  	[tilespmem:s9+$0x1D210] =	vst v4;
	v4 =	vld [tilespmem:s9+$0x14650];
	v1 =	vmax.f32 v1, $0.0e+00  }
0x3ce: {  	[tilespmem:s9+$0x1D220] =	vst v1;
	v1 =	vld [tilespmem:s9+$0x14660];
	_ =	sdelay $0x1  }
0x3cf: {  	v2 =	vadd.f32 v8, v2  }
0x3d0: {  	v3 =	vadd.f32 v3, v7  }
0x3d1: {  	v2 =	vmax.f32 v2, $0.0e+00;
	v4 =	vadd.f32 v4, v6  }
0x3d2: {  	[tilespmem:s9+$0x1D230] =	vst v2;
	v2 =	vmax.f32 v3, $0.0e+00;
	v1 =	vadd.f32 v1, v5  }
0x3d3: {  	[tilespmem:s9+$0x1D240] =	vst v2;
	v2 =	vmax.f32 v4, $0.0e+00  }
0x3d4: {  	[tilespmem:s9+$0x1D250] =	vst v2;
	v1 =	vmax.f32 v1, $0.0e+00  }
0x3d5: {  	s13 =	simm.s32 $0x14480;
	s18 =	simm.s32 $0x1D200;
	[tilespmem:s9+$0x1D260] =	vst v1  }
0x3d6: {  	[spmem:s5] =	stream.indirect.scatter.add.f32 [tilespmem:s18], [sflag:$0x14], $0x80, s13, s17, $0xb8;
	[tilespmem:$0x1E600] =	vst v63  }
0x3d7: {  	_ =	swait.ge [sflag:s0], $0x1400  }
0x3d8: {  	[sflag:s0] =	ssyncset.done $0x0  }
0x3d9: {  	[sflag:s0] =	ssyncadd.s32 $0xFFFFEC00  }
0x3da: {  	_ =	swait.ge [sflag:s14], $0x1400  }
0x3db: {  	[sflag:s14] =	ssyncset.done $0x0  }
0x3dc: {  	[sflag:s14] =	ssyncadd.s32 $0xFFFFEC00  }
0x3dd: {  	_ =	swait.ge [sflag:s31], $0x1400  }
0x3de: {  	s11 =	rddreg [dreg:$0x1e]  }
0x3df: {  	s11 =	sadd.s32 s28, s11  }
0x3e0: {  	s18 =	simm.s32 $0x0;
	[sflag:s31] =	ssyncset.done $0x0;
	s9 =	sshrl.u32 s11, $0x3  }
0x3e1: {  	s13 =	simm.s32 $0x14080;
	[sflag:s31] =	ssyncadd.s32 $0xFFFFEC00;
	s12 =	sadd.s32 s7, s9  }
0x3e2: {  	[tilespmem:s13], [sflag:$0x2] =	stream.linear.gather [hbm4b:s12+s18], $0x28, $0x38;
	[tilespmem:$0x1E600] =	vst v63  }
0x3e3: {  	s9 =	sadd.s32 s2, s9;
	s13 =	simm.s32 $0x14380;
	s12 =	simm.s32 $0x1  }
0x3e4: {  	[tilespmem:s13], [sflag:$0x8] =	stream.linear.gather [hbm4b:s9+s18], $0x28, $0x38;
	[tilespmem:$0x1E600] =	vst v63  }
0x3e5: {  	_ =	swait.ge [sflag:s12], $0x28  }
0x3e6: {  	[sflag:s12] =	ssyncset.done $0x0  }
0x3e7: {  	[sflag:s12] =	ssyncadd.s32 $0xFFFFFFD8  }
0x3e8: {  	_ =	swait.ge [sflag:s16], $0x28  }
0x3e9: {  	s4 =	sshll.u32 s4, $0x4;
	[sflag:s16] =	ssyncset.done $0x0  }
0x3ea: {  	s9 =	simm.s32 $0x14000;
	s12 =	simm.s32 $0x14600;
	[sflag:s16] =	ssyncadd.s32 $0xFFFFFFD8  }
0x3eb: {  	[tilespmem:s12], [sflag:$0xD] =	stream.indirect.gather [hbm4b:s1+s17], $0x80, s9, s17, $0xb8;
	[tilespmem:$0x1E600] =	vst v63  }
0x3ec: {  	s4 =	sadd.s32 s3, s4;
	s12 =	simm.s32 $0x18200  }
0x3ed: {  	[tilespmem:s12], [sflag:$0x10] =	stream.linear.gather [hbm4b:s4+s18], $0x1400, $0x38;
	[tilespmem:$0x1E600] =	vst v63  }
0x3ee: {  	s4 =	simm.s32 $0x0  }
0x3ef: {  	v1 =	vld [tilespmem:s4+$0x19670]  }
0x3f0: {  	v2 =	vld [tilespmem:s4+$0x15A70]  }
0x3f1: {  	v3 =	vld [tilespmem:s4+$0x19600]  }
0x3f2: {  	v4 =	vld [tilespmem:s4+$0x15A00]  }
0x3f3: {  	v5 =	vld [tilespmem:s4+$0x19610]  }
0x3f4: {  	v6 =	vld [tilespmem:s4+$0x15A10]  }
0x3f5: {  	v7 =	vld [tilespmem:s4+$0x19620]  }
0x3f6: {  	v1 =	vadd.f32 v2, v1;
	v2 =	vld [tilespmem:s4+$0x15A20]  }
0x3f7: {  	v8 =	vld [tilespmem:s4+$0x19630]  }
0x3f8: {  	v63 =	vld [tilespmem:s4+$0x15A30];
	v3 =	vadd.f32 v4, v3  }
0x3f9: {  	v10 =	vld [tilespmem:s4+$0x19640];
	v1 =	vmax.f32 v1, $0.0e+00  }
0x3fa: {  	[tilespmem:s4+$0x1BE70] =	vst v1;
	v1 =	vmax.f32 v3, $0.0e+00;
	v3 =	vadd.f32 v6, v5;
	v6 =	vld [tilespmem:s4+$0x15A40]  }
0x3fb: {  	v4 =	vld [tilespmem:s4+$0x15A50];
	v2 =	vadd.f32 v2, v7  }
0x3fc: {  	[tilespmem:s4+$0x1BE00] =	vst v1;
	v1 =	vld [tilespmem:s4+$0x19650];
	v3 =	vmax.f32 v3, $0.0e+00  }
0x3fd: {  	v5 =	vld [tilespmem:s4+$0x15A60];
	v7 =	vadd.f32 v63, v8;
	[tilespmem:s4+$0x1BE10] =	vst v3;
	v3 =	vmax.f32 v2, $0.0e+00  }
0x3fe: {  	s9 =	simm.s32 $0x80;
	v2 =	vld [tilespmem:s4+$0x19660];
	[tilespmem:s4+$0x1BE20] =	vst v3  }
0x3ff: {  	s12 =	simm.s32 $0x400;
	v7 =	vmax.f32 v7, $0.0e+00;
	v6 =	vadd.f32 v6, v10;
	v3 =	vld [tilespmem:s9+$0x19670]  }
.LBB2_25:
0x400: {  	p0 =	sne.s32 s12, $0x4E00;
	v8 =	vld [tilespmem:s9+$0x15A70];
	[tilespmem:s4+$0x1BE30] =	vst v7  }
0x401: {  	v7 =	vld [tilespmem:s9+$0x19600];
	v6 =	vmax.f32 v6, $0.0e+00;
	v1 =	vadd.f32 v4, v1  }
0x402: {  	v4 =	vld [tilespmem:s9+$0x15A00];
	[tilespmem:s4+$0x1BE40] =	vst v6  }
0x403: {  	v6 =	vld [tilespmem:s9+$0x19610];
	v1 =	vmax.f32 v1, $0.0e+00;
	v2 =	vadd.f32 v5, v2  }
0x404: {  	v5 =	vld [tilespmem:s9+$0x15A10];
	[tilespmem:s4+$0x1BE50] =	vst v1  }
0x405: {  	v1 =	vld [tilespmem:s9+$0x19620];
	v3 =	vadd.f32 v8, v3;
	v2 =	vmax.f32 v2, $0.0e+00  }
0x406: {  	v8 =	vld [tilespmem:s9+$0x15A20];
	[tilespmem:s4+$0x1BE60] =	vst v2;
	s4 =	smov.u32 s9  }
0x407: {  	v2 =	vadd.f32 v4, v7;
	v7 =	vld [tilespmem:s4+$0x19630];
	v3 =	vmax.f32 v3, $0.0e+00  }
0x408: {  	v9 =	vld [tilespmem:s4+$0x15A30];
	[tilespmem:s4+$0x1BE70] =	vst v3  }
0x409: {  	v2 =	vmax.f32 v2, $0.0e+00;
	v3 =	vadd.f32 v5, v6;
	v6 =	vld [tilespmem:s4+$0x19640]  }
0x40a: {  	[tilespmem:s4+$0x1BE00] =	vst v2;
	v10 =	vld [tilespmem:s4+$0x15A40]  }
.Ltmp11:
0x40b: {  	v2 =	vmax.f32 v3, $0.0e+00;
	v3 =	vadd.f32 v8, v1;
	v1 =	vld [tilespmem:s4+$0x19650];
	(pc) =	sbr.rel @p0 .LBB2_25-.Ltmp11, $4  }
0x40c: {  	[tilespmem:s4+$0x1BE10] =	vst v2;
	v4 =	vld [tilespmem:s4+$0x15A50]  }
0x40d: {  	v3 =	vmax.f32 v3, $0.0e+00;
	v7 =	vadd.f32 v9, v7;
	v2 =	vld [tilespmem:s4+$0x19660]  }
0x40e: {  	s9 =	sshra.s32 s12, $0x2;
	[tilespmem:s4+$0x1BE20] =	vst v3;
	v5 =	vld [tilespmem:s4+$0x15A60]  }
0x40f: {  	s12 =	sadd.s32 $0x200, s12;
	v3 =	vld [tilespmem:s9+$0x19670];
	v7 =	vmax.f32 v7, $0.0e+00;
	v6 =	vadd.f32 v10, v6  }
0x410: {  	v8 =	vld [tilespmem:s9+$0x15A70];
	[tilespmem:s4+$0x1BE30] =	vst v7  }
0x411: {  	v7 =	vld [tilespmem:s9+$0x19600];
	v6 =	vmax.f32 v6, $0.0e+00;
	v1 =	vadd.f32 v4, v1  }
0x412: {  	v9 =	vld [tilespmem:s9+$0x15A00];
	[tilespmem:s4+$0x1BE40] =	vst v6  }
0x413: {  	v4 =	vld [tilespmem:s9+$0x19610];
	v1 =	vmax.f32 v1, $0.0e+00;
	v2 =	vadd.f32 v5, v2  }
0x414: {  	v6 =	vld [tilespmem:s9+$0x15A10];
	[tilespmem:s4+$0x1BE50] =	vst v1  }
0x415: {  	v1 =	vld [tilespmem:s9+$0x19620];
	v2 =	vmax.f32 v2, $0.0e+00  }
0x416: {  	v5 =	vld [tilespmem:s9+$0x15A20];
	v3 =	vadd.f32 v8, v3;
	[tilespmem:s4+$0x1BE60] =	vst v2  }
0x417: {  	v7 =	vadd.f32 v9, v7;
	v2 =	vld [tilespmem:s9+$0x19630]  }
0x418: {  	v3 =	vmax.f32 v3, $0.0e+00;
	v8 =	vld [tilespmem:s9+$0x15A30]  }
0x419: {  	[tilespmem:s9+$0x1BE70] =	vst v3;
	v3 =	vmax.f32 v7, $0.0e+00;
	v7 =	vld [tilespmem:s9+$0x19640]  }
0x41a: {  	v4 =	vadd.f32 v6, v4;
	v6 =	vld [tilespmem:s9+$0x19650]  }
0x41b: {  	[tilespmem:s9+$0x1BE00] =	vst v3;
	v3 =	vld [tilespmem:s9+$0x15A40];
	v1 =	vadd.f32 v5, v1  }
0x41c: {  	v4 =	vmax.f32 v4, $0.0e+00;
	v5 =	vld [tilespmem:s9+$0x19660]  }
0x41d: {  	[tilespmem:s9+$0x1BE10] =	vst v4;
	v4 =	vld [tilespmem:s9+$0x15A50];
	v1 =	vmax.f32 v1, $0.0e+00  }
0x41e: {  	[tilespmem:s9+$0x1BE20] =	vst v1;
	v1 =	vld [tilespmem:s9+$0x15A60];
	_ =	sdelay $0x1  }
0x41f: {  	v2 =	vadd.f32 v8, v2  }
0x420: {  	v3 =	vadd.f32 v3, v7  }
0x421: {  	v2 =	vmax.f32 v2, $0.0e+00;
	v4 =	vadd.f32 v4, v6  }
0x422: {  	[tilespmem:s9+$0x1BE30] =	vst v2;
	v2 =	vmax.f32 v3, $0.0e+00;
	v1 =	vadd.f32 v1, v5  }
0x423: {  	[tilespmem:s9+$0x1BE40] =	vst v2;
	v2 =	vmax.f32 v4, $0.0e+00  }
0x424: {  	[tilespmem:s9+$0x1BE50] =	vst v2;
	v1 =	vmax.f32 v1, $0.0e+00  }
0x425: {  	s12 =	simm.s32 $0x14500;
	[tilespmem:s9+$0x1BE60] =	vst v1  }
0x426: {  	[spmem:s5] =	stream.indirect.scatter.add.f32 [tilespmem:s26], [sflag:$0x13], $0x80, s12, s17, $0xb8;
	[tilespmem:$0x1E600] =	vst v63  }
0x427: {  	_ =	swait.ge [sflag:s30], $0x1400  }
0x428: {  	[sflag:s30] =	ssyncset.done $0x0  }
0x429: {  	[sflag:s30] =	ssyncadd.s32 $0xFFFFEC00  }
0x42a: {  	_ =	swait.ge [sflag:s29], $0x1400  }
0x42b: {  	[sflag:s29] =	ssyncset.done $0x0  }
0x42c: {  	[sflag:s29] =	ssyncadd.s32 $0xFFFFEC00  }
0x42d: {  	_ =	swait.ge [sflag:s10], $0x1400  }
0x42e: {  	s18 =	sld [smem:$0x7E5];
	_ =	sdelay $0x2  }
0x42f: {  	s4 =	sadd.s32 s28, s18  }
0x430: {  	s12 =	simm.s32 $0x0;
	[sflag:s10] =	ssyncset.done $0x0;
	s4 =	sshrl.u32 s4, $0x3  }
0x431: {  	[sflag:s10] =	ssyncadd.s32 $0xFFFFEC00;
	s18 =	simm.s32 $0x14100;
	s28 =	sadd.s32 s7, s4  }
0x432: {  	[tilespmem:s18], [sflag:$0x3] =	stream.linear.gather [hbm4b:s28+s12], $0x28, $0x38;
	[tilespmem:$0x1E600] =	vst v63  }
0x433: {  	s4 =	sadd.s32 s2, s4;
	s28 =	simm.s32 $0x14400  }
0x434: {  	[tilespmem:s28], [sflag:$0x9] =	stream.linear.gather [hbm4b:s4+s12], $0x28, $0x38;
	[tilespmem:$0x1E600] =	vst v63  }
0x435: {  	_ =	swait.ge [sflag:s20], $0x28  }
0x436: {  	[sflag:s20] =	ssyncset.done $0x0  }
0x437: {  	[sflag:s20] =	ssyncadd.s32 $0xFFFFFFD8  }
0x438: {  	_ =	swait.ge [sflag:s22], $0x28  }
0x439: {  	[sflag:s22] =	ssyncset.done $0x0  }
0x43a: {  	s18 =	simm.s32 $0x14080;
	s28 =	simm.s32 $0x15A00;
	[sflag:s22] =	ssyncadd.s32 $0xFFFFFFD8  }
0x43b: {  	[tilespmem:s28], [sflag:$0xE] =	stream.indirect.gather [hbm4b:s1+s17], $0x80, s18, s17, $0xb8;
	[tilespmem:$0x1E600] =	vst v63  }
0x43c: {  	s18 =	sshll.u32 s11, $0x4  }
0x43d: {  	s28 =	simm.s32 $0x19600;
	s4 =	sadd.s32 s3, s18  }
0x43e: {  	[tilespmem:s28], [sflag:$0x11] =	stream.linear.gather [hbm4b:s4+s12], $0x1400, $0x38;
	[tilespmem:$0x1E600] =	vst v63  }
0x43f: {  	s4 =	simm.s32 $0x0  }
0x440: {  	v1 =	vld [tilespmem:s4+$0x1AA70]  }
0x441: {  	v2 =	vld [tilespmem:s4+$0x16E70]  }
0x442: {  	v3 =	vld [tilespmem:s4+$0x1AA00]  }
0x443: {  	v4 =	vld [tilespmem:s4+$0x16E00]  }
0x444: {  	v5 =	vld [tilespmem:s4+$0x1AA10]  }
0x445: {  	v6 =	vld [tilespmem:s4+$0x16E10]  }
0x446: {  	v7 =	vld [tilespmem:s4+$0x1AA20]  }
0x447: {  	v1 =	vadd.f32 v2, v1;
	v2 =	vld [tilespmem:s4+$0x16E20]  }
0x448: {  	v8 =	vld [tilespmem:s4+$0x1AA30]  }
0x449: {  	v63 =	vld [tilespmem:s4+$0x16E30];
	v3 =	vadd.f32 v4, v3  }
0x44a: {  	v10 =	vld [tilespmem:s4+$0x1AA40];
	v1 =	vmax.f32 v1, $0.0e+00  }
0x44b: {  	[tilespmem:s4+$0x1D270] =	vst v1;
	v1 =	vmax.f32 v3, $0.0e+00;
	v3 =	vadd.f32 v6, v5;
	v6 =	vld [tilespmem:s4+$0x16E40]  }
0x44c: {  	v4 =	vld [tilespmem:s4+$0x16E50];
	v2 =	vadd.f32 v2, v7  }
0x44d: {  	[tilespmem:s4+$0x1D200] =	vst v1;
	v1 =	vld [tilespmem:s4+$0x1AA50];
	v3 =	vmax.f32 v3, $0.0e+00  }
0x44e: {  	v5 =	vld [tilespmem:s4+$0x16E60];
	v7 =	vadd.f32 v63, v8;
	[tilespmem:s4+$0x1D210] =	vst v3;
	v3 =	vmax.f32 v2, $0.0e+00  }
0x44f: {  	s9 =	simm.s32 $0x80;
	v2 =	vld [tilespmem:s4+$0x1AA60];
	[tilespmem:s4+$0x1D220] =	vst v3  }
0x450: {  	s11 =	simm.s32 $0x400;
	v7 =	vmax.f32 v7, $0.0e+00;
	v6 =	vadd.f32 v6, v10;
	v3 =	vld [tilespmem:s9+$0x1AA70]  }
.LBB2_27:
0x451: {  	p0 =	sne.s32 s11, $0x4E00;
	v8 =	vld [tilespmem:s9+$0x16E70];
	[tilespmem:s4+$0x1D230] =	vst v7  }
0x452: {  	v7 =	vld [tilespmem:s9+$0x1AA00];
	v6 =	vmax.f32 v6, $0.0e+00;
	v1 =	vadd.f32 v4, v1  }
0x453: {  	v4 =	vld [tilespmem:s9+$0x16E00];
	[tilespmem:s4+$0x1D240] =	vst v6  }
0x454: {  	v6 =	vld [tilespmem:s9+$0x1AA10];
	v1 =	vmax.f32 v1, $0.0e+00;
	v2 =	vadd.f32 v5, v2  }
0x455: {  	v5 =	vld [tilespmem:s9+$0x16E10];
	[tilespmem:s4+$0x1D250] =	vst v1  }
0x456: {  	v1 =	vld [tilespmem:s9+$0x1AA20];
	v3 =	vadd.f32 v8, v3;
	v2 =	vmax.f32 v2, $0.0e+00  }
0x457: {  	v8 =	vld [tilespmem:s9+$0x16E20];
	[tilespmem:s4+$0x1D260] =	vst v2;
	s4 =	smov.u32 s9  }
0x458: {  	v2 =	vadd.f32 v4, v7;
	v7 =	vld [tilespmem:s4+$0x1AA30];
	v3 =	vmax.f32 v3, $0.0e+00  }
0x459: {  	v9 =	vld [tilespmem:s4+$0x16E30];
	[tilespmem:s4+$0x1D270] =	vst v3  }
0x45a: {  	v2 =	vmax.f32 v2, $0.0e+00;
	v3 =	vadd.f32 v5, v6;
	v6 =	vld [tilespmem:s4+$0x1AA40]  }
0x45b: {  	[tilespmem:s4+$0x1D200] =	vst v2;
	v10 =	vld [tilespmem:s4+$0x16E40]  }
.Ltmp12:
0x45c: {  	v2 =	vmax.f32 v3, $0.0e+00;
	v3 =	vadd.f32 v8, v1;
	v1 =	vld [tilespmem:s4+$0x1AA50];
	(pc) =	sbr.rel @p0 .LBB2_27-.Ltmp12, $4  }
0x45d: {  	[tilespmem:s4+$0x1D210] =	vst v2;
	v4 =	vld [tilespmem:s4+$0x16E50]  }
0x45e: {  	v3 =	vmax.f32 v3, $0.0e+00;
	v7 =	vadd.f32 v9, v7;
	v2 =	vld [tilespmem:s4+$0x1AA60]  }
0x45f: {  	s9 =	sshra.s32 s11, $0x2;
	[tilespmem:s4+$0x1D220] =	vst v3;
	v5 =	vld [tilespmem:s4+$0x16E60]  }
0x460: {  	s11 =	sadd.s32 $0x200, s11;
	v3 =	vld [tilespmem:s9+$0x1AA70];
	v7 =	vmax.f32 v7, $0.0e+00;
	v6 =	vadd.f32 v10, v6  }
0x461: {  	v8 =	vld [tilespmem:s9+$0x16E70];
	[tilespmem:s4+$0x1D230] =	vst v7  }
0x462: {  	v7 =	vld [tilespmem:s9+$0x1AA00];
	v6 =	vmax.f32 v6, $0.0e+00;
	v1 =	vadd.f32 v4, v1  }
0x463: {  	v9 =	vld [tilespmem:s9+$0x16E00];
	[tilespmem:s4+$0x1D240] =	vst v6  }
0x464: {  	v57 =	vld [tilespmem:s9+$0x1AA10];
	v1 =	vmax.f32 v1, $0.0e+00;
	v2 =	vadd.f32 v5, v2  }
0x465: {  	v6 =	vld [tilespmem:s9+$0x16E10];
	[tilespmem:s4+$0x1D250] =	vst v1  }
0x466: {  	v1 =	vld [tilespmem:s9+$0x1AA20];
	v2 =	vmax.f32 v2, $0.0e+00  }
0x467: {  	v58 =	vld [tilespmem:s9+$0x16E20];
	[tilespmem:s4+$0x1D260] =	vst v2  }
0x468: {  	v2 =	vld [tilespmem:s9+$0x1AA30]  }
0x469: {  	v3 =	vadd.f32 v8, v3;
	v59 =	vld [tilespmem:s9+$0x16E30]  }
0x46a: {  	v7 =	vadd.f32 v9, v7;
	v60 =	vld [tilespmem:s9+$0x1AA40]  }
0x46b: {  	v3 =	vmax.f32 v3, $0.0e+00;
	v61 =	vld [tilespmem:s9+$0x1AA50]  }
0x46c: {  	v62 =	vld [tilespmem:s9+$0x16E50];
	[tilespmem:s9+$0x1D270] =	vst v3;
	v3 =	vmax.f32 v7, $0.0e+00;
	v1 =	vadd.f32 v58, v1  }
0x46d: {  	[tilespmem:s9+$0x1D200] =	vst v3;
	v3 =	vld [tilespmem:s9+$0x16E40]  }
0x46e: {  	v63 =	vld [tilespmem:s9+$0x1AA60];
	v1 =	vmax.f32 v1, $0.0e+00  }
0x46f: {  	[tilespmem:s9+$0x1D220] =	vst v1;
	v1 =	vld [tilespmem:s9+$0x16E60]  }
0x470: {  	v4 =	vadd.f32 v6, v57  }
0x471: {  	v2 =	vadd.f32 v59, v2  }
0x472: {  	s19 =	sadd.s32 $0x1, s19;
	v4 =	vmax.f32 v4, $0.0e+00;
	v3 =	vadd.f32 v3, v60  }
0x473: {  	p0 =	sne.s32 s19, $0x29;
	[tilespmem:s9+$0x1D210] =	vst v4;
	v4 =	vadd.f32 v62, v61;
	v2 =	vmax.f32 v2, $0.0e+00  }
.Ltmp13:
0x474: {  	[tilespmem:s9+$0x1D230] =	vst v2;
	v2 =	vmax.f32 v3, $0.0e+00;
	v1 =	vadd.f32 v1, v63;
	(pc) =	sbr.rel @p0 .LBB2_16-.Ltmp13, $4  }
0x475: {  	[tilespmem:s9+$0x1D240] =	vst v2;
	v2 =	vmax.f32 v4, $0.0e+00  }
0x476: {  	[tilespmem:s9+$0x1D250] =	vst v2;
	v1 =	vmax.f32 v1, $0.0e+00  }
0x477: {  	s18 =	simm.s32 $0x1D200;
	s28 =	simm.s32 $0x14580;
	[tilespmem:s9+$0x1D260] =	vst v1  }
0x478: {  	[spmem:s5] =	stream.indirect.scatter.add.f32 [tilespmem:s18], [sflag:$0x14], $0x80, s28, s17, $0xb8;
	[tilespmem:$0x1E600] =	vst v63  }
0x479: {  	_ =	swait.ge [sflag:s8], $0x1400  }
0x47a: {  	[sflag:s8] =	ssyncset.done $0x0  }
0x47b: {  	[sflag:s8] =	ssyncadd.s32 $0xFFFFEC00  }
0x47c: {  	_ =	swait.ge [sflag:s6], $0x1400  }
0x47d: {  	[sflag:s6] =	ssyncset.done $0x0  }
0x47e: {  	[sflag:s6] =	ssyncadd.s32 $0xFFFFEC00  }
0x47f: {  	_ =	swait.ge [sflag:s31], $0x1400  }
0x480: {  	s9 =	sld [smem:$0x7E9]  }
0x481: {  	s4 =	simm.s32 $0x0;
	[sflag:s31] =	ssyncset.done $0x0  }
0x482: {  	s11 =	simm.s32 $0x14180;
	s19 =	sld [smem:$0x7EA];
	[sflag:s31] =	ssyncadd.s32 $0xFFFFEC00  }
0x483: {  	[tilespmem:s11], [sflag:$0x4] =	stream.linear.gather [hbm4b:s9+s4], $0x28, $0x38;
	[tilespmem:$0x1E600] =	vst v63  }
0x484: {  	s28 =	simm.s32 $0x14480  }
0x485: {  	[tilespmem:s28], [sflag:$0xA] =	stream.linear.gather [hbm4b:s19+s4], $0x28, $0x38;
	[tilespmem:$0x1E600] =	vst v63  }
0x486: {  	_ =	swait.ge [sflag:s15], $0x28  }
0x487: {  	[sflag:s15] =	ssyncset.done $0x0  }
0x488: {  	[sflag:s15] =	ssyncadd.s32 $0xFFFFFFD8  }
0x489: {  	_ =	swait.ge [sflag:s21], $0x28  }
0x48a: {  	s12 =	simm.s32 $0x14100;
	[sflag:s21] =	ssyncset.done $0x0  }
0x48b: {  	s18 =	simm.s32 $0x16E00;
	s19 =	sld [smem:$0x7EB];
	[sflag:s21] =	ssyncadd.s32 $0xFFFFFFD8  }
0x48c: {  	[tilespmem:s18], [sflag:$0xF] =	stream.indirect.gather [hbm4b:s1+s17], $0x80, s12, s17, $0xb8;
	[tilespmem:$0x1E600] =	vst v63  }
0x48d: {  	s28 =	simm.s32 $0x1AA00  }
0x48e: {  	[tilespmem:s28], [sflag:$0x12] =	stream.linear.gather [hbm4b:s19+s4], $0x1400, $0x38;
	[tilespmem:$0x1E600] =	vst v63  }
0x48f: {  	s4 =	simm.s32 $0x0  }
0x490: {  	v1 =	vld [tilespmem:s4+$0x18270]  }
0x491: {  	v2 =	vld [tilespmem:s4+$0x14670]  }
0x492: {  	v3 =	vld [tilespmem:s4+$0x18200]  }
0x493: {  	v4 =	vld [tilespmem:s4+$0x14600]  }
0x494: {  	v5 =	vld [tilespmem:s4+$0x18210]  }
0x495: {  	v6 =	vld [tilespmem:s4+$0x14610]  }
0x496: {  	v7 =	vld [tilespmem:s4+$0x18220]  }
0x497: {  	v1 =	vadd.f32 v2, v1;
	v2 =	vld [tilespmem:s4+$0x14620]  }
0x498: {  	v8 =	vld [tilespmem:s4+$0x18230]  }
0x499: {  	v9 =	vld [tilespmem:s4+$0x14630];
	v3 =	vadd.f32 v4, v3  }
0x49a: {  	v10 =	vld [tilespmem:s4+$0x18240];
	v1 =	vmax.f32 v1, $0.0e+00  }
0x49b: {  	[tilespmem:s4+$0x1BE70] =	vst v1;
	v1 =	vmax.f32 v3, $0.0e+00;
	v3 =	vadd.f32 v6, v5;
	v6 =	vld [tilespmem:s4+$0x14640]  }
0x49c: {  	v4 =	vld [tilespmem:s4+$0x14650];
	v2 =	vadd.f32 v2, v7  }
0x49d: {  	[tilespmem:s4+$0x1BE00] =	vst v1;
	v1 =	vld [tilespmem:s4+$0x18250];
	v3 =	vmax.f32 v3, $0.0e+00  }
0x49e: {  	v5 =	vld [tilespmem:s4+$0x14660];
	v7 =	vadd.f32 v9, v8;
	[tilespmem:s4+$0x1BE10] =	vst v3;
	v3 =	vmax.f32 v2, $0.0e+00  }
0x49f: {  	s9 =	simm.s32 $0x80;
	v2 =	vld [tilespmem:s4+$0x18260];
	[tilespmem:s4+$0x1BE20] =	vst v3  }
0x4a0: {  	s11 =	simm.s32 $0x400;
	v7 =	vmax.f32 v7, $0.0e+00;
	v6 =	vadd.f32 v6, v10;
	v3 =	vld [tilespmem:s9+$0x18270]  }
.LBB2_30:
0x4a1: {  	p0 =	sne.s32 s11, $0x4E00;
	v8 =	vld [tilespmem:s9+$0x14670];
	[tilespmem:s4+$0x1BE30] =	vst v7  }
0x4a2: {  	v7 =	vld [tilespmem:s9+$0x18200];
	v6 =	vmax.f32 v6, $0.0e+00;
	v1 =	vadd.f32 v4, v1  }
0x4a3: {  	v4 =	vld [tilespmem:s9+$0x14600];
	[tilespmem:s4+$0x1BE40] =	vst v6  }
0x4a4: {  	v6 =	vld [tilespmem:s9+$0x18210];
	v1 =	vmax.f32 v1, $0.0e+00;
	v2 =	vadd.f32 v5, v2  }
0x4a5: {  	v5 =	vld [tilespmem:s9+$0x14610];
	[tilespmem:s4+$0x1BE50] =	vst v1  }
0x4a6: {  	v1 =	vld [tilespmem:s9+$0x18220];
	v3 =	vadd.f32 v8, v3;
	v2 =	vmax.f32 v2, $0.0e+00  }
0x4a7: {  	v8 =	vld [tilespmem:s9+$0x14620];
	[tilespmem:s4+$0x1BE60] =	vst v2;
	s4 =	smov.u32 s9  }
0x4a8: {  	v2 =	vadd.f32 v4, v7;
	v7 =	vld [tilespmem:s4+$0x18230];
	v3 =	vmax.f32 v3, $0.0e+00  }
0x4a9: {  	v9 =	vld [tilespmem:s4+$0x14630];
	[tilespmem:s4+$0x1BE70] =	vst v3  }
0x4aa: {  	v2 =	vmax.f32 v2, $0.0e+00;
	v3 =	vadd.f32 v5, v6;
	v6 =	vld [tilespmem:s4+$0x18240]  }
0x4ab: {  	[tilespmem:s4+$0x1BE00] =	vst v2;
	v10 =	vld [tilespmem:s4+$0x14640]  }
.Ltmp14:
0x4ac: {  	v2 =	vmax.f32 v3, $0.0e+00;
	v3 =	vadd.f32 v8, v1;
	v1 =	vld [tilespmem:s4+$0x18250];
	(pc) =	sbr.rel @p0 .LBB2_30-.Ltmp14, $4  }
0x4ad: {  	[tilespmem:s4+$0x1BE10] =	vst v2;
	v4 =	vld [tilespmem:s4+$0x14650]  }
0x4ae: {  	v3 =	vmax.f32 v3, $0.0e+00;
	v7 =	vadd.f32 v9, v7;
	v2 =	vld [tilespmem:s4+$0x18260]  }
0x4af: {  	s9 =	sshra.s32 s11, $0x2;
	[tilespmem:s4+$0x1BE20] =	vst v3;
	v5 =	vld [tilespmem:s4+$0x14660]  }
0x4b0: {  	s11 =	sadd.s32 $0x200, s11;
	v3 =	vld [tilespmem:s9+$0x18270];
	v7 =	vmax.f32 v7, $0.0e+00;
	v6 =	vadd.f32 v10, v6  }
0x4b1: {  	v8 =	vld [tilespmem:s9+$0x14670];
	[tilespmem:s4+$0x1BE30] =	vst v7  }
0x4b2: {  	v7 =	vld [tilespmem:s9+$0x18200];
	v6 =	vmax.f32 v6, $0.0e+00;
	v1 =	vadd.f32 v4, v1  }
0x4b3: {  	v9 =	vld [tilespmem:s9+$0x14600];
	[tilespmem:s4+$0x1BE40] =	vst v6  }
0x4b4: {  	v4 =	vld [tilespmem:s9+$0x18210];
	v1 =	vmax.f32 v1, $0.0e+00;
	v2 =	vadd.f32 v5, v2  }
0x4b5: {  	v6 =	vld [tilespmem:s9+$0x14610];
	[tilespmem:s4+$0x1BE50] =	vst v1  }
0x4b6: {  	v1 =	vld [tilespmem:s9+$0x18220];
	v2 =	vmax.f32 v2, $0.0e+00  }
0x4b7: {  	v5 =	vld [tilespmem:s9+$0x14620];
	v3 =	vadd.f32 v8, v3;
	[tilespmem:s4+$0x1BE60] =	vst v2  }
0x4b8: {  	v7 =	vadd.f32 v9, v7;
	v2 =	vld [tilespmem:s9+$0x18230]  }
0x4b9: {  	v3 =	vmax.f32 v3, $0.0e+00;
	v8 =	vld [tilespmem:s9+$0x14630]  }
0x4ba: {  	[tilespmem:s9+$0x1BE70] =	vst v3;
	v3 =	vmax.f32 v7, $0.0e+00;
	v7 =	vld [tilespmem:s9+$0x18240]  }
0x4bb: {  	v4 =	vadd.f32 v6, v4;
	v6 =	vld [tilespmem:s9+$0x18250]  }
0x4bc: {  	[tilespmem:s9+$0x1BE00] =	vst v3;
	v3 =	vld [tilespmem:s9+$0x14640];
	v1 =	vadd.f32 v5, v1  }
0x4bd: {  	v4 =	vmax.f32 v4, $0.0e+00;
	v5 =	vld [tilespmem:s9+$0x18260]  }
0x4be: {  	[tilespmem:s9+$0x1BE10] =	vst v4;
	v4 =	vld [tilespmem:s9+$0x14650];
	v1 =	vmax.f32 v1, $0.0e+00  }
0x4bf: {  	[tilespmem:s9+$0x1BE20] =	vst v1;
	v1 =	vld [tilespmem:s9+$0x14660];
	_ =	sdelay $0x1  }
0x4c0: {  	v2 =	vadd.f32 v8, v2  }
0x4c1: {  	v3 =	vadd.f32 v3, v7  }
0x4c2: {  	v2 =	vmax.f32 v2, $0.0e+00;
	v4 =	vadd.f32 v4, v6  }
0x4c3: {  	[tilespmem:s9+$0x1BE30] =	vst v2;
	v2 =	vmax.f32 v3, $0.0e+00;
	v1 =	vadd.f32 v1, v5  }
0x4c4: {  	[tilespmem:s9+$0x1BE40] =	vst v2;
	v2 =	vmax.f32 v4, $0.0e+00  }
0x4c5: {  	[tilespmem:s9+$0x1BE50] =	vst v2;
	v1 =	vmax.f32 v1, $0.0e+00  }
0x4c6: {  	[tilespmem:s9+$0x1BE60] =	vst v1  }
0x4c7: {  	[spmem:s5] =	stream.indirect.scatter.add.f32 [tilespmem:s26], [sflag:$0x13], $0x80, s23, s17, $0xb8;
	[tilespmem:$0x1E600] =	vst v63  }
0x4c8: {  	_ =	swait.ge [sflag:s0], $0x1400  }
0x4c9: {  	[sflag:s0] =	ssyncset.done $0x0  }
0x4ca: {  	[sflag:s0] =	ssyncadd.s32 $0xFFFFEC00  }
0x4cb: {  	_ =	swait.ge [sflag:s14], $0x1400  }
0x4cc: {  	[sflag:s14] =	ssyncset.done $0x0  }
0x4cd: {  	[sflag:s14] =	ssyncadd.s32 $0xFFFFEC00  }
0x4ce: {  	_ =	swait.ge [sflag:s10], $0x1400  }
0x4cf: {  	[sflag:s10] =	ssyncset.done $0x0  }
0x4d0: {  	[sflag:s10] =	ssyncadd.s32 $0xFFFFEC00  }
0x4d1: {  	_ =	swait.ge [sflag:s24], $0x28  }
0x4d2: {  	[sflag:s24] =	ssyncset.done $0x0  }
0x4d3: {  	[sflag:s24] =	ssyncadd.s32 $0xFFFFFFD8  }
0x4d4: {  	_ =	swait.ge [sflag:s25], $0x28  }
0x4d5: {  	s12 =	simm.s32 $0x14600;
	[sflag:s25] =	ssyncset.done $0x0  }
0x4d6: {  	s18 =	simm.s32 $0x14180;
	s28 =	sld [smem:$0x7EC];
	[sflag:s25] =	ssyncadd.s32 $0xFFFFFFD8  }
0x4d7: {  	[tilespmem:s12], [sflag:$0xD] =	stream.indirect.gather [hbm4b:s1+s17], $0x80, s18, s17, $0xb8;
	[tilespmem:$0x1E600] =	vst v63  }
0x4d8: {  	s19 =	simm.s32 $0x0;
	s11 =	simm.s32 $0x18200;
	s4 =	simm.s32 $0x0  }
0x4d9: {  	[tilespmem:s11], [sflag:$0x10] =	stream.linear.gather [hbm4b:s28+s19], $0x1400, $0x38;
	[tilespmem:$0x1E600] =	vst v63  }
0x4da: {  	v1 =	vld [tilespmem:s4+$0x19670]  }
0x4db: {  	v2 =	vld [tilespmem:s4+$0x15A70]  }
0x4dc: {  	v3 =	vld [tilespmem:s4+$0x19600]  }
0x4dd: {  	v4 =	vld [tilespmem:s4+$0x15A00]  }
0x4de: {  	v5 =	vld [tilespmem:s4+$0x19610]  }
0x4df: {  	v6 =	vld [tilespmem:s4+$0x15A10]  }
0x4e0: {  	v7 =	vld [tilespmem:s4+$0x19620]  }
0x4e1: {  	v1 =	vadd.f32 v2, v1;
	v2 =	vld [tilespmem:s4+$0x15A20]  }
0x4e2: {  	v8 =	vld [tilespmem:s4+$0x19630]  }
0x4e3: {  	v63 =	vld [tilespmem:s4+$0x15A30];
	v3 =	vadd.f32 v4, v3  }
0x4e4: {  	v10 =	vld [tilespmem:s4+$0x19640];
	v1 =	vmax.f32 v1, $0.0e+00  }
0x4e5: {  	[tilespmem:s4+$0x1D270] =	vst v1;
	v1 =	vmax.f32 v3, $0.0e+00;
	v3 =	vadd.f32 v6, v5;
	v6 =	vld [tilespmem:s4+$0x15A40]  }
0x4e6: {  	v4 =	vld [tilespmem:s4+$0x15A50];
	v2 =	vadd.f32 v2, v7  }
0x4e7: {  	[tilespmem:s4+$0x1D200] =	vst v1;
	v1 =	vld [tilespmem:s4+$0x19650];
	v3 =	vmax.f32 v3, $0.0e+00  }
0x4e8: {  	v5 =	vld [tilespmem:s4+$0x15A60];
	v7 =	vadd.f32 v63, v8;
	[tilespmem:s4+$0x1D210] =	vst v3;
	v3 =	vmax.f32 v2, $0.0e+00  }
0x4e9: {  	s9 =	simm.s32 $0x80;
	s12 =	rddreg [dreg:$0x6];
	v2 =	vld [tilespmem:s4+$0x19660];
	[tilespmem:s4+$0x1D220] =	vst v3  }
0x4ea: {  	s18 =	rddreg [dreg:$0x7];
	s11 =	simm.s32 $0x400;
	v7 =	vmax.f32 v7, $0.0e+00;
	v6 =	vadd.f32 v6, v10;
	v3 =	vld [tilespmem:s9+$0x19670]  }
.LBB2_32:
0x4eb: {  	p0 =	sne.s32 s11, $0x4E00;
	v8 =	vld [tilespmem:s9+$0x15A70];
	[tilespmem:s4+$0x1D230] =	vst v7  }
0x4ec: {  	v7 =	vld [tilespmem:s9+$0x19600];
	v6 =	vmax.f32 v6, $0.0e+00;
	v1 =	vadd.f32 v4, v1  }
0x4ed: {  	v4 =	vld [tilespmem:s9+$0x15A00];
	[tilespmem:s4+$0x1D240] =	vst v6  }
0x4ee: {  	v6 =	vld [tilespmem:s9+$0x19610];
	v1 =	vmax.f32 v1, $0.0e+00;
	v2 =	vadd.f32 v5, v2  }
0x4ef: {  	v5 =	vld [tilespmem:s9+$0x15A10];
	[tilespmem:s4+$0x1D250] =	vst v1  }
0x4f0: {  	v1 =	vld [tilespmem:s9+$0x19620];
	v3 =	vadd.f32 v8, v3;
	v2 =	vmax.f32 v2, $0.0e+00  }
0x4f1: {  	v8 =	vld [tilespmem:s9+$0x15A20];
	[tilespmem:s4+$0x1D260] =	vst v2;
	s4 =	smov.u32 s9  }
0x4f2: {  	v2 =	vadd.f32 v4, v7;
	v7 =	vld [tilespmem:s4+$0x19630];
	v3 =	vmax.f32 v3, $0.0e+00  }
0x4f3: {  	v9 =	vld [tilespmem:s4+$0x15A30];
	[tilespmem:s4+$0x1D270] =	vst v3  }
0x4f4: {  	v2 =	vmax.f32 v2, $0.0e+00;
	v3 =	vadd.f32 v5, v6;
	v6 =	vld [tilespmem:s4+$0x19640]  }
0x4f5: {  	[tilespmem:s4+$0x1D200] =	vst v2;
	v10 =	vld [tilespmem:s4+$0x15A40]  }
.Ltmp15:
0x4f6: {  	v2 =	vmax.f32 v3, $0.0e+00;
	v3 =	vadd.f32 v8, v1;
	v1 =	vld [tilespmem:s4+$0x19650];
	(pc) =	sbr.rel @p0 .LBB2_32-.Ltmp15, $4  }
0x4f7: {  	[tilespmem:s4+$0x1D210] =	vst v2;
	v4 =	vld [tilespmem:s4+$0x15A50]  }
0x4f8: {  	v3 =	vmax.f32 v3, $0.0e+00;
	v7 =	vadd.f32 v9, v7;
	v2 =	vld [tilespmem:s4+$0x19660]  }
0x4f9: {  	s9 =	sshra.s32 s11, $0x2;
	[tilespmem:s4+$0x1D220] =	vst v3;
	v5 =	vld [tilespmem:s4+$0x15A60]  }
0x4fa: {  	s11 =	sadd.s32 $0x200, s11;
	v3 =	vld [tilespmem:s9+$0x19670];
	v7 =	vmax.f32 v7, $0.0e+00;
	v6 =	vadd.f32 v10, v6  }
0x4fb: {  	v8 =	vld [tilespmem:s9+$0x15A70];
	[tilespmem:s4+$0x1D230] =	vst v7  }
0x4fc: {  	v7 =	vld [tilespmem:s9+$0x19600];
	v6 =	vmax.f32 v6, $0.0e+00;
	v1 =	vadd.f32 v4, v1  }
0x4fd: {  	v9 =	vld [tilespmem:s9+$0x15A00];
	[tilespmem:s4+$0x1D240] =	vst v6  }
0x4fe: {  	v4 =	vld [tilespmem:s9+$0x19610];
	v1 =	vmax.f32 v1, $0.0e+00;
	v2 =	vadd.f32 v5, v2  }
0x4ff: {  	v6 =	vld [tilespmem:s9+$0x15A10];
	[tilespmem:s4+$0x1D250] =	vst v1  }
0x500: {  	v1 =	vld [tilespmem:s9+$0x19620];
	v2 =	vmax.f32 v2, $0.0e+00  }
0x501: {  	v5 =	vld [tilespmem:s9+$0x15A20];
	v3 =	vadd.f32 v8, v3;
	[tilespmem:s4+$0x1D260] =	vst v2  }
0x502: {  	v7 =	vadd.f32 v9, v7;
	v2 =	vld [tilespmem:s9+$0x19630]  }
0x503: {  	v3 =	vmax.f32 v3, $0.0e+00;
	v8 =	vld [tilespmem:s9+$0x15A30]  }
0x504: {  	[tilespmem:s9+$0x1D270] =	vst v3;
	v3 =	vmax.f32 v7, $0.0e+00;
	v7 =	vld [tilespmem:s9+$0x19640]  }
0x505: {  	v4 =	vadd.f32 v6, v4;
	v6 =	vld [tilespmem:s9+$0x19650]  }
0x506: {  	[tilespmem:s9+$0x1D200] =	vst v3;
	v3 =	vld [tilespmem:s9+$0x15A40];
	v1 =	vadd.f32 v5, v1  }
0x507: {  	v4 =	vmax.f32 v4, $0.0e+00;
	v5 =	vld [tilespmem:s9+$0x19660]  }
0x508: {  	[tilespmem:s9+$0x1D210] =	vst v4;
	v4 =	vld [tilespmem:s9+$0x15A50];
	v1 =	vmax.f32 v1, $0.0e+00  }
0x509: {  	[tilespmem:s9+$0x1D220] =	vst v1;
	v1 =	vld [tilespmem:s9+$0x15A60];
	_ =	sdelay $0x1  }
0x50a: {  	v2 =	vadd.f32 v8, v2  }
0x50b: {  	v3 =	vadd.f32 v3, v7  }
0x50c: {  	v2 =	vmax.f32 v2, $0.0e+00;
	v4 =	vadd.f32 v4, v6  }
0x50d: {  	[tilespmem:s9+$0x1D230] =	vst v2;
	v2 =	vmax.f32 v3, $0.0e+00;
	v1 =	vadd.f32 v1, v5  }
0x50e: {  	[tilespmem:s9+$0x1D240] =	vst v2;
	v2 =	vmax.f32 v4, $0.0e+00  }
0x50f: {  	[tilespmem:s9+$0x1D250] =	vst v2;
	v1 =	vmax.f32 v1, $0.0e+00  }
0x510: {  	s28 =	simm.s32 $0x1D200;
	[tilespmem:s9+$0x1D260] =	vst v1  }
0x511: {  	[spmem:s5] =	stream.indirect.scatter.add.f32 [tilespmem:s28], [sflag:$0x14], $0x80, s13, s17, $0xb8;
	[tilespmem:$0x1E600] =	vst v63  }
0x512: {  	_ =	swait.ge [sflag:s30], $0x1400  }
0x513: {  	[sflag:s30] =	ssyncset.done $0x0  }
0x514: {  	[sflag:s30] =	ssyncadd.s32 $0xFFFFEC00  }
0x515: {  	_ =	swait.ge [sflag:s29], $0x1400  }
0x516: {  	[sflag:s29] =	ssyncset.done $0x0  }
0x517: {  	[sflag:s29] =	ssyncadd.s32 $0xFFFFEC00  }
0x518: {  	_ =	swait.ge [sflag:s31], $0x1400  }
0x519: {  	[sflag:s31] =	ssyncset.done $0x0  }
0x51a: {  	s4 =	simm.s32 $0x0;
	[sflag:s31] =	ssyncadd.s32 $0xFFFFEC00  }
0x51b: {  	v1 =	vld [tilespmem:s4+$0x1AA70]  }
0x51c: {  	v2 =	vld [tilespmem:s4+$0x16E70]  }
0x51d: {  	v3 =	vld [tilespmem:s4+$0x1AA00]  }
0x51e: {  	v4 =	vld [tilespmem:s4+$0x16E00]  }
0x51f: {  	v5 =	vld [tilespmem:s4+$0x1AA10]  }
0x520: {  	v6 =	vld [tilespmem:s4+$0x16E10]  }
0x521: {  	v7 =	vld [tilespmem:s4+$0x1AA20]  }
0x522: {  	v1 =	vadd.f32 v2, v1;
	v2 =	vld [tilespmem:s4+$0x16E20]  }
0x523: {  	v8 =	vld [tilespmem:s4+$0x1AA30]  }
0x524: {  	v63 =	vld [tilespmem:s4+$0x16E30];
	v3 =	vadd.f32 v4, v3  }
0x525: {  	v10 =	vld [tilespmem:s4+$0x1AA40];
	v1 =	vmax.f32 v1, $0.0e+00  }
0x526: {  	[tilespmem:s4+$0x1BE70] =	vst v1;
	v1 =	vmax.f32 v3, $0.0e+00;
	v3 =	vadd.f32 v6, v5;
	v6 =	vld [tilespmem:s4+$0x16E40]  }
0x527: {  	v4 =	vld [tilespmem:s4+$0x16E50];
	v2 =	vadd.f32 v2, v7  }
0x528: {  	[tilespmem:s4+$0x1BE00] =	vst v1;
	v1 =	vld [tilespmem:s4+$0x1AA50];
	v3 =	vmax.f32 v3, $0.0e+00  }
0x529: {  	v5 =	vld [tilespmem:s4+$0x16E60];
	v7 =	vadd.f32 v63, v8;
	[tilespmem:s4+$0x1BE10] =	vst v3;
	v3 =	vmax.f32 v2, $0.0e+00  }
0x52a: {  	s9 =	simm.s32 $0x80;
	v2 =	vld [tilespmem:s4+$0x1AA60];
	[tilespmem:s4+$0x1BE20] =	vst v3  }
0x52b: {  	s11 =	simm.s32 $0x400;
	v7 =	vmax.f32 v7, $0.0e+00;
	v6 =	vadd.f32 v6, v10;
	v3 =	vld [tilespmem:s9+$0x1AA70]  }
.LBB2_34:
0x52c: {  	p0 =	sne.s32 s11, $0x4E00;
	v8 =	vld [tilespmem:s9+$0x16E70];
	[tilespmem:s4+$0x1BE30] =	vst v7  }
0x52d: {  	v7 =	vld [tilespmem:s9+$0x1AA00];
	v6 =	vmax.f32 v6, $0.0e+00;
	v1 =	vadd.f32 v4, v1  }
0x52e: {  	v4 =	vld [tilespmem:s9+$0x16E00];
	[tilespmem:s4+$0x1BE40] =	vst v6  }
0x52f: {  	v6 =	vld [tilespmem:s9+$0x1AA10];
	v1 =	vmax.f32 v1, $0.0e+00;
	v2 =	vadd.f32 v5, v2  }
0x530: {  	v5 =	vld [tilespmem:s9+$0x16E10];
	[tilespmem:s4+$0x1BE50] =	vst v1  }
0x531: {  	v1 =	vld [tilespmem:s9+$0x1AA20];
	v3 =	vadd.f32 v8, v3;
	v2 =	vmax.f32 v2, $0.0e+00  }
0x532: {  	v8 =	vld [tilespmem:s9+$0x16E20];
	[tilespmem:s4+$0x1BE60] =	vst v2;
	s4 =	smov.u32 s9  }
0x533: {  	v2 =	vadd.f32 v4, v7;
	v7 =	vld [tilespmem:s4+$0x1AA30];
	v3 =	vmax.f32 v3, $0.0e+00  }
0x534: {  	v9 =	vld [tilespmem:s4+$0x16E30];
	[tilespmem:s4+$0x1BE70] =	vst v3  }
0x535: {  	v2 =	vmax.f32 v2, $0.0e+00;
	v3 =	vadd.f32 v5, v6;
	v6 =	vld [tilespmem:s4+$0x1AA40]  }
0x536: {  	[tilespmem:s4+$0x1BE00] =	vst v2;
	v10 =	vld [tilespmem:s4+$0x16E40]  }
.Ltmp16:
0x537: {  	v2 =	vmax.f32 v3, $0.0e+00;
	v3 =	vadd.f32 v8, v1;
	v1 =	vld [tilespmem:s4+$0x1AA50];
	(pc) =	sbr.rel @p0 .LBB2_34-.Ltmp16, $4  }
0x538: {  	[tilespmem:s4+$0x1BE10] =	vst v2;
	v4 =	vld [tilespmem:s4+$0x16E50]  }
0x539: {  	v3 =	vmax.f32 v3, $0.0e+00;
	v7 =	vadd.f32 v9, v7;
	v2 =	vld [tilespmem:s4+$0x1AA60]  }
0x53a: {  	s9 =	sshra.s32 s11, $0x2;
	[tilespmem:s4+$0x1BE20] =	vst v3;
	v5 =	vld [tilespmem:s4+$0x16E60]  }
0x53b: {  	s11 =	sadd.s32 $0x200, s11;
	v3 =	vld [tilespmem:s9+$0x1AA70];
	v7 =	vmax.f32 v7, $0.0e+00;
	v6 =	vadd.f32 v10, v6  }
0x53c: {  	v8 =	vld [tilespmem:s9+$0x16E70];
	[tilespmem:s4+$0x1BE30] =	vst v7  }
0x53d: {  	v7 =	vld [tilespmem:s9+$0x1AA00];
	v6 =	vmax.f32 v6, $0.0e+00;
	v1 =	vadd.f32 v4, v1  }
0x53e: {  	v9 =	vld [tilespmem:s9+$0x16E00];
	[tilespmem:s4+$0x1BE40] =	vst v6  }
0x53f: {  	v4 =	vld [tilespmem:s9+$0x1AA10];
	v1 =	vmax.f32 v1, $0.0e+00;
	v2 =	vadd.f32 v5, v2  }
0x540: {  	v6 =	vld [tilespmem:s9+$0x16E10];
	[tilespmem:s4+$0x1BE50] =	vst v1  }
0x541: {  	v1 =	vld [tilespmem:s9+$0x1AA20];
	v2 =	vmax.f32 v2, $0.0e+00  }
0x542: {  	v5 =	vld [tilespmem:s9+$0x16E20];
	v3 =	vadd.f32 v8, v3;
	[tilespmem:s4+$0x1BE60] =	vst v2  }
0x543: {  	v7 =	vadd.f32 v9, v7;
	v2 =	vld [tilespmem:s9+$0x1AA30]  }
0x544: {  	v3 =	vmax.f32 v3, $0.0e+00;
	v8 =	vld [tilespmem:s9+$0x16E30]  }
0x545: {  	[tilespmem:s9+$0x1BE70] =	vst v3;
	v3 =	vmax.f32 v7, $0.0e+00;
	v7 =	vld [tilespmem:s9+$0x1AA40]  }
0x546: {  	v4 =	vadd.f32 v6, v4;
	v6 =	vld [tilespmem:s9+$0x1AA50]  }
0x547: {  	[tilespmem:s9+$0x1BE00] =	vst v3;
	v3 =	vld [tilespmem:s9+$0x16E40];
	v1 =	vadd.f32 v5, v1  }
0x548: {  	v4 =	vmax.f32 v4, $0.0e+00;
	v5 =	vld [tilespmem:s9+$0x1AA60]  }
0x549: {  	[tilespmem:s9+$0x1BE10] =	vst v4;
	v4 =	vld [tilespmem:s9+$0x16E50];
	v1 =	vmax.f32 v1, $0.0e+00  }
0x54a: {  	[tilespmem:s9+$0x1BE20] =	vst v1;
	v1 =	vld [tilespmem:s9+$0x16E60];
	_ =	sdelay $0x1  }
0x54b: {  	v2 =	vadd.f32 v8, v2  }
0x54c: {  	v3 =	vadd.f32 v3, v7  }
0x54d: {  	v2 =	vmax.f32 v2, $0.0e+00;
	v4 =	vadd.f32 v4, v6  }
0x54e: {  	[tilespmem:s9+$0x1BE30] =	vst v2;
	v2 =	vmax.f32 v3, $0.0e+00;
	v1 =	vadd.f32 v1, v5  }
0x54f: {  	[tilespmem:s9+$0x1BE40] =	vst v2;
	v2 =	vmax.f32 v4, $0.0e+00  }
0x550: {  	[tilespmem:s9+$0x1BE50] =	vst v2;
	v1 =	vmax.f32 v1, $0.0e+00  }
0x551: {  	s28 =	simm.s32 $0x14400;
	[tilespmem:s9+$0x1BE60] =	vst v1  }
0x552: {  	[spmem:s5] =	stream.indirect.scatter.add.f32 [tilespmem:s26], [sflag:$0x13], $0x80, s28, s17, $0xb8;
	[tilespmem:$0x1E600] =	vst v63  }
0x553: {  	_ =	swait.ge [sflag:s8], $0x1400  }
0x554: {  	[sflag:s8] =	ssyncset.done $0x0  }
0x555: {  	[sflag:s8] =	ssyncadd.s32 $0xFFFFEC00  }
0x556: {  	_ =	swait.ge [sflag:s6], $0x1400  }
0x557: {  	[sflag:s6] =	ssyncset.done $0x0  }
0x558: {  	[sflag:s6] =	ssyncadd.s32 $0xFFFFEC00  }
0x559: {  	_ =	swait.ge [sflag:s10], $0x1400  }
0x55a: {  	[sflag:s10] =	ssyncset.done $0x0  }
0x55b: {  	[sflag:s10] =	ssyncadd.s32 $0xFFFFEC00  }
0x55c: {  	_ =	swait.ge [sflag:s31], $0x1400  }
0x55d: {  	[sflag:s31] =	ssyncset.done $0x0  }
0x55e: {  	s4 =	simm.s32 $0x0;
	[sflag:s31] =	ssyncadd.s32 $0xFFFFEC00  }
0x55f: {  	v1 =	vld [tilespmem:s4+$0x18270]  }
0x560: {  	v2 =	vld [tilespmem:s4+$0x14670]  }
0x561: {  	v3 =	vld [tilespmem:s4+$0x18200]  }
0x562: {  	v4 =	vld [tilespmem:s4+$0x14600]  }
0x563: {  	v5 =	vld [tilespmem:s4+$0x18210]  }
0x564: {  	v6 =	vld [tilespmem:s4+$0x14610]  }
0x565: {  	v7 =	vld [tilespmem:s4+$0x18220]  }
0x566: {  	v1 =	vadd.f32 v2, v1;
	v2 =	vld [tilespmem:s4+$0x14620]  }
0x567: {  	v8 =	vld [tilespmem:s4+$0x18230]  }
0x568: {  	v63 =	vld [tilespmem:s4+$0x14630];
	v3 =	vadd.f32 v4, v3  }
0x569: {  	v10 =	vld [tilespmem:s4+$0x18240];
	v1 =	vmax.f32 v1, $0.0e+00  }
0x56a: {  	[tilespmem:s4+$0x1D270] =	vst v1;
	v1 =	vmax.f32 v3, $0.0e+00;
	v3 =	vadd.f32 v6, v5;
	v6 =	vld [tilespmem:s4+$0x14640]  }
0x56b: {  	v4 =	vld [tilespmem:s4+$0x14650];
	v2 =	vadd.f32 v2, v7  }
0x56c: {  	[tilespmem:s4+$0x1D200] =	vst v1;
	v1 =	vld [tilespmem:s4+$0x18250];
	v3 =	vmax.f32 v3, $0.0e+00  }
0x56d: {  	v5 =	vld [tilespmem:s4+$0x14660];
	v7 =	vadd.f32 v63, v8;
	[tilespmem:s4+$0x1D210] =	vst v3;
	v3 =	vmax.f32 v2, $0.0e+00  }
0x56e: {  	s9 =	simm.s32 $0x80;
	v2 =	vld [tilespmem:s4+$0x18260];
	[tilespmem:s4+$0x1D220] =	vst v3  }
0x56f: {  	s11 =	simm.s32 $0x400;
	v7 =	vmax.f32 v7, $0.0e+00;
	v6 =	vadd.f32 v6, v10;
	v3 =	vld [tilespmem:s9+$0x18270]  }
.LBB2_36:
0x570: {  	p0 =	sne.s32 s11, $0x4E00;
	v8 =	vld [tilespmem:s9+$0x14670];
	[tilespmem:s4+$0x1D230] =	vst v7  }
0x571: {  	v7 =	vld [tilespmem:s9+$0x18200];
	v6 =	vmax.f32 v6, $0.0e+00;
	v1 =	vadd.f32 v4, v1  }
0x572: {  	v4 =	vld [tilespmem:s9+$0x14600];
	[tilespmem:s4+$0x1D240] =	vst v6  }
0x573: {  	v6 =	vld [tilespmem:s9+$0x18210];
	v1 =	vmax.f32 v1, $0.0e+00;
	v2 =	vadd.f32 v5, v2  }
0x574: {  	v5 =	vld [tilespmem:s9+$0x14610];
	[tilespmem:s4+$0x1D250] =	vst v1  }
0x575: {  	v1 =	vld [tilespmem:s9+$0x18220];
	v3 =	vadd.f32 v8, v3;
	v2 =	vmax.f32 v2, $0.0e+00  }
0x576: {  	v8 =	vld [tilespmem:s9+$0x14620];
	[tilespmem:s4+$0x1D260] =	vst v2;
	s4 =	smov.u32 s9  }
0x577: {  	v2 =	vadd.f32 v4, v7;
	v7 =	vld [tilespmem:s4+$0x18230];
	v3 =	vmax.f32 v3, $0.0e+00  }
0x578: {  	v9 =	vld [tilespmem:s4+$0x14630];
	[tilespmem:s4+$0x1D270] =	vst v3  }
0x579: {  	v2 =	vmax.f32 v2, $0.0e+00;
	v3 =	vadd.f32 v5, v6;
	v6 =	vld [tilespmem:s4+$0x18240]  }
0x57a: {  	[tilespmem:s4+$0x1D200] =	vst v2;
	v10 =	vld [tilespmem:s4+$0x14640]  }
.Ltmp17:
0x57b: {  	v2 =	vmax.f32 v3, $0.0e+00;
	v3 =	vadd.f32 v8, v1;
	v1 =	vld [tilespmem:s4+$0x18250];
	(pc) =	sbr.rel @p0 .LBB2_36-.Ltmp17, $4  }
0x57c: {  	[tilespmem:s4+$0x1D210] =	vst v2;
	v4 =	vld [tilespmem:s4+$0x14650]  }
0x57d: {  	v3 =	vmax.f32 v3, $0.0e+00;
	v7 =	vadd.f32 v9, v7;
	v2 =	vld [tilespmem:s4+$0x18260]  }
0x57e: {  	s9 =	sshra.s32 s11, $0x2;
	[tilespmem:s4+$0x1D220] =	vst v3;
	v5 =	vld [tilespmem:s4+$0x14660]  }
0x57f: {  	s11 =	sadd.s32 $0x200, s11;
	v3 =	vld [tilespmem:s9+$0x18270];
	v7 =	vmax.f32 v7, $0.0e+00;
	v6 =	vadd.f32 v10, v6  }
0x580: {  	v8 =	vld [tilespmem:s9+$0x14670];
	[tilespmem:s4+$0x1D230] =	vst v7  }
0x581: {  	v7 =	vld [tilespmem:s9+$0x18200];
	v6 =	vmax.f32 v6, $0.0e+00;
	v1 =	vadd.f32 v4, v1  }
0x582: {  	v9 =	vld [tilespmem:s9+$0x14600];
	[tilespmem:s4+$0x1D240] =	vst v6  }
0x583: {  	v57 =	vld [tilespmem:s9+$0x18210];
	v1 =	vmax.f32 v1, $0.0e+00;
	v2 =	vadd.f32 v5, v2  }
0x584: {  	v6 =	vld [tilespmem:s9+$0x14610];
	[tilespmem:s4+$0x1D250] =	vst v1  }
0x585: {  	v1 =	vld [tilespmem:s9+$0x18220];
	v2 =	vmax.f32 v2, $0.0e+00  }
0x586: {  	v58 =	vld [tilespmem:s9+$0x14620];
	[tilespmem:s4+$0x1D260] =	vst v2  }
0x587: {  	v2 =	vld [tilespmem:s9+$0x18230]  }
0x588: {  	v3 =	vadd.f32 v8, v3;
	v59 =	vld [tilespmem:s9+$0x14630]  }
0x589: {  	v7 =	vadd.f32 v9, v7;
	v60 =	vld [tilespmem:s9+$0x18240]  }
0x58a: {  	v3 =	vmax.f32 v3, $0.0e+00;
	v61 =	vld [tilespmem:s9+$0x18250]  }
0x58b: {  	v62 =	vld [tilespmem:s9+$0x14650];
	[tilespmem:s9+$0x1D270] =	vst v3;
	v3 =	vmax.f32 v7, $0.0e+00;
	v1 =	vadd.f32 v58, v1  }
0x58c: {  	[tilespmem:s9+$0x1D200] =	vst v3;
	v3 =	vld [tilespmem:s9+$0x14640]  }
0x58d: {  	v63 =	vld [tilespmem:s9+$0x18260];
	v1 =	vmax.f32 v1, $0.0e+00  }
0x58e: {  	[tilespmem:s9+$0x1D220] =	vst v1;
	v1 =	vld [tilespmem:s9+$0x14660]  }
0x58f: {  	v4 =	vadd.f32 v6, v57  }
0x590: {  	v2 =	vadd.f32 v59, v2  }
0x591: {  	v4 =	vmax.f32 v4, $0.0e+00;
	v3 =	vadd.f32 v3, v60  }
0x592: {  	[tilespmem:s9+$0x1D210] =	vst v4;
	v4 =	vadd.f32 v62, v61;
	v2 =	vmax.f32 v2, $0.0e+00  }
0x593: {  	[tilespmem:s9+$0x1D230] =	vst v2;
	v2 =	vmax.f32 v3, $0.0e+00;
	v1 =	vadd.f32 v1, v63  }
0x594: {  	[tilespmem:s9+$0x1D240] =	vst v2;
	v2 =	vmax.f32 v4, $0.0e+00  }
0x595: {  	[tilespmem:s9+$0x1D250] =	vst v2;
	v1 =	vmax.f32 v1, $0.0e+00  }
0x596: {  	s11 =	simm.s32 $0x1D200;
	[tilespmem:s9+$0x1D260] =	vst v1;
	s9 =	simm.s32 $0x14480  }
0x597: {  	[spmem:s5] =	stream.indirect.scatter.add.f32 [tilespmem:s11], [sflag:$0x14], $0x80, s9, s17, $0xb8;
	[tilespmem:$0x1E600] =	vst v63  }
0x598: {  	_ =	swait.ge [sflag:s10], $0x1400  }
0x599: {  	[sflag:s10] =	ssyncset.done $0x0  }
0x59a: {  	[sflag:s10] =	ssyncadd.s32 $0xFFFFEC00  }
0x59b: {  	[bflag:$0x0] =	sbarrier.arrive $0xFFFF  }
0x59c: {  	s13 =	stileid.u32;
	s11 =	sld [smem:$0x7ED]  }
0x59d: {  	s4 =	sshll.u32 s13, $0x6  }
0x59e: {  	s19 =	sshrl.u32 s18, $0x3;
	s4 =	sor.u32 $0x1C15, s4  }
0x59f: {  	[hbm:s11], [sflag:s4] =	dma.local [spmem:s19], $0x2800  }
0x5a0: {  	s11 =	simm.s32 $0x15  }
0x5a1: {  	_ =	swait.ge [sflag:s11], $0x2800  }
0x5a2: {  	s28 =	sld [smem:$0x7EE];
	_ =	sdelay $0x1  }
0x5a3: {  	s12 =	sadd.s32 $0x1, s12  }
0x5a4: {  	p0 =	sne.s32 s12, s28  }
.Ltmp18:
0x5a5: {  	_ = 	snop;
	(pc) =	sbr.rel @p0 .LBB2_1-.Ltmp18, $3  }
0x5a6: {  	_ =	sdelay $0x1  }
0x5a7: {  	[sflag:s11] =	ssyncset.done $0x0  }
0x5a8: {  	[sflag:s11] =	ssyncadd.s32 $0xFFFFD800  }
0x5a9: {  	_ =	sfence.sel $0x180000  }
0x5aa: {  	[bflag:$0x0] =	sbarrier.arrive $0xFFFF  }
0x5ab: {  	_ =	strace $0x90000047  }
0x5ac: {  	s0 =	stileid.u32;
	[bflag:$0x2] =	sbarrier.arrive $0xFFFF  }
0x5ad: {  	p0 =	sne.s32 s0, $0x0;
	s0 =	rddreg [dreg:$0x5]  }
0x5ae: {  	s0 =	sadd.s32 @!p0 $0x100000, s0  }
0x5af: {  	[sflag:s0] =	ssyncadd.tile.s32 @!p0 $0x1;
	_ =	shalt  }
.Lfunc_end2:
_tile_overlayer_lowered:
.L_overlay_start_2:
0x5b0: {  	(tag) =	ssettag $0x2  }
0x5b1: {  	s0 =	rddreg [dreg:$0x0];
	s2 =	stileid.u32  }
0x5b2: {  	s1 =	rddreg [dreg:$0x1];
	p0 =	sne.s32 s2, $0x0  }
0x5b3: {  	s3 =	rddreg [dreg:$0x2];
	[bflag:$0x3] =	sbarrier.arrive $0xFFFF;
	s2 =	simm.s32 @!p0 $0x1C15  }
0x5b4: {  	[timem:s3], [sflag:s2] =	dma.local @!p0 [hbm:s0], s1  }
0x5b5: {  	s0 =	simm.s32 @!p0 $0x15  }
0x5b6: {  	_ =	swait.ge @!p0 [sflag:s0], s1  }
0x5b7: {  	s1 =	ssub.s32 @!p0 $0x0, s1;
	[sflag:s0] =	ssyncset.done @!p0 $0x0  }
0x5b8: {  	[sflag:s0] =	ssyncadd.s32 @!p0 s1  }
0x5b9: {  	[bflag:$0x3] =	sbarrier.arrive $0xFFFF  }
0x5ba: {  	_ =	shalt  }

</sc_bundles>
